<compile_context>
chip_gen: v7x
topology: tpu7x:2x2x1
jax: 0.10.2.dev20260603
libtpu: 0.0.44.dev20260713+nightly
codegen_flags: <defaults>
</compile_context>

<pallas_src>
import functools

import jax
import jax.numpy as jnp
from jax import lax
from jax.experimental import pallas as pl
from jax.experimental.pallas import tpu as pltpu
from jax.experimental.pallas import tpu_sc as plsc

N = 10000
E = 160000
D = 256
G = 64
C = 10
RATIO = 0.8

NPAD = 10240
BLK = 1000
NBLK = N // BLK
ECH = 128
NWORK = 32
PER = 40
EROWS = NWORK * PER
EPAD = EROWS * ECH
NACC = N + 16
RPS = 632
RPSL = N - 15 * RPS
RPSZ = NACC - 15 * RPS


NSLOT = 2
P0 = 59
P1 = 80 - P0
PMAX = max(P0, P1)


def _make_sc_body(count_mode):

    def body(*refs):
        it = iter(refs)
        table = next(it)
        srcm = next(it)
        dstm = next(it)
        zrows = next(it)
        zc = cntsrc = onesrc = None
        if count_mode != "none":
            zc = next(it)
        if count_mode == "ones":
            onesrc = next(it)
        if count_mode == "gather":
            cntsrc = next(it)
        out = next(it)
        outc = next(it) if count_mode != "none" else None
        sidx = [next(it) for _ in range(NSLOT)]
        didx = [next(it) for _ in range(NSLOT)]
        bufs = [next(it) for _ in range(NSLOT)]
        gsem = [next(it) for _ in range(NSLOT)]
        isem = [next(it) for _ in range(NSLOT)]
        acc = next(it)
        accc = None
        cbufs = []
        if count_mode != "none":
            accc = next(it)
            nb = 1 if count_mode == "ones" else NSLOT
            cbufs = [next(it) for _ in range(nb)]

        c = lax.axis_index("c")
        s = lax.axis_index("s")
        nj = jnp.where(c == 0, P0, P1)
        r0 = jnp.where(c == 0, s * P0, 16 * P0 + s * P1)
        z0 = s * RPS

        @pl.when(s < 15)
        def _():
            pltpu.sync_copy(zrows.at[pl.ds(0, RPS)], acc.at[pl.ds(z0, RPS)])
            if count_mode != "none":
                pltpu.sync_copy(zc.at[pl.ds(0, RPS)], accc.at[pl.ds(z0, RPS)])

        @pl.when(s == 15)
        def _():
            pltpu.sync_copy(zrows.at[pl.ds(0, RPSZ)], acc.at[pl.ds(15 * RPS, RPSZ)])
            if count_mode != "none":
                pltpu.sync_copy(zc.at[pl.ds(0, RPSZ)], accc.at[pl.ds(15 * RPS, RPSZ)])

        if count_mode == "ones":
            pltpu.sync_copy(onesrc, cbufs[0])

        def issue_idx(j, b):
            pltpu.async_copy(srcm.at[r0 + j], sidx[b], isem[b])
            pltpu.async_copy(dstm.at[r0 + j], didx[b], isem[b])

        def wait_idx(b):
            pltpu.make_async_copy(srcm.at[r0], sidx[b], isem[b]).wait()
            pltpu.make_async_copy(dstm.at[r0], didx[b], isem[b]).wait()

        def issue_gather(b):
            pltpu.async_copy(table.at[sidx[b]], bufs[b], gsem[b])
            if count_mode == "gather":
                pltpu.async_copy(cntsrc.at[sidx[b]], cbufs[b], gsem[b])

        def wait_gather(b):
            pltpu.make_async_copy(table.at[sidx[0]], bufs[b], gsem[b]).wait()
            if count_mode == "gather":
                pltpu.make_async_copy(cntsrc.at[sidx[0]], cbufs[b], gsem[b]).wait()

        def scatter(j, b):
            pltpu.sync_copy(bufs[b], acc.at[didx[b]], add=True)
            if count_mode == "ones":
                pltpu.sync_copy(cbufs[0], accc.at[didx[b]], add=True)
            elif count_mode == "gather":
                pltpu.sync_copy(cbufs[b], accc.at[didx[b]], add=True)

        plsc.subcore_barrier()

        issue_idx(0, 0)
        issue_idx(1, 1)
        wait_idx(0)
        issue_gather(0)

        def step(j2, carry):
            for b in range(NSLOT):
                j = j2 * NSLOT + b
                nb = 1 - b

                @pl.when(j < nj)
                def _():
                    @pl.when(j + 1 < nj)
                    def _():
                        wait_idx(nb)
                        issue_gather(nb)

                    wait_gather(b)
                    scatter(j, b)

                    @pl.when(j + NSLOT < nj)
                    def _():
                        issue_idx(j + NSLOT, b)
            return carry

        lax.fori_loop(0, (PMAX + NSLOT - 1) // NSLOT, step, 0)

        plsc.subcore_barrier()

        @pl.when(s < 15)
        def _():
            pltpu.sync_copy(acc.at[pl.ds(z0, RPS)], out.at[c, pl.ds(z0, RPS)])
            if count_mode != "none":
                pltpu.sync_copy(accc.at[pl.ds(z0, RPS)], outc.at[c, pl.ds(z0, RPS)])

        @pl.when(s == 15)
        def _():
            pltpu.sync_copy(
                acc.at[pl.ds(15 * RPS, RPSL)], out.at[c, pl.ds(15 * RPS, RPSL)]
            )
            if count_mode != "none":
                pltpu.sync_copy(
                    accc.at[pl.ds(15 * RPS, RPSL)], outc.at[c, pl.ds(15 * RPS, RPSL)]
                )

    return body


@functools.cache
def _sc_agg(count_mode):
    mesh = plsc.VectorSubcoreMesh(
        core_axis_name="c", subcore_axis_name="s", num_cores=2, num_subcores=16
    )
    ncb = 0 if count_mode == "none" else (1 if count_mode == "ones" else NSLOT)
    out_type = [jax.ShapeDtypeStruct((2, N, 128), jnp.float32)]
    if count_mode != "none":
        out_type.append(jax.ShapeDtypeStruct((2, N, 16), jnp.float32))
    scratch = [pltpu.VMEM((ECH,), jnp.int32) for _ in range(2 * NSLOT)]
    scratch += [pltpu.VMEM((ECH, 128), jnp.float32) for _ in range(NSLOT)]
    scratch += [pltpu.SemaphoreType.DMA for _ in range(2 * NSLOT)]
    scratch += [pltpu.VMEM_SHARED((NACC, 128), jnp.float32)]
    if count_mode != "none":
        scratch += [pltpu.VMEM_SHARED((NACC, 16), jnp.float32)]
        scratch += [pltpu.VMEM((ECH, 16), jnp.float32) for _ in range(ncb)]
    return pl.kernel(
        _make_sc_body(count_mode),
        out_type=out_type,
        mesh=mesh,
        scratch_types=scratch,
        compiler_params=pltpu.CompilerParams(use_tc_tiling_on_sc=False),
    )


def _k1_body(x_ref, wl_ref, wr_ref, p_ref, r_ref):
    xb = x_ref[...]
    p_ref[...] = jnp.dot(xb, wl_ref[...], preferred_element_type=jnp.float32)
    r_ref[...] = jnp.dot(xb, wr_ref[...], preferred_element_type=jnp.float32)


@functools.cache
def _k1():
    return pl.pallas_call(
        _k1_body,
        grid=(NBLK,),
        in_specs=[
            pl.BlockSpec((BLK, D), lambda i: (i, 0)),
            pl.BlockSpec((D, 128), lambda i: (0, 0)),
            pl.BlockSpec((D, 128), lambda i: (0, 0)),
        ],
        out_specs=[
            pl.BlockSpec((BLK, 128), lambda i: (i, 0)),
            pl.BlockSpec((BLK, 128), lambda i: (i, 0)),
        ],
        out_shape=[
            jax.ShapeDtypeStruct((N, 128), jnp.float32),
            jax.ShapeDtypeStruct((N, 128), jnp.float32),
        ],
    )


def _k2_body(parts_ref, cp_ref, r1_ref, wl_ref, wr_ref, b1_ref,
             p2_ref, r2_ref, cnt_ref):
    ps = parts_ref[0] + parts_ref[1]
    cnt = cp_ref[0, :, :1] + cp_ref[1, :, :1]
    agg = ps / jnp.maximum(cnt, 1.0)
    h = jax.nn.relu(agg + b1_ref[...] + r1_ref[...])
    p2_ref[...] = jnp.dot(h, wl_ref[...], preferred_element_type=jnp.float32)
    r2_ref[...] = jnp.dot(h, wr_ref[...], preferred_element_type=jnp.float32)
    cnt_ref[...] = cnt


@functools.cache
def _k2():
    return pl.pallas_call(
        _k2_body,
        grid=(NBLK,),
        in_specs=[
            pl.BlockSpec((2, BLK, 128), lambda i: (0, i, 0)),
            pl.BlockSpec((2, BLK, 16), lambda i: (0, i, 0)),
            pl.BlockSpec((BLK, 128), lambda i: (i, 0)),
            pl.BlockSpec((128, 128), lambda i: (0, 0)),
            pl.BlockSpec((128, 128), lambda i: (0, 0)),
            pl.BlockSpec((1, 128), lambda i: (0, 0)),
        ],
        out_specs=[
            pl.BlockSpec((BLK, 128), lambda i: (i, 0)),
            pl.BlockSpec((BLK, 128), lambda i: (i, 0)),
            pl.BlockSpec((BLK, 1), lambda i: (i, 0)),
        ],
        out_shape=[
            jax.ShapeDtypeStruct((N, 128), jnp.float32),
            jax.ShapeDtypeStruct((N, 128), jnp.float32),
            jax.ShapeDtypeStruct((N, 1), jnp.float32),
        ],
    )


def _k3a_body(parts_ref, r2_ref, cnt_ref, b2_ref, p_ref, batch_ref,
              h2_ref, s_ref, counts_ref):
    i = pl.program_id(0)
    ps = parts_ref[0] + parts_ref[1]
    agg = ps / jnp.maximum(cnt_ref[...], 1.0)
    h2 = jax.nn.relu(agg + b2_ref[...] + r2_ref[...])
    h2_ref[...] = h2
    p = p_ref[...]
    norm = jnp.sqrt(jnp.sum(p * p))
    pd = jnp.sum(h2 * p, axis=1, keepdims=True)
    s_ref[...] = jnp.tanh(pd / (norm + 1e-16))
    bt = batch_ref[0]
    gi = lax.broadcasted_iota(jnp.int32, (G, 1), 0)
    blkcnt = jnp.sum((bt == gi).astype(jnp.float32), axis=1, keepdims=True)

    @pl.when(i == 0)
    def _():
        counts_ref[...] = jnp.zeros_like(counts_ref)

    counts_ref[...] += blkcnt


@functools.cache
def _k3a():
    return pl.pallas_call(
        _k3a_body,
        grid=(NBLK,),
        in_specs=[
            pl.BlockSpec((2, BLK, 128), lambda i: (0, i, 0)),
            pl.BlockSpec((BLK, 128), lambda i: (i, 0)),
            pl.BlockSpec((BLK, 1), lambda i: (i, 0)),
            pl.BlockSpec((1, 128), lambda i: (0, 0)),
            pl.BlockSpec((1, 128), lambda i: (0, 0)),
            pl.BlockSpec((1, 1, BLK), lambda i: (i, 0, 0)),
        ],
        out_specs=[
            pl.BlockSpec((BLK, 128), lambda i: (i, 0)),
            pl.BlockSpec((BLK, 1), lambda i: (i, 0)),
            pl.BlockSpec((G, 1), lambda i: (0, 0)),
        ],
        out_shape=[
            jax.ShapeDtypeStruct((N, 128), jnp.float32),
            jax.ShapeDtypeStruct((N, 1), jnp.float32),
            jax.ShapeDtypeStruct((G, 1), jnp.float32),
        ],
    )


RBLK = 256
CCH = 512


def _krank_body(sc_ref, bc_ref, sr_ref, br_ref, counts_ref, keep_ref):
    i = pl.program_id(0)
    sc = sc_ref[...]
    bc = bc_ref[...]
    ivec = lax.broadcasted_iota(jnp.int32, (RBLK, 1), 0) + i * RBLK
    counts = counts_ref[...]
    ga = lax.broadcasted_iota(jnp.int32, (G, G), 0)
    gb = lax.broadcasted_iota(jnp.int32, (G, G), 1)
    ltri = (gb <= ga).astype(jnp.float32)
    cum = jnp.dot(ltri, counts, preferred_element_type=jnp.float32)
    startv = cum - counts
    gi = lax.broadcasted_iota(jnp.int32, (G, 1), 0)
    bmin = jnp.min(jnp.where(bc >= 0, bc, G - 1))
    bmax = jnp.max(bc)
    s_lo = jnp.sum(jnp.where(gi == bmin, startv, 0.0))
    e_hi = jnp.sum(jnp.where(gi == bmax, cum, 0.0))
    c_lo = (s_lo.astype(jnp.int32)) // CCH
    c_hi = (e_hi.astype(jnp.int32) + CCH - 1) // CCH

    def col_chunk(cc, acc):
        off = pl.multiple_of(cc * CCH, CCH)
        sj = sr_ref[:, pl.ds(off, CCH)]
        bj = br_ref[:, pl.ds(off, CCH)]
        jvec = lax.broadcasted_iota(jnp.int32, (1, CCH), 1) + cc * CCH
        beats = jnp.logical_and(
            bj == bc,
            jnp.logical_or(sj > sc, jnp.logical_and(sj == sc, jvec < ivec)),
        )
        return acc + jnp.sum(beats.astype(jnp.float32), axis=1, keepdims=True)

    acc = lax.fori_loop(c_lo, c_hi, col_chunk, jnp.zeros((RBLK, 1), jnp.float32))
    gj = lax.broadcasted_iota(jnp.int32, (1, G), 1)
    onehot = (bc == gj).astype(jnp.float32)
    kg = jnp.ceil(RATIO * counts)
    kat = jnp.dot(onehot, kg, preferred_element_type=jnp.float32)
    keep_ref[...] = (acc < kat).astype(jnp.float32)


@functools.cache
def _krank():
    return pl.pallas_call(
        _krank_body,
        grid=(NPAD // RBLK,),
        in_specs=[
            pl.BlockSpec((RBLK, 1), lambda i: (i, 0)),
            pl.BlockSpec((RBLK, 1), lambda i: (i, 0)),
            pl.BlockSpec((1, NPAD), lambda i: (0, 0)),
            pl.BlockSpec((1, NPAD), lambda i: (0, 0)),
            pl.BlockSpec((G, 1), lambda i: (0, 0)),
        ],
        out_specs=pl.BlockSpec((RBLK, 1), lambda i: (i, 0)),
        out_shape=jax.ShapeDtypeStruct((NPAD, 1), jnp.float32),
    )


def _k3c_body(h2_ref, s_ref, keep_ref, wl_ref, wr_ref, p3_ref, r_ref, k16_ref):
    keep = keep_ref[...]
    xp = h2_ref[...] * s_ref[...] * keep
    p3_ref[...] = jnp.dot(xp, wl_ref[...], preferred_element_type=jnp.float32)
    r_ref[...] = jnp.dot(xp, wr_ref[...], preferred_element_type=jnp.float32)
    k16_ref[...] = jnp.broadcast_to(keep, (BLK, 16))


@functools.cache
def _k3c():
    return pl.pallas_call(
        _k3c_body,
        grid=(NBLK,),
        in_specs=[
            pl.BlockSpec((BLK, 128), lambda i: (i, 0)),
            pl.BlockSpec((BLK, 1), lambda i: (i, 0)),
            pl.BlockSpec((BLK, 1), lambda i: (i, 0)),
            pl.BlockSpec((128, 128), lambda i: (0, 0)),
            pl.BlockSpec((128, 128), lambda i: (0, 0)),
        ],
        out_specs=[
            pl.BlockSpec((BLK, 128), lambda i: (i, 0)),
            pl.BlockSpec((BLK, 128), lambda i: (i, 0)),
            pl.BlockSpec((BLK, 16), lambda i: (i, 0)),
        ],
        out_shape=[
            jax.ShapeDtypeStruct((N, 128), jnp.float32),
            jax.ShapeDtypeStruct((N, 128), jnp.float32),
            jax.ShapeDtypeStruct((N, 16), jnp.float32),
        ],
    )


def _k4_body(parts_ref, cp_ref, r3_ref, keep_ref, batch_ref, b3_ref,
             wl1_ref, bl1_ref, wl2_ref, bl2_ref, out_ref, sums_ref, cnt2_ref):
    i = pl.program_id(0)
    ps = parts_ref[0] + parts_ref[1]
    cnt3 = cp_ref[0, :, :1] + cp_ref[1, :, :1]
    agg = ps / jnp.maximum(cnt3, 1.0)
    keep = keep_ref[...]
    h3 = jax.nn.relu(agg + b3_ref[...] + r3_ref[...]) * keep
    bt = batch_ref[0]
    gi = lax.broadcasted_iota(jnp.int32, (G, 1), 0)
    onehot = (bt == gi).astype(jnp.float32)
    bsums = jnp.dot(onehot, h3, preferred_element_type=jnp.float32)
    bcnt = jnp.dot(onehot, keep, preferred_element_type=jnp.float32)

    @pl.when(i == 0)
    def _():
        sums_ref[...] = jnp.zeros_like(sums_ref)
        cnt2_ref[...] = jnp.zeros_like(cnt2_ref)

    sums_ref[...] += bsums
    cnt2_ref[...] += bcnt

    @pl.when(i == NBLK - 1)
    def _():
        gm = sums_ref[...] / jnp.maximum(cnt2_ref[...], 1.0)
        o = jax.nn.relu(
            jnp.dot(gm, wl1_ref[...], preferred_element_type=jnp.float32)
            + bl1_ref[...]
        )
        z = jnp.dot(o, wl2_ref[...], preferred_element_type=jnp.float32) + bl2_ref[...]
        m = jnp.max(z, axis=1, keepdims=True)
        ez = jnp.exp(z - m)
        out_ref[...] = z - m - jnp.log(jnp.sum(ez, axis=1, keepdims=True))


@functools.cache
def _k4():
    return pl.pallas_call(
        _k4_body,
        grid=(NBLK,),
        in_specs=[
            pl.BlockSpec((2, BLK, 128), lambda i: (0, i, 0)),
            pl.BlockSpec((2, BLK, 16), lambda i: (0, i, 0)),
            pl.BlockSpec((BLK, 128), lambda i: (i, 0)),
            pl.BlockSpec((BLK, 1), lambda i: (i, 0)),
            pl.BlockSpec((1, 1, BLK), lambda i: (i, 0, 0)),
            pl.BlockSpec((1, 128), lambda i: (0, 0)),
            pl.BlockSpec((128, 64), lambda i: (0, 0)),
            pl.BlockSpec((1, 64), lambda i: (0, 0)),
            pl.BlockSpec((64, C), lambda i: (0, 0)),
            pl.BlockSpec((1, C), lambda i: (0, 0)),
        ],
        out_specs=pl.BlockSpec((G, C), lambda i: (0, 0)),
        out_shape=jax.ShapeDtypeStruct((G, C), jnp.float32),
        scratch_shapes=[
            pltpu.VMEM((G, 128), jnp.float32),
            pltpu.VMEM((G, 1), jnp.float32),
        ],
    )


def _agg1(table, srcm, dstm):
    zrows = jnp.zeros((RPS, 128), jnp.float32)
    zc = jnp.zeros((RPS, 16), jnp.float32)
    onesrc = jnp.ones((ECH, 16), jnp.float32)
    return _sc_agg("ones")(table, srcm, dstm, zrows, zc, onesrc)


def _agg2(table, srcm, dstm):
    zrows = jnp.zeros((RPS, 128), jnp.float32)
    return _sc_agg("none")(table, srcm, dstm, zrows)[0]


def _agg3(table, keep16, srcm, dstm):
    zrows = jnp.zeros((RPS, 128), jnp.float32)
    zc = jnp.zeros((RPS, 16), jnp.float32)
    return _sc_agg("gather")(table, srcm, dstm, zrows, zc, keep16)


def _pad_edges(ei):
    src = jnp.pad(ei[0], (0, EPAD - E)).reshape(EROWS, ECH)
    dst = jnp.pad(ei[1], (0, EPAD - E), constant_values=N).reshape(EROWS, ECH)
    return src, dst


def kernel(x, edge_index, batch, W1l, b1, W1r, W2l, b2, W2r, p_pool,
           W3l, b3, W3r, Wl1, bl1, Wl2, bl2):
    srcm, dstm = _pad_edges(edge_index)
    batch_row = batch.reshape(1, N)
    batch3 = batch.reshape(NBLK, 1, BLK)

    p1, r1 = _k1()(x, W1l, W1r)
    parts1, cnt1p = _agg1(p1, srcm, dstm)
    p2, r2, cnt1 = _k2()(parts1, cnt1p, r1, W2l, W2r, b1.reshape(1, 128))
    parts2 = _agg2(p2, srcm, dstm)
    h2, s_col, counts = _k3a()(
        parts2, r2, cnt1, b2.reshape(1, 128), p_pool.reshape(1, 128), batch3
    )

    s_row_pad = jnp.pad(s_col.reshape(1, N), ((0, 0), (0, NPAD - N)))
    s_col_pad = jnp.pad(s_col, ((0, NPAD - N), (0, 0)))
    batch_row_pad = jnp.pad(batch_row, ((0, 0), (0, NPAD - N)), constant_values=-1)
    batch_col_pad = batch_row_pad.reshape(NPAD, 1)
    keep_pad = _krank()(s_col_pad, batch_col_pad, s_row_pad, batch_row_pad, counts)
    keep = keep_pad[:N]

    p3, r3, keep16 = _k3c()(h2, s_col, keep, W3l, W3r)
    parts3, cnt3p = _agg3(p3, keep16, srcm, dstm)
    out = _k4()(
        parts3, cnt3p, r3, keep, batch3, b3.reshape(1, 128),
        Wl1, bl1.reshape(1, 64), Wl2, bl2.reshape(1, C),
    )
    return out

# --- scband reference (transcript-rebuilt; emitter-appended) ---
"""Pipeline reference for scband-graph-sage1-tpk-48155173323148 (READ-ONLY COPY).

The authoritative reference and input builder live on the scoring server;
editing this copy changes nothing except your own understanding.
"""

import jax, jax.numpy as jnp
import numpy as np
import math

N = 10000
E = 160000
D = 256
G = 64
C = 10
RATIO = 0.8


def setup_inputs(seed: int = 0) -> dict:
    key = jax.random.key(seed)
    ks = jax.random.split(key, 20)
    inp = {}
    inp["x"] = jax.random.normal(ks[0], (N, D), dtype=jnp.float32)
    inp["edge_index"] = jax.random.randint(ks[1], (2, E), 0, N, dtype=jnp.int32)
    inp["batch"] = jnp.sort(jax.random.randint(ks[2], (N,), 0, G, dtype=jnp.int32))

    def lin(k, fi, fo):
        return jax.random.normal(k, (fi, fo), dtype=jnp.float32) / np.sqrt(fi)

    inp["W1l"] = lin(ks[3], D, 128); inp["b1"] = jnp.zeros((128,), jnp.float32); inp["W1r"] = lin(ks[4], D, 128)
    inp["W2l"] = lin(ks[5], 128, 128); inp["b2"] = jnp.zeros((128,), jnp.float32); inp["W2r"] = lin(ks[6], 128, 128)
    inp["p_pool"] = jax.random.normal(ks[7], (128,), dtype=jnp.float32)
    inp["W3l"] = lin(ks[8], 128, 128); inp["b3"] = jnp.zeros((128,), jnp.float32); inp["W3r"] = lin(ks[9], 128, 128)
    inp["Wl1"] = lin(ks[10], 128, 64); inp["bl1"] = jnp.zeros((64,), jnp.float32)
    inp["Wl2"] = lin(ks[11], 64, C); inp["bl2"] = jnp.zeros((C,), jnp.float32)
    return inp


def _sage(x, ei, Wl, b, Wr, n):
    # PyG SAGEConv(aggr='mean'): lin_l(mean_{j->i} x_j) + lin_r(x_i); lin_l has bias
    src, dst = ei[0], ei[1]
    msg = x[src]
    agg = jax.ops.segment_sum(msg, dst, num_segments=n)
    cnt = jax.ops.segment_sum(jnp.ones((src.shape[0],), jnp.float32), dst, num_segments=n)
    agg = agg / jnp.maximum(cnt, 1.0)[:, None]
    return agg @ Wl + b + x @ Wr


def _topk_select(s, batch, ratio):
    # per-graph top-ceil(ratio*n_g) by score (PyG TopKPooling select)
    counts = jax.ops.segment_sum(jnp.ones((N,), jnp.int32), batch, num_segments=G)
    k = jnp.ceil(ratio * counts.astype(jnp.float32)).astype(jnp.int32)
    order = jnp.lexsort((-s, batch))
    starts = jnp.concatenate([jnp.zeros((1,), jnp.int32), jnp.cumsum(counts)[:-1]])
    sb = batch[order]
    rank = jnp.arange(N, dtype=jnp.int32) - starts[sb]
    keep = rank < k[sb]
    comp = jnp.argsort(jnp.logical_not(keep), stable=True)
    return order[comp], keep[comp]


def reference(x, edge_index, batch, W1l, b1, W1r, W2l, b2, W2r, p_pool, W3l, b3, W3r, Wl1, bl1, Wl2, bl2):
    h = jax.nn.relu(_sage(x, edge_index, W1l, b1, W1r, N))
    h = jax.nn.relu(_sage(h, edge_index, W2l, b2, W2r, N))
    # TopKPooling: score = tanh((x . p) / ||p||); keep top ratio per graph; gate kept nodes
    s = jnp.tanh((h @ p_pool) / (jnp.linalg.norm(p_pool) + 1e-16))
    perm_pad, valid = _topk_select(s, batch, RATIO)
    new_idx = jnp.full((N,), -1, dtype=jnp.int32).at[perm_pad].set(
        jnp.where(valid, jnp.arange(N, dtype=jnp.int32), jnp.int32(-1))
    )
    src, dst = edge_index[0], edge_index[1]
    ns = new_idx[src]
    nd = new_idx[dst]
    m = (ns >= 0) & (nd >= 0)
    src2 = jnp.where(m, ns, 0)
    dst2 = jnp.where(m, nd, N)
    xp = jnp.where(valid[:, None], h[perm_pad] * s[perm_pad][:, None], 0.0)
    agg = jax.ops.segment_sum(xp[src2], dst2, num_segments=N + 1)[:N]
    cnt = jax.ops.segment_sum(jnp.ones((E,), jnp.float32), dst2, num_segments=N + 1)[:N]
    agg = agg / jnp.maximum(cnt, 1.0)[:, None]
    h3 = jax.nn.relu(agg @ W3l + b3 + xp @ W3r)
    # global_mean_pool over graphs
    batch2 = jnp.where(valid, batch[perm_pad], G)
    sums = jax.ops.segment_sum(h3, batch2, num_segments=G + 1)[:G]
    cnt2 = jax.ops.segment_sum(jnp.ones((N,), jnp.float32), batch2, num_segments=G + 1)[:G]
    gm = sums / jnp.maximum(cnt2, 1.0)[:, None]
    o = jax.nn.relu(gm @ Wl1 + bl1)
    o = jax.nn.log_softmax(o @ Wl2 + bl2, axis=-1)
    return o

if __name__ == "__main__":
    import jax
    _d = setup_inputs()
    print(jax.jit(kernel)(*tuple(_d.values())))

</pallas_src>

<mosaic_0001>
#map = affine_map<(d0, d1) -> (0, 0)>
#map1 = affine_map<(d0, d1) -> (0, 0, 0)>
module attributes {stable_mosaic.version = 14 : i64} {
  func.func @body(%arg0: i32, %arg1: i32, %arg2: memref<10000x128xf32, #tpu.memory_space<hbm>>, %arg3: memref<1280x128xi32, #tpu.memory_space<hbm>>, %arg4: memref<1280x128xi32, #tpu.memory_space<hbm>>, %arg5: memref<632x128xf32, #tpu.memory_space<hbm>>, %arg6: memref<632x16xf32, #tpu.memory_space<hbm>>, %arg7: memref<10000x16xf32, #tpu.memory_space<hbm>>, %arg8: memref<2x10000x128xf32, #tpu.memory_space<hbm>>, %arg9: memref<2x10000x16xf32, #tpu.memory_space<hbm>>, %arg10: memref<128xi32, #tpu.memory_space<vmem>>, %arg11: memref<128xi32, #tpu.memory_space<vmem>>, %arg12: memref<128xi32, #tpu.memory_space<vmem>>, %arg13: memref<128xi32, #tpu.memory_space<vmem>>, %arg14: memref<128x128xf32, #tpu.memory_space<vmem>>, %arg15: memref<128x128xf32, #tpu.memory_space<vmem>>, %arg16: memref<!tpu.dma_semaphore, #tpu.memory_space<semaphore_mem>>, %arg17: memref<!tpu.dma_semaphore, #tpu.memory_space<semaphore_mem>>, %arg18: memref<!tpu.dma_semaphore, #tpu.memory_space<semaphore_mem>>, %arg19: memref<!tpu.dma_semaphore, #tpu.memory_space<semaphore_mem>>, %arg20: memref<10016x128xf32, #tpu.memory_space<vmem_shared>>, %arg21: memref<10016x16xf32, #tpu.memory_space<vmem_shared>>, %arg22: memref<128x16xf32, #tpu.memory_space<vmem>>, %arg23: memref<128x16xf32, #tpu.memory_space<vmem>>) attributes {dimension_semantics = [#tpu.dimension_semantics<core_parallel>, #tpu.dimension_semantics<subcore_parallel>], iteration_bounds = array<i64: 2, 16>, scalar_prefetch = 0 : i64, scratch_operands = 14 : i64, tpu.core_type = #tpu.core_type<sc_vector_subcore>, window_params = [{transform_indices = #map}, {transform_indices = #map}, {transform_indices = #map}, {transform_indices = #map}, {transform_indices = #map}, {transform_indices = #map}, {transform_indices = #map1}, {transform_indices = #map1}]} {
    %eq3A = arith.constant 0 : i32
    %eq3A_0 = arith.cmpi eq, %arg0, %eq3A : i32
    %jit3A = arith.constant 59 : i32
    %jit3A_1 = arith.constant 21 : i32
    %select_n3A = arith.select %eq3A_0, %jit3A, %jit3A_1 : i32
    %eq3A_2 = arith.constant 0 : i32
    %eq3A_3 = arith.cmpi eq, %arg0, %eq3A_2 : i32
    %mul3A = arith.constant 59 : i32
    %mul3A_4 = arith.muli %arg1, %mul3A : i32
    %mul3A_5 = arith.constant 21 : i32
    %mul3A_6 = arith.muli %arg1, %mul3A_5 : i32
    %add3A = arith.constant 944 : i32
    %add3A_7 = arith.addi %add3A, %mul3A_6 : i32
    %select_n3A_8 = arith.select %eq3A_3, %mul3A_4, %add3A_7 : i32
    %mul3A_9 = arith.constant 632 : i32
    %mul3A_10 = arith.muli %arg1, %mul3A_9 : i32
    %lt3A = arith.constant 15 : i32
    %lt3A_11 = arith.cmpi slt, %arg1, %lt3A : i32
    %convert_element_type3A = arith.extui %lt3A_11 : i1 to i32
    %cond3A = arith.constant 0 : i32
    %cond3A_12 = arith.cmpi ne, %convert_element_type3A, %cond3A : i32
    scf.if %cond3A_12 {
      "tpu.region"() ({
        %run_scoped3A = tpu.sem_alloc : memref<!tpu.dma_semaphore, #tpu.memory_space<semaphore_mem>>
        %dma_start3A_82 = arith.constant 0 : i32
        %dma_start3A_83 = tpu.memref_slice %arg20[%mul3A_10, %dma_start3A_82] : memref<10016x128xf32, #tpu.memory_space<vmem_shared>> -> memref<632x128xf32, #tpu.memory_space<vmem_shared>>
        %dma_start3A_84 = arith.constant 0 : i32
        %dma_start3A_85 = arith.constant 0 : i32
        %dma_start3A_86 = tpu.memref_slice %arg5[%dma_start3A_84, %dma_start3A_85] : memref<632x128xf32, #tpu.memory_space<hbm>> -> memref<632x128xf32, #tpu.memory_space<hbm>>
        tpu.enqueue_dma source(%dma_start3A_86 : memref<632x128xf32, #tpu.memory_space<hbm>>) target(%dma_start3A_83 : memref<632x128xf32, #tpu.memory_space<vmem_shared>>) target_semaphore(%run_scoped3A : memref<!tpu.dma_semaphore, #tpu.memory_space<semaphore_mem>>)
        %dma_wait3A_87 = arith.constant 0 : i32
        %dma_wait3A_88 = tpu.memref_slice %arg20[%mul3A_10, %dma_wait3A_87] : memref<10016x128xf32, #tpu.memory_space<vmem_shared>> -> memref<632x128xf32, #tpu.memory_space<vmem_shared>>
        %dma_wait3A_89 = arith.constant 0 : i32
        %dma_wait3A_90 = arith.constant 0 : i32
        %dma_wait3A_91 = tpu.memref_slice %arg5[%dma_wait3A_89, %dma_wait3A_90] : memref<632x128xf32, #tpu.memory_space<hbm>> -> memref<632x128xf32, #tpu.memory_space<hbm>>
        tpu.wait_dma2 semaphore(%run_scoped3A : memref<!tpu.dma_semaphore, #tpu.memory_space<semaphore_mem>>) src(%dma_wait3A_91 : memref<632x128xf32, #tpu.memory_space<hbm>>) dst(%dma_wait3A_88 : memref<632x128xf32, #tpu.memory_space<vmem_shared>>)
        tpu.yield
      }) : () -> ()
      "tpu.region"() ({
        %run_scoped3A = tpu.sem_alloc : memref<!tpu.dma_semaphore, #tpu.memory_space<semaphore_mem>>
        %dma_start3A_82 = arith.constant 0 : i32
        %dma_start3A_83 = tpu.memref_slice %arg21[%mul3A_10, %dma_start3A_82] : memref<10016x16xf32, #tpu.memory_space<vmem_shared>> -> memref<632x16xf32, #tpu.memory_space<vmem_shared>>
        %dma_start3A_84 = arith.constant 0 : i32
        %dma_start3A_85 = arith.constant 0 : i32
        %dma_start3A_86 = tpu.memref_slice %arg6[%dma_start3A_84, %dma_start3A_85] : memref<632x16xf32, #tpu.memory_space<hbm>> -> memref<632x16xf32, #tpu.memory_space<hbm>>
        tpu.enqueue_dma source(%dma_start3A_86 : memref<632x16xf32, #tpu.memory_space<hbm>>) target(%dma_start3A_83 : memref<632x16xf32, #tpu.memory_space<vmem_shared>>) target_semaphore(%run_scoped3A : memref<!tpu.dma_semaphore, #tpu.memory_space<semaphore_mem>>)
        %dma_wait3A_87 = arith.constant 0 : i32
        %dma_wait3A_88 = tpu.memref_slice %arg21[%mul3A_10, %dma_wait3A_87] : memref<10016x16xf32, #tpu.memory_space<vmem_shared>> -> memref<632x16xf32, #tpu.memory_space<vmem_shared>>
        %dma_wait3A_89 = arith.constant 0 : i32
        %dma_wait3A_90 = arith.constant 0 : i32
        %dma_wait3A_91 = tpu.memref_slice %arg6[%dma_wait3A_89, %dma_wait3A_90] : memref<632x16xf32, #tpu.memory_space<hbm>> -> memref<632x16xf32, #tpu.memory_space<hbm>>
        tpu.wait_dma2 semaphore(%run_scoped3A : memref<!tpu.dma_semaphore, #tpu.memory_space<semaphore_mem>>) src(%dma_wait3A_91 : memref<632x16xf32, #tpu.memory_space<hbm>>) dst(%dma_wait3A_88 : memref<632x16xf32, #tpu.memory_space<vmem_shared>>)
        tpu.yield
      }) : () -> ()
    } else {
    }
    %eq3A_13 = arith.constant 15 : i32
    %eq3A_14 = arith.cmpi eq, %arg1, %eq3A_13 : i32
    %convert_element_type3A_15 = arith.extui %eq3A_14 : i1 to i32
    %cond3A_16 = arith.constant 0 : i32
    %cond3A_17 = arith.cmpi ne, %convert_element_type3A_15, %cond3A_16 : i32
    scf.if %cond3A_17 {
      "tpu.region"() ({
        %run_scoped3A = tpu.sem_alloc : memref<!tpu.dma_semaphore, #tpu.memory_space<semaphore_mem>>
        %dma_start3A_82 = arith.constant 9480 : i32
        %dma_start3A_83 = arith.constant 0 : i32
        %dma_start3A_84 = tpu.memref_slice %arg20[%dma_start3A_82, %dma_start3A_83] : memref<10016x128xf32, #tpu.memory_space<vmem_shared>> -> memref<536x128xf32, #tpu.memory_space<vmem_shared>>
        %dma_start3A_85 = arith.constant 0 : i32
        %dma_start3A_86 = arith.constant 0 : i32
        %dma_start3A_87 = tpu.memref_slice %arg5[%dma_start3A_85, %dma_start3A_86] : memref<632x128xf32, #tpu.memory_space<hbm>> -> memref<536x128xf32, #tpu.memory_space<hbm>>
        tpu.enqueue_dma source(%dma_start3A_87 : memref<536x128xf32, #tpu.memory_space<hbm>>) target(%dma_start3A_84 : memref<536x128xf32, #tpu.memory_space<vmem_shared>>) target_semaphore(%run_scoped3A : memref<!tpu.dma_semaphore, #tpu.memory_space<semaphore_mem>>)
        %dma_wait3A_88 = arith.constant 9480 : i32
        %dma_wait3A_89 = arith.constant 0 : i32
        %dma_wait3A_90 = tpu.memref_slice %arg20[%dma_wait3A_88, %dma_wait3A_89] : memref<10016x128xf32, #tpu.memory_space<vmem_shared>> -> memref<536x128xf32, #tpu.memory_space<vmem_shared>>
        %dma_wait3A_91 = arith.constant 0 : i32
        %dma_wait3A_92 = arith.constant 0 : i32
        %dma_wait3A_93 = tpu.memref_slice %arg5[%dma_wait3A_91, %dma_wait3A_92] : memref<632x128xf32, #tpu.memory_space<hbm>> -> memref<536x128xf32, #tpu.memory_space<hbm>>
        tpu.wait_dma2 semaphore(%run_scoped3A : memref<!tpu.dma_semaphore, #tpu.memory_space<semaphore_mem>>) src(%dma_wait3A_93 : memref<536x128xf32, #tpu.memory_space<hbm>>) dst(%dma_wait3A_90 : memref<536x128xf32, #tpu.memory_space<vmem_shared>>)
        tpu.yield
      }) : () -> ()
      "tpu.region"() ({
        %run_scoped3A = tpu.sem_alloc : memref<!tpu.dma_semaphore, #tpu.memory_space<semaphore_mem>>
        %dma_start3A_82 = arith.constant 9480 : i32
        %dma_start3A_83 = arith.constant 0 : i32
        %dma_start3A_84 = tpu.memref_slice %arg21[%dma_start3A_82, %dma_start3A_83] : memref<10016x16xf32, #tpu.memory_space<vmem_shared>> -> memref<536x16xf32, #tpu.memory_space<vmem_shared>>
        %dma_start3A_85 = arith.constant 0 : i32
        %dma_start3A_86 = arith.constant 0 : i32
        %dma_start3A_87 = tpu.memref_slice %arg6[%dma_start3A_85, %dma_start3A_86] : memref<632x16xf32, #tpu.memory_space<hbm>> -> memref<536x16xf32, #tpu.memory_space<hbm>>
        tpu.enqueue_dma source(%dma_start3A_87 : memref<536x16xf32, #tpu.memory_space<hbm>>) target(%dma_start3A_84 : memref<536x16xf32, #tpu.memory_space<vmem_shared>>) target_semaphore(%run_scoped3A : memref<!tpu.dma_semaphore, #tpu.memory_space<semaphore_mem>>)
        %dma_wait3A_88 = arith.constant 9480 : i32
        %dma_wait3A_89 = arith.constant 0 : i32
        %dma_wait3A_90 = tpu.memref_slice %arg21[%dma_wait3A_88, %dma_wait3A_89] : memref<10016x16xf32, #tpu.memory_space<vmem_shared>> -> memref<536x16xf32, #tpu.memory_space<vmem_shared>>
        %dma_wait3A_91 = arith.constant 0 : i32
        %dma_wait3A_92 = arith.constant 0 : i32
        %dma_wait3A_93 = tpu.memref_slice %arg6[%dma_wait3A_91, %dma_wait3A_92] : memref<632x16xf32, #tpu.memory_space<hbm>> -> memref<536x16xf32, #tpu.memory_space<hbm>>
        tpu.wait_dma2 semaphore(%run_scoped3A : memref<!tpu.dma_semaphore, #tpu.memory_space<semaphore_mem>>) src(%dma_wait3A_93 : memref<536x16xf32, #tpu.memory_space<hbm>>) dst(%dma_wait3A_90 : memref<536x16xf32, #tpu.memory_space<vmem_shared>>)
        tpu.yield
      }) : () -> ()
    } else {
    }
    %barrier3A = arith.constant 0 : index
    tpu.barrier barrier_id(%barrier3A)
    %add3A_18 = arith.constant 0 : i32
    %add3A_19 = arith.addi %select_n3A_8, %add3A_18 : i32
    %dma_start3A = arith.constant 0 : i32
    %dma_start3A_20 = tpu.memref_slice %arg3[%add3A_19, %dma_start3A] : memref<1280x128xi32, #tpu.memory_space<hbm>> -> memref<1x128xi32, #tpu.memory_space<hbm>>
    %dma_start3A_21 = tpu.memref_squeeze %dma_start3A_20 : memref<1x128xi32, #tpu.memory_space<hbm>> -> memref<128xi32, #tpu.memory_space<hbm>>
    %dma_start3A_22 = arith.constant 0 : i32
    %dma_start3A_23 = tpu.memref_slice %arg3[%add3A_19, %dma_start3A_22] : memref<1280x128xi32, #tpu.memory_space<hbm>> -> memref<1x128xi32, #tpu.memory_space<hbm>>
    %dma_start3A_24 = tpu.memref_squeeze %dma_start3A_23 : memref<1x128xi32, #tpu.memory_space<hbm>> -> memref<128xi32, #tpu.memory_space<hbm>>
    tpu.enqueue_dma source(%dma_start3A_24 : memref<128xi32, #tpu.memory_space<hbm>>) target(%arg10 : memref<128xi32, #tpu.memory_space<vmem>>) target_semaphore(%arg18 : memref<!tpu.dma_semaphore, #tpu.memory_space<semaphore_mem>>)
    %add3A_25 = arith.constant 0 : i32
    %add3A_26 = arith.addi %select_n3A_8, %add3A_25 : i32
    %dma_start3A_27 = arith.constant 0 : i32
    %dma_start3A_28 = tpu.memref_slice %arg4[%add3A_26, %dma_start3A_27] : memref<1280x128xi32, #tpu.memory_space<hbm>> -> memref<1x128xi32, #tpu.memory_space<hbm>>
    %dma_start3A_29 = tpu.memref_squeeze %dma_start3A_28 : memref<1x128xi32, #tpu.memory_space<hbm>> -> memref<128xi32, #tpu.memory_space<hbm>>
    %dma_start3A_30 = arith.constant 0 : i32
    %dma_start3A_31 = tpu.memref_slice %arg4[%add3A_26, %dma_start3A_30] : memref<1280x128xi32, #tpu.memory_space<hbm>> -> memref<1x128xi32, #tpu.memory_space<hbm>>
    %dma_start3A_32 = tpu.memref_squeeze %dma_start3A_31 : memref<1x128xi32, #tpu.memory_space<hbm>> -> memref<128xi32, #tpu.memory_space<hbm>>
    tpu.enqueue_dma source(%dma_start3A_32 : memref<128xi32, #tpu.memory_space<hbm>>) target(%arg12 : memref<128xi32, #tpu.memory_space<vmem>>) target_semaphore(%arg18 : memref<!tpu.dma_semaphore, #tpu.memory_space<semaphore_mem>>)
    %add3A_33 = arith.constant 1 : i32
    %add3A_34 = arith.addi %select_n3A_8, %add3A_33 : i32
    %dma_start3A_35 = arith.constant 0 : i32
    %dma_start3A_36 = tpu.memref_slice %arg3[%add3A_34, %dma_start3A_35] : memref<1280x128xi32, #tpu.memory_space<hbm>> -> memref<1x128xi32, #tpu.memory_space<hbm>>
    %dma_start3A_37 = tpu.memref_squeeze %dma_start3A_36 : memref<1x128xi32, #tpu.memory_space<hbm>> -> memref<128xi32, #tpu.memory_space<hbm>>
    %dma_start3A_38 = arith.constant 0 : i32
    %dma_start3A_39 = tpu.memref_slice %arg3[%add3A_34, %dma_start3A_38] : memref<1280x128xi32, #tpu.memory_space<hbm>> -> memref<1x128xi32, #tpu.memory_space<hbm>>
    %dma_start3A_40 = tpu.memref_squeeze %dma_start3A_39 : memref<1x128xi32, #tpu.memory_space<hbm>> -> memref<128xi32, #tpu.memory_space<hbm>>
    tpu.enqueue_dma source(%dma_start3A_40 : memref<128xi32, #tpu.memory_space<hbm>>) target(%arg11 : memref<128xi32, #tpu.memory_space<vmem>>) target_semaphore(%arg19 : memref<!tpu.dma_semaphore, #tpu.memory_space<semaphore_mem>>)
    %add3A_41 = arith.constant 1 : i32
    %add3A_42 = arith.addi %select_n3A_8, %add3A_41 : i32
    %dma_start3A_43 = arith.constant 0 : i32
    %dma_start3A_44 = tpu.memref_slice %arg4[%add3A_42, %dma_start3A_43] : memref<1280x128xi32, #tpu.memory_space<hbm>> -> memref<1x128xi32, #tpu.memory_space<hbm>>
    %dma_start3A_45 = tpu.memref_squeeze %dma_start3A_44 : memref<1x128xi32, #tpu.memory_space<hbm>> -> memref<128xi32, #tpu.memory_space<hbm>>
    %dma_start3A_46 = arith.constant 0 : i32
    %dma_start3A_47 = tpu.memref_slice %arg4[%add3A_42, %dma_start3A_46] : memref<1280x128xi32, #tpu.memory_space<hbm>> -> memref<1x128xi32, #tpu.memory_space<hbm>>
    %dma_start3A_48 = tpu.memref_squeeze %dma_start3A_47 : memref<1x128xi32, #tpu.memory_space<hbm>> -> memref<128xi32, #tpu.memory_space<hbm>>
    tpu.enqueue_dma source(%dma_start3A_48 : memref<128xi32, #tpu.memory_space<hbm>>) target(%arg13 : memref<128xi32, #tpu.memory_space<vmem>>) target_semaphore(%arg19 : memref<!tpu.dma_semaphore, #tpu.memory_space<semaphore_mem>>)
    %dma_wait3A = arith.constant 0 : i32
    %dma_wait3A_49 = tpu.memref_slice %arg3[%select_n3A_8, %dma_wait3A] : memref<1280x128xi32, #tpu.memory_space<hbm>> -> memref<1x128xi32, #tpu.memory_space<hbm>>
    %dma_wait3A_50 = tpu.memref_squeeze %dma_wait3A_49 : memref<1x128xi32, #tpu.memory_space<hbm>> -> memref<128xi32, #tpu.memory_space<hbm>>
    %dma_wait3A_51 = arith.constant 0 : i32
    %dma_wait3A_52 = tpu.memref_slice %arg3[%select_n3A_8, %dma_wait3A_51] : memref<1280x128xi32, #tpu.memory_space<hbm>> -> memref<1x128xi32, #tpu.memory_space<hbm>>
    %dma_wait3A_53 = tpu.memref_squeeze %dma_wait3A_52 : memref<1x128xi32, #tpu.memory_space<hbm>> -> memref<128xi32, #tpu.memory_space<hbm>>
    tpu.wait_dma2 semaphore(%arg18 : memref<!tpu.dma_semaphore, #tpu.memory_space<semaphore_mem>>) src(%dma_wait3A_53 : memref<128xi32, #tpu.memory_space<hbm>>) dst(%arg10 : memref<128xi32, #tpu.memory_space<vmem>>)
    %dma_wait3A_54 = arith.constant 0 : i32
    %dma_wait3A_55 = tpu.memref_slice %arg4[%select_n3A_8, %dma_wait3A_54] : memref<1280x128xi32, #tpu.memory_space<hbm>> -> memref<1x128xi32, #tpu.memory_space<hbm>>
    %dma_wait3A_56 = tpu.memref_squeeze %dma_wait3A_55 : memref<1x128xi32, #tpu.memory_space<hbm>> -> memref<128xi32, #tpu.memory_space<hbm>>
    %dma_wait3A_57 = arith.constant 0 : i32
    %dma_wait3A_58 = tpu.memref_slice %arg4[%select_n3A_8, %dma_wait3A_57] : memref<1280x128xi32, #tpu.memory_space<hbm>> -> memref<1x128xi32, #tpu.memory_space<hbm>>
    %dma_wait3A_59 = tpu.memref_squeeze %dma_wait3A_58 : memref<1x128xi32, #tpu.memory_space<hbm>> -> memref<128xi32, #tpu.memory_space<hbm>>
    tpu.wait_dma2 semaphore(%arg18 : memref<!tpu.dma_semaphore, #tpu.memory_space<semaphore_mem>>) src(%dma_wait3A_59 : memref<128xi32, #tpu.memory_space<hbm>>) dst(%arg12 : memref<128xi32, #tpu.memory_space<vmem>>)
    %dma_start3A_60 = arith.constant 0 : i32
    %dma_start3A_61 = arith.constant 0 : i32
    %dma_start3A_62 = tpu.memref_slice %arg2[%dma_start3A_60, %dma_start3A_61] : memref<10000x128xf32, #tpu.memory_space<hbm>> -> memref<10000x128xf32, #tpu.memory_space<hbm>>
    tpu.enqueue_indirect_dma source(%dma_start3A_62 : memref<10000x128xf32, #tpu.memory_space<hbm>>) target(%arg14 : memref<128x128xf32, #tpu.memory_space<vmem>>) offsets(%arg10 : memref<128xi32, #tpu.memory_space<vmem>>) semaphore(%arg16 : memref<!tpu.dma_semaphore, #tpu.memory_space<semaphore_mem>>)
    %dma_start3A_63 = arith.constant 0 : i32
    %dma_start3A_64 = arith.constant 0 : i32
    %dma_start3A_65 = tpu.memref_slice %arg7[%dma_start3A_63, %dma_start3A_64] : memref<10000x16xf32, #tpu.memory_space<hbm>> -> memref<10000x16xf32, #tpu.memory_space<hbm>>
    tpu.enqueue_indirect_dma source(%dma_start3A_65 : memref<10000x16xf32, #tpu.memory_space<hbm>>) target(%arg22 : memref<128x16xf32, #tpu.memory_space<vmem>>) offsets(%arg10 : memref<128xi32, #tpu.memory_space<vmem>>) semaphore(%arg16 : memref<!tpu.dma_semaphore, #tpu.memory_space<semaphore_mem>>)
    %scan3A = arith.constant 0 : i32
    %scan3A_66 = arith.constant 0 : i32
    %scan3A_67 = arith.constant 30 : i32
    %scan3A_68 = arith.addi %scan3A_66, %scan3A_67 : i32
    %scan3A_69 = arith.constant 1 : i32
    scf.for %scan3A_82 = %scan3A_66 to %scan3A_68 step %scan3A_69  : i32 {
      %mul3A_83 = arith.constant 2 : i32
      %mul3A_84 = arith.muli %scan3A_82, %mul3A_83 : i32
      %add3A_85 = arith.constant 0 : i32
      %add3A_86 = arith.addi %mul3A_84, %add3A_85 : i32
      %lt3A_87 = arith.cmpi slt, %add3A_86, %select_n3A : i32
      %convert_element_type3A_88 = arith.extui %lt3A_87 : i1 to i32
      %cond3A_89 = arith.constant 0 : i32
      %cond3A_90 = arith.cmpi ne, %convert_element_type3A_88, %cond3A_89 : i32
      scf.if %cond3A_90 {
        %add3A_99 = arith.constant 1 : i32
        %add3A_100 = arith.addi %add3A_86, %add3A_99 : i32
        %lt3A_101 = arith.cmpi slt, %add3A_100, %select_n3A : i32
        %convert_element_type3A_102 = arith.extui %lt3A_101 : i1 to i32
        %cond3A_103 = arith.constant 0 : i32
        %cond3A_104 = arith.cmpi ne, %convert_element_type3A_102, %cond3A_103 : i32
        scf.if %cond3A_104 {
          %dma_wait3A_117 = arith.constant 0 : i32
          %dma_wait3A_118 = tpu.memref_slice %arg3[%select_n3A_8, %dma_wait3A_117] : memref<1280x128xi32, #tpu.memory_space<hbm>> -> memref<1x128xi32, #tpu.memory_space<hbm>>
          %dma_wait3A_119 = tpu.memref_squeeze %dma_wait3A_118 : memref<1x128xi32, #tpu.memory_space<hbm>> -> memref<128xi32, #tpu.memory_space<hbm>>
          %dma_wait3A_120 = arith.constant 0 : i32
          %dma_wait3A_121 = tpu.memref_slice %arg3[%select_n3A_8, %dma_wait3A_120] : memref<1280x128xi32, #tpu.memory_space<hbm>> -> memref<1x128xi32, #tpu.memory_space<hbm>>
          %dma_wait3A_122 = tpu.memref_squeeze %dma_wait3A_121 : memref<1x128xi32, #tpu.memory_space<hbm>> -> memref<128xi32, #tpu.memory_space<hbm>>
          tpu.wait_dma2 semaphore(%arg19 : memref<!tpu.dma_semaphore, #tpu.memory_space<semaphore_mem>>) src(%dma_wait3A_122 : memref<128xi32, #tpu.memory_space<hbm>>) dst(%arg11 : memref<128xi32, #tpu.memory_space<vmem>>)
          %dma_wait3A_123 = arith.constant 0 : i32
          %dma_wait3A_124 = tpu.memref_slice %arg4[%select_n3A_8, %dma_wait3A_123] : memref<1280x128xi32, #tpu.memory_space<hbm>> -> memref<1x128xi32, #tpu.memory_space<hbm>>
          %dma_wait3A_125 = tpu.memref_squeeze %dma_wait3A_124 : memref<1x128xi32, #tpu.memory_space<hbm>> -> memref<128xi32, #tpu.memory_space<hbm>>
          %dma_wait3A_126 = arith.constant 0 : i32
          %dma_wait3A_127 = tpu.memref_slice %arg4[%select_n3A_8, %dma_wait3A_126] : memref<1280x128xi32, #tpu.memory_space<hbm>> -> memref<1x128xi32, #tpu.memory_space<hbm>>
          %dma_wait3A_128 = tpu.memref_squeeze %dma_wait3A_127 : memref<1x128xi32, #tpu.memory_space<hbm>> -> memref<128xi32, #tpu.memory_space<hbm>>
          tpu.wait_dma2 semaphore(%arg19 : memref<!tpu.dma_semaphore, #tpu.memory_space<semaphore_mem>>) src(%dma_wait3A_128 : memref<128xi32, #tpu.memory_space<hbm>>) dst(%arg13 : memref<128xi32, #tpu.memory_space<vmem>>)
          %dma_start3A_129 = arith.constant 0 : i32
          %dma_start3A_130 = arith.constant 0 : i32
          %dma_start3A_131 = tpu.memref_slice %arg2[%dma_start3A_129, %dma_start3A_130] : memref<10000x128xf32, #tpu.memory_space<hbm>> -> memref<10000x128xf32, #tpu.memory_space<hbm>>
          tpu.enqueue_indirect_dma source(%dma_start3A_131 : memref<10000x128xf32, #tpu.memory_space<hbm>>) target(%arg15 : memref<128x128xf32, #tpu.memory_space<vmem>>) offsets(%arg11 : memref<128xi32, #tpu.memory_space<vmem>>) semaphore(%arg17 : memref<!tpu.dma_semaphore, #tpu.memory_space<semaphore_mem>>)
          %dma_start3A_132 = arith.constant 0 : i32
          %dma_start3A_133 = arith.constant 0 : i32
          %dma_start3A_134 = tpu.memref_slice %arg7[%dma_start3A_132, %dma_start3A_133] : memref<10000x16xf32, #tpu.memory_space<hbm>> -> memref<10000x16xf32, #tpu.memory_space<hbm>>
          tpu.enqueue_indirect_dma source(%dma_start3A_134 : memref<10000x16xf32, #tpu.memory_space<hbm>>) target(%arg23 : memref<128x16xf32, #tpu.memory_space<vmem>>) offsets(%arg11 : memref<128xi32, #tpu.memory_space<vmem>>) semaphore(%arg17 : memref<!tpu.dma_semaphore, #tpu.memory_space<semaphore_mem>>)
        } else {
        }
        %dma_wait3A_105 = arith.constant 0 : i32
        %dma_wait3A_106 = arith.constant 0 : i32
        %dma_wait3A_107 = tpu.memref_slice %arg2[%dma_wait3A_105, %dma_wait3A_106] : memref<10000x128xf32, #tpu.memory_space<hbm>> -> memref<10000x128xf32, #tpu.memory_space<hbm>>
        tpu.wait_indirect_dma semaphore(%arg16 : memref<!tpu.dma_semaphore, #tpu.memory_space<semaphore_mem>>) src(%dma_wait3A_107 : memref<10000x128xf32, #tpu.memory_space<hbm>>) dst(%arg14 : memref<128x128xf32, #tpu.memory_space<vmem>>)
        %dma_wait3A_108 = arith.constant 0 : i32
        %dma_wait3A_109 = arith.constant 0 : i32
        %dma_wait3A_110 = tpu.memref_slice %arg7[%dma_wait3A_108, %dma_wait3A_109] : memref<10000x16xf32, #tpu.memory_space<hbm>> -> memref<10000x16xf32, #tpu.memory_space<hbm>>
        tpu.wait_indirect_dma semaphore(%arg16 : memref<!tpu.dma_semaphore, #tpu.memory_space<semaphore_mem>>) src(%dma_wait3A_110 : memref<10000x16xf32, #tpu.memory_space<hbm>>) dst(%arg22 : memref<128x16xf32, #tpu.memory_space<vmem>>)
        "tpu.region"() ({
          %run_scoped3A = tpu.sem_alloc : memref<!tpu.dma_semaphore, #tpu.memory_space<semaphore_mem>>
          %dma_start3A_117 = arith.constant 0 : i32
          %dma_start3A_118 = arith.constant 0 : i32
          %dma_start3A_119 = tpu.memref_slice %arg20[%dma_start3A_117, %dma_start3A_118] : memref<10016x128xf32, #tpu.memory_space<vmem_shared>> -> memref<10016x128xf32, #tpu.memory_space<vmem_shared>>
          tpu.enqueue_indirect_dma source(%arg14 : memref<128x128xf32, #tpu.memory_space<vmem>>) target(%dma_start3A_119 : memref<10016x128xf32, #tpu.memory_space<vmem_shared>>) offsets(%arg12 : memref<128xi32, #tpu.memory_space<vmem>>) semaphore(%run_scoped3A : memref<!tpu.dma_semaphore, #tpu.memory_space<semaphore_mem>>) {add = true}
          %dma_wait3A_120 = arith.constant 0 : i32
          %dma_wait3A_121 = arith.constant 0 : i32
          %dma_wait3A_122 = tpu.memref_slice %arg20[%dma_wait3A_120, %dma_wait3A_121] : memref<10016x128xf32, #tpu.memory_space<vmem_shared>> -> memref<10016x128xf32, #tpu.memory_space<vmem_shared>>
          tpu.wait_indirect_dma semaphore(%run_scoped3A : memref<!tpu.dma_semaphore, #tpu.memory_space<semaphore_mem>>) src(%arg14 : memref<128x128xf32, #tpu.memory_space<vmem>>) dst(%dma_wait3A_122 : memref<10016x128xf32, #tpu.memory_space<vmem_shared>>)
          tpu.yield
        }) : () -> ()
        "tpu.region"() ({
          %run_scoped3A = tpu.sem_alloc : memref<!tpu.dma_semaphore, #tpu.memory_space<semaphore_mem>>
          %dma_start3A_117 = arith.constant 0 : i32
          %dma_start3A_118 = arith.constant 0 : i32
          %dma_start3A_119 = tpu.memref_slice %arg21[%dma_start3A_117, %dma_start3A_118] : memref<10016x16xf32, #tpu.memory_space<vmem_shared>> -> memref<10016x16xf32, #tpu.memory_space<vmem_shared>>
          tpu.enqueue_indirect_dma source(%arg22 : memref<128x16xf32, #tpu.memory_space<vmem>>) target(%dma_start3A_119 : memref<10016x16xf32, #tpu.memory_space<vmem_shared>>) offsets(%arg12 : memref<128xi32, #tpu.memory_space<vmem>>) semaphore(%run_scoped3A : memref<!tpu.dma_semaphore, #tpu.memory_space<semaphore_mem>>) {add = true}
          %dma_wait3A_120 = arith.constant 0 : i32
          %dma_wait3A_121 = arith.constant 0 : i32
          %dma_wait3A_122 = tpu.memref_slice %arg21[%dma_wait3A_120, %dma_wait3A_121] : memref<10016x16xf32, #tpu.memory_space<vmem_shared>> -> memref<10016x16xf32, #tpu.memory_space<vmem_shared>>
          tpu.wait_indirect_dma semaphore(%run_scoped3A : memref<!tpu.dma_semaphore, #tpu.memory_space<semaphore_mem>>) src(%arg22 : memref<128x16xf32, #tpu.memory_space<vmem>>) dst(%dma_wait3A_122 : memref<10016x16xf32, #tpu.memory_space<vmem_shared>>)
          tpu.yield
        }) : () -> ()
        %add3A_111 = arith.constant 2 : i32
        %add3A_112 = arith.addi %add3A_86, %add3A_111 : i32
        %lt3A_113 = arith.cmpi slt, %add3A_112, %select_n3A : i32
        %convert_element_type3A_114 = arith.extui %lt3A_113 : i1 to i32
        %cond3A_115 = arith.constant 0 : i32
        %cond3A_116 = arith.cmpi ne, %convert_element_type3A_114, %cond3A_115 : i32
        scf.if %cond3A_116 {
          %add3A_117 = arith.constant 2 : i32
          %add3A_118 = arith.addi %add3A_86, %add3A_117 : i32
          %add3A_119 = arith.addi %select_n3A_8, %add3A_118 : i32
          %dma_start3A_120 = arith.constant 0 : i32
          %dma_start3A_121 = tpu.memref_slice %arg3[%add3A_119, %dma_start3A_120] : memref<1280x128xi32, #tpu.memory_space<hbm>> -> memref<1x128xi32, #tpu.memory_space<hbm>>
          %dma_start3A_122 = tpu.memref_squeeze %dma_start3A_121 : memref<1x128xi32, #tpu.memory_space<hbm>> -> memref<128xi32, #tpu.memory_space<hbm>>
          %dma_start3A_123 = arith.constant 0 : i32
          %dma_start3A_124 = tpu.memref_slice %arg3[%add3A_119, %dma_start3A_123] : memref<1280x128xi32, #tpu.memory_space<hbm>> -> memref<1x128xi32, #tpu.memory_space<hbm>>
          %dma_start3A_125 = tpu.memref_squeeze %dma_start3A_124 : memref<1x128xi32, #tpu.memory_space<hbm>> -> memref<128xi32, #tpu.memory_space<hbm>>
          tpu.enqueue_dma source(%dma_start3A_125 : memref<128xi32, #tpu.memory_space<hbm>>) target(%arg10 : memref<128xi32, #tpu.memory_space<vmem>>) target_semaphore(%arg18 : memref<!tpu.dma_semaphore, #tpu.memory_space<semaphore_mem>>)
          %add3A_126 = arith.addi %select_n3A_8, %add3A_118 : i32
          %dma_start3A_127 = arith.constant 0 : i32
          %dma_start3A_128 = tpu.memref_slice %arg4[%add3A_126, %dma_start3A_127] : memref<1280x128xi32, #tpu.memory_space<hbm>> -> memref<1x128xi32, #tpu.memory_space<hbm>>
          %dma_start3A_129 = tpu.memref_squeeze %dma_start3A_128 : memref<1x128xi32, #tpu.memory_space<hbm>> -> memref<128xi32, #tpu.memory_space<hbm>>
          %dma_start3A_130 = arith.constant 0 : i32
          %dma_start3A_131 = tpu.memref_slice %arg4[%add3A_126, %dma_start3A_130] : memref<1280x128xi32, #tpu.memory_space<hbm>> -> memref<1x128xi32, #tpu.memory_space<hbm>>
          %dma_start3A_132 = tpu.memref_squeeze %dma_start3A_131 : memref<1x128xi32, #tpu.memory_space<hbm>> -> memref<128xi32, #tpu.memory_space<hbm>>
          tpu.enqueue_dma source(%dma_start3A_132 : memref<128xi32, #tpu.memory_space<hbm>>) target(%arg12 : memref<128xi32, #tpu.memory_space<vmem>>) target_semaphore(%arg18 : memref<!tpu.dma_semaphore, #tpu.memory_space<semaphore_mem>>)
        } else {
        }
      } else {
      }
      %mul3A_91 = arith.constant 2 : i32
      %mul3A_92 = arith.muli %scan3A_82, %mul3A_91 : i32
      %add3A_93 = arith.constant 1 : i32
      %add3A_94 = arith.addi %mul3A_92, %add3A_93 : i32
      %lt3A_95 = arith.cmpi slt, %add3A_94, %select_n3A : i32
      %convert_element_type3A_96 = arith.extui %lt3A_95 : i1 to i32
      %cond3A_97 = arith.constant 0 : i32
      %cond3A_98 = arith.cmpi ne, %convert_element_type3A_96, %cond3A_97 : i32
      scf.if %cond3A_98 {
        %add3A_99 = arith.constant 1 : i32
        %add3A_100 = arith.addi %add3A_94, %add3A_99 : i32
        %lt3A_101 = arith.cmpi slt, %add3A_100, %select_n3A : i32
        %convert_element_type3A_102 = arith.extui %lt3A_101 : i1 to i32
        %cond3A_103 = arith.constant 0 : i32
        %cond3A_104 = arith.cmpi ne, %convert_element_type3A_102, %cond3A_103 : i32
        scf.if %cond3A_104 {
          %dma_wait3A_117 = arith.constant 0 : i32
          %dma_wait3A_118 = tpu.memref_slice %arg3[%select_n3A_8, %dma_wait3A_117] : memref<1280x128xi32, #tpu.memory_space<hbm>> -> memref<1x128xi32, #tpu.memory_space<hbm>>
          %dma_wait3A_119 = tpu.memref_squeeze %dma_wait3A_118 : memref<1x128xi32, #tpu.memory_space<hbm>> -> memref<128xi32, #tpu.memory_space<hbm>>
          %dma_wait3A_120 = arith.constant 0 : i32
          %dma_wait3A_121 = tpu.memref_slice %arg3[%select_n3A_8, %dma_wait3A_120] : memref<1280x128xi32, #tpu.memory_space<hbm>> -> memref<1x128xi32, #tpu.memory_space<hbm>>
          %dma_wait3A_122 = tpu.memref_squeeze %dma_wait3A_121 : memref<1x128xi32, #tpu.memory_space<hbm>> -> memref<128xi32, #tpu.memory_space<hbm>>
          tpu.wait_dma2 semaphore(%arg18 : memref<!tpu.dma_semaphore, #tpu.memory_space<semaphore_mem>>) src(%dma_wait3A_122 : memref<128xi32, #tpu.memory_space<hbm>>) dst(%arg10 : memref<128xi32, #tpu.memory_space<vmem>>)
          %dma_wait3A_123 = arith.constant 0 : i32
          %dma_wait3A_124 = tpu.memref_slice %arg4[%select_n3A_8, %dma_wait3A_123] : memref<1280x128xi32, #tpu.memory_space<hbm>> -> memref<1x128xi32, #tpu.memory_space<hbm>>
          %dma_wait3A_125 = tpu.memref_squeeze %dma_wait3A_124 : memref<1x128xi32, #tpu.memory_space<hbm>> -> memref<128xi32, #tpu.memory_space<hbm>>
          %dma_wait3A_126 = arith.constant 0 : i32
          %dma_wait3A_127 = tpu.memref_slice %arg4[%select_n3A_8, %dma_wait3A_126] : memref<1280x128xi32, #tpu.memory_space<hbm>> -> memref<1x128xi32, #tpu.memory_space<hbm>>
          %dma_wait3A_128 = tpu.memref_squeeze %dma_wait3A_127 : memref<1x128xi32, #tpu.memory_space<hbm>> -> memref<128xi32, #tpu.memory_space<hbm>>
          tpu.wait_dma2 semaphore(%arg18 : memref<!tpu.dma_semaphore, #tpu.memory_space<semaphore_mem>>) src(%dma_wait3A_128 : memref<128xi32, #tpu.memory_space<hbm>>) dst(%arg12 : memref<128xi32, #tpu.memory_space<vmem>>)
          %dma_start3A_129 = arith.constant 0 : i32
          %dma_start3A_130 = arith.constant 0 : i32
          %dma_start3A_131 = tpu.memref_slice %arg2[%dma_start3A_129, %dma_start3A_130] : memref<10000x128xf32, #tpu.memory_space<hbm>> -> memref<10000x128xf32, #tpu.memory_space<hbm>>
          tpu.enqueue_indirect_dma source(%dma_start3A_131 : memref<10000x128xf32, #tpu.memory_space<hbm>>) target(%arg14 : memref<128x128xf32, #tpu.memory_space<vmem>>) offsets(%arg10 : memref<128xi32, #tpu.memory_space<vmem>>) semaphore(%arg16 : memref<!tpu.dma_semaphore, #tpu.memory_space<semaphore_mem>>)
          %dma_start3A_132 = arith.constant 0 : i32
          %dma_start3A_133 = arith.constant 0 : i32
          %dma_start3A_134 = tpu.memref_slice %arg7[%dma_start3A_132, %dma_start3A_133] : memref<10000x16xf32, #tpu.memory_space<hbm>> -> memref<10000x16xf32, #tpu.memory_space<hbm>>
          tpu.enqueue_indirect_dma source(%dma_start3A_134 : memref<10000x16xf32, #tpu.memory_space<hbm>>) target(%arg22 : memref<128x16xf32, #tpu.memory_space<vmem>>) offsets(%arg10 : memref<128xi32, #tpu.memory_space<vmem>>) semaphore(%arg16 : memref<!tpu.dma_semaphore, #tpu.memory_space<semaphore_mem>>)
        } else {
        }
        %dma_wait3A_105 = arith.constant 0 : i32
        %dma_wait3A_106 = arith.constant 0 : i32
        %dma_wait3A_107 = tpu.memref_slice %arg2[%dma_wait3A_105, %dma_wait3A_106] : memref<10000x128xf32, #tpu.memory_space<hbm>> -> memref<10000x128xf32, #tpu.memory_space<hbm>>
        tpu.wait_indirect_dma semaphore(%arg17 : memref<!tpu.dma_semaphore, #tpu.memory_space<semaphore_mem>>) src(%dma_wait3A_107 : memref<10000x128xf32, #tpu.memory_space<hbm>>) dst(%arg15 : memref<128x128xf32, #tpu.memory_space<vmem>>)
        %dma_wait3A_108 = arith.constant 0 : i32
        %dma_wait3A_109 = arith.constant 0 : i32
        %dma_wait3A_110 = tpu.memref_slice %arg7[%dma_wait3A_108, %dma_wait3A_109] : memref<10000x16xf32, #tpu.memory_space<hbm>> -> memref<10000x16xf32, #tpu.memory_space<hbm>>
        tpu.wait_indirect_dma semaphore(%arg17 : memref<!tpu.dma_semaphore, #tpu.memory_space<semaphore_mem>>) src(%dma_wait3A_110 : memref<10000x16xf32, #tpu.memory_space<hbm>>) dst(%arg23 : memref<128x16xf32, #tpu.memory_space<vmem>>)
        "tpu.region"() ({
          %run_scoped3A = tpu.sem_alloc : memref<!tpu.dma_semaphore, #tpu.memory_space<semaphore_mem>>
          %dma_start3A_117 = arith.constant 0 : i32
          %dma_start3A_118 = arith.constant 0 : i32
          %dma_start3A_119 = tpu.memref_slice %arg20[%dma_start3A_117, %dma_start3A_118] : memref<10016x128xf32, #tpu.memory_space<vmem_shared>> -> memref<10016x128xf32, #tpu.memory_space<vmem_shared>>
          tpu.enqueue_indirect_dma source(%arg15 : memref<128x128xf32, #tpu.memory_space<vmem>>) target(%dma_start3A_119 : memref<10016x128xf32, #tpu.memory_space<vmem_shared>>) offsets(%arg13 : memref<128xi32, #tpu.memory_space<vmem>>) semaphore(%run_scoped3A : memref<!tpu.dma_semaphore, #tpu.memory_space<semaphore_mem>>) {add = true}
          %dma_wait3A_120 = arith.constant 0 : i32
          %dma_wait3A_121 = arith.constant 0 : i32
          %dma_wait3A_122 = tpu.memref_slice %arg20[%dma_wait3A_120, %dma_wait3A_121] : memref<10016x128xf32, #tpu.memory_space<vmem_shared>> -> memref<10016x128xf32, #tpu.memory_space<vmem_shared>>
          tpu.wait_indirect_dma semaphore(%run_scoped3A : memref<!tpu.dma_semaphore, #tpu.memory_space<semaphore_mem>>) src(%arg15 : memref<128x128xf32, #tpu.memory_space<vmem>>) dst(%dma_wait3A_122 : memref<10016x128xf32, #tpu.memory_space<vmem_shared>>)
          tpu.yield
        }) : () -> ()
        "tpu.region"() ({
          %run_scoped3A = tpu.sem_alloc : memref<!tpu.dma_semaphore, #tpu.memory_space<semaphore_mem>>
          %dma_start3A_117 = arith.constant 0 : i32
          %dma_start3A_118 = arith.constant 0 : i32
          %dma_start3A_119 = tpu.memref_slice %arg21[%dma_start3A_117, %dma_start3A_118] : memref<10016x16xf32, #tpu.memory_space<vmem_shared>> -> memref<10016x16xf32, #tpu.memory_space<vmem_shared>>
          tpu.enqueue_indirect_dma source(%arg23 : memref<128x16xf32, #tpu.memory_space<vmem>>) target(%dma_start3A_119 : memref<10016x16xf32, #tpu.memory_space<vmem_shared>>) offsets(%arg13 : memref<128xi32, #tpu.memory_space<vmem>>) semaphore(%run_scoped3A : memref<!tpu.dma_semaphore, #tpu.memory_space<semaphore_mem>>) {add = true}
          %dma_wait3A_120 = arith.constant 0 : i32
          %dma_wait3A_121 = arith.constant 0 : i32
          %dma_wait3A_122 = tpu.memref_slice %arg21[%dma_wait3A_120, %dma_wait3A_121] : memref<10016x16xf32, #tpu.memory_space<vmem_shared>> -> memref<10016x16xf32, #tpu.memory_space<vmem_shared>>
          tpu.wait_indirect_dma semaphore(%run_scoped3A : memref<!tpu.dma_semaphore, #tpu.memory_space<semaphore_mem>>) src(%arg23 : memref<128x16xf32, #tpu.memory_space<vmem>>) dst(%dma_wait3A_122 : memref<10016x16xf32, #tpu.memory_space<vmem_shared>>)
          tpu.yield
        }) : () -> ()
        %add3A_111 = arith.constant 2 : i32
        %add3A_112 = arith.addi %add3A_94, %add3A_111 : i32
        %lt3A_113 = arith.cmpi slt, %add3A_112, %select_n3A : i32
        %convert_element_type3A_114 = arith.extui %lt3A_113 : i1 to i32
        %cond3A_115 = arith.constant 0 : i32
        %cond3A_116 = arith.cmpi ne, %convert_element_type3A_114, %cond3A_115 : i32
        scf.if %cond3A_116 {
          %add3A_117 = arith.constant 2 : i32
          %add3A_118 = arith.addi %add3A_94, %add3A_117 : i32
          %add3A_119 = arith.addi %select_n3A_8, %add3A_118 : i32
          %dma_start3A_120 = arith.constant 0 : i32
          %dma_start3A_121 = tpu.memref_slice %arg3[%add3A_119, %dma_start3A_120] : memref<1280x128xi32, #tpu.memory_space<hbm>> -> memref<1x128xi32, #tpu.memory_space<hbm>>
          %dma_start3A_122 = tpu.memref_squeeze %dma_start3A_121 : memref<1x128xi32, #tpu.memory_space<hbm>> -> memref<128xi32, #tpu.memory_space<hbm>>
          %dma_start3A_123 = arith.constant 0 : i32
          %dma_start3A_124 = tpu.memref_slice %arg3[%add3A_119, %dma_start3A_123] : memref<1280x128xi32, #tpu.memory_space<hbm>> -> memref<1x128xi32, #tpu.memory_space<hbm>>
          %dma_start3A_125 = tpu.memref_squeeze %dma_start3A_124 : memref<1x128xi32, #tpu.memory_space<hbm>> -> memref<128xi32, #tpu.memory_space<hbm>>
          tpu.enqueue_dma source(%dma_start3A_125 : memref<128xi32, #tpu.memory_space<hbm>>) target(%arg11 : memref<128xi32, #tpu.memory_space<vmem>>) target_semaphore(%arg19 : memref<!tpu.dma_semaphore, #tpu.memory_space<semaphore_mem>>)
          %add3A_126 = arith.addi %select_n3A_8, %add3A_118 : i32
          %dma_start3A_127 = arith.constant 0 : i32
          %dma_start3A_128 = tpu.memref_slice %arg4[%add3A_126, %dma_start3A_127] : memref<1280x128xi32, #tpu.memory_space<hbm>> -> memref<1x128xi32, #tpu.memory_space<hbm>>
          %dma_start3A_129 = tpu.memref_squeeze %dma_start3A_128 : memref<1x128xi32, #tpu.memory_space<hbm>> -> memref<128xi32, #tpu.memory_space<hbm>>
          %dma_start3A_130 = arith.constant 0 : i32
          %dma_start3A_131 = tpu.memref_slice %arg4[%add3A_126, %dma_start3A_130] : memref<1280x128xi32, #tpu.memory_space<hbm>> -> memref<1x128xi32, #tpu.memory_space<hbm>>
          %dma_start3A_132 = tpu.memref_squeeze %dma_start3A_131 : memref<1x128xi32, #tpu.memory_space<hbm>> -> memref<128xi32, #tpu.memory_space<hbm>>
          tpu.enqueue_dma source(%dma_start3A_132 : memref<128xi32, #tpu.memory_space<hbm>>) target(%arg13 : memref<128xi32, #tpu.memory_space<vmem>>) target_semaphore(%arg19 : memref<!tpu.dma_semaphore, #tpu.memory_space<semaphore_mem>>)
        } else {
        }
      } else {
      }
    }
    %scan3A_70 = arith.constant 30 : i32
    %barrier3A_71 = arith.constant 0 : index
    tpu.barrier barrier_id(%barrier3A_71)
    %lt3A_72 = arith.constant 15 : i32
    %lt3A_73 = arith.cmpi slt, %arg1, %lt3A_72 : i32
    %convert_element_type3A_74 = arith.extui %lt3A_73 : i1 to i32
    %cond3A_75 = arith.constant 0 : i32
    %cond3A_76 = arith.cmpi ne, %convert_element_type3A_74, %cond3A_75 : i32
    scf.if %cond3A_76 {
      "tpu.region"() ({
        %run_scoped3A = tpu.sem_alloc : memref<!tpu.dma_semaphore, #tpu.memory_space<semaphore_mem>>
        %dma_start3A_82 = arith.constant 0 : i32
        %dma_start3A_83 = tpu.memref_slice %arg8[%arg0, %mul3A_10, %dma_start3A_82] : memref<2x10000x128xf32, #tpu.memory_space<hbm>> -> memref<1x632x128xf32, #tpu.memory_space<hbm>>
        %dma_start3A_84 = tpu.memref_squeeze %dma_start3A_83 : memref<1x632x128xf32, #tpu.memory_space<hbm>> -> memref<632x128xf32, #tpu.memory_space<hbm>>
        %dma_start3A_85 = arith.constant 0 : i32
        %dma_start3A_86 = tpu.memref_slice %arg20[%mul3A_10, %dma_start3A_85] : memref<10016x128xf32, #tpu.memory_space<vmem_shared>> -> memref<632x128xf32, #tpu.memory_space<vmem_shared>>
        tpu.enqueue_dma source(%dma_start3A_86 : memref<632x128xf32, #tpu.memory_space<vmem_shared>>) target(%dma_start3A_84 : memref<632x128xf32, #tpu.memory_space<hbm>>) target_semaphore(%run_scoped3A : memref<!tpu.dma_semaphore, #tpu.memory_space<semaphore_mem>>)
        %dma_wait3A_87 = arith.constant 0 : i32
        %dma_wait3A_88 = tpu.memref_slice %arg8[%arg0, %mul3A_10, %dma_wait3A_87] : memref<2x10000x128xf32, #tpu.memory_space<hbm>> -> memref<1x632x128xf32, #tpu.memory_space<hbm>>
        %dma_wait3A_89 = tpu.memref_squeeze %dma_wait3A_88 : memref<1x632x128xf32, #tpu.memory_space<hbm>> -> memref<632x128xf32, #tpu.memory_space<hbm>>
        %dma_wait3A_90 = arith.constant 0 : i32
        %dma_wait3A_91 = tpu.memref_slice %arg20[%mul3A_10, %dma_wait3A_90] : memref<10016x128xf32, #tpu.memory_space<vmem_shared>> -> memref<632x128xf32, #tpu.memory_space<vmem_shared>>
        tpu.wait_dma2 semaphore(%run_scoped3A : memref<!tpu.dma_semaphore, #tpu.memory_space<semaphore_mem>>) src(%dma_wait3A_91 : memref<632x128xf32, #tpu.memory_space<vmem_shared>>) dst(%dma_wait3A_89 : memref<632x128xf32, #tpu.memory_space<hbm>>)
        tpu.yield
      }) : () -> ()
      "tpu.region"() ({
        %run_scoped3A = tpu.sem_alloc : memref<!tpu.dma_semaphore, #tpu.memory_space<semaphore_mem>>
        %dma_start3A_82 = arith.constant 0 : i32
        %dma_start3A_83 = tpu.memref_slice %arg9[%arg0, %mul3A_10, %dma_start3A_82] : memref<2x10000x16xf32, #tpu.memory_space<hbm>> -> memref<1x632x16xf32, #tpu.memory_space<hbm>>
        %dma_start3A_84 = tpu.memref_squeeze %dma_start3A_83 : memref<1x632x16xf32, #tpu.memory_space<hbm>> -> memref<632x16xf32, #tpu.memory_space<hbm>>
        %dma_start3A_85 = arith.constant 0 : i32
        %dma_start3A_86 = tpu.memref_slice %arg21[%mul3A_10, %dma_start3A_85] : memref<10016x16xf32, #tpu.memory_space<vmem_shared>> -> memref<632x16xf32, #tpu.memory_space<vmem_shared>>
        tpu.enqueue_dma source(%dma_start3A_86 : memref<632x16xf32, #tpu.memory_space<vmem_shared>>) target(%dma_start3A_84 : memref<632x16xf32, #tpu.memory_space<hbm>>) target_semaphore(%run_scoped3A : memref<!tpu.dma_semaphore, #tpu.memory_space<semaphore_mem>>)
        %dma_wait3A_87 = arith.constant 0 : i32
        %dma_wait3A_88 = tpu.memref_slice %arg9[%arg0, %mul3A_10, %dma_wait3A_87] : memref<2x10000x16xf32, #tpu.memory_space<hbm>> -> memref<1x632x16xf32, #tpu.memory_space<hbm>>
        %dma_wait3A_89 = tpu.memref_squeeze %dma_wait3A_88 : memref<1x632x16xf32, #tpu.memory_space<hbm>> -> memref<632x16xf32, #tpu.memory_space<hbm>>
        %dma_wait3A_90 = arith.constant 0 : i32
        %dma_wait3A_91 = tpu.memref_slice %arg21[%mul3A_10, %dma_wait3A_90] : memref<10016x16xf32, #tpu.memory_space<vmem_shared>> -> memref<632x16xf32, #tpu.memory_space<vmem_shared>>
        tpu.wait_dma2 semaphore(%run_scoped3A : memref<!tpu.dma_semaphore, #tpu.memory_space<semaphore_mem>>) src(%dma_wait3A_91 : memref<632x16xf32, #tpu.memory_space<vmem_shared>>) dst(%dma_wait3A_89 : memref<632x16xf32, #tpu.memory_space<hbm>>)
        tpu.yield
      }) : () -> ()
    } else {
    }
    %eq3A_77 = arith.constant 15 : i32
    %eq3A_78 = arith.cmpi eq, %arg1, %eq3A_77 : i32
    %convert_element_type3A_79 = arith.extui %eq3A_78 : i1 to i32
    %cond3A_80 = arith.constant 0 : i32
    %cond3A_81 = arith.cmpi ne, %convert_element_type3A_79, %cond3A_80 : i32
    scf.if %cond3A_81 {
      "tpu.region"() ({
        %run_scoped3A = tpu.sem_alloc : memref<!tpu.dma_semaphore, #tpu.memory_space<semaphore_mem>>
        %dma_start3A_82 = arith.constant 9480 : i32
        %dma_start3A_83 = arith.constant 0 : i32
        %dma_start3A_84 = tpu.memref_slice %arg8[%arg0, %dma_start3A_82, %dma_start3A_83] : memref<2x10000x128xf32, #tpu.memory_space<hbm>> -> memref<1x520x128xf32, #tpu.memory_space<hbm>>
        %dma_start3A_85 = tpu.memref_squeeze %dma_start3A_84 : memref<1x520x128xf32, #tpu.memory_space<hbm>> -> memref<520x128xf32, #tpu.memory_space<hbm>>
        %dma_start3A_86 = arith.constant 9480 : i32
        %dma_start3A_87 = arith.constant 0 : i32
        %dma_start3A_88 = tpu.memref_slice %arg20[%dma_start3A_86, %dma_start3A_87] : memref<10016x128xf32, #tpu.memory_space<vmem_shared>> -> memref<520x128xf32, #tpu.memory_space<vmem_shared>>
        tpu.enqueue_dma source(%dma_start3A_88 : memref<520x128xf32, #tpu.memory_space<vmem_shared>>) target(%dma_start3A_85 : memref<520x128xf32, #tpu.memory_space<hbm>>) target_semaphore(%run_scoped3A : memref<!tpu.dma_semaphore, #tpu.memory_space<semaphore_mem>>)
        %dma_wait3A_89 = arith.constant 9480 : i32
        %dma_wait3A_90 = arith.constant 0 : i32
        %dma_wait3A_91 = tpu.memref_slice %arg8[%arg0, %dma_wait3A_89, %dma_wait3A_90] : memref<2x10000x128xf32, #tpu.memory_space<hbm>> -> memref<1x520x128xf32, #tpu.memory_space<hbm>>
        %dma_wait3A_92 = tpu.memref_squeeze %dma_wait3A_91 : memref<1x520x128xf32, #tpu.memory_space<hbm>> -> memref<520x128xf32, #tpu.memory_space<hbm>>
        %dma_wait3A_93 = arith.constant 9480 : i32
        %dma_wait3A_94 = arith.constant 0 : i32
        %dma_wait3A_95 = tpu.memref_slice %arg20[%dma_wait3A_93, %dma_wait3A_94] : memref<10016x128xf32, #tpu.memory_space<vmem_shared>> -> memref<520x128xf32, #tpu.memory_space<vmem_shared>>
        tpu.wait_dma2 semaphore(%run_scoped3A : memref<!tpu.dma_semaphore, #tpu.memory_space<semaphore_mem>>) src(%dma_wait3A_95 : memref<520x128xf32, #tpu.memory_space<vmem_shared>>) dst(%dma_wait3A_92 : memref<520x128xf32, #tpu.memory_space<hbm>>)
        tpu.yield
      }) : () -> ()
      "tpu.region"() ({
        %run_scoped3A = tpu.sem_alloc : memref<!tpu.dma_semaphore, #tpu.memory_space<semaphore_mem>>
        %dma_start3A_82 = arith.constant 9480 : i32
        %dma_start3A_83 = arith.constant 0 : i32
        %dma_start3A_84 = tpu.memref_slice %arg9[%arg0, %dma_start3A_82, %dma_start3A_83] : memref<2x10000x16xf32, #tpu.memory_space<hbm>> -> memref<1x520x16xf32, #tpu.memory_space<hbm>>
        %dma_start3A_85 = tpu.memref_squeeze %dma_start3A_84 : memref<1x520x16xf32, #tpu.memory_space<hbm>> -> memref<520x16xf32, #tpu.memory_space<hbm>>
        %dma_start3A_86 = arith.constant 9480 : i32
        %dma_start3A_87 = arith.constant 0 : i32
        %dma_start3A_88 = tpu.memref_slice %arg21[%dma_start3A_86, %dma_start3A_87] : memref<10016x16xf32, #tpu.memory_space<vmem_shared>> -> memref<520x16xf32, #tpu.memory_space<vmem_shared>>
        tpu.enqueue_dma source(%dma_start3A_88 : memref<520x16xf32, #tpu.memory_space<vmem_shared>>) target(%dma_start3A_85 : memref<520x16xf32, #tpu.memory_space<hbm>>) target_semaphore(%run_scoped3A : memref<!tpu.dma_semaphore, #tpu.memory_space<semaphore_mem>>)
        %dma_wait3A_89 = arith.constant 9480 : i32
        %dma_wait3A_90 = arith.constant 0 : i32
        %dma_wait3A_91 = tpu.memref_slice %arg9[%arg0, %dma_wait3A_89, %dma_wait3A_90] : memref<2x10000x16xf32, #tpu.memory_space<hbm>> -> memref<1x520x16xf32, #tpu.memory_space<hbm>>
        %dma_wait3A_92 = tpu.memref_squeeze %dma_wait3A_91 : memref<1x520x16xf32, #tpu.memory_space<hbm>> -> memref<520x16xf32, #tpu.memory_space<hbm>>
        %dma_wait3A_93 = arith.constant 9480 : i32
        %dma_wait3A_94 = arith.constant 0 : i32
        %dma_wait3A_95 = tpu.memref_slice %arg21[%dma_wait3A_93, %dma_wait3A_94] : memref<10016x16xf32, #tpu.memory_space<vmem_shared>> -> memref<520x16xf32, #tpu.memory_space<vmem_shared>>
        tpu.wait_dma2 semaphore(%run_scoped3A : memref<!tpu.dma_semaphore, #tpu.memory_space<semaphore_mem>>) src(%dma_wait3A_95 : memref<520x16xf32, #tpu.memory_space<vmem_shared>>) dst(%dma_wait3A_92 : memref<520x16xf32, #tpu.memory_space<hbm>>)
        tpu.yield
      }) : () -> ()
    } else {
    }
    return
  }
}

#map = affine_map<(d0, d1) -> (0, 0)>
#map1 = affine_map<(d0, d1) -> (0, 0, 0)>
module attributes {stable_mosaic.version = 14 : i64} {
  func.func @body(%arg0: i32, %arg1: i32, %arg2: memref<10000x128xf32, #tpu.memory_space<hbm>>, %arg3: memref<1280x128xi32, #tpu.memory_space<hbm>>, %arg4: memref<1280x128xi32, #tpu.memory_space<hbm>>, %arg5: memref<632x128xf32, #tpu.memory_space<hbm>>, %arg6: memref<632x16xf32, #tpu.memory_space<hbm>>, %arg7: memref<128x16xf32, #tpu.memory_space<hbm>>, %arg8: memref<2x10000x128xf32, #tpu.memory_space<hbm>>, %arg9: memref<2x10000x16xf32, #tpu.memory_space<hbm>>, %arg10: memref<128xi32, #tpu.memory_space<vmem>>, %arg11: memref<128xi32, #tpu.memory_space<vmem>>, %arg12: memref<128xi32, #tpu.memory_space<vmem>>, %arg13: memref<128xi32, #tpu.memory_space<vmem>>, %arg14: memref<128x128xf32, #tpu.memory_space<vmem>>, %arg15: memref<128x128xf32, #tpu.memory_space<vmem>>, %arg16: memref<!tpu.dma_semaphore, #tpu.memory_space<semaphore_mem>>, %arg17: memref<!tpu.dma_semaphore, #tpu.memory_space<semaphore_mem>>, %arg18: memref<!tpu.dma_semaphore, #tpu.memory_space<semaphore_mem>>, %arg19: memref<!tpu.dma_semaphore, #tpu.memory_space<semaphore_mem>>, %arg20: memref<10016x128xf32, #tpu.memory_space<vmem_shared>>, %arg21: memref<10016x16xf32, #tpu.memory_space<vmem_shared>>, %arg22: memref<128x16xf32, #tpu.memory_space<vmem>>) attributes {dimension_semantics = [#tpu.dimension_semantics<core_parallel>, #tpu.dimension_semantics<subcore_parallel>], iteration_bounds = array<i64: 2, 16>, scalar_prefetch = 0 : i64, scratch_operands = 13 : i64, tpu.core_type = #tpu.core_type<sc_vector_subcore>, window_params = [{transform_indices = #map}, {transform_indices = #map}, {transform_indices = #map}, {transform_indices = #map}, {transform_indices = #map}, {transform_indices = #map}, {transform_indices = #map1}, {transform_indices = #map1}]} {
    %eq3A = arith.constant 0 : i32
    %eq3A_0 = arith.cmpi eq, %arg0, %eq3A : i32
    %jit3A = arith.constant 59 : i32
    %jit3A_1 = arith.constant 21 : i32
    %select_n3A = arith.select %eq3A_0, %jit3A, %jit3A_1 : i32
    %eq3A_2 = arith.constant 0 : i32
    %eq3A_3 = arith.cmpi eq, %arg0, %eq3A_2 : i32
    %mul3A = arith.constant 59 : i32
    %mul3A_4 = arith.muli %arg1, %mul3A : i32
    %mul3A_5 = arith.constant 21 : i32
    %mul3A_6 = arith.muli %arg1, %mul3A_5 : i32
    %add3A = arith.constant 944 : i32
    %add3A_7 = arith.addi %add3A, %mul3A_6 : i32
    %select_n3A_8 = arith.select %eq3A_3, %mul3A_4, %add3A_7 : i32
    %mul3A_9 = arith.constant 632 : i32
    %mul3A_10 = arith.muli %arg1, %mul3A_9 : i32
    %lt3A = arith.constant 15 : i32
    %lt3A_11 = arith.cmpi slt, %arg1, %lt3A : i32
    %convert_element_type3A = arith.extui %lt3A_11 : i1 to i32
    %cond3A = arith.constant 0 : i32
    %cond3A_12 = arith.cmpi ne, %convert_element_type3A, %cond3A : i32
    scf.if %cond3A_12 {
      "tpu.region"() ({
        %run_scoped3A = tpu.sem_alloc : memref<!tpu.dma_semaphore, #tpu.memory_space<semaphore_mem>>
        %dma_start3A_79 = arith.constant 0 : i32
        %dma_start3A_80 = tpu.memref_slice %arg20[%mul3A_10, %dma_start3A_79] : memref<10016x128xf32, #tpu.memory_space<vmem_shared>> -> memref<632x128xf32, #tpu.memory_space<vmem_shared>>
        %dma_start3A_81 = arith.constant 0 : i32
        %dma_start3A_82 = arith.constant 0 : i32
        %dma_start3A_83 = tpu.memref_slice %arg5[%dma_start3A_81, %dma_start3A_82] : memref<632x128xf32, #tpu.memory_space<hbm>> -> memref<632x128xf32, #tpu.memory_space<hbm>>
        tpu.enqueue_dma source(%dma_start3A_83 : memref<632x128xf32, #tpu.memory_space<hbm>>) target(%dma_start3A_80 : memref<632x128xf32, #tpu.memory_space<vmem_shared>>) target_semaphore(%run_scoped3A : memref<!tpu.dma_semaphore, #tpu.memory_space<semaphore_mem>>)
        %dma_wait3A_84 = arith.constant 0 : i32
        %dma_wait3A_85 = tpu.memref_slice %arg20[%mul3A_10, %dma_wait3A_84] : memref<10016x128xf32, #tpu.memory_space<vmem_shared>> -> memref<632x128xf32, #tpu.memory_space<vmem_shared>>
        %dma_wait3A_86 = arith.constant 0 : i32
        %dma_wait3A_87 = arith.constant 0 : i32
        %dma_wait3A_88 = tpu.memref_slice %arg5[%dma_wait3A_86, %dma_wait3A_87] : memref<632x128xf32, #tpu.memory_space<hbm>> -> memref<632x128xf32, #tpu.memory_space<hbm>>
        tpu.wait_dma2 semaphore(%run_scoped3A : memref<!tpu.dma_semaphore, #tpu.memory_space<semaphore_mem>>) src(%dma_wait3A_88 : memref<632x128xf32, #tpu.memory_space<hbm>>) dst(%dma_wait3A_85 : memref<632x128xf32, #tpu.memory_space<vmem_shared>>)
        tpu.yield
      }) : () -> ()
      "tpu.region"() ({
        %run_scoped3A = tpu.sem_alloc : memref<!tpu.dma_semaphore, #tpu.memory_space<semaphore_mem>>
        %dma_start3A_79 = arith.constant 0 : i32
        %dma_start3A_80 = tpu.memref_slice %arg21[%mul3A_10, %dma_start3A_79] : memref<10016x16xf32, #tpu.memory_space<vmem_shared>> -> memref<632x16xf32, #tpu.memory_space<vmem_shared>>
        %dma_start3A_81 = arith.constant 0 : i32
        %dma_start3A_82 = arith.constant 0 : i32
        %dma_start3A_83 = tpu.memref_slice %arg6[%dma_start3A_81, %dma_start3A_82] : memref<632x16xf32, #tpu.memory_space<hbm>> -> memref<632x16xf32, #tpu.memory_space<hbm>>
        tpu.enqueue_dma source(%dma_start3A_83 : memref<632x16xf32, #tpu.memory_space<hbm>>) target(%dma_start3A_80 : memref<632x16xf32, #tpu.memory_space<vmem_shared>>) target_semaphore(%run_scoped3A : memref<!tpu.dma_semaphore, #tpu.memory_space<semaphore_mem>>)
        %dma_wait3A_84 = arith.constant 0 : i32
        %dma_wait3A_85 = tpu.memref_slice %arg21[%mul3A_10, %dma_wait3A_84] : memref<10016x16xf32, #tpu.memory_space<vmem_shared>> -> memref<632x16xf32, #tpu.memory_space<vmem_shared>>
        %dma_wait3A_86 = arith.constant 0 : i32
        %dma_wait3A_87 = arith.constant 0 : i32
        %dma_wait3A_88 = tpu.memref_slice %arg6[%dma_wait3A_86, %dma_wait3A_87] : memref<632x16xf32, #tpu.memory_space<hbm>> -> memref<632x16xf32, #tpu.memory_space<hbm>>
        tpu.wait_dma2 semaphore(%run_scoped3A : memref<!tpu.dma_semaphore, #tpu.memory_space<semaphore_mem>>) src(%dma_wait3A_88 : memref<632x16xf32, #tpu.memory_space<hbm>>) dst(%dma_wait3A_85 : memref<632x16xf32, #tpu.memory_space<vmem_shared>>)
        tpu.yield
      }) : () -> ()
    } else {
    }
    %eq3A_13 = arith.constant 15 : i32
    %eq3A_14 = arith.cmpi eq, %arg1, %eq3A_13 : i32
    %convert_element_type3A_15 = arith.extui %eq3A_14 : i1 to i32
    %cond3A_16 = arith.constant 0 : i32
    %cond3A_17 = arith.cmpi ne, %convert_element_type3A_15, %cond3A_16 : i32
    scf.if %cond3A_17 {
      "tpu.region"() ({
        %run_scoped3A = tpu.sem_alloc : memref<!tpu.dma_semaphore, #tpu.memory_space<semaphore_mem>>
        %dma_start3A_79 = arith.constant 9480 : i32
        %dma_start3A_80 = arith.constant 0 : i32
        %dma_start3A_81 = tpu.memref_slice %arg20[%dma_start3A_79, %dma_start3A_80] : memref<10016x128xf32, #tpu.memory_space<vmem_shared>> -> memref<536x128xf32, #tpu.memory_space<vmem_shared>>
        %dma_start3A_82 = arith.constant 0 : i32
        %dma_start3A_83 = arith.constant 0 : i32
        %dma_start3A_84 = tpu.memref_slice %arg5[%dma_start3A_82, %dma_start3A_83] : memref<632x128xf32, #tpu.memory_space<hbm>> -> memref<536x128xf32, #tpu.memory_space<hbm>>
        tpu.enqueue_dma source(%dma_start3A_84 : memref<536x128xf32, #tpu.memory_space<hbm>>) target(%dma_start3A_81 : memref<536x128xf32, #tpu.memory_space<vmem_shared>>) target_semaphore(%run_scoped3A : memref<!tpu.dma_semaphore, #tpu.memory_space<semaphore_mem>>)
        %dma_wait3A_85 = arith.constant 9480 : i32
        %dma_wait3A_86 = arith.constant 0 : i32
        %dma_wait3A_87 = tpu.memref_slice %arg20[%dma_wait3A_85, %dma_wait3A_86] : memref<10016x128xf32, #tpu.memory_space<vmem_shared>> -> memref<536x128xf32, #tpu.memory_space<vmem_shared>>
        %dma_wait3A_88 = arith.constant 0 : i32
        %dma_wait3A_89 = arith.constant 0 : i32
        %dma_wait3A_90 = tpu.memref_slice %arg5[%dma_wait3A_88, %dma_wait3A_89] : memref<632x128xf32, #tpu.memory_space<hbm>> -> memref<536x128xf32, #tpu.memory_space<hbm>>
        tpu.wait_dma2 semaphore(%run_scoped3A : memref<!tpu.dma_semaphore, #tpu.memory_space<semaphore_mem>>) src(%dma_wait3A_90 : memref<536x128xf32, #tpu.memory_space<hbm>>) dst(%dma_wait3A_87 : memref<536x128xf32, #tpu.memory_space<vmem_shared>>)
        tpu.yield
      }) : () -> ()
      "tpu.region"() ({
        %run_scoped3A = tpu.sem_alloc : memref<!tpu.dma_semaphore, #tpu.memory_space<semaphore_mem>>
        %dma_start3A_79 = arith.constant 9480 : i32
        %dma_start3A_80 = arith.constant 0 : i32
        %dma_start3A_81 = tpu.memref_slice %arg21[%dma_start3A_79, %dma_start3A_80] : memref<10016x16xf32, #tpu.memory_space<vmem_shared>> -> memref<536x16xf32, #tpu.memory_space<vmem_shared>>
        %dma_start3A_82 = arith.constant 0 : i32
        %dma_start3A_83 = arith.constant 0 : i32
        %dma_start3A_84 = tpu.memref_slice %arg6[%dma_start3A_82, %dma_start3A_83] : memref<632x16xf32, #tpu.memory_space<hbm>> -> memref<536x16xf32, #tpu.memory_space<hbm>>
        tpu.enqueue_dma source(%dma_start3A_84 : memref<536x16xf32, #tpu.memory_space<hbm>>) target(%dma_start3A_81 : memref<536x16xf32, #tpu.memory_space<vmem_shared>>) target_semaphore(%run_scoped3A : memref<!tpu.dma_semaphore, #tpu.memory_space<semaphore_mem>>)
        %dma_wait3A_85 = arith.constant 9480 : i32
        %dma_wait3A_86 = arith.constant 0 : i32
        %dma_wait3A_87 = tpu.memref_slice %arg21[%dma_wait3A_85, %dma_wait3A_86] : memref<10016x16xf32, #tpu.memory_space<vmem_shared>> -> memref<536x16xf32, #tpu.memory_space<vmem_shared>>
        %dma_wait3A_88 = arith.constant 0 : i32
        %dma_wait3A_89 = arith.constant 0 : i32
        %dma_wait3A_90 = tpu.memref_slice %arg6[%dma_wait3A_88, %dma_wait3A_89] : memref<632x16xf32, #tpu.memory_space<hbm>> -> memref<536x16xf32, #tpu.memory_space<hbm>>
        tpu.wait_dma2 semaphore(%run_scoped3A : memref<!tpu.dma_semaphore, #tpu.memory_space<semaphore_mem>>) src(%dma_wait3A_90 : memref<536x16xf32, #tpu.memory_space<hbm>>) dst(%dma_wait3A_87 : memref<536x16xf32, #tpu.memory_space<vmem_shared>>)
        tpu.yield
      }) : () -> ()
    } else {
    }
    "tpu.region"() ({
      %run_scoped3A = tpu.sem_alloc : memref<!tpu.dma_semaphore, #tpu.memory_space<semaphore_mem>>
      tpu.enqueue_dma source(%arg7 : memref<128x16xf32, #tpu.memory_space<hbm>>) target(%arg22 : memref<128x16xf32, #tpu.memory_space<vmem>>) target_semaphore(%run_scoped3A : memref<!tpu.dma_semaphore, #tpu.memory_space<semaphore_mem>>)
      tpu.wait_dma2 semaphore(%run_scoped3A : memref<!tpu.dma_semaphore, #tpu.memory_space<semaphore_mem>>) src(%arg7 : memref<128x16xf32, #tpu.memory_space<hbm>>) dst(%arg22 : memref<128x16xf32, #tpu.memory_space<vmem>>)
      tpu.yield
    }) : () -> ()
    %barrier3A = arith.constant 0 : index
    tpu.barrier barrier_id(%barrier3A)
    %add3A_18 = arith.constant 0 : i32
    %add3A_19 = arith.addi %select_n3A_8, %add3A_18 : i32
    %dma_start3A = arith.constant 0 : i32
    %dma_start3A_20 = tpu.memref_slice %arg3[%add3A_19, %dma_start3A] : memref<1280x128xi32, #tpu.memory_space<hbm>> -> memref<1x128xi32, #tpu.memory_space<hbm>>
    %dma_start3A_21 = tpu.memref_squeeze %dma_start3A_20 : memref<1x128xi32, #tpu.memory_space<hbm>> -> memref<128xi32, #tpu.memory_space<hbm>>
    %dma_start3A_22 = arith.constant 0 : i32
    %dma_start3A_23 = tpu.memref_slice %arg3[%add3A_19, %dma_start3A_22] : memref<1280x128xi32, #tpu.memory_space<hbm>> -> memref<1x128xi32, #tpu.memory_space<hbm>>
    %dma_start3A_24 = tpu.memref_squeeze %dma_start3A_23 : memref<1x128xi32, #tpu.memory_space<hbm>> -> memref<128xi32, #tpu.memory_space<hbm>>
    tpu.enqueue_dma source(%dma_start3A_24 : memref<128xi32, #tpu.memory_space<hbm>>) target(%arg10 : memref<128xi32, #tpu.memory_space<vmem>>) target_semaphore(%arg18 : memref<!tpu.dma_semaphore, #tpu.memory_space<semaphore_mem>>)
    %add3A_25 = arith.constant 0 : i32
    %add3A_26 = arith.addi %select_n3A_8, %add3A_25 : i32
    %dma_start3A_27 = arith.constant 0 : i32
    %dma_start3A_28 = tpu.memref_slice %arg4[%add3A_26, %dma_start3A_27] : memref<1280x128xi32, #tpu.memory_space<hbm>> -> memref<1x128xi32, #tpu.memory_space<hbm>>
    %dma_start3A_29 = tpu.memref_squeeze %dma_start3A_28 : memref<1x128xi32, #tpu.memory_space<hbm>> -> memref<128xi32, #tpu.memory_space<hbm>>
    %dma_start3A_30 = arith.constant 0 : i32
    %dma_start3A_31 = tpu.memref_slice %arg4[%add3A_26, %dma_start3A_30] : memref<1280x128xi32, #tpu.memory_space<hbm>> -> memref<1x128xi32, #tpu.memory_space<hbm>>
    %dma_start3A_32 = tpu.memref_squeeze %dma_start3A_31 : memref<1x128xi32, #tpu.memory_space<hbm>> -> memref<128xi32, #tpu.memory_space<hbm>>
    tpu.enqueue_dma source(%dma_start3A_32 : memref<128xi32, #tpu.memory_space<hbm>>) target(%arg12 : memref<128xi32, #tpu.memory_space<vmem>>) target_semaphore(%arg18 : memref<!tpu.dma_semaphore, #tpu.memory_space<semaphore_mem>>)
    %add3A_33 = arith.constant 1 : i32
    %add3A_34 = arith.addi %select_n3A_8, %add3A_33 : i32
    %dma_start3A_35 = arith.constant 0 : i32
    %dma_start3A_36 = tpu.memref_slice %arg3[%add3A_34, %dma_start3A_35] : memref<1280x128xi32, #tpu.memory_space<hbm>> -> memref<1x128xi32, #tpu.memory_space<hbm>>
    %dma_start3A_37 = tpu.memref_squeeze %dma_start3A_36 : memref<1x128xi32, #tpu.memory_space<hbm>> -> memref<128xi32, #tpu.memory_space<hbm>>
    %dma_start3A_38 = arith.constant 0 : i32
    %dma_start3A_39 = tpu.memref_slice %arg3[%add3A_34, %dma_start3A_38] : memref<1280x128xi32, #tpu.memory_space<hbm>> -> memref<1x128xi32, #tpu.memory_space<hbm>>
    %dma_start3A_40 = tpu.memref_squeeze %dma_start3A_39 : memref<1x128xi32, #tpu.memory_space<hbm>> -> memref<128xi32, #tpu.memory_space<hbm>>
    tpu.enqueue_dma source(%dma_start3A_40 : memref<128xi32, #tpu.memory_space<hbm>>) target(%arg11 : memref<128xi32, #tpu.memory_space<vmem>>) target_semaphore(%arg19 : memref<!tpu.dma_semaphore, #tpu.memory_space<semaphore_mem>>)
    %add3A_41 = arith.constant 1 : i32
    %add3A_42 = arith.addi %select_n3A_8, %add3A_41 : i32
    %dma_start3A_43 = arith.constant 0 : i32
    %dma_start3A_44 = tpu.memref_slice %arg4[%add3A_42, %dma_start3A_43] : memref<1280x128xi32, #tpu.memory_space<hbm>> -> memref<1x128xi32, #tpu.memory_space<hbm>>
    %dma_start3A_45 = tpu.memref_squeeze %dma_start3A_44 : memref<1x128xi32, #tpu.memory_space<hbm>> -> memref<128xi32, #tpu.memory_space<hbm>>
    %dma_start3A_46 = arith.constant 0 : i32
    %dma_start3A_47 = tpu.memref_slice %arg4[%add3A_42, %dma_start3A_46] : memref<1280x128xi32, #tpu.memory_space<hbm>> -> memref<1x128xi32, #tpu.memory_space<hbm>>
    %dma_start3A_48 = tpu.memref_squeeze %dma_start3A_47 : memref<1x128xi32, #tpu.memory_space<hbm>> -> memref<128xi32, #tpu.memory_space<hbm>>
    tpu.enqueue_dma source(%dma_start3A_48 : memref<128xi32, #tpu.memory_space<hbm>>) target(%arg13 : memref<128xi32, #tpu.memory_space<vmem>>) target_semaphore(%arg19 : memref<!tpu.dma_semaphore, #tpu.memory_space<semaphore_mem>>)
    %dma_wait3A = arith.constant 0 : i32
    %dma_wait3A_49 = tpu.memref_slice %arg3[%select_n3A_8, %dma_wait3A] : memref<1280x128xi32, #tpu.memory_space<hbm>> -> memref<1x128xi32, #tpu.memory_space<hbm>>
    %dma_wait3A_50 = tpu.memref_squeeze %dma_wait3A_49 : memref<1x128xi32, #tpu.memory_space<hbm>> -> memref<128xi32, #tpu.memory_space<hbm>>
    %dma_wait3A_51 = arith.constant 0 : i32
    %dma_wait3A_52 = tpu.memref_slice %arg3[%select_n3A_8, %dma_wait3A_51] : memref<1280x128xi32, #tpu.memory_space<hbm>> -> memref<1x128xi32, #tpu.memory_space<hbm>>
    %dma_wait3A_53 = tpu.memref_squeeze %dma_wait3A_52 : memref<1x128xi32, #tpu.memory_space<hbm>> -> memref<128xi32, #tpu.memory_space<hbm>>
    tpu.wait_dma2 semaphore(%arg18 : memref<!tpu.dma_semaphore, #tpu.memory_space<semaphore_mem>>) src(%dma_wait3A_53 : memref<128xi32, #tpu.memory_space<hbm>>) dst(%arg10 : memref<128xi32, #tpu.memory_space<vmem>>)
    %dma_wait3A_54 = arith.constant 0 : i32
    %dma_wait3A_55 = tpu.memref_slice %arg4[%select_n3A_8, %dma_wait3A_54] : memref<1280x128xi32, #tpu.memory_space<hbm>> -> memref<1x128xi32, #tpu.memory_space<hbm>>
    %dma_wait3A_56 = tpu.memref_squeeze %dma_wait3A_55 : memref<1x128xi32, #tpu.memory_space<hbm>> -> memref<128xi32, #tpu.memory_space<hbm>>
    %dma_wait3A_57 = arith.constant 0 : i32
    %dma_wait3A_58 = tpu.memref_slice %arg4[%select_n3A_8, %dma_wait3A_57] : memref<1280x128xi32, #tpu.memory_space<hbm>> -> memref<1x128xi32, #tpu.memory_space<hbm>>
    %dma_wait3A_59 = tpu.memref_squeeze %dma_wait3A_58 : memref<1x128xi32, #tpu.memory_space<hbm>> -> memref<128xi32, #tpu.memory_space<hbm>>
    tpu.wait_dma2 semaphore(%arg18 : memref<!tpu.dma_semaphore, #tpu.memory_space<semaphore_mem>>) src(%dma_wait3A_59 : memref<128xi32, #tpu.memory_space<hbm>>) dst(%arg12 : memref<128xi32, #tpu.memory_space<vmem>>)
    %dma_start3A_60 = arith.constant 0 : i32
    %dma_start3A_61 = arith.constant 0 : i32
    %dma_start3A_62 = tpu.memref_slice %arg2[%dma_start3A_60, %dma_start3A_61] : memref<10000x128xf32, #tpu.memory_space<hbm>> -> memref<10000x128xf32, #tpu.memory_space<hbm>>
    tpu.enqueue_indirect_dma source(%dma_start3A_62 : memref<10000x128xf32, #tpu.memory_space<hbm>>) target(%arg14 : memref<128x128xf32, #tpu.memory_space<vmem>>) offsets(%arg10 : memref<128xi32, #tpu.memory_space<vmem>>) semaphore(%arg16 : memref<!tpu.dma_semaphore, #tpu.memory_space<semaphore_mem>>)
    %scan3A = arith.constant 0 : i32
    %scan3A_63 = arith.constant 0 : i32
    %scan3A_64 = arith.constant 30 : i32
    %scan3A_65 = arith.addi %scan3A_63, %scan3A_64 : i32
    %scan3A_66 = arith.constant 1 : i32
    scf.for %scan3A_79 = %scan3A_63 to %scan3A_65 step %scan3A_66  : i32 {
      %mul3A_80 = arith.constant 2 : i32
      %mul3A_81 = arith.muli %scan3A_79, %mul3A_80 : i32
      %add3A_82 = arith.constant 0 : i32
      %add3A_83 = arith.addi %mul3A_81, %add3A_82 : i32
      %lt3A_84 = arith.cmpi slt, %add3A_83, %select_n3A : i32
      %convert_element_type3A_85 = arith.extui %lt3A_84 : i1 to i32
      %cond3A_86 = arith.constant 0 : i32
      %cond3A_87 = arith.cmpi ne, %convert_element_type3A_85, %cond3A_86 : i32
      scf.if %cond3A_87 {
        %add3A_96 = arith.constant 1 : i32
        %add3A_97 = arith.addi %add3A_83, %add3A_96 : i32
        %lt3A_98 = arith.cmpi slt, %add3A_97, %select_n3A : i32
        %convert_element_type3A_99 = arith.extui %lt3A_98 : i1 to i32
        %cond3A_100 = arith.constant 0 : i32
        %cond3A_101 = arith.cmpi ne, %convert_element_type3A_99, %cond3A_100 : i32
        scf.if %cond3A_101 {
          %dma_wait3A_111 = arith.constant 0 : i32
          %dma_wait3A_112 = tpu.memref_slice %arg3[%select_n3A_8, %dma_wait3A_111] : memref<1280x128xi32, #tpu.memory_space<hbm>> -> memref<1x128xi32, #tpu.memory_space<hbm>>
          %dma_wait3A_113 = tpu.memref_squeeze %dma_wait3A_112 : memref<1x128xi32, #tpu.memory_space<hbm>> -> memref<128xi32, #tpu.memory_space<hbm>>
          %dma_wait3A_114 = arith.constant 0 : i32
          %dma_wait3A_115 = tpu.memref_slice %arg3[%select_n3A_8, %dma_wait3A_114] : memref<1280x128xi32, #tpu.memory_space<hbm>> -> memref<1x128xi32, #tpu.memory_space<hbm>>
          %dma_wait3A_116 = tpu.memref_squeeze %dma_wait3A_115 : memref<1x128xi32, #tpu.memory_space<hbm>> -> memref<128xi32, #tpu.memory_space<hbm>>
          tpu.wait_dma2 semaphore(%arg19 : memref<!tpu.dma_semaphore, #tpu.memory_space<semaphore_mem>>) src(%dma_wait3A_116 : memref<128xi32, #tpu.memory_space<hbm>>) dst(%arg11 : memref<128xi32, #tpu.memory_space<vmem>>)
          %dma_wait3A_117 = arith.constant 0 : i32
          %dma_wait3A_118 = tpu.memref_slice %arg4[%select_n3A_8, %dma_wait3A_117] : memref<1280x128xi32, #tpu.memory_space<hbm>> -> memref<1x128xi32, #tpu.memory_space<hbm>>
          %dma_wait3A_119 = tpu.memref_squeeze %dma_wait3A_118 : memref<1x128xi32, #tpu.memory_space<hbm>> -> memref<128xi32, #tpu.memory_space<hbm>>
          %dma_wait3A_120 = arith.constant 0 : i32
          %dma_wait3A_121 = tpu.memref_slice %arg4[%select_n3A_8, %dma_wait3A_120] : memref<1280x128xi32, #tpu.memory_space<hbm>> -> memref<1x128xi32, #tpu.memory_space<hbm>>
          %dma_wait3A_122 = tpu.memref_squeeze %dma_wait3A_121 : memref<1x128xi32, #tpu.memory_space<hbm>> -> memref<128xi32, #tpu.memory_space<hbm>>
          tpu.wait_dma2 semaphore(%arg19 : memref<!tpu.dma_semaphore, #tpu.memory_space<semaphore_mem>>) src(%dma_wait3A_122 : memref<128xi32, #tpu.memory_space<hbm>>) dst(%arg13 : memref<128xi32, #tpu.memory_space<vmem>>)
          %dma_start3A_123 = arith.constant 0 : i32
          %dma_start3A_124 = arith.constant 0 : i32
          %dma_start3A_125 = tpu.memref_slice %arg2[%dma_start3A_123, %dma_start3A_124] : memref<10000x128xf32, #tpu.memory_space<hbm>> -> memref<10000x128xf32, #tpu.memory_space<hbm>>
          tpu.enqueue_indirect_dma source(%dma_start3A_125 : memref<10000x128xf32, #tpu.memory_space<hbm>>) target(%arg15 : memref<128x128xf32, #tpu.memory_space<vmem>>) offsets(%arg11 : memref<128xi32, #tpu.memory_space<vmem>>) semaphore(%arg17 : memref<!tpu.dma_semaphore, #tpu.memory_space<semaphore_mem>>)
        } else {
        }
        %dma_wait3A_102 = arith.constant 0 : i32
        %dma_wait3A_103 = arith.constant 0 : i32
        %dma_wait3A_104 = tpu.memref_slice %arg2[%dma_wait3A_102, %dma_wait3A_103] : memref<10000x128xf32, #tpu.memory_space<hbm>> -> memref<10000x128xf32, #tpu.memory_space<hbm>>
        tpu.wait_indirect_dma semaphore(%arg16 : memref<!tpu.dma_semaphore, #tpu.memory_space<semaphore_mem>>) src(%dma_wait3A_104 : memref<10000x128xf32, #tpu.memory_space<hbm>>) dst(%arg14 : memref<128x128xf32, #tpu.memory_space<vmem>>)
        "tpu.region"() ({
          %run_scoped3A = tpu.sem_alloc : memref<!tpu.dma_semaphore, #tpu.memory_space<semaphore_mem>>
          %dma_start3A_111 = arith.constant 0 : i32
          %dma_start3A_112 = arith.constant 0 : i32
          %dma_start3A_113 = tpu.memref_slice %arg20[%dma_start3A_111, %dma_start3A_112] : memref<10016x128xf32, #tpu.memory_space<vmem_shared>> -> memref<10016x128xf32, #tpu.memory_space<vmem_shared>>
          tpu.enqueue_indirect_dma source(%arg14 : memref<128x128xf32, #tpu.memory_space<vmem>>) target(%dma_start3A_113 : memref<10016x128xf32, #tpu.memory_space<vmem_shared>>) offsets(%arg12 : memref<128xi32, #tpu.memory_space<vmem>>) semaphore(%run_scoped3A : memref<!tpu.dma_semaphore, #tpu.memory_space<semaphore_mem>>) {add = true}
          %dma_wait3A_114 = arith.constant 0 : i32
          %dma_wait3A_115 = arith.constant 0 : i32
          %dma_wait3A_116 = tpu.memref_slice %arg20[%dma_wait3A_114, %dma_wait3A_115] : memref<10016x128xf32, #tpu.memory_space<vmem_shared>> -> memref<10016x128xf32, #tpu.memory_space<vmem_shared>>
          tpu.wait_indirect_dma semaphore(%run_scoped3A : memref<!tpu.dma_semaphore, #tpu.memory_space<semaphore_mem>>) src(%arg14 : memref<128x128xf32, #tpu.memory_space<vmem>>) dst(%dma_wait3A_116 : memref<10016x128xf32, #tpu.memory_space<vmem_shared>>)
          tpu.yield
        }) : () -> ()
        "tpu.region"() ({
          %run_scoped3A = tpu.sem_alloc : memref<!tpu.dma_semaphore, #tpu.memory_space<semaphore_mem>>
          %dma_start3A_111 = arith.constant 0 : i32
          %dma_start3A_112 = arith.constant 0 : i32
          %dma_start3A_113 = tpu.memref_slice %arg21[%dma_start3A_111, %dma_start3A_112] : memref<10016x16xf32, #tpu.memory_space<vmem_shared>> -> memref<10016x16xf32, #tpu.memory_space<vmem_shared>>
          tpu.enqueue_indirect_dma source(%arg22 : memref<128x16xf32, #tpu.memory_space<vmem>>) target(%dma_start3A_113 : memref<10016x16xf32, #tpu.memory_space<vmem_shared>>) offsets(%arg12 : memref<128xi32, #tpu.memory_space<vmem>>) semaphore(%run_scoped3A : memref<!tpu.dma_semaphore, #tpu.memory_space<semaphore_mem>>) {add = true}
          %dma_wait3A_114 = arith.constant 0 : i32
          %dma_wait3A_115 = arith.constant 0 : i32
          %dma_wait3A_116 = tpu.memref_slice %arg21[%dma_wait3A_114, %dma_wait3A_115] : memref<10016x16xf32, #tpu.memory_space<vmem_shared>> -> memref<10016x16xf32, #tpu.memory_space<vmem_shared>>
          tpu.wait_indirect_dma semaphore(%run_scoped3A : memref<!tpu.dma_semaphore, #tpu.memory_space<semaphore_mem>>) src(%arg22 : memref<128x16xf32, #tpu.memory_space<vmem>>) dst(%dma_wait3A_116 : memref<10016x16xf32, #tpu.memory_space<vmem_shared>>)
          tpu.yield
        }) : () -> ()
        %add3A_105 = arith.constant 2 : i32
        %add3A_106 = arith.addi %add3A_83, %add3A_105 : i32
        %lt3A_107 = arith.cmpi slt, %add3A_106, %select_n3A : i32
        %convert_element_type3A_108 = arith.extui %lt3A_107 : i1 to i32
        %cond3A_109 = arith.constant 0 : i32
        %cond3A_110 = arith.cmpi ne, %convert_element_type3A_108, %cond3A_109 : i32
        scf.if %cond3A_110 {
          %add3A_111 = arith.constant 2 : i32
          %add3A_112 = arith.addi %add3A_83, %add3A_111 : i32
          %add3A_113 = arith.addi %select_n3A_8, %add3A_112 : i32
          %dma_start3A_114 = arith.constant 0 : i32
          %dma_start3A_115 = tpu.memref_slice %arg3[%add3A_113, %dma_start3A_114] : memref<1280x128xi32, #tpu.memory_space<hbm>> -> memref<1x128xi32, #tpu.memory_space<hbm>>
          %dma_start3A_116 = tpu.memref_squeeze %dma_start3A_115 : memref<1x128xi32, #tpu.memory_space<hbm>> -> memref<128xi32, #tpu.memory_space<hbm>>
          %dma_start3A_117 = arith.constant 0 : i32
          %dma_start3A_118 = tpu.memref_slice %arg3[%add3A_113, %dma_start3A_117] : memref<1280x128xi32, #tpu.memory_space<hbm>> -> memref<1x128xi32, #tpu.memory_space<hbm>>
          %dma_start3A_119 = tpu.memref_squeeze %dma_start3A_118 : memref<1x128xi32, #tpu.memory_space<hbm>> -> memref<128xi32, #tpu.memory_space<hbm>>
          tpu.enqueue_dma source(%dma_start3A_119 : memref<128xi32, #tpu.memory_space<hbm>>) target(%arg10 : memref<128xi32, #tpu.memory_space<vmem>>) target_semaphore(%arg18 : memref<!tpu.dma_semaphore, #tpu.memory_space<semaphore_mem>>)
          %add3A_120 = arith.addi %select_n3A_8, %add3A_112 : i32
          %dma_start3A_121 = arith.constant 0 : i32
          %dma_start3A_122 = tpu.memref_slice %arg4[%add3A_120, %dma_start3A_121] : memref<1280x128xi32, #tpu.memory_space<hbm>> -> memref<1x128xi32, #tpu.memory_space<hbm>>
          %dma_start3A_123 = tpu.memref_squeeze %dma_start3A_122 : memref<1x128xi32, #tpu.memory_space<hbm>> -> memref<128xi32, #tpu.memory_space<hbm>>
          %dma_start3A_124 = arith.constant 0 : i32
          %dma_start3A_125 = tpu.memref_slice %arg4[%add3A_120, %dma_start3A_124] : memref<1280x128xi32, #tpu.memory_space<hbm>> -> memref<1x128xi32, #tpu.memory_space<hbm>>
          %dma_start3A_126 = tpu.memref_squeeze %dma_start3A_125 : memref<1x128xi32, #tpu.memory_space<hbm>> -> memref<128xi32, #tpu.memory_space<hbm>>
          tpu.enqueue_dma source(%dma_start3A_126 : memref<128xi32, #tpu.memory_space<hbm>>) target(%arg12 : memref<128xi32, #tpu.memory_space<vmem>>) target_semaphore(%arg18 : memref<!tpu.dma_semaphore, #tpu.memory_space<semaphore_mem>>)
        } else {
        }
      } else {
      }
      %mul3A_88 = arith.constant 2 : i32
      %mul3A_89 = arith.muli %scan3A_79, %mul3A_88 : i32
      %add3A_90 = arith.constant 1 : i32
      %add3A_91 = arith.addi %mul3A_89, %add3A_90 : i32
      %lt3A_92 = arith.cmpi slt, %add3A_91, %select_n3A : i32
      %convert_element_type3A_93 = arith.extui %lt3A_92 : i1 to i32
      %cond3A_94 = arith.constant 0 : i32
      %cond3A_95 = arith.cmpi ne, %convert_element_type3A_93, %cond3A_94 : i32
      scf.if %cond3A_95 {
        %add3A_96 = arith.constant 1 : i32
        %add3A_97 = arith.addi %add3A_91, %add3A_96 : i32
        %lt3A_98 = arith.cmpi slt, %add3A_97, %select_n3A : i32
        %convert_element_type3A_99 = arith.extui %lt3A_98 : i1 to i32
        %cond3A_100 = arith.constant 0 : i32
        %cond3A_101 = arith.cmpi ne, %convert_element_type3A_99, %cond3A_100 : i32
        scf.if %cond3A_101 {
          %dma_wait3A_111 = arith.constant 0 : i32
          %dma_wait3A_112 = tpu.memref_slice %arg3[%select_n3A_8, %dma_wait3A_111] : memref<1280x128xi32, #tpu.memory_space<hbm>> -> memref<1x128xi32, #tpu.memory_space<hbm>>
          %dma_wait3A_113 = tpu.memref_squeeze %dma_wait3A_112 : memref<1x128xi32, #tpu.memory_space<hbm>> -> memref<128xi32, #tpu.memory_space<hbm>>
          %dma_wait3A_114 = arith.constant 0 : i32
          %dma_wait3A_115 = tpu.memref_slice %arg3[%select_n3A_8, %dma_wait3A_114] : memref<1280x128xi32, #tpu.memory_space<hbm>> -> memref<1x128xi32, #tpu.memory_space<hbm>>
          %dma_wait3A_116 = tpu.memref_squeeze %dma_wait3A_115 : memref<1x128xi32, #tpu.memory_space<hbm>> -> memref<128xi32, #tpu.memory_space<hbm>>
          tpu.wait_dma2 semaphore(%arg18 : memref<!tpu.dma_semaphore, #tpu.memory_space<semaphore_mem>>) src(%dma_wait3A_116 : memref<128xi32, #tpu.memory_space<hbm>>) dst(%arg10 : memref<128xi32, #tpu.memory_space<vmem>>)
          %dma_wait3A_117 = arith.constant 0 : i32
          %dma_wait3A_118 = tpu.memref_slice %arg4[%select_n3A_8, %dma_wait3A_117] : memref<1280x128xi32, #tpu.memory_space<hbm>> -> memref<1x128xi32, #tpu.memory_space<hbm>>
          %dma_wait3A_119 = tpu.memref_squeeze %dma_wait3A_118 : memref<1x128xi32, #tpu.memory_space<hbm>> -> memref<128xi32, #tpu.memory_space<hbm>>
          %dma_wait3A_120 = arith.constant 0 : i32
          %dma_wait3A_121 = tpu.memref_slice %arg4[%select_n3A_8, %dma_wait3A_120] : memref<1280x128xi32, #tpu.memory_space<hbm>> -> memref<1x128xi32, #tpu.memory_space<hbm>>
          %dma_wait3A_122 = tpu.memref_squeeze %dma_wait3A_121 : memref<1x128xi32, #tpu.memory_space<hbm>> -> memref<128xi32, #tpu.memory_space<hbm>>
          tpu.wait_dma2 semaphore(%arg18 : memref<!tpu.dma_semaphore, #tpu.memory_space<semaphore_mem>>) src(%dma_wait3A_122 : memref<128xi32, #tpu.memory_space<hbm>>) dst(%arg12 : memref<128xi32, #tpu.memory_space<vmem>>)
          %dma_start3A_123 = arith.constant 0 : i32
          %dma_start3A_124 = arith.constant 0 : i32
          %dma_start3A_125 = tpu.memref_slice %arg2[%dma_start3A_123, %dma_start3A_124] : memref<10000x128xf32, #tpu.memory_space<hbm>> -> memref<10000x128xf32, #tpu.memory_space<hbm>>
          tpu.enqueue_indirect_dma source(%dma_start3A_125 : memref<10000x128xf32, #tpu.memory_space<hbm>>) target(%arg14 : memref<128x128xf32, #tpu.memory_space<vmem>>) offsets(%arg10 : memref<128xi32, #tpu.memory_space<vmem>>) semaphore(%arg16 : memref<!tpu.dma_semaphore, #tpu.memory_space<semaphore_mem>>)
        } else {
        }
        %dma_wait3A_102 = arith.constant 0 : i32
        %dma_wait3A_103 = arith.constant 0 : i32
        %dma_wait3A_104 = tpu.memref_slice %arg2[%dma_wait3A_102, %dma_wait3A_103] : memref<10000x128xf32, #tpu.memory_space<hbm>> -> memref<10000x128xf32, #tpu.memory_space<hbm>>
        tpu.wait_indirect_dma semaphore(%arg17 : memref<!tpu.dma_semaphore, #tpu.memory_space<semaphore_mem>>) src(%dma_wait3A_104 : memref<10000x128xf32, #tpu.memory_space<hbm>>) dst(%arg15 : memref<128x128xf32, #tpu.memory_space<vmem>>)
        "tpu.region"() ({
          %run_scoped3A = tpu.sem_alloc : memref<!tpu.dma_semaphore, #tpu.memory_space<semaphore_mem>>
          %dma_start3A_111 = arith.constant 0 : i32
          %dma_start3A_112 = arith.constant 0 : i32
          %dma_start3A_113 = tpu.memref_slice %arg20[%dma_start3A_111, %dma_start3A_112] : memref<10016x128xf32, #tpu.memory_space<vmem_shared>> -> memref<10016x128xf32, #tpu.memory_space<vmem_shared>>
          tpu.enqueue_indirect_dma source(%arg15 : memref<128x128xf32, #tpu.memory_space<vmem>>) target(%dma_start3A_113 : memref<10016x128xf32, #tpu.memory_space<vmem_shared>>) offsets(%arg13 : memref<128xi32, #tpu.memory_space<vmem>>) semaphore(%run_scoped3A : memref<!tpu.dma_semaphore, #tpu.memory_space<semaphore_mem>>) {add = true}
          %dma_wait3A_114 = arith.constant 0 : i32
          %dma_wait3A_115 = arith.constant 0 : i32
          %dma_wait3A_116 = tpu.memref_slice %arg20[%dma_wait3A_114, %dma_wait3A_115] : memref<10016x128xf32, #tpu.memory_space<vmem_shared>> -> memref<10016x128xf32, #tpu.memory_space<vmem_shared>>
          tpu.wait_indirect_dma semaphore(%run_scoped3A : memref<!tpu.dma_semaphore, #tpu.memory_space<semaphore_mem>>) src(%arg15 : memref<128x128xf32, #tpu.memory_space<vmem>>) dst(%dma_wait3A_116 : memref<10016x128xf32, #tpu.memory_space<vmem_shared>>)
          tpu.yield
        }) : () -> ()
        "tpu.region"() ({
          %run_scoped3A = tpu.sem_alloc : memref<!tpu.dma_semaphore, #tpu.memory_space<semaphore_mem>>
          %dma_start3A_111 = arith.constant 0 : i32
          %dma_start3A_112 = arith.constant 0 : i32
          %dma_start3A_113 = tpu.memref_slice %arg21[%dma_start3A_111, %dma_start3A_112] : memref<10016x16xf32, #tpu.memory_space<vmem_shared>> -> memref<10016x16xf32, #tpu.memory_space<vmem_shared>>
          tpu.enqueue_indirect_dma source(%arg22 : memref<128x16xf32, #tpu.memory_space<vmem>>) target(%dma_start3A_113 : memref<10016x16xf32, #tpu.memory_space<vmem_shared>>) offsets(%arg13 : memref<128xi32, #tpu.memory_space<vmem>>) semaphore(%run_scoped3A : memref<!tpu.dma_semaphore, #tpu.memory_space<semaphore_mem>>) {add = true}
          %dma_wait3A_114 = arith.constant 0 : i32
          %dma_wait3A_115 = arith.constant 0 : i32
          %dma_wait3A_116 = tpu.memref_slice %arg21[%dma_wait3A_114, %dma_wait3A_115] : memref<10016x16xf32, #tpu.memory_space<vmem_shared>> -> memref<10016x16xf32, #tpu.memory_space<vmem_shared>>
          tpu.wait_indirect_dma semaphore(%run_scoped3A : memref<!tpu.dma_semaphore, #tpu.memory_space<semaphore_mem>>) src(%arg22 : memref<128x16xf32, #tpu.memory_space<vmem>>) dst(%dma_wait3A_116 : memref<10016x16xf32, #tpu.memory_space<vmem_shared>>)
          tpu.yield
        }) : () -> ()
        %add3A_105 = arith.constant 2 : i32
        %add3A_106 = arith.addi %add3A_91, %add3A_105 : i32
        %lt3A_107 = arith.cmpi slt, %add3A_106, %select_n3A : i32
        %convert_element_type3A_108 = arith.extui %lt3A_107 : i1 to i32
        %cond3A_109 = arith.constant 0 : i32
        %cond3A_110 = arith.cmpi ne, %convert_element_type3A_108, %cond3A_109 : i32
        scf.if %cond3A_110 {
          %add3A_111 = arith.constant 2 : i32
          %add3A_112 = arith.addi %add3A_91, %add3A_111 : i32
          %add3A_113 = arith.addi %select_n3A_8, %add3A_112 : i32
          %dma_start3A_114 = arith.constant 0 : i32
          %dma_start3A_115 = tpu.memref_slice %arg3[%add3A_113, %dma_start3A_114] : memref<1280x128xi32, #tpu.memory_space<hbm>> -> memref<1x128xi32, #tpu.memory_space<hbm>>
          %dma_start3A_116 = tpu.memref_squeeze %dma_start3A_115 : memref<1x128xi32, #tpu.memory_space<hbm>> -> memref<128xi32, #tpu.memory_space<hbm>>
          %dma_start3A_117 = arith.constant 0 : i32
          %dma_start3A_118 = tpu.memref_slice %arg3[%add3A_113, %dma_start3A_117] : memref<1280x128xi32, #tpu.memory_space<hbm>> -> memref<1x128xi32, #tpu.memory_space<hbm>>
          %dma_start3A_119 = tpu.memref_squeeze %dma_start3A_118 : memref<1x128xi32, #tpu.memory_space<hbm>> -> memref<128xi32, #tpu.memory_space<hbm>>
          tpu.enqueue_dma source(%dma_start3A_119 : memref<128xi32, #tpu.memory_space<hbm>>) target(%arg11 : memref<128xi32, #tpu.memory_space<vmem>>) target_semaphore(%arg19 : memref<!tpu.dma_semaphore, #tpu.memory_space<semaphore_mem>>)
          %add3A_120 = arith.addi %select_n3A_8, %add3A_112 : i32
          %dma_start3A_121 = arith.constant 0 : i32
          %dma_start3A_122 = tpu.memref_slice %arg4[%add3A_120, %dma_start3A_121] : memref<1280x128xi32, #tpu.memory_space<hbm>> -> memref<1x128xi32, #tpu.memory_space<hbm>>
          %dma_start3A_123 = tpu.memref_squeeze %dma_start3A_122 : memref<1x128xi32, #tpu.memory_space<hbm>> -> memref<128xi32, #tpu.memory_space<hbm>>
          %dma_start3A_124 = arith.constant 0 : i32
          %dma_start3A_125 = tpu.memref_slice %arg4[%add3A_120, %dma_start3A_124] : memref<1280x128xi32, #tpu.memory_space<hbm>> -> memref<1x128xi32, #tpu.memory_space<hbm>>
          %dma_start3A_126 = tpu.memref_squeeze %dma_start3A_125 : memref<1x128xi32, #tpu.memory_space<hbm>> -> memref<128xi32, #tpu.memory_space<hbm>>
          tpu.enqueue_dma source(%dma_start3A_126 : memref<128xi32, #tpu.memory_space<hbm>>) target(%arg13 : memref<128xi32, #tpu.memory_space<vmem>>) target_semaphore(%arg19 : memref<!tpu.dma_semaphore, #tpu.memory_space<semaphore_mem>>)
        } else {
        }
      } else {
      }
    }
    %scan3A_67 = arith.constant 30 : i32
    %barrier3A_68 = arith.constant 0 : index
    tpu.barrier barrier_id(%barrier3A_68)
    %lt3A_69 = arith.constant 15 : i32
    %lt3A_70 = arith.cmpi slt, %arg1, %lt3A_69 : i32
    %convert_element_type3A_71 = arith.extui %lt3A_70 : i1 to i32
    %cond3A_72 = arith.constant 0 : i32
    %cond3A_73 = arith.cmpi ne, %convert_element_type3A_71, %cond3A_72 : i32
    scf.if %cond3A_73 {
      "tpu.region"() ({
        %run_scoped3A = tpu.sem_alloc : memref<!tpu.dma_semaphore, #tpu.memory_space<semaphore_mem>>
        %dma_start3A_79 = arith.constant 0 : i32
        %dma_start3A_80 = tpu.memref_slice %arg8[%arg0, %mul3A_10, %dma_start3A_79] : memref<2x10000x128xf32, #tpu.memory_space<hbm>> -> memref<1x632x128xf32, #tpu.memory_space<hbm>>
        %dma_start3A_81 = tpu.memref_squeeze %dma_start3A_80 : memref<1x632x128xf32, #tpu.memory_space<hbm>> -> memref<632x128xf32, #tpu.memory_space<hbm>>
        %dma_start3A_82 = arith.constant 0 : i32
        %dma_start3A_83 = tpu.memref_slice %arg20[%mul3A_10, %dma_start3A_82] : memref<10016x128xf32, #tpu.memory_space<vmem_shared>> -> memref<632x128xf32, #tpu.memory_space<vmem_shared>>
        tpu.enqueue_dma source(%dma_start3A_83 : memref<632x128xf32, #tpu.memory_space<vmem_shared>>) target(%dma_start3A_81 : memref<632x128xf32, #tpu.memory_space<hbm>>) target_semaphore(%run_scoped3A : memref<!tpu.dma_semaphore, #tpu.memory_space<semaphore_mem>>)
        %dma_wait3A_84 = arith.constant 0 : i32
        %dma_wait3A_85 = tpu.memref_slice %arg8[%arg0, %mul3A_10, %dma_wait3A_84] : memref<2x10000x128xf32, #tpu.memory_space<hbm>> -> memref<1x632x128xf32, #tpu.memory_space<hbm>>
        %dma_wait3A_86 = tpu.memref_squeeze %dma_wait3A_85 : memref<1x632x128xf32, #tpu.memory_space<hbm>> -> memref<632x128xf32, #tpu.memory_space<hbm>>
        %dma_wait3A_87 = arith.constant 0 : i32
        %dma_wait3A_88 = tpu.memref_slice %arg20[%mul3A_10, %dma_wait3A_87] : memref<10016x128xf32, #tpu.memory_space<vmem_shared>> -> memref<632x128xf32, #tpu.memory_space<vmem_shared>>
        tpu.wait_dma2 semaphore(%run_scoped3A : memref<!tpu.dma_semaphore, #tpu.memory_space<semaphore_mem>>) src(%dma_wait3A_88 : memref<632x128xf32, #tpu.memory_space<vmem_shared>>) dst(%dma_wait3A_86 : memref<632x128xf32, #tpu.memory_space<hbm>>)
        tpu.yield
      }) : () -> ()
      "tpu.region"() ({
        %run_scoped3A = tpu.sem_alloc : memref<!tpu.dma_semaphore, #tpu.memory_space<semaphore_mem>>
        %dma_start3A_79 = arith.constant 0 : i32
        %dma_start3A_80 = tpu.memref_slice %arg9[%arg0, %mul3A_10, %dma_start3A_79] : memref<2x10000x16xf32, #tpu.memory_space<hbm>> -> memref<1x632x16xf32, #tpu.memory_space<hbm>>
        %dma_start3A_81 = tpu.memref_squeeze %dma_start3A_80 : memref<1x632x16xf32, #tpu.memory_space<hbm>> -> memref<632x16xf32, #tpu.memory_space<hbm>>
        %dma_start3A_82 = arith.constant 0 : i32
        %dma_start3A_83 = tpu.memref_slice %arg21[%mul3A_10, %dma_start3A_82] : memref<10016x16xf32, #tpu.memory_space<vmem_shared>> -> memref<632x16xf32, #tpu.memory_space<vmem_shared>>
        tpu.enqueue_dma source(%dma_start3A_83 : memref<632x16xf32, #tpu.memory_space<vmem_shared>>) target(%dma_start3A_81 : memref<632x16xf32, #tpu.memory_space<hbm>>) target_semaphore(%run_scoped3A : memref<!tpu.dma_semaphore, #tpu.memory_space<semaphore_mem>>)
        %dma_wait3A_84 = arith.constant 0 : i32
        %dma_wait3A_85 = tpu.memref_slice %arg9[%arg0, %mul3A_10, %dma_wait3A_84] : memref<2x10000x16xf32, #tpu.memory_space<hbm>> -> memref<1x632x16xf32, #tpu.memory_space<hbm>>
        %dma_wait3A_86 = tpu.memref_squeeze %dma_wait3A_85 : memref<1x632x16xf32, #tpu.memory_space<hbm>> -> memref<632x16xf32, #tpu.memory_space<hbm>>
        %dma_wait3A_87 = arith.constant 0 : i32
        %dma_wait3A_88 = tpu.memref_slice %arg21[%mul3A_10, %dma_wait3A_87] : memref<10016x16xf32, #tpu.memory_space<vmem_shared>> -> memref<632x16xf32, #tpu.memory_space<vmem_shared>>
        tpu.wait_dma2 semaphore(%run_scoped3A : memref<!tpu.dma_semaphore, #tpu.memory_space<semaphore_mem>>) src(%dma_wait3A_88 : memref<632x16xf32, #tpu.memory_space<vmem_shared>>) dst(%dma_wait3A_86 : memref<632x16xf32, #tpu.memory_space<hbm>>)
        tpu.yield
      }) : () -> ()
    } else {
    }
    %eq3A_74 = arith.constant 15 : i32
    %eq3A_75 = arith.cmpi eq, %arg1, %eq3A_74 : i32
    %convert_element_type3A_76 = arith.extui %eq3A_75 : i1 to i32
    %cond3A_77 = arith.constant 0 : i32
    %cond3A_78 = arith.cmpi ne, %convert_element_type3A_76, %cond3A_77 : i32
    scf.if %cond3A_78 {
      "tpu.region"() ({
        %run_scoped3A = tpu.sem_alloc : memref<!tpu.dma_semaphore, #tpu.memory_space<semaphore_mem>>
        %dma_start3A_79 = arith.constant 9480 : i32
        %dma_start3A_80 = arith.constant 0 : i32
        %dma_start3A_81 = tpu.memref_slice %arg8[%arg0, %dma_start3A_79, %dma_start3A_80] : memref<2x10000x128xf32, #tpu.memory_space<hbm>> -> memref<1x520x128xf32, #tpu.memory_space<hbm>>
        %dma_start3A_82 = tpu.memref_squeeze %dma_start3A_81 : memref<1x520x128xf32, #tpu.memory_space<hbm>> -> memref<520x128xf32, #tpu.memory_space<hbm>>
        %dma_start3A_83 = arith.constant 9480 : i32
        %dma_start3A_84 = arith.constant 0 : i32
        %dma_start3A_85 = tpu.memref_slice %arg20[%dma_start3A_83, %dma_start3A_84] : memref<10016x128xf32, #tpu.memory_space<vmem_shared>> -> memref<520x128xf32, #tpu.memory_space<vmem_shared>>
        tpu.enqueue_dma source(%dma_start3A_85 : memref<520x128xf32, #tpu.memory_space<vmem_shared>>) target(%dma_start3A_82 : memref<520x128xf32, #tpu.memory_space<hbm>>) target_semaphore(%run_scoped3A : memref<!tpu.dma_semaphore, #tpu.memory_space<semaphore_mem>>)
        %dma_wait3A_86 = arith.constant 9480 : i32
        %dma_wait3A_87 = arith.constant 0 : i32
        %dma_wait3A_88 = tpu.memref_slice %arg8[%arg0, %dma_wait3A_86, %dma_wait3A_87] : memref<2x10000x128xf32, #tpu.memory_space<hbm>> -> memref<1x520x128xf32, #tpu.memory_space<hbm>>
        %dma_wait3A_89 = tpu.memref_squeeze %dma_wait3A_88 : memref<1x520x128xf32, #tpu.memory_space<hbm>> -> memref<520x128xf32, #tpu.memory_space<hbm>>
        %dma_wait3A_90 = arith.constant 9480 : i32
        %dma_wait3A_91 = arith.constant 0 : i32
        %dma_wait3A_92 = tpu.memref_slice %arg20[%dma_wait3A_90, %dma_wait3A_91] : memref<10016x128xf32, #tpu.memory_space<vmem_shared>> -> memref<520x128xf32, #tpu.memory_space<vmem_shared>>
        tpu.wait_dma2 semaphore(%run_scoped3A : memref<!tpu.dma_semaphore, #tpu.memory_space<semaphore_mem>>) src(%dma_wait3A_92 : memref<520x128xf32, #tpu.memory_space<vmem_shared>>) dst(%dma_wait3A_89 : memref<520x128xf32, #tpu.memory_space<hbm>>)
        tpu.yield
      }) : () -> ()
      "tpu.region"() ({
        %run_scoped3A = tpu.sem_alloc : memref<!tpu.dma_semaphore, #tpu.memory_space<semaphore_mem>>
        %dma_start3A_79 = arith.constant 9480 : i32
        %dma_start3A_80 = arith.constant 0 : i32
        %dma_start3A_81 = tpu.memref_slice %arg9[%arg0, %dma_start3A_79, %dma_start3A_80] : memref<2x10000x16xf32, #tpu.memory_space<hbm>> -> memref<1x520x16xf32, #tpu.memory_space<hbm>>
        %dma_start3A_82 = tpu.memref_squeeze %dma_start3A_81 : memref<1x520x16xf32, #tpu.memory_space<hbm>> -> memref<520x16xf32, #tpu.memory_space<hbm>>
        %dma_start3A_83 = arith.constant 9480 : i32
        %dma_start3A_84 = arith.constant 0 : i32
        %dma_start3A_85 = tpu.memref_slice %arg21[%dma_start3A_83, %dma_start3A_84] : memref<10016x16xf32, #tpu.memory_space<vmem_shared>> -> memref<520x16xf32, #tpu.memory_space<vmem_shared>>
        tpu.enqueue_dma source(%dma_start3A_85 : memref<520x16xf32, #tpu.memory_space<vmem_shared>>) target(%dma_start3A_82 : memref<520x16xf32, #tpu.memory_space<hbm>>) target_semaphore(%run_scoped3A : memref<!tpu.dma_semaphore, #tpu.memory_space<semaphore_mem>>)
        %dma_wait3A_86 = arith.constant 9480 : i32
        %dma_wait3A_87 = arith.constant 0 : i32
        %dma_wait3A_88 = tpu.memref_slice %arg9[%arg0, %dma_wait3A_86, %dma_wait3A_87] : memref<2x10000x16xf32, #tpu.memory_space<hbm>> -> memref<1x520x16xf32, #tpu.memory_space<hbm>>
        %dma_wait3A_89 = tpu.memref_squeeze %dma_wait3A_88 : memref<1x520x16xf32, #tpu.memory_space<hbm>> -> memref<520x16xf32, #tpu.memory_space<hbm>>
        %dma_wait3A_90 = arith.constant 9480 : i32
        %dma_wait3A_91 = arith.constant 0 : i32
        %dma_wait3A_92 = tpu.memref_slice %arg21[%dma_wait3A_90, %dma_wait3A_91] : memref<10016x16xf32, #tpu.memory_space<vmem_shared>> -> memref<520x16xf32, #tpu.memory_space<vmem_shared>>
        tpu.wait_dma2 semaphore(%run_scoped3A : memref<!tpu.dma_semaphore, #tpu.memory_space<semaphore_mem>>) src(%dma_wait3A_92 : memref<520x16xf32, #tpu.memory_space<vmem_shared>>) dst(%dma_wait3A_89 : memref<520x16xf32, #tpu.memory_space<hbm>>)
        tpu.yield
      }) : () -> ()
    } else {
    }
    return
  }
}

#map = affine_map<(d0, d1) -> (0, 0)>
#map1 = affine_map<(d0, d1) -> (0, 0, 0)>
module attributes {stable_mosaic.version = 14 : i64} {
  func.func @body(%arg0: i32, %arg1: i32, %arg2: memref<10000x128xf32, #tpu.memory_space<hbm>>, %arg3: memref<1280x128xi32, #tpu.memory_space<hbm>>, %arg4: memref<1280x128xi32, #tpu.memory_space<hbm>>, %arg5: memref<632x128xf32, #tpu.memory_space<hbm>>, %arg6: memref<2x10000x128xf32, #tpu.memory_space<hbm>>, %arg7: memref<128xi32, #tpu.memory_space<vmem>>, %arg8: memref<128xi32, #tpu.memory_space<vmem>>, %arg9: memref<128xi32, #tpu.memory_space<vmem>>, %arg10: memref<128xi32, #tpu.memory_space<vmem>>, %arg11: memref<128x128xf32, #tpu.memory_space<vmem>>, %arg12: memref<128x128xf32, #tpu.memory_space<vmem>>, %arg13: memref<!tpu.dma_semaphore, #tpu.memory_space<semaphore_mem>>, %arg14: memref<!tpu.dma_semaphore, #tpu.memory_space<semaphore_mem>>, %arg15: memref<!tpu.dma_semaphore, #tpu.memory_space<semaphore_mem>>, %arg16: memref<!tpu.dma_semaphore, #tpu.memory_space<semaphore_mem>>, %arg17: memref<10016x128xf32, #tpu.memory_space<vmem_shared>>) attributes {dimension_semantics = [#tpu.dimension_semantics<core_parallel>, #tpu.dimension_semantics<subcore_parallel>], iteration_bounds = array<i64: 2, 16>, scalar_prefetch = 0 : i64, scratch_operands = 11 : i64, tpu.core_type = #tpu.core_type<sc_vector_subcore>, window_params = [{transform_indices = #map}, {transform_indices = #map}, {transform_indices = #map}, {transform_indices = #map}, {transform_indices = #map1}]} {
    %eq3A = arith.constant 0 : i32
    %eq3A_0 = arith.cmpi eq, %arg0, %eq3A : i32
    %jit3A = arith.constant 59 : i32
    %jit3A_1 = arith.constant 21 : i32
    %select_n3A = arith.select %eq3A_0, %jit3A, %jit3A_1 : i32
    %eq3A_2 = arith.constant 0 : i32
    %eq3A_3 = arith.cmpi eq, %arg0, %eq3A_2 : i32
    %mul3A = arith.constant 59 : i32
    %mul3A_4 = arith.muli %arg1, %mul3A : i32
    %mul3A_5 = arith.constant 21 : i32
    %mul3A_6 = arith.muli %arg1, %mul3A_5 : i32
    %add3A = arith.constant 944 : i32
    %add3A_7 = arith.addi %add3A, %mul3A_6 : i32
    %select_n3A_8 = arith.select %eq3A_3, %mul3A_4, %add3A_7 : i32
    %mul3A_9 = arith.constant 632 : i32
    %mul3A_10 = arith.muli %arg1, %mul3A_9 : i32
    %lt3A = arith.constant 15 : i32
    %lt3A_11 = arith.cmpi slt, %arg1, %lt3A : i32
    %convert_element_type3A = arith.extui %lt3A_11 : i1 to i32
    %cond3A = arith.constant 0 : i32
    %cond3A_12 = arith.cmpi ne, %convert_element_type3A, %cond3A : i32
    scf.if %cond3A_12 {
      "tpu.region"() ({
        %run_scoped3A = tpu.sem_alloc : memref<!tpu.dma_semaphore, #tpu.memory_space<semaphore_mem>>
        %dma_start3A_79 = arith.constant 0 : i32
        %dma_start3A_80 = tpu.memref_slice %arg17[%mul3A_10, %dma_start3A_79] : memref<10016x128xf32, #tpu.memory_space<vmem_shared>> -> memref<632x128xf32, #tpu.memory_space<vmem_shared>>
        %dma_start3A_81 = arith.constant 0 : i32
        %dma_start3A_82 = arith.constant 0 : i32
        %dma_start3A_83 = tpu.memref_slice %arg5[%dma_start3A_81, %dma_start3A_82] : memref<632x128xf32, #tpu.memory_space<hbm>> -> memref<632x128xf32, #tpu.memory_space<hbm>>
        tpu.enqueue_dma source(%dma_start3A_83 : memref<632x128xf32, #tpu.memory_space<hbm>>) target(%dma_start3A_80 : memref<632x128xf32, #tpu.memory_space<vmem_shared>>) target_semaphore(%run_scoped3A : memref<!tpu.dma_semaphore, #tpu.memory_space<semaphore_mem>>)
        %dma_wait3A_84 = arith.constant 0 : i32
        %dma_wait3A_85 = tpu.memref_slice %arg17[%mul3A_10, %dma_wait3A_84] : memref<10016x128xf32, #tpu.memory_space<vmem_shared>> -> memref<632x128xf32, #tpu.memory_space<vmem_shared>>
        %dma_wait3A_86 = arith.constant 0 : i32
        %dma_wait3A_87 = arith.constant 0 : i32
        %dma_wait3A_88 = tpu.memref_slice %arg5[%dma_wait3A_86, %dma_wait3A_87] : memref<632x128xf32, #tpu.memory_space<hbm>> -> memref<632x128xf32, #tpu.memory_space<hbm>>
        tpu.wait_dma2 semaphore(%run_scoped3A : memref<!tpu.dma_semaphore, #tpu.memory_space<semaphore_mem>>) src(%dma_wait3A_88 : memref<632x128xf32, #tpu.memory_space<hbm>>) dst(%dma_wait3A_85 : memref<632x128xf32, #tpu.memory_space<vmem_shared>>)
        tpu.yield
      }) : () -> ()
    } else {
    }
    %eq3A_13 = arith.constant 15 : i32
    %eq3A_14 = arith.cmpi eq, %arg1, %eq3A_13 : i32
    %convert_element_type3A_15 = arith.extui %eq3A_14 : i1 to i32
    %cond3A_16 = arith.constant 0 : i32
    %cond3A_17 = arith.cmpi ne, %convert_element_type3A_15, %cond3A_16 : i32
    scf.if %cond3A_17 {
      "tpu.region"() ({
        %run_scoped3A = tpu.sem_alloc : memref<!tpu.dma_semaphore, #tpu.memory_space<semaphore_mem>>
        %dma_start3A_79 = arith.constant 9480 : i32
        %dma_start3A_80 = arith.constant 0 : i32
        %dma_start3A_81 = tpu.memref_slice %arg17[%dma_start3A_79, %dma_start3A_80] : memref<10016x128xf32, #tpu.memory_space<vmem_shared>> -> memref<536x128xf32, #tpu.memory_space<vmem_shared>>
        %dma_start3A_82 = arith.constant 0 : i32
        %dma_start3A_83 = arith.constant 0 : i32
        %dma_start3A_84 = tpu.memref_slice %arg5[%dma_start3A_82, %dma_start3A_83] : memref<632x128xf32, #tpu.memory_space<hbm>> -> memref<536x128xf32, #tpu.memory_space<hbm>>
        tpu.enqueue_dma source(%dma_start3A_84 : memref<536x128xf32, #tpu.memory_space<hbm>>) target(%dma_start3A_81 : memref<536x128xf32, #tpu.memory_space<vmem_shared>>) target_semaphore(%run_scoped3A : memref<!tpu.dma_semaphore, #tpu.memory_space<semaphore_mem>>)
        %dma_wait3A_85 = arith.constant 9480 : i32
        %dma_wait3A_86 = arith.constant 0 : i32
        %dma_wait3A_87 = tpu.memref_slice %arg17[%dma_wait3A_85, %dma_wait3A_86] : memref<10016x128xf32, #tpu.memory_space<vmem_shared>> -> memref<536x128xf32, #tpu.memory_space<vmem_shared>>
        %dma_wait3A_88 = arith.constant 0 : i32
        %dma_wait3A_89 = arith.constant 0 : i32
        %dma_wait3A_90 = tpu.memref_slice %arg5[%dma_wait3A_88, %dma_wait3A_89] : memref<632x128xf32, #tpu.memory_space<hbm>> -> memref<536x128xf32, #tpu.memory_space<hbm>>
        tpu.wait_dma2 semaphore(%run_scoped3A : memref<!tpu.dma_semaphore, #tpu.memory_space<semaphore_mem>>) src(%dma_wait3A_90 : memref<536x128xf32, #tpu.memory_space<hbm>>) dst(%dma_wait3A_87 : memref<536x128xf32, #tpu.memory_space<vmem_shared>>)
        tpu.yield
      }) : () -> ()
    } else {
    }
    %barrier3A = arith.constant 0 : index
    tpu.barrier barrier_id(%barrier3A)
    %add3A_18 = arith.constant 0 : i32
    %add3A_19 = arith.addi %select_n3A_8, %add3A_18 : i32
    %dma_start3A = arith.constant 0 : i32
    %dma_start3A_20 = tpu.memref_slice %arg3[%add3A_19, %dma_start3A] : memref<1280x128xi32, #tpu.memory_space<hbm>> -> memref<1x128xi32, #tpu.memory_space<hbm>>
    %dma_start3A_21 = tpu.memref_squeeze %dma_start3A_20 : memref<1x128xi32, #tpu.memory_space<hbm>> -> memref<128xi32, #tpu.memory_space<hbm>>
    %dma_start3A_22 = arith.constant 0 : i32
    %dma_start3A_23 = tpu.memref_slice %arg3[%add3A_19, %dma_start3A_22] : memref<1280x128xi32, #tpu.memory_space<hbm>> -> memref<1x128xi32, #tpu.memory_space<hbm>>
    %dma_start3A_24 = tpu.memref_squeeze %dma_start3A_23 : memref<1x128xi32, #tpu.memory_space<hbm>> -> memref<128xi32, #tpu.memory_space<hbm>>
    tpu.enqueue_dma source(%dma_start3A_24 : memref<128xi32, #tpu.memory_space<hbm>>) target(%arg7 : memref<128xi32, #tpu.memory_space<vmem>>) target_semaphore(%arg15 : memref<!tpu.dma_semaphore, #tpu.memory_space<semaphore_mem>>)
    %add3A_25 = arith.constant 0 : i32
    %add3A_26 = arith.addi %select_n3A_8, %add3A_25 : i32
    %dma_start3A_27 = arith.constant 0 : i32
    %dma_start3A_28 = tpu.memref_slice %arg4[%add3A_26, %dma_start3A_27] : memref<1280x128xi32, #tpu.memory_space<hbm>> -> memref<1x128xi32, #tpu.memory_space<hbm>>
    %dma_start3A_29 = tpu.memref_squeeze %dma_start3A_28 : memref<1x128xi32, #tpu.memory_space<hbm>> -> memref<128xi32, #tpu.memory_space<hbm>>
    %dma_start3A_30 = arith.constant 0 : i32
    %dma_start3A_31 = tpu.memref_slice %arg4[%add3A_26, %dma_start3A_30] : memref<1280x128xi32, #tpu.memory_space<hbm>> -> memref<1x128xi32, #tpu.memory_space<hbm>>
    %dma_start3A_32 = tpu.memref_squeeze %dma_start3A_31 : memref<1x128xi32, #tpu.memory_space<hbm>> -> memref<128xi32, #tpu.memory_space<hbm>>
    tpu.enqueue_dma source(%dma_start3A_32 : memref<128xi32, #tpu.memory_space<hbm>>) target(%arg9 : memref<128xi32, #tpu.memory_space<vmem>>) target_semaphore(%arg15 : memref<!tpu.dma_semaphore, #tpu.memory_space<semaphore_mem>>)
    %add3A_33 = arith.constant 1 : i32
    %add3A_34 = arith.addi %select_n3A_8, %add3A_33 : i32
    %dma_start3A_35 = arith.constant 0 : i32
    %dma_start3A_36 = tpu.memref_slice %arg3[%add3A_34, %dma_start3A_35] : memref<1280x128xi32, #tpu.memory_space<hbm>> -> memref<1x128xi32, #tpu.memory_space<hbm>>
    %dma_start3A_37 = tpu.memref_squeeze %dma_start3A_36 : memref<1x128xi32, #tpu.memory_space<hbm>> -> memref<128xi32, #tpu.memory_space<hbm>>
    %dma_start3A_38 = arith.constant 0 : i32
    %dma_start3A_39 = tpu.memref_slice %arg3[%add3A_34, %dma_start3A_38] : memref<1280x128xi32, #tpu.memory_space<hbm>> -> memref<1x128xi32, #tpu.memory_space<hbm>>
    %dma_start3A_40 = tpu.memref_squeeze %dma_start3A_39 : memref<1x128xi32, #tpu.memory_space<hbm>> -> memref<128xi32, #tpu.memory_space<hbm>>
    tpu.enqueue_dma source(%dma_start3A_40 : memref<128xi32, #tpu.memory_space<hbm>>) target(%arg8 : memref<128xi32, #tpu.memory_space<vmem>>) target_semaphore(%arg16 : memref<!tpu.dma_semaphore, #tpu.memory_space<semaphore_mem>>)
    %add3A_41 = arith.constant 1 : i32
    %add3A_42 = arith.addi %select_n3A_8, %add3A_41 : i32
    %dma_start3A_43 = arith.constant 0 : i32
    %dma_start3A_44 = tpu.memref_slice %arg4[%add3A_42, %dma_start3A_43] : memref<1280x128xi32, #tpu.memory_space<hbm>> -> memref<1x128xi32, #tpu.memory_space<hbm>>
    %dma_start3A_45 = tpu.memref_squeeze %dma_start3A_44 : memref<1x128xi32, #tpu.memory_space<hbm>> -> memref<128xi32, #tpu.memory_space<hbm>>
    %dma_start3A_46 = arith.constant 0 : i32
    %dma_start3A_47 = tpu.memref_slice %arg4[%add3A_42, %dma_start3A_46] : memref<1280x128xi32, #tpu.memory_space<hbm>> -> memref<1x128xi32, #tpu.memory_space<hbm>>
    %dma_start3A_48 = tpu.memref_squeeze %dma_start3A_47 : memref<1x128xi32, #tpu.memory_space<hbm>> -> memref<128xi32, #tpu.memory_space<hbm>>
    tpu.enqueue_dma source(%dma_start3A_48 : memref<128xi32, #tpu.memory_space<hbm>>) target(%arg10 : memref<128xi32, #tpu.memory_space<vmem>>) target_semaphore(%arg16 : memref<!tpu.dma_semaphore, #tpu.memory_space<semaphore_mem>>)
    %dma_wait3A = arith.constant 0 : i32
    %dma_wait3A_49 = tpu.memref_slice %arg3[%select_n3A_8, %dma_wait3A] : memref<1280x128xi32, #tpu.memory_space<hbm>> -> memref<1x128xi32, #tpu.memory_space<hbm>>
    %dma_wait3A_50 = tpu.memref_squeeze %dma_wait3A_49 : memref<1x128xi32, #tpu.memory_space<hbm>> -> memref<128xi32, #tpu.memory_space<hbm>>
    %dma_wait3A_51 = arith.constant 0 : i32
    %dma_wait3A_52 = tpu.memref_slice %arg3[%select_n3A_8, %dma_wait3A_51] : memref<1280x128xi32, #tpu.memory_space<hbm>> -> memref<1x128xi32, #tpu.memory_space<hbm>>
    %dma_wait3A_53 = tpu.memref_squeeze %dma_wait3A_52 : memref<1x128xi32, #tpu.memory_space<hbm>> -> memref<128xi32, #tpu.memory_space<hbm>>
    tpu.wait_dma2 semaphore(%arg15 : memref<!tpu.dma_semaphore, #tpu.memory_space<semaphore_mem>>) src(%dma_wait3A_53 : memref<128xi32, #tpu.memory_space<hbm>>) dst(%arg7 : memref<128xi32, #tpu.memory_space<vmem>>)
    %dma_wait3A_54 = arith.constant 0 : i32
    %dma_wait3A_55 = tpu.memref_slice %arg4[%select_n3A_8, %dma_wait3A_54] : memref<1280x128xi32, #tpu.memory_space<hbm>> -> memref<1x128xi32, #tpu.memory_space<hbm>>
    %dma_wait3A_56 = tpu.memref_squeeze %dma_wait3A_55 : memref<1x128xi32, #tpu.memory_space<hbm>> -> memref<128xi32, #tpu.memory_space<hbm>>
    %dma_wait3A_57 = arith.constant 0 : i32
    %dma_wait3A_58 = tpu.memref_slice %arg4[%select_n3A_8, %dma_wait3A_57] : memref<1280x128xi32, #tpu.memory_space<hbm>> -> memref<1x128xi32, #tpu.memory_space<hbm>>
    %dma_wait3A_59 = tpu.memref_squeeze %dma_wait3A_58 : memref<1x128xi32, #tpu.memory_space<hbm>> -> memref<128xi32, #tpu.memory_space<hbm>>
    tpu.wait_dma2 semaphore(%arg15 : memref<!tpu.dma_semaphore, #tpu.memory_space<semaphore_mem>>) src(%dma_wait3A_59 : memref<128xi32, #tpu.memory_space<hbm>>) dst(%arg9 : memref<128xi32, #tpu.memory_space<vmem>>)
    %dma_start3A_60 = arith.constant 0 : i32
    %dma_start3A_61 = arith.constant 0 : i32
    %dma_start3A_62 = tpu.memref_slice %arg2[%dma_start3A_60, %dma_start3A_61] : memref<10000x128xf32, #tpu.memory_space<hbm>> -> memref<10000x128xf32, #tpu.memory_space<hbm>>
    tpu.enqueue_indirect_dma source(%dma_start3A_62 : memref<10000x128xf32, #tpu.memory_space<hbm>>) target(%arg11 : memref<128x128xf32, #tpu.memory_space<vmem>>) offsets(%arg7 : memref<128xi32, #tpu.memory_space<vmem>>) semaphore(%arg13 : memref<!tpu.dma_semaphore, #tpu.memory_space<semaphore_mem>>)
    %scan3A = arith.constant 0 : i32
    %scan3A_63 = arith.constant 0 : i32
    %scan3A_64 = arith.constant 30 : i32
    %scan3A_65 = arith.addi %scan3A_63, %scan3A_64 : i32
    %scan3A_66 = arith.constant 1 : i32
    scf.for %scan3A_79 = %scan3A_63 to %scan3A_65 step %scan3A_66  : i32 {
      %mul3A_80 = arith.constant 2 : i32
      %mul3A_81 = arith.muli %scan3A_79, %mul3A_80 : i32
      %add3A_82 = arith.constant 0 : i32
      %add3A_83 = arith.addi %mul3A_81, %add3A_82 : i32
      %lt3A_84 = arith.cmpi slt, %add3A_83, %select_n3A : i32
      %convert_element_type3A_85 = arith.extui %lt3A_84 : i1 to i32
      %cond3A_86 = arith.constant 0 : i32
      %cond3A_87 = arith.cmpi ne, %convert_element_type3A_85, %cond3A_86 : i32
      scf.if %cond3A_87 {
        %add3A_96 = arith.constant 1 : i32
        %add3A_97 = arith.addi %add3A_83, %add3A_96 : i32
        %lt3A_98 = arith.cmpi slt, %add3A_97, %select_n3A : i32
        %convert_element_type3A_99 = arith.extui %lt3A_98 : i1 to i32
        %cond3A_100 = arith.constant 0 : i32
        %cond3A_101 = arith.cmpi ne, %convert_element_type3A_99, %cond3A_100 : i32
        scf.if %cond3A_101 {
          %dma_wait3A_111 = arith.constant 0 : i32
          %dma_wait3A_112 = tpu.memref_slice %arg3[%select_n3A_8, %dma_wait3A_111] : memref<1280x128xi32, #tpu.memory_space<hbm>> -> memref<1x128xi32, #tpu.memory_space<hbm>>
          %dma_wait3A_113 = tpu.memref_squeeze %dma_wait3A_112 : memref<1x128xi32, #tpu.memory_space<hbm>> -> memref<128xi32, #tpu.memory_space<hbm>>
          %dma_wait3A_114 = arith.constant 0 : i32
          %dma_wait3A_115 = tpu.memref_slice %arg3[%select_n3A_8, %dma_wait3A_114] : memref<1280x128xi32, #tpu.memory_space<hbm>> -> memref<1x128xi32, #tpu.memory_space<hbm>>
          %dma_wait3A_116 = tpu.memref_squeeze %dma_wait3A_115 : memref<1x128xi32, #tpu.memory_space<hbm>> -> memref<128xi32, #tpu.memory_space<hbm>>
          tpu.wait_dma2 semaphore(%arg16 : memref<!tpu.dma_semaphore, #tpu.memory_space<semaphore_mem>>) src(%dma_wait3A_116 : memref<128xi32, #tpu.memory_space<hbm>>) dst(%arg8 : memref<128xi32, #tpu.memory_space<vmem>>)
          %dma_wait3A_117 = arith.constant 0 : i32
          %dma_wait3A_118 = tpu.memref_slice %arg4[%select_n3A_8, %dma_wait3A_117] : memref<1280x128xi32, #tpu.memory_space<hbm>> -> memref<1x128xi32, #tpu.memory_space<hbm>>
          %dma_wait3A_119 = tpu.memref_squeeze %dma_wait3A_118 : memref<1x128xi32, #tpu.memory_space<hbm>> -> memref<128xi32, #tpu.memory_space<hbm>>
          %dma_wait3A_120 = arith.constant 0 : i32
          %dma_wait3A_121 = tpu.memref_slice %arg4[%select_n3A_8, %dma_wait3A_120] : memref<1280x128xi32, #tpu.memory_space<hbm>> -> memref<1x128xi32, #tpu.memory_space<hbm>>
          %dma_wait3A_122 = tpu.memref_squeeze %dma_wait3A_121 : memref<1x128xi32, #tpu.memory_space<hbm>> -> memref<128xi32, #tpu.memory_space<hbm>>
          tpu.wait_dma2 semaphore(%arg16 : memref<!tpu.dma_semaphore, #tpu.memory_space<semaphore_mem>>) src(%dma_wait3A_122 : memref<128xi32, #tpu.memory_space<hbm>>) dst(%arg10 : memref<128xi32, #tpu.memory_space<vmem>>)
          %dma_start3A_123 = arith.constant 0 : i32
          %dma_start3A_124 = arith.constant 0 : i32
          %dma_start3A_125 = tpu.memref_slice %arg2[%dma_start3A_123, %dma_start3A_124] : memref<10000x128xf32, #tpu.memory_space<hbm>> -> memref<10000x128xf32, #tpu.memory_space<hbm>>
          tpu.enqueue_indirect_dma source(%dma_start3A_125 : memref<10000x128xf32, #tpu.memory_space<hbm>>) target(%arg12 : memref<128x128xf32, #tpu.memory_space<vmem>>) offsets(%arg8 : memref<128xi32, #tpu.memory_space<vmem>>) semaphore(%arg14 : memref<!tpu.dma_semaphore, #tpu.memory_space<semaphore_mem>>)
        } else {
        }
        %dma_wait3A_102 = arith.constant 0 : i32
        %dma_wait3A_103 = arith.constant 0 : i32
        %dma_wait3A_104 = tpu.memref_slice %arg2[%dma_wait3A_102, %dma_wait3A_103] : memref<10000x128xf32, #tpu.memory_space<hbm>> -> memref<10000x128xf32, #tpu.memory_space<hbm>>
        tpu.wait_indirect_dma semaphore(%arg13 : memref<!tpu.dma_semaphore, #tpu.memory_space<semaphore_mem>>) src(%dma_wait3A_104 : memref<10000x128xf32, #tpu.memory_space<hbm>>) dst(%arg11 : memref<128x128xf32, #tpu.memory_space<vmem>>)
        "tpu.region"() ({
          %run_scoped3A = tpu.sem_alloc : memref<!tpu.dma_semaphore, #tpu.memory_space<semaphore_mem>>
          %dma_start3A_111 = arith.constant 0 : i32
          %dma_start3A_112 = arith.constant 0 : i32
          %dma_start3A_113 = tpu.memref_slice %arg17[%dma_start3A_111, %dma_start3A_112] : memref<10016x128xf32, #tpu.memory_space<vmem_shared>> -> memref<10016x128xf32, #tpu.memory_space<vmem_shared>>
          tpu.enqueue_indirect_dma source(%arg11 : memref<128x128xf32, #tpu.memory_space<vmem>>) target(%dma_start3A_113 : memref<10016x128xf32, #tpu.memory_space<vmem_shared>>) offsets(%arg9 : memref<128xi32, #tpu.memory_space<vmem>>) semaphore(%run_scoped3A : memref<!tpu.dma_semaphore, #tpu.memory_space<semaphore_mem>>) {add = true}
          %dma_wait3A_114 = arith.constant 0 : i32
          %dma_wait3A_115 = arith.constant 0 : i32
          %dma_wait3A_116 = tpu.memref_slice %arg17[%dma_wait3A_114, %dma_wait3A_115] : memref<10016x128xf32, #tpu.memory_space<vmem_shared>> -> memref<10016x128xf32, #tpu.memory_space<vmem_shared>>
          tpu.wait_indirect_dma semaphore(%run_scoped3A : memref<!tpu.dma_semaphore, #tpu.memory_space<semaphore_mem>>) src(%arg11 : memref<128x128xf32, #tpu.memory_space<vmem>>) dst(%dma_wait3A_116 : memref<10016x128xf32, #tpu.memory_space<vmem_shared>>)
          tpu.yield
        }) : () -> ()
        %add3A_105 = arith.constant 2 : i32
        %add3A_106 = arith.addi %add3A_83, %add3A_105 : i32
        %lt3A_107 = arith.cmpi slt, %add3A_106, %select_n3A : i32
        %convert_element_type3A_108 = arith.extui %lt3A_107 : i1 to i32
        %cond3A_109 = arith.constant 0 : i32
        %cond3A_110 = arith.cmpi ne, %convert_element_type3A_108, %cond3A_109 : i32
        scf.if %cond3A_110 {
          %add3A_111 = arith.constant 2 : i32
          %add3A_112 = arith.addi %add3A_83, %add3A_111 : i32
          %add3A_113 = arith.addi %select_n3A_8, %add3A_112 : i32
          %dma_start3A_114 = arith.constant 0 : i32
          %dma_start3A_115 = tpu.memref_slice %arg3[%add3A_113, %dma_start3A_114] : memref<1280x128xi32, #tpu.memory_space<hbm>> -> memref<1x128xi32, #tpu.memory_space<hbm>>
          %dma_start3A_116 = tpu.memref_squeeze %dma_start3A_115 : memref<1x128xi32, #tpu.memory_space<hbm>> -> memref<128xi32, #tpu.memory_space<hbm>>
          %dma_start3A_117 = arith.constant 0 : i32
          %dma_start3A_118 = tpu.memref_slice %arg3[%add3A_113, %dma_start3A_117] : memref<1280x128xi32, #tpu.memory_space<hbm>> -> memref<1x128xi32, #tpu.memory_space<hbm>>
          %dma_start3A_119 = tpu.memref_squeeze %dma_start3A_118 : memref<1x128xi32, #tpu.memory_space<hbm>> -> memref<128xi32, #tpu.memory_space<hbm>>
          tpu.enqueue_dma source(%dma_start3A_119 : memref<128xi32, #tpu.memory_space<hbm>>) target(%arg7 : memref<128xi32, #tpu.memory_space<vmem>>) target_semaphore(%arg15 : memref<!tpu.dma_semaphore, #tpu.memory_space<semaphore_mem>>)
          %add3A_120 = arith.addi %select_n3A_8, %add3A_112 : i32
          %dma_start3A_121 = arith.constant 0 : i32
          %dma_start3A_122 = tpu.memref_slice %arg4[%add3A_120, %dma_start3A_121] : memref<1280x128xi32, #tpu.memory_space<hbm>> -> memref<1x128xi32, #tpu.memory_space<hbm>>
          %dma_start3A_123 = tpu.memref_squeeze %dma_start3A_122 : memref<1x128xi32, #tpu.memory_space<hbm>> -> memref<128xi32, #tpu.memory_space<hbm>>
          %dma_start3A_124 = arith.constant 0 : i32
          %dma_start3A_125 = tpu.memref_slice %arg4[%add3A_120, %dma_start3A_124] : memref<1280x128xi32, #tpu.memory_space<hbm>> -> memref<1x128xi32, #tpu.memory_space<hbm>>
          %dma_start3A_126 = tpu.memref_squeeze %dma_start3A_125 : memref<1x128xi32, #tpu.memory_space<hbm>> -> memref<128xi32, #tpu.memory_space<hbm>>
          tpu.enqueue_dma source(%dma_start3A_126 : memref<128xi32, #tpu.memory_space<hbm>>) target(%arg9 : memref<128xi32, #tpu.memory_space<vmem>>) target_semaphore(%arg15 : memref<!tpu.dma_semaphore, #tpu.memory_space<semaphore_mem>>)
        } else {
        }
      } else {
      }
      %mul3A_88 = arith.constant 2 : i32
      %mul3A_89 = arith.muli %scan3A_79, %mul3A_88 : i32
      %add3A_90 = arith.constant 1 : i32
      %add3A_91 = arith.addi %mul3A_89, %add3A_90 : i32
      %lt3A_92 = arith.cmpi slt, %add3A_91, %select_n3A : i32
      %convert_element_type3A_93 = arith.extui %lt3A_92 : i1 to i32
      %cond3A_94 = arith.constant 0 : i32
      %cond3A_95 = arith.cmpi ne, %convert_element_type3A_93, %cond3A_94 : i32
      scf.if %cond3A_95 {
        %add3A_96 = arith.constant 1 : i32
        %add3A_97 = arith.addi %add3A_91, %add3A_96 : i32
        %lt3A_98 = arith.cmpi slt, %add3A_97, %select_n3A : i32
        %convert_element_type3A_99 = arith.extui %lt3A_98 : i1 to i32
        %cond3A_100 = arith.constant 0 : i32
        %cond3A_101 = arith.cmpi ne, %convert_element_type3A_99, %cond3A_100 : i32
        scf.if %cond3A_101 {
          %dma_wait3A_111 = arith.constant 0 : i32
          %dma_wait3A_112 = tpu.memref_slice %arg3[%select_n3A_8, %dma_wait3A_111] : memref<1280x128xi32, #tpu.memory_space<hbm>> -> memref<1x128xi32, #tpu.memory_space<hbm>>
          %dma_wait3A_113 = tpu.memref_squeeze %dma_wait3A_112 : memref<1x128xi32, #tpu.memory_space<hbm>> -> memref<128xi32, #tpu.memory_space<hbm>>
          %dma_wait3A_114 = arith.constant 0 : i32
          %dma_wait3A_115 = tpu.memref_slice %arg3[%select_n3A_8, %dma_wait3A_114] : memref<1280x128xi32, #tpu.memory_space<hbm>> -> memref<1x128xi32, #tpu.memory_space<hbm>>
          %dma_wait3A_116 = tpu.memref_squeeze %dma_wait3A_115 : memref<1x128xi32, #tpu.memory_space<hbm>> -> memref<128xi32, #tpu.memory_space<hbm>>
          tpu.wait_dma2 semaphore(%arg15 : memref<!tpu.dma_semaphore, #tpu.memory_space<semaphore_mem>>) src(%dma_wait3A_116 : memref<128xi32, #tpu.memory_space<hbm>>) dst(%arg7 : memref<128xi32, #tpu.memory_space<vmem>>)
          %dma_wait3A_117 = arith.constant 0 : i32
          %dma_wait3A_118 = tpu.memref_slice %arg4[%select_n3A_8, %dma_wait3A_117] : memref<1280x128xi32, #tpu.memory_space<hbm>> -> memref<1x128xi32, #tpu.memory_space<hbm>>
          %dma_wait3A_119 = tpu.memref_squeeze %dma_wait3A_118 : memref<1x128xi32, #tpu.memory_space<hbm>> -> memref<128xi32, #tpu.memory_space<hbm>>
          %dma_wait3A_120 = arith.constant 0 : i32
          %dma_wait3A_121 = tpu.memref_slice %arg4[%select_n3A_8, %dma_wait3A_120] : memref<1280x128xi32, #tpu.memory_space<hbm>> -> memref<1x128xi32, #tpu.memory_space<hbm>>
          %dma_wait3A_122 = tpu.memref_squeeze %dma_wait3A_121 : memref<1x128xi32, #tpu.memory_space<hbm>> -> memref<128xi32, #tpu.memory_space<hbm>>
          tpu.wait_dma2 semaphore(%arg15 : memref<!tpu.dma_semaphore, #tpu.memory_space<semaphore_mem>>) src(%dma_wait3A_122 : memref<128xi32, #tpu.memory_space<hbm>>) dst(%arg9 : memref<128xi32, #tpu.memory_space<vmem>>)
          %dma_start3A_123 = arith.constant 0 : i32
          %dma_start3A_124 = arith.constant 0 : i32
          %dma_start3A_125 = tpu.memref_slice %arg2[%dma_start3A_123, %dma_start3A_124] : memref<10000x128xf32, #tpu.memory_space<hbm>> -> memref<10000x128xf32, #tpu.memory_space<hbm>>
          tpu.enqueue_indirect_dma source(%dma_start3A_125 : memref<10000x128xf32, #tpu.memory_space<hbm>>) target(%arg11 : memref<128x128xf32, #tpu.memory_space<vmem>>) offsets(%arg7 : memref<128xi32, #tpu.memory_space<vmem>>) semaphore(%arg13 : memref<!tpu.dma_semaphore, #tpu.memory_space<semaphore_mem>>)
        } else {
        }
        %dma_wait3A_102 = arith.constant 0 : i32
        %dma_wait3A_103 = arith.constant 0 : i32
        %dma_wait3A_104 = tpu.memref_slice %arg2[%dma_wait3A_102, %dma_wait3A_103] : memref<10000x128xf32, #tpu.memory_space<hbm>> -> memref<10000x128xf32, #tpu.memory_space<hbm>>
        tpu.wait_indirect_dma semaphore(%arg14 : memref<!tpu.dma_semaphore, #tpu.memory_space<semaphore_mem>>) src(%dma_wait3A_104 : memref<10000x128xf32, #tpu.memory_space<hbm>>) dst(%arg12 : memref<128x128xf32, #tpu.memory_space<vmem>>)
        "tpu.region"() ({
          %run_scoped3A = tpu.sem_alloc : memref<!tpu.dma_semaphore, #tpu.memory_space<semaphore_mem>>
          %dma_start3A_111 = arith.constant 0 : i32
          %dma_start3A_112 = arith.constant 0 : i32
          %dma_start3A_113 = tpu.memref_slice %arg17[%dma_start3A_111, %dma_start3A_112] : memref<10016x128xf32, #tpu.memory_space<vmem_shared>> -> memref<10016x128xf32, #tpu.memory_space<vmem_shared>>
          tpu.enqueue_indirect_dma source(%arg12 : memref<128x128xf32, #tpu.memory_space<vmem>>) target(%dma_start3A_113 : memref<10016x128xf32, #tpu.memory_space<vmem_shared>>) offsets(%arg10 : memref<128xi32, #tpu.memory_space<vmem>>) semaphore(%run_scoped3A : memref<!tpu.dma_semaphore, #tpu.memory_space<semaphore_mem>>) {add = true}
          %dma_wait3A_114 = arith.constant 0 : i32
          %dma_wait3A_115 = arith.constant 0 : i32
          %dma_wait3A_116 = tpu.memref_slice %arg17[%dma_wait3A_114, %dma_wait3A_115] : memref<10016x128xf32, #tpu.memory_space<vmem_shared>> -> memref<10016x128xf32, #tpu.memory_space<vmem_shared>>
          tpu.wait_indirect_dma semaphore(%run_scoped3A : memref<!tpu.dma_semaphore, #tpu.memory_space<semaphore_mem>>) src(%arg12 : memref<128x128xf32, #tpu.memory_space<vmem>>) dst(%dma_wait3A_116 : memref<10016x128xf32, #tpu.memory_space<vmem_shared>>)
          tpu.yield
        }) : () -> ()
        %add3A_105 = arith.constant 2 : i32
        %add3A_106 = arith.addi %add3A_91, %add3A_105 : i32
        %lt3A_107 = arith.cmpi slt, %add3A_106, %select_n3A : i32
        %convert_element_type3A_108 = arith.extui %lt3A_107 : i1 to i32
        %cond3A_109 = arith.constant 0 : i32
        %cond3A_110 = arith.cmpi ne, %convert_element_type3A_108, %cond3A_109 : i32
        scf.if %cond3A_110 {
          %add3A_111 = arith.constant 2 : i32
          %add3A_112 = arith.addi %add3A_91, %add3A_111 : i32
          %add3A_113 = arith.addi %select_n3A_8, %add3A_112 : i32
          %dma_start3A_114 = arith.constant 0 : i32
          %dma_start3A_115 = tpu.memref_slice %arg3[%add3A_113, %dma_start3A_114] : memref<1280x128xi32, #tpu.memory_space<hbm>> -> memref<1x128xi32, #tpu.memory_space<hbm>>
          %dma_start3A_116 = tpu.memref_squeeze %dma_start3A_115 : memref<1x128xi32, #tpu.memory_space<hbm>> -> memref<128xi32, #tpu.memory_space<hbm>>
          %dma_start3A_117 = arith.constant 0 : i32
          %dma_start3A_118 = tpu.memref_slice %arg3[%add3A_113, %dma_start3A_117] : memref<1280x128xi32, #tpu.memory_space<hbm>> -> memref<1x128xi32, #tpu.memory_space<hbm>>
          %dma_start3A_119 = tpu.memref_squeeze %dma_start3A_118 : memref<1x128xi32, #tpu.memory_space<hbm>> -> memref<128xi32, #tpu.memory_space<hbm>>
          tpu.enqueue_dma source(%dma_start3A_119 : memref<128xi32, #tpu.memory_space<hbm>>) target(%arg8 : memref<128xi32, #tpu.memory_space<vmem>>) target_semaphore(%arg16 : memref<!tpu.dma_semaphore, #tpu.memory_space<semaphore_mem>>)
          %add3A_120 = arith.addi %select_n3A_8, %add3A_112 : i32
          %dma_start3A_121 = arith.constant 0 : i32
          %dma_start3A_122 = tpu.memref_slice %arg4[%add3A_120, %dma_start3A_121] : memref<1280x128xi32, #tpu.memory_space<hbm>> -> memref<1x128xi32, #tpu.memory_space<hbm>>
          %dma_start3A_123 = tpu.memref_squeeze %dma_start3A_122 : memref<1x128xi32, #tpu.memory_space<hbm>> -> memref<128xi32, #tpu.memory_space<hbm>>
          %dma_start3A_124 = arith.constant 0 : i32
          %dma_start3A_125 = tpu.memref_slice %arg4[%add3A_120, %dma_start3A_124] : memref<1280x128xi32, #tpu.memory_space<hbm>> -> memref<1x128xi32, #tpu.memory_space<hbm>>
          %dma_start3A_126 = tpu.memref_squeeze %dma_start3A_125 : memref<1x128xi32, #tpu.memory_space<hbm>> -> memref<128xi32, #tpu.memory_space<hbm>>
          tpu.enqueue_dma source(%dma_start3A_126 : memref<128xi32, #tpu.memory_space<hbm>>) target(%arg10 : memref<128xi32, #tpu.memory_space<vmem>>) target_semaphore(%arg16 : memref<!tpu.dma_semaphore, #tpu.memory_space<semaphore_mem>>)
        } else {
        }
      } else {
      }
    }
    %scan3A_67 = arith.constant 30 : i32
    %barrier3A_68 = arith.constant 0 : index
    tpu.barrier barrier_id(%barrier3A_68)
    %lt3A_69 = arith.constant 15 : i32
    %lt3A_70 = arith.cmpi slt, %arg1, %lt3A_69 : i32
    %convert_element_type3A_71 = arith.extui %lt3A_70 : i1 to i32
    %cond3A_72 = arith.constant 0 : i32
    %cond3A_73 = arith.cmpi ne, %convert_element_type3A_71, %cond3A_72 : i32
    scf.if %cond3A_73 {
      "tpu.region"() ({
        %run_scoped3A = tpu.sem_alloc : memref<!tpu.dma_semaphore, #tpu.memory_space<semaphore_mem>>
        %dma_start3A_79 = arith.constant 0 : i32
        %dma_start3A_80 = tpu.memref_slice %arg6[%arg0, %mul3A_10, %dma_start3A_79] : memref<2x10000x128xf32, #tpu.memory_space<hbm>> -> memref<1x632x128xf32, #tpu.memory_space<hbm>>
        %dma_start3A_81 = tpu.memref_squeeze %dma_start3A_80 : memref<1x632x128xf32, #tpu.memory_space<hbm>> -> memref<632x128xf32, #tpu.memory_space<hbm>>
        %dma_start3A_82 = arith.constant 0 : i32
        %dma_start3A_83 = tpu.memref_slice %arg17[%mul3A_10, %dma_start3A_82] : memref<10016x128xf32, #tpu.memory_space<vmem_shared>> -> memref<632x128xf32, #tpu.memory_space<vmem_shared>>
        tpu.enqueue_dma source(%dma_start3A_83 : memref<632x128xf32, #tpu.memory_space<vmem_shared>>) target(%dma_start3A_81 : memref<632x128xf32, #tpu.memory_space<hbm>>) target_semaphore(%run_scoped3A : memref<!tpu.dma_semaphore, #tpu.memory_space<semaphore_mem>>)
        %dma_wait3A_84 = arith.constant 0 : i32
        %dma_wait3A_85 = tpu.memref_slice %arg6[%arg0, %mul3A_10, %dma_wait3A_84] : memref<2x10000x128xf32, #tpu.memory_space<hbm>> -> memref<1x632x128xf32, #tpu.memory_space<hbm>>
        %dma_wait3A_86 = tpu.memref_squeeze %dma_wait3A_85 : memref<1x632x128xf32, #tpu.memory_space<hbm>> -> memref<632x128xf32, #tpu.memory_space<hbm>>
        %dma_wait3A_87 = arith.constant 0 : i32
        %dma_wait3A_88 = tpu.memref_slice %arg17[%mul3A_10, %dma_wait3A_87] : memref<10016x128xf32, #tpu.memory_space<vmem_shared>> -> memref<632x128xf32, #tpu.memory_space<vmem_shared>>
        tpu.wait_dma2 semaphore(%run_scoped3A : memref<!tpu.dma_semaphore, #tpu.memory_space<semaphore_mem>>) src(%dma_wait3A_88 : memref<632x128xf32, #tpu.memory_space<vmem_shared>>) dst(%dma_wait3A_86 : memref<632x128xf32, #tpu.memory_space<hbm>>)
        tpu.yield
      }) : () -> ()
    } else {
    }
    %eq3A_74 = arith.constant 15 : i32
    %eq3A_75 = arith.cmpi eq, %arg1, %eq3A_74 : i32
    %convert_element_type3A_76 = arith.extui %eq3A_75 : i1 to i32
    %cond3A_77 = arith.constant 0 : i32
    %cond3A_78 = arith.cmpi ne, %convert_element_type3A_76, %cond3A_77 : i32
    scf.if %cond3A_78 {
      "tpu.region"() ({
        %run_scoped3A = tpu.sem_alloc : memref<!tpu.dma_semaphore, #tpu.memory_space<semaphore_mem>>
        %dma_start3A_79 = arith.constant 9480 : i32
        %dma_start3A_80 = arith.constant 0 : i32
        %dma_start3A_81 = tpu.memref_slice %arg6[%arg0, %dma_start3A_79, %dma_start3A_80] : memref<2x10000x128xf32, #tpu.memory_space<hbm>> -> memref<1x520x128xf32, #tpu.memory_space<hbm>>
        %dma_start3A_82 = tpu.memref_squeeze %dma_start3A_81 : memref<1x520x128xf32, #tpu.memory_space<hbm>> -> memref<520x128xf32, #tpu.memory_space<hbm>>
        %dma_start3A_83 = arith.constant 9480 : i32
        %dma_start3A_84 = arith.constant 0 : i32
        %dma_start3A_85 = tpu.memref_slice %arg17[%dma_start3A_83, %dma_start3A_84] : memref<10016x128xf32, #tpu.memory_space<vmem_shared>> -> memref<520x128xf32, #tpu.memory_space<vmem_shared>>
        tpu.enqueue_dma source(%dma_start3A_85 : memref<520x128xf32, #tpu.memory_space<vmem_shared>>) target(%dma_start3A_82 : memref<520x128xf32, #tpu.memory_space<hbm>>) target_semaphore(%run_scoped3A : memref<!tpu.dma_semaphore, #tpu.memory_space<semaphore_mem>>)
        %dma_wait3A_86 = arith.constant 9480 : i32
        %dma_wait3A_87 = arith.constant 0 : i32
        %dma_wait3A_88 = tpu.memref_slice %arg6[%arg0, %dma_wait3A_86, %dma_wait3A_87] : memref<2x10000x128xf32, #tpu.memory_space<hbm>> -> memref<1x520x128xf32, #tpu.memory_space<hbm>>
        %dma_wait3A_89 = tpu.memref_squeeze %dma_wait3A_88 : memref<1x520x128xf32, #tpu.memory_space<hbm>> -> memref<520x128xf32, #tpu.memory_space<hbm>>
        %dma_wait3A_90 = arith.constant 9480 : i32
        %dma_wait3A_91 = arith.constant 0 : i32
        %dma_wait3A_92 = tpu.memref_slice %arg17[%dma_wait3A_90, %dma_wait3A_91] : memref<10016x128xf32, #tpu.memory_space<vmem_shared>> -> memref<520x128xf32, #tpu.memory_space<vmem_shared>>
        tpu.wait_dma2 semaphore(%run_scoped3A : memref<!tpu.dma_semaphore, #tpu.memory_space<semaphore_mem>>) src(%dma_wait3A_92 : memref<520x128xf32, #tpu.memory_space<vmem_shared>>) dst(%dma_wait3A_89 : memref<520x128xf32, #tpu.memory_space<hbm>>)
        tpu.yield
      }) : () -> ()
    } else {
    }
    return
  }
}

module attributes {stable_mosaic.version = 14 : i64} {
  func.func @_k1_body(%arg0: i32, %arg1: memref<1000x256xf32, #tpu.memory_space<vmem>>, %arg2: memref<256x128xf32, #tpu.memory_space<vmem>>, %arg3: memref<256x128xf32, #tpu.memory_space<vmem>>, %arg4: memref<1000x128xf32, #tpu.memory_space<vmem>>, %arg5: memref<1000x128xf32, #tpu.memory_space<vmem>>) attributes {dimension_semantics = [#tpu.dimension_semantics<arbitrary>], iteration_bounds = array<i64: 10>, scalar_prefetch = 0 : i64, scratch_operands = 0 : i64, tpu.core_type = #tpu.core_type<tc>, window_params = [{transform_indices = @transform_0, window_bounds = array<i64: 1000, 256>}, {pipeline_mode = #tpu.pipeline_mode<synchronous>, transform_indices = @transform_1, window_bounds = array<i64: 256, 128>}, {pipeline_mode = #tpu.pipeline_mode<synchronous>, transform_indices = @transform_2, window_bounds = array<i64: 256, 128>}, {transform_indices = @transform_3, window_bounds = array<i64: 1000, 128>}, {transform_indices = @transform_4, window_bounds = array<i64: 1000, 128>}]} {
    %get3A = arith.constant 0 : index
    %get3A_0 = arith.constant 0 : index
    %get3A_1 = vector.load %arg1[%get3A, %get3A_0] : memref<1000x256xf32, #tpu.memory_space<vmem>>, vector<1000x256xf32>
    %get3A_2 = arith.constant 0 : index
    %get3A_3 = arith.constant 0 : index
    %get3A_4 = vector.load %arg2[%get3A_2, %get3A_3] : memref<256x128xf32, #tpu.memory_space<vmem>>, vector<256x128xf32>
    %dot_general3A = arith.constant dense<0.000000e+00> : vector<1000x128xf32>
    %dot_general3A_5 = tpu.matmul %get3A_1, %get3A_4, %dot_general3A {dimension_numbers = #tpu.dot_dimension_numbers<[1], [0], [0], [1], [0, 0, 1, 1], [], []>, transpose_lhs_hint = false} : vector<1000x256xf32>, vector<256x128xf32>, vector<1000x128xf32> -> vector<1000x128xf32>
    %swap3A = arith.constant 0 : index
    %swap3A_6 = arith.constant 0 : index
    %swap3A_7 = vector.load %arg4[%swap3A, %swap3A_6] : memref<1000x128xf32, #tpu.memory_space<vmem>>, vector<1000x128xf32>
    tpu.vector_store %arg4[%swap3A, %swap3A_6], %dot_general3A_5 {strides = array<i32>} : memref<1000x128xf32, #tpu.memory_space<vmem>>, vector<1000x128xf32>,
    %get3A_8 = arith.constant 0 : index
    %get3A_9 = arith.constant 0 : index
    %get3A_10 = vector.load %arg3[%get3A_8, %get3A_9] : memref<256x128xf32, #tpu.memory_space<vmem>>, vector<256x128xf32>
    %dot_general3A_11 = arith.constant dense<0.000000e+00> : vector<1000x128xf32>
    %dot_general3A_12 = tpu.matmul %get3A_1, %get3A_10, %dot_general3A_11 {dimension_numbers = #tpu.dot_dimension_numbers<[1], [0], [0], [1], [0, 0, 1, 1], [], []>, transpose_lhs_hint = false} : vector<1000x256xf32>, vector<256x128xf32>, vector<1000x128xf32> -> vector<1000x128xf32>
    %swap3A_13 = arith.constant 0 : index
    %swap3A_14 = arith.constant 0 : index
    %swap3A_15 = vector.load %arg5[%swap3A_13, %swap3A_14] : memref<1000x128xf32, #tpu.memory_space<vmem>>, vector<1000x128xf32>
    tpu.vector_store %arg5[%swap3A_13, %swap3A_14], %dot_general3A_12 {strides = array<i32>} : memref<1000x128xf32, #tpu.memory_space<vmem>>, vector<1000x128xf32>,
    return
  }
  func.func @transform_0(%arg0: i32) -> (i32, i32) {
    %c0_i32 = arith.constant 0 : i32
    %c0_i32_0 = arith.constant 0 : i32
    return %arg0, %c0_i32 : i32, i32
  }
  func.func @transform_1(%arg0: i32) -> (i32, i32) {
    %c0_i32 = arith.constant 0 : i32
    %c0_i32_0 = arith.constant 0 : i32
    %c0_i32_1 = arith.constant 0 : i32
    return %c0_i32, %c0_i32_0 : i32, i32
  }
  func.func @transform_2(%arg0: i32) -> (i32, i32) {
    %c0_i32 = arith.constant 0 : i32
    %c0_i32_0 = arith.constant 0 : i32
    %c0_i32_1 = arith.constant 0 : i32
    return %c0_i32, %c0_i32_0 : i32, i32
  }
  func.func @transform_3(%arg0: i32) -> (i32, i32) {
    %c0_i32 = arith.constant 0 : i32
    %c0_i32_0 = arith.constant 0 : i32
    return %arg0, %c0_i32 : i32, i32
  }
  func.func @transform_4(%arg0: i32) -> (i32, i32) {
    %c0_i32 = arith.constant 0 : i32
    %c0_i32_0 = arith.constant 0 : i32
    return %arg0, %c0_i32 : i32, i32
  }
}

module attributes {stable_mosaic.version = 14 : i64} {
  func.func @_k2_body(%arg0: i32, %arg1: memref<2x1000x128xf32, #tpu.memory_space<vmem>>, %arg2: memref<2x1000x16xf32, #tpu.memory_space<vmem>>, %arg3: memref<1000x128xf32, #tpu.memory_space<vmem>>, %arg4: memref<128x128xf32, #tpu.memory_space<vmem>>, %arg5: memref<128x128xf32, #tpu.memory_space<vmem>>, %arg6: memref<1x128xf32, #tpu.memory_space<vmem>>, %arg7: memref<1000x128xf32, #tpu.memory_space<vmem>>, %arg8: memref<1000x128xf32, #tpu.memory_space<vmem>>, %arg9: memref<1000x1xf32, #tpu.memory_space<vmem>>) attributes {dimension_semantics = [#tpu.dimension_semantics<arbitrary>], iteration_bounds = array<i64: 10>, scalar_prefetch = 0 : i64, scratch_operands = 0 : i64, tpu.core_type = #tpu.core_type<tc>, window_params = [{transform_indices = @transform_0, window_bounds = array<i64: 2, 1000, 128>}, {transform_indices = @transform_1, window_bounds = array<i64: 2, 1000, 16>}, {transform_indices = @transform_2, window_bounds = array<i64: 1000, 128>}, {pipeline_mode = #tpu.pipeline_mode<synchronous>, transform_indices = @transform_3, window_bounds = array<i64: 128, 128>}, {pipeline_mode = #tpu.pipeline_mode<synchronous>, transform_indices = @transform_4, window_bounds = array<i64: 128, 128>}, {pipeline_mode = #tpu.pipeline_mode<synchronous>, transform_indices = @transform_5, window_bounds = array<i64: 1, 128>}, {transform_indices = @transform_6, window_bounds = array<i64: 1000, 128>}, {transform_indices = @transform_7, window_bounds = array<i64: 1000, 128>}, {transform_indices = @transform_8, window_bounds = array<i64: 1000, 1>}]} {
    %get3A = arith.constant 0 : index
    %get3A_0 = arith.constant 0 : index
    %get3A_1 = arith.constant 0 : index
    %get3A_2 = vector.load %arg1[%get3A, %get3A_0, %get3A_1] : memref<2x1000x128xf32, #tpu.memory_space<vmem>>, vector<1x1000x128xf32>
    %get3A_3 = vector.shape_cast %get3A_2 : vector<1x1000x128xf32> to vector<1000x128xf32>
    %get3A_4 = arith.constant 1 : index
    %get3A_5 = arith.constant 0 : index
    %get3A_6 = arith.constant 0 : index
    %get3A_7 = vector.load %arg1[%get3A_4, %get3A_5, %get3A_6] : memref<2x1000x128xf32, #tpu.memory_space<vmem>>, vector<1x1000x128xf32>
    %get3A_8 = vector.shape_cast %get3A_7 : vector<1x1000x128xf32> to vector<1000x128xf32>
    %add3A = arith.addf %get3A_3, %get3A_8 : vector<1000x128xf32>
    %get3A_9 = arith.constant 0 : index
    %get3A_10 = arith.constant 0 : index
    %get3A_11 = arith.constant 0 : index
    %get3A_12 = vector.load %arg2[%get3A_9, %get3A_10, %get3A_11] : memref<2x1000x16xf32, #tpu.memory_space<vmem>>, vector<1x1000x1xf32>
    %get3A_13 = vector.shape_cast %get3A_12 : vector<1x1000x1xf32> to vector<1000x1xf32>
    %get3A_14 = arith.constant 1 : index
    %get3A_15 = arith.constant 0 : index
    %get3A_16 = arith.constant 0 : index
    %get3A_17 = vector.load %arg2[%get3A_14, %get3A_15, %get3A_16] : memref<2x1000x16xf32, #tpu.memory_space<vmem>>, vector<1x1000x1xf32>
    %get3A_18 = vector.shape_cast %get3A_17 : vector<1x1000x1xf32> to vector<1000x1xf32>
    %add3A_19 = arith.addf %get3A_13, %get3A_18 : vector<1000x1xf32>
    %max3A = arith.constant 1.000000e+00 : f32
    %max3A_20 = vector.broadcast %max3A : f32 to vector<1000x1xf32>
    %max3A_21 = arith.maximumf %add3A_19, %max3A_20 : vector<1000x1xf32>
    %div3A = vector.broadcast %max3A_21 : vector<1000x1xf32> to vector<1000x128xf32>
    %div3A_22 = arith.divf %add3A, %div3A : vector<1000x128xf32>
    %get3A_23 = arith.constant 0 : index
    %get3A_24 = arith.constant 0 : index
    %get3A_25 = vector.load %arg6[%get3A_23, %get3A_24] : memref<1x128xf32, #tpu.memory_space<vmem>>, vector<1x128xf32>
    %add3A_26 = vector.broadcast %get3A_25 : vector<1x128xf32> to vector<1000x128xf32>
    %add3A_27 = arith.addf %div3A_22, %add3A_26 : vector<1000x128xf32>
    %get3A_28 = arith.constant 0 : index
    %get3A_29 = arith.constant 0 : index
    %get3A_30 = vector.load %arg3[%get3A_28, %get3A_29] : memref<1000x128xf32, #tpu.memory_space<vmem>>, vector<1000x128xf32>
    %add3A_31 = arith.addf %add3A_27, %get3A_30 : vector<1000x128xf32>
    %max3A_32 = arith.constant 0.000000e+00 : f32
    %max3A_33 = vector.broadcast %max3A_32 : f32 to vector<1000x128xf32>
    %max3A_34 = arith.maximumf %add3A_31, %max3A_33 : vector<1000x128xf32>
    %get3A_35 = arith.constant 0 : index
    %get3A_36 = arith.constant 0 : index
    %get3A_37 = vector.load %arg4[%get3A_35, %get3A_36] : memref<128x128xf32, #tpu.memory_space<vmem>>, vector<128x128xf32>
    %dot_general3A = arith.constant dense<0.000000e+00> : vector<1000x128xf32>
    %dot_general3A_38 = tpu.matmul %max3A_34, %get3A_37, %dot_general3A {dimension_numbers = #tpu.dot_dimension_numbers<[1], [0], [0], [1], [0, 0, 1, 1], [], []>, transpose_lhs_hint = false} : vector<1000x128xf32>, vector<128x128xf32>, vector<1000x128xf32> -> vector<1000x128xf32>
    %swap3A = arith.constant 0 : index
    %swap3A_39 = arith.constant 0 : index
    %swap3A_40 = vector.load %arg7[%swap3A, %swap3A_39] : memref<1000x128xf32, #tpu.memory_space<vmem>>, vector<1000x128xf32>
    tpu.vector_store %arg7[%swap3A, %swap3A_39], %dot_general3A_38 {strides = array<i32>} : memref<1000x128xf32, #tpu.memory_space<vmem>>, vector<1000x128xf32>,
    %get3A_41 = arith.constant 0 : index
    %get3A_42 = arith.constant 0 : index
    %get3A_43 = vector.load %arg5[%get3A_41, %get3A_42] : memref<128x128xf32, #tpu.memory_space<vmem>>, vector<128x128xf32>
    %dot_general3A_44 = arith.constant dense<0.000000e+00> : vector<1000x128xf32>
    %dot_general3A_45 = tpu.matmul %max3A_34, %get3A_43, %dot_general3A_44 {dimension_numbers = #tpu.dot_dimension_numbers<[1], [0], [0], [1], [0, 0, 1, 1], [], []>, transpose_lhs_hint = false} : vector<1000x128xf32>, vector<128x128xf32>, vector<1000x128xf32> -> vector<1000x128xf32>
    %swap3A_46 = arith.constant 0 : index
    %swap3A_47 = arith.constant 0 : index
    %swap3A_48 = vector.load %arg8[%swap3A_46, %swap3A_47] : memref<1000x128xf32, #tpu.memory_space<vmem>>, vector<1000x128xf32>
    tpu.vector_store %arg8[%swap3A_46, %swap3A_47], %dot_general3A_45 {strides = array<i32>} : memref<1000x128xf32, #tpu.memory_space<vmem>>, vector<1000x128xf32>,
    %swap3A_49 = arith.constant 0 : index
    %swap3A_50 = arith.constant 0 : index
    %swap3A_51 = vector.load %arg9[%swap3A_49, %swap3A_50] : memref<1000x1xf32, #tpu.memory_space<vmem>>, vector<1000x1xf32>
    tpu.vector_store %arg9[%swap3A_49, %swap3A_50], %add3A_19 {strides = array<i32>} : memref<1000x1xf32, #tpu.memory_space<vmem>>, vector<1000x1xf32>,
    return
  }
  func.func @transform_0(%arg0: i32) -> (i32, i32, i32) {
    %c0_i32 = arith.constant 0 : i32
    %c0_i32_0 = arith.constant 0 : i32
    %c0_i32_1 = arith.constant 0 : i32
    return %c0_i32, %arg0, %c0_i32_0 : i32, i32, i32
  }
  func.func @transform_1(%arg0: i32) -> (i32, i32, i32) {
    %c0_i32 = arith.constant 0 : i32
    %c0_i32_0 = arith.constant 0 : i32
    %c0_i32_1 = arith.constant 0 : i32
    return %c0_i32, %arg0, %c0_i32_0 : i32, i32, i32
  }
  func.func @transform_2(%arg0: i32) -> (i32, i32) {
    %c0_i32 = arith.constant 0 : i32
    %c0_i32_0 = arith.constant 0 : i32
    return %arg0, %c0_i32 : i32, i32
  }
  func.func @transform_3(%arg0: i32) -> (i32, i32) {
    %c0_i32 = arith.constant 0 : i32
    %c0_i32_0 = arith.constant 0 : i32
    %c0_i32_1 = arith.constant 0 : i32
    return %c0_i32, %c0_i32_0 : i32, i32
  }
  func.func @transform_4(%arg0: i32) -> (i32, i32) {
    %c0_i32 = arith.constant 0 : i32
    %c0_i32_0 = arith.constant 0 : i32
    %c0_i32_1 = arith.constant 0 : i32
    return %c0_i32, %c0_i32_0 : i32, i32
  }
  func.func @transform_5(%arg0: i32) -> (i32, i32) {
    %c0_i32 = arith.constant 0 : i32
    %c0_i32_0 = arith.constant 0 : i32
    %c0_i32_1 = arith.constant 0 : i32
    return %c0_i32, %c0_i32_0 : i32, i32
  }
  func.func @transform_6(%arg0: i32) -> (i32, i32) {
    %c0_i32 = arith.constant 0 : i32
    %c0_i32_0 = arith.constant 0 : i32
    return %arg0, %c0_i32 : i32, i32
  }
  func.func @transform_7(%arg0: i32) -> (i32, i32) {
    %c0_i32 = arith.constant 0 : i32
    %c0_i32_0 = arith.constant 0 : i32
    return %arg0, %c0_i32 : i32, i32
  }
  func.func @transform_8(%arg0: i32) -> (i32, i32) {
    %c0_i32 = arith.constant 0 : i32
    %c0_i32_0 = arith.constant 0 : i32
    return %arg0, %c0_i32 : i32, i32
  }
}

module attributes {stable_mosaic.version = 14 : i64} {
  func.func @_k3a_body(%arg0: i32, %arg1: memref<2x1000x128xf32, #tpu.memory_space<vmem>>, %arg2: memref<1000x128xf32, #tpu.memory_space<vmem>>, %arg3: memref<1000x1xf32, #tpu.memory_space<vmem>>, %arg4: memref<1x128xf32, #tpu.memory_space<vmem>>, %arg5: memref<1x128xf32, #tpu.memory_space<vmem>>, %arg6: memref<1x1x1000xi32, #tpu.memory_space<vmem>>, %arg7: memref<1000x128xf32, #tpu.memory_space<vmem>>, %arg8: memref<1000x1xf32, #tpu.memory_space<vmem>>, %arg9: memref<64x1xf32, #tpu.memory_space<vmem>>) attributes {dimension_semantics = [#tpu.dimension_semantics<arbitrary>], iteration_bounds = array<i64: 10>, scalar_prefetch = 0 : i64, scratch_operands = 0 : i64, tpu.core_type = #tpu.core_type<tc>, window_params = [{transform_indices = @transform_0, window_bounds = array<i64: 2, 1000, 128>}, {transform_indices = @transform_1, window_bounds = array<i64: 1000, 128>}, {transform_indices = @transform_2, window_bounds = array<i64: 1000, 1>}, {pipeline_mode = #tpu.pipeline_mode<synchronous>, transform_indices = @transform_3, window_bounds = array<i64: 1, 128>}, {pipeline_mode = #tpu.pipeline_mode<synchronous>, transform_indices = @transform_4, window_bounds = array<i64: 1, 128>}, {transform_indices = @transform_5, window_bounds = array<i64: 1, 1, 1000>}, {transform_indices = @transform_6, window_bounds = array<i64: 1000, 128>}, {transform_indices = @transform_7, window_bounds = array<i64: 1000, 1>}, {pipeline_mode = #tpu.pipeline_mode<synchronous>, transform_indices = @transform_8, window_bounds = array<i64: 64, 1>}]} {
    %get3A = arith.constant 0 : index
    %get3A_0 = arith.constant 0 : index
    %get3A_1 = arith.constant 0 : index
    %get3A_2 = vector.load %arg1[%get3A, %get3A_0, %get3A_1] : memref<2x1000x128xf32, #tpu.memory_space<vmem>>, vector<1x1000x128xf32>
    %get3A_3 = vector.shape_cast %get3A_2 : vector<1x1000x128xf32> to vector<1000x128xf32>
    %get3A_4 = arith.constant 1 : index
    %get3A_5 = arith.constant 0 : index
    %get3A_6 = arith.constant 0 : index
    %get3A_7 = vector.load %arg1[%get3A_4, %get3A_5, %get3A_6] : memref<2x1000x128xf32, #tpu.memory_space<vmem>>, vector<1x1000x128xf32>
    %get3A_8 = vector.shape_cast %get3A_7 : vector<1x1000x128xf32> to vector<1000x128xf32>
    %add3A = arith.addf %get3A_3, %get3A_8 : vector<1000x128xf32>
    %get3A_9 = arith.constant 0 : index
    %get3A_10 = arith.constant 0 : index
    %get3A_11 = vector.load %arg3[%get3A_9, %get3A_10] : memref<1000x1xf32, #tpu.memory_space<vmem>>, vector<1000x1xf32>
    %max3A = arith.constant 1.000000e+00 : f32
    %max3A_12 = vector.broadcast %max3A : f32 to vector<1000x1xf32>
    %max3A_13 = arith.maximumf %get3A_11, %max3A_12 : vector<1000x1xf32>
    %div3A = vector.broadcast %max3A_13 : vector<1000x1xf32> to vector<1000x128xf32>
    %div3A_14 = arith.divf %add3A, %div3A : vector<1000x128xf32>
    %get3A_15 = arith.constant 0 : index
    %get3A_16 = arith.constant 0 : index
    %get3A_17 = vector.load %arg4[%get3A_15, %get3A_16] : memref<1x128xf32, #tpu.memory_space<vmem>>, vector<1x128xf32>
    %add3A_18 = vector.broadcast %get3A_17 : vector<1x128xf32> to vector<1000x128xf32>
    %add3A_19 = arith.addf %div3A_14, %add3A_18 : vector<1000x128xf32>
    %get3A_20 = arith.constant 0 : index
    %get3A_21 = arith.constant 0 : index
    %get3A_22 = vector.load %arg2[%get3A_20, %get3A_21] : memref<1000x128xf32, #tpu.memory_space<vmem>>, vector<1000x128xf32>
    %add3A_23 = arith.addf %add3A_19, %get3A_22 : vector<1000x128xf32>
    %max3A_24 = arith.constant 0.000000e+00 : f32
    %max3A_25 = vector.broadcast %max3A_24 : f32 to vector<1000x128xf32>
    %max3A_26 = arith.maximumf %add3A_23, %max3A_25 : vector<1000x128xf32>
    %swap3A = arith.constant 0 : index
    %swap3A_27 = arith.constant 0 : index
    %swap3A_28 = vector.load %arg7[%swap3A, %swap3A_27] : memref<1000x128xf32, #tpu.memory_space<vmem>>, vector<1000x128xf32>
    tpu.vector_store %arg7[%swap3A, %swap3A_27], %max3A_26 {strides = array<i32>} : memref<1000x128xf32, #tpu.memory_space<vmem>>, vector<1000x128xf32>,
    %get3A_29 = arith.constant 0 : index
    %get3A_30 = arith.constant 0 : index
    %get3A_31 = vector.load %arg5[%get3A_29, %get3A_30] : memref<1x128xf32, #tpu.memory_space<vmem>>, vector<1x128xf32>
    %mul3A = arith.mulf %get3A_31, %get3A_31 : vector<1x128xf32>
    %reduce_sum3A = vector.shape_cast %mul3A : vector<1x128xf32> to vector<1x1x128xf32>
    %reduce_sum3A_32 = arith.constant dense<0.000000e+00> : vector<1xf32>
    %reduce_sum3A_33 = vector.multi_reduction <add>, %reduce_sum3A, %reduce_sum3A_32 [1, 2] : vector<1x1x128xf32> to vector<1xf32>
    %reduce_sum3A_34 = vector.shape_cast %reduce_sum3A_33 : vector<1xf32> to vector<1x1x1xf32>
    %reduce_sum3A_35 = vector.extract %reduce_sum3A_34[0, 0, 0] : f32 from vector<1x1x1xf32>
    %sqrt3A = math.sqrt %reduce_sum3A_35 : f32
    %mul3A_36 = vector.broadcast %get3A_31 : vector<1x128xf32> to vector<1000x128xf32>
    %mul3A_37 = arith.mulf %max3A_26, %mul3A_36 : vector<1000x128xf32>
    %reduce_sum3A_38 = arith.constant dense<0.000000e+00> : vector<1000xf32>
    %reduce_sum3A_39 = vector.multi_reduction <add>, %mul3A_37, %reduce_sum3A_38 [1] : vector<1000x128xf32> to vector<1000xf32>
    %broadcast_in_dim3A = vector.shape_cast %reduce_sum3A_39 : vector<1000xf32> to vector<1000x1xf32>
    %add3A_40 = arith.constant 1.000000e-16 : f32
    %add3A_41 = arith.addf %sqrt3A, %add3A_40 : f32
    %div3A_42 = vector.broadcast %add3A_41 : f32 to vector<1000x1xf32>
    %div3A_43 = arith.divf %broadcast_in_dim3A, %div3A_42 : vector<1000x1xf32>
    %tanh3A = math.tanh %div3A_43 : vector<1000x1xf32>
    %swap3A_44 = arith.constant 0 : index
    %swap3A_45 = arith.constant 0 : index
    %swap3A_46 = vector.load %arg8[%swap3A_44, %swap3A_45] : memref<1000x1xf32, #tpu.memory_space<vmem>>, vector<1000x1xf32>
    tpu.vector_store %arg8[%swap3A_44, %swap3A_45], %tanh3A {strides = array<i32>} : memref<1000x1xf32, #tpu.memory_space<vmem>>, vector<1000x1xf32>,
    %get3A_47 = arith.constant 0 : index
    %get3A_48 = arith.constant 0 : index
    %get3A_49 = arith.constant 0 : index
    %get3A_50 = vector.load %arg6[%get3A_47, %get3A_48, %get3A_49] : memref<1x1x1000xi32, #tpu.memory_space<vmem>>, vector<1x1x1000xi32>
    %get3A_51 = vector.shape_cast %get3A_50 : vector<1x1x1000xi32> to vector<1x1000xi32>
    %iota3A = tpu.iota {dimensions = array<i32: 0>} : vector<64x1xi32>
    %eq3A = vector.broadcast %get3A_51 : vector<1x1000xi32> to vector<64x1000xi32>
    %eq3A_52 = vector.broadcast %iota3A : vector<64x1xi32> to vector<64x1000xi32>
    %eq3A_53 = arith.cmpi eq, %eq3A, %eq3A_52 : vector<64x1000xi32>
    %convert_element_type3A = arith.extui %eq3A_53 : vector<64x1000xi1> to vector<64x1000xi32>
    %convert_element_type3A_54 = arith.sitofp %convert_element_type3A : vector<64x1000xi32> to vector<64x1000xf32>
    %reduce_sum3A_55 = arith.constant dense<0.000000e+00> : vector<64xf32>
    %reduce_sum3A_56 = vector.multi_reduction <add>, %convert_element_type3A_54, %reduce_sum3A_55 [1] : vector<64x1000xf32> to vector<64xf32>
    %broadcast_in_dim3A_57 = vector.shape_cast %reduce_sum3A_56 : vector<64xf32> to vector<64x1xf32>
    %eq3A_58 = arith.constant 0 : i32
    %eq3A_59 = arith.cmpi eq, %arg0, %eq3A_58 : i32
    %convert_element_type3A_60 = arith.extui %eq3A_59 : i1 to i32
    %cond3A = arith.constant 0 : i32
    %cond3A_61 = arith.cmpi ne, %convert_element_type3A_60, %cond3A : i32
    scf.if %cond3A_61 {
      %broadcast_in_dim3A_69 = arith.constant 0.000000e+00 : f32
      %broadcast_in_dim3A_70 = vector.broadcast %broadcast_in_dim3A_69 : f32 to vector<64x1xf32>
      %swap3A_71 = arith.constant 0 : index
      %swap3A_72 = arith.constant 0 : index
      %swap3A_73 = vector.load %arg9[%swap3A_71, %swap3A_72] : memref<64x1xf32, #tpu.memory_space<vmem>>, vector<64x1xf32>
      tpu.vector_store %arg9[%swap3A_71, %swap3A_72], %broadcast_in_dim3A_70 {strides = array<i32>} : memref<64x1xf32, #tpu.memory_space<vmem>>, vector<64x1xf32>,
    } else {
    }
    %get3A_62 = arith.constant 0 : index
    %get3A_63 = arith.constant 0 : index
    %get3A_64 = vector.load %arg9[%get3A_62, %get3A_63] : memref<64x1xf32, #tpu.memory_space<vmem>>, vector<64x1xf32>
    %add3A_65 = arith.addf %get3A_64, %broadcast_in_dim3A_57 : vector<64x1xf32>
    %swap3A_66 = arith.constant 0 : index
    %swap3A_67 = arith.constant 0 : index
    %swap3A_68 = vector.load %arg9[%swap3A_66, %swap3A_67] : memref<64x1xf32, #tpu.memory_space<vmem>>, vector<64x1xf32>
    tpu.vector_store %arg9[%swap3A_66, %swap3A_67], %add3A_65 {strides = array<i32>} : memref<64x1xf32, #tpu.memory_space<vmem>>, vector<64x1xf32>,
    return
  }
  func.func @transform_0(%arg0: i32) -> (i32, i32, i32) {
    %c0_i32 = arith.constant 0 : i32
    %c0_i32_0 = arith.constant 0 : i32
    %c0_i32_1 = arith.constant 0 : i32
    return %c0_i32, %arg0, %c0_i32_0 : i32, i32, i32
  }
  func.func @transform_1(%arg0: i32) -> (i32, i32) {
    %c0_i32 = arith.constant 0 : i32
    %c0_i32_0 = arith.constant 0 : i32
    return %arg0, %c0_i32 : i32, i32
  }
  func.func @transform_2(%arg0: i32) -> (i32, i32) {
    %c0_i32 = arith.constant 0 : i32
    %c0_i32_0 = arith.constant 0 : i32
    return %arg0, %c0_i32 : i32, i32
  }
  func.func @transform_3(%arg0: i32) -> (i32, i32) {
    %c0_i32 = arith.constant 0 : i32
    %c0_i32_0 = arith.constant 0 : i32
    %c0_i32_1 = arith.constant 0 : i32
    return %c0_i32, %c0_i32_0 : i32, i32
  }
  func.func @transform_4(%arg0: i32) -> (i32, i32) {
    %c0_i32 = arith.constant 0 : i32
    %c0_i32_0 = arith.constant 0 : i32
    %c0_i32_1 = arith.constant 0 : i32
    return %c0_i32, %c0_i32_0 : i32, i32
  }
  func.func @transform_5(%arg0: i32) -> (i32, i32, i32) {
    %c0_i32 = arith.constant 0 : i32
    %c0_i32_0 = arith.constant 0 : i32
    %c0_i32_1 = arith.constant 0 : i32
    return %arg0, %c0_i32, %c0_i32_0 : i32, i32, i32
  }
  func.func @transform_6(%arg0: i32) -> (i32, i32) {
    %c0_i32 = arith.constant 0 : i32
    %c0_i32_0 = arith.constant 0 : i32
    return %arg0, %c0_i32 : i32, i32
  }
  func.func @transform_7(%arg0: i32) -> (i32, i32) {
    %c0_i32 = arith.constant 0 : i32
    %c0_i32_0 = arith.constant 0 : i32
    return %arg0, %c0_i32 : i32, i32
  }
  func.func @transform_8(%arg0: i32) -> (i32, i32) {
    %c0_i32 = arith.constant 0 : i32
    %c0_i32_0 = arith.constant 0 : i32
    %c0_i32_1 = arith.constant 0 : i32
    return %c0_i32, %c0_i32_0 : i32, i32
  }
}

module attributes {stable_mosaic.version = 14 : i64} {
  func.func @_krank_body(%arg0: i32, %arg1: memref<256x1xf32, #tpu.memory_space<vmem>>, %arg2: memref<256x1xi32, #tpu.memory_space<vmem>>, %arg3: memref<1x10240xf32, #tpu.memory_space<vmem>>, %arg4: memref<1x10240xi32, #tpu.memory_space<vmem>>, %arg5: memref<64x1xf32, #tpu.memory_space<vmem>>, %arg6: memref<256x1xf32, #tpu.memory_space<vmem>>) attributes {dimension_semantics = [#tpu.dimension_semantics<arbitrary>], iteration_bounds = array<i64: 40>, scalar_prefetch = 0 : i64, scratch_operands = 0 : i64, tpu.core_type = #tpu.core_type<tc>, window_params = [{transform_indices = @transform_0, window_bounds = array<i64: 256, 1>}, {transform_indices = @transform_1, window_bounds = array<i64: 256, 1>}, {pipeline_mode = #tpu.pipeline_mode<synchronous>, transform_indices = @transform_2, window_bounds = array<i64: 1, 10240>}, {pipeline_mode = #tpu.pipeline_mode<synchronous>, transform_indices = @transform_3, window_bounds = array<i64: 1, 10240>}, {pipeline_mode = #tpu.pipeline_mode<synchronous>, transform_indices = @transform_4, window_bounds = array<i64: 64, 1>}, {transform_indices = @transform_5, window_bounds = array<i64: 256, 1>}]} {
    %get3A = arith.constant 0 : index
    %get3A_0 = arith.constant 0 : index
    %get3A_1 = vector.load %arg1[%get3A, %get3A_0] : memref<256x1xf32, #tpu.memory_space<vmem>>, vector<256x1xf32>
    %get3A_2 = arith.constant 0 : index
    %get3A_3 = arith.constant 0 : index
    %get3A_4 = vector.load %arg2[%get3A_2, %get3A_3] : memref<256x1xi32, #tpu.memory_space<vmem>>, vector<256x1xi32>
    %iota3A = tpu.iota {dimensions = array<i32: 0>} : vector<256x1xi32>
    %mul3A = arith.constant 256 : i32
    %mul3A_5 = arith.muli %arg0, %mul3A : i32
    %add3A = vector.broadcast %mul3A_5 : i32 to vector<256x1xi32>
    %add3A_6 = arith.addi %iota3A, %add3A : vector<256x1xi32>
    %get3A_7 = arith.constant 0 : index
    %get3A_8 = arith.constant 0 : index
    %get3A_9 = vector.load %arg5[%get3A_7, %get3A_8] : memref<64x1xf32, #tpu.memory_space<vmem>>, vector<64x1xf32>
    %iota3A_10 = tpu.iota {dimensions = array<i32: 0>} : vector<64x64xi32>
    %iota3A_11 = tpu.iota {dimensions = array<i32: 1>} : vector<64x64xi32>
    %le3A = arith.cmpi sle, %iota3A_11, %iota3A_10 : vector<64x64xi32>
    %convert_element_type3A = arith.extui %le3A : vector<64x64xi1> to vector<64x64xi32>
    %convert_element_type3A_12 = arith.sitofp %convert_element_type3A : vector<64x64xi32> to vector<64x64xf32>
    %dot_general3A = arith.constant dense<0.000000e+00> : vector<64x1xf32>
    %dot_general3A_13 = tpu.matmul %convert_element_type3A_12, %get3A_9, %dot_general3A {dimension_numbers = #tpu.dot_dimension_numbers<[1], [0], [0], [1], [0, 0, 1, 1], [], []>, transpose_lhs_hint = false} : vector<64x64xf32>, vector<64x1xf32>, vector<64x1xf32> -> vector<64x1xf32>
    %sub3A = arith.subf %dot_general3A_13, %get3A_9 : vector<64x1xf32>
    %iota3A_14 = tpu.iota {dimensions = array<i32: 0>} : vector<64x1xi32>
    %ge3A = arith.constant 0 : i32
    %ge3A_15 = vector.broadcast %ge3A : i32 to vector<256x1xi32>
    %ge3A_16 = arith.cmpi sge, %get3A_4, %ge3A_15 : vector<256x1xi32>
    %jit3A = arith.constant 63 : i32
    %broadcast_in_dim3A = vector.broadcast %jit3A : i32 to vector<256x1xi32>
    %select_n3A = arith.select %ge3A_16, %get3A_4, %broadcast_in_dim3A : vector<256x1xi1>, vector<256x1xi32>
    %reduce_min3A = vector.shape_cast %select_n3A : vector<256x1xi32> to vector<1x256x1xi32>
    %reduce_min3A_17 = arith.constant dense<2147483647> : vector<1xi32>
    %reduce_min3A_18 = vector.multi_reduction <minsi>, %reduce_min3A, %reduce_min3A_17 [1, 2] : vector<1x256x1xi32> to vector<1xi32>
    %reduce_min3A_19 = vector.shape_cast %reduce_min3A_18 : vector<1xi32> to vector<1x1x1xi32>
    %reduce_min3A_20 = vector.extract %reduce_min3A_19[0, 0, 0] : i32 from vector<1x1x1xi32>
    %reduce_max3A = vector.shape_cast %get3A_4 : vector<256x1xi32> to vector<1x256x1xi32>
    %reduce_max3A_21 = arith.constant dense<-2147483648> : vector<1xi32>
    %reduce_max3A_22 = vector.multi_reduction <maxsi>, %reduce_max3A, %reduce_max3A_21 [1, 2] : vector<1x256x1xi32> to vector<1xi32>
    %reduce_max3A_23 = vector.shape_cast %reduce_max3A_22 : vector<1xi32> to vector<1x1x1xi32>
    %reduce_max3A_24 = vector.extract %reduce_max3A_23[0, 0, 0] : i32 from vector<1x1x1xi32>
    %eq3A = vector.broadcast %reduce_min3A_20 : i32 to vector<64x1xi32>
    %eq3A_25 = arith.cmpi eq, %iota3A_14, %eq3A : vector<64x1xi32>
    %jit3A_26 = arith.constant 0.000000e+00 : f32
    %broadcast_in_dim3A_27 = vector.broadcast %jit3A_26 : f32 to vector<64x1xf32>
    %select_n3A_28 = arith.select %eq3A_25, %sub3A, %broadcast_in_dim3A_27 : vector<64x1xi1>, vector<64x1xf32>
    %reduce_sum3A = vector.shape_cast %select_n3A_28 : vector<64x1xf32> to vector<1x64x1xf32>
    %reduce_sum3A_29 = arith.constant dense<0.000000e+00> : vector<1xf32>
    %reduce_sum3A_30 = vector.multi_reduction <add>, %reduce_sum3A, %reduce_sum3A_29 [1, 2] : vector<1x64x1xf32> to vector<1xf32>
    %reduce_sum3A_31 = vector.shape_cast %reduce_sum3A_30 : vector<1xf32> to vector<1x1x1xf32>
    %reduce_sum3A_32 = vector.extract %reduce_sum3A_31[0, 0, 0] : f32 from vector<1x1x1xf32>
    %eq3A_33 = vector.broadcast %reduce_max3A_24 : i32 to vector<64x1xi32>
    %eq3A_34 = arith.cmpi eq, %iota3A_14, %eq3A_33 : vector<64x1xi32>
    %jit3A_35 = arith.constant 0.000000e+00 : f32
    %broadcast_in_dim3A_36 = vector.broadcast %jit3A_35 : f32 to vector<64x1xf32>
    %select_n3A_37 = arith.select %eq3A_34, %dot_general3A_13, %broadcast_in_dim3A_36 : vector<64x1xi1>, vector<64x1xf32>
    %reduce_sum3A_38 = vector.shape_cast %select_n3A_37 : vector<64x1xf32> to vector<1x64x1xf32>
    %reduce_sum3A_39 = arith.constant dense<0.000000e+00> : vector<1xf32>
    %reduce_sum3A_40 = vector.multi_reduction <add>, %reduce_sum3A_38, %reduce_sum3A_39 [1, 2] : vector<1x64x1xf32> to vector<1xf32>
    %reduce_sum3A_41 = vector.shape_cast %reduce_sum3A_40 : vector<1xf32> to vector<1x1x1xf32>
    %reduce_sum3A_42 = vector.extract %reduce_sum3A_41[0, 0, 0] : f32 from vector<1x1x1xf32>
    %convert_element_type3A_43 = arith.fptosi %reduce_sum3A_32 : f32 to i32
    %jit3A_44 = arith.constant 512 : i32
    %div3A = arith.divsi %convert_element_type3A_43, %jit3A_44 : i32
    %sign3A = arith.constant 0 : i32
    %sign3A_45 = arith.cmpi sgt, %convert_element_type3A_43, %sign3A : i32
    %sign3A_46 = arith.extui %sign3A_45 : i1 to i32
    %sign3A_47 = arith.constant 0 : i32
    %sign3A_48 = arith.cmpi slt, %convert_element_type3A_43, %sign3A_47 : i32
    %sign3A_49 = arith.extui %sign3A_48 : i1 to i32
    %sign3A_50 = arith.subi %sign3A_46, %sign3A_49 : i32
    %sign3A_51 = arith.constant 0 : i32
    %sign3A_52 = arith.cmpi sgt, %jit3A_44, %sign3A_51 : i32
    %sign3A_53 = arith.extui %sign3A_52 : i1 to i32
    %sign3A_54 = arith.constant 0 : i32
    %sign3A_55 = arith.cmpi slt, %jit3A_44, %sign3A_54 : i32
    %sign3A_56 = arith.extui %sign3A_55 : i1 to i32
    %sign3A_57 = arith.subi %sign3A_53, %sign3A_56 : i32
    %ne3A = arith.cmpi ne, %sign3A_50, %sign3A_57 : i32
    %rem3A = arith.remsi %convert_element_type3A_43, %jit3A_44 : i32
    %ne3A_58 = arith.constant 0 : i32
    %ne3A_59 = arith.cmpi ne, %rem3A, %ne3A_58 : i32
    %and3A = arith.andi %ne3A, %ne3A_59 : i1
    %sub3A_60 = arith.constant 1 : i32
    %sub3A_61 = arith.subi %div3A, %sub3A_60 : i32
    %select_n3A_62 = arith.select %and3A, %sub3A_61, %div3A : i32
    %convert_element_type3A_63 = arith.fptosi %reduce_sum3A_42 : f32 to i32
    %add3A_64 = arith.constant 512 : i32
    %add3A_65 = arith.addi %convert_element_type3A_63, %add3A_64 : i32
    %sub3A_66 = arith.constant 1 : i32
    %sub3A_67 = arith.subi %add3A_65, %sub3A_66 : i32
    %jit3A_68 = arith.constant 512 : i32
    %div3A_69 = arith.divsi %sub3A_67, %jit3A_68 : i32
    %sign3A_70 = arith.constant 0 : i32
    %sign3A_71 = arith.cmpi sgt, %sub3A_67, %sign3A_70 : i32
    %sign3A_72 = arith.extui %sign3A_71 : i1 to i32
    %sign3A_73 = arith.constant 0 : i32
    %sign3A_74 = arith.cmpi slt, %sub3A_67, %sign3A_73 : i32
    %sign3A_75 = arith.extui %sign3A_74 : i1 to i32
    %sign3A_76 = arith.subi %sign3A_72, %sign3A_75 : i32
    %sign3A_77 = arith.constant 0 : i32
    %sign3A_78 = arith.cmpi sgt, %jit3A_68, %sign3A_77 : i32
    %sign3A_79 = arith.extui %sign3A_78 : i1 to i32
    %sign3A_80 = arith.constant 0 : i32
    %sign3A_81 = arith.cmpi slt, %jit3A_68, %sign3A_80 : i32
    %sign3A_82 = arith.extui %sign3A_81 : i1 to i32
    %sign3A_83 = arith.subi %sign3A_79, %sign3A_82 : i32
    %ne3A_84 = arith.cmpi ne, %sign3A_76, %sign3A_83 : i32
    %rem3A_85 = arith.remsi %sub3A_67, %jit3A_68 : i32
    %ne3A_86 = arith.constant 0 : i32
    %ne3A_87 = arith.cmpi ne, %rem3A_85, %ne3A_86 : i32
    %and3A_88 = arith.andi %ne3A_84, %ne3A_87 : i1
    %sub3A_89 = arith.constant 1 : i32
    %sub3A_90 = arith.subi %div3A_69, %sub3A_89 : i32
    %select_n3A_91 = arith.select %and3A_88, %sub3A_90, %div3A_69 : i32
    %broadcast_in_dim3A_92 = arith.constant 0.000000e+00 : f32
    %broadcast_in_dim3A_93 = vector.broadcast %broadcast_in_dim3A_92 : f32 to vector<256x1xf32>
    %while3A = arith.subi %select_n3A_91, %select_n3A_62 : i32
    %while3A_94 = arith.addi %select_n3A_62, %while3A : i32
    %while3A_95 = arith.constant 1 : i32
    %while3A_96 = arith.divsi %while3A, %while3A_95 : i32
    %while3A_97 = arith.muli %while3A_96, %while3A_95 : i32
    %while3A_98 = arith.addi %select_n3A_62, %while3A_97 : i32
    %while3A_99 = arith.constant 1 : i32
    %while3A_100 = scf.for %while3A_118 = %select_n3A_62 to %while3A_98 step %while3A_99 iter_args(%while3A_119 = %broadcast_in_dim3A_93) -> (vector<256x1xf32>)  : i32 {
      %mul3A_120 = arith.constant 512 : i32
      %mul3A_121 = arith.muli %while3A_118, %mul3A_120 : i32
      %multiple_of3A = tpu.assume_multiple %mul3A_121, 512 : i32
      %get3A_122 = arith.constant 0 : index
      %get3A_123 = arith.index_cast %multiple_of3A : i32 to index
      %get3A_124 = vector.load %arg3[%get3A_122, %get3A_123] : memref<1x10240xf32, #tpu.memory_space<vmem>>, vector<1x512xf32>
      %get3A_125 = arith.constant 0 : index
      %get3A_126 = arith.index_cast %multiple_of3A : i32 to index
      %get3A_127 = vector.load %arg4[%get3A_125, %get3A_126] : memref<1x10240xi32, #tpu.memory_space<vmem>>, vector<1x512xi32>
      %iota3A_128 = tpu.iota {dimensions = array<i32: 1>} : vector<1x512xi32>
      %mul3A_129 = arith.constant 512 : i32
      %mul3A_130 = arith.muli %while3A_118, %mul3A_129 : i32
      %add3A_131 = vector.broadcast %mul3A_130 : i32 to vector<1x512xi32>
      %add3A_132 = arith.addi %iota3A_128, %add3A_131 : vector<1x512xi32>
      %eq3A_133 = vector.broadcast %get3A_127 : vector<1x512xi32> to vector<256x512xi32>
      %eq3A_134 = vector.broadcast %get3A_4 : vector<256x1xi32> to vector<256x512xi32>
      %eq3A_135 = arith.cmpi eq, %eq3A_133, %eq3A_134 : vector<256x512xi32>
      %gt3A = vector.broadcast %get3A_124 : vector<1x512xf32> to vector<256x512xf32>
      %gt3A_136 = vector.broadcast %get3A_1 : vector<256x1xf32> to vector<256x512xf32>
      %gt3A_137 = arith.cmpf ogt, %gt3A, %gt3A_136 : vector<256x512xf32>
      %eq3A_138 = vector.broadcast %get3A_124 : vector<1x512xf32> to vector<256x512xf32>
      %eq3A_139 = vector.broadcast %get3A_1 : vector<256x1xf32> to vector<256x512xf32>
      %eq3A_140 = arith.cmpf oeq, %eq3A_138, %eq3A_139 : vector<256x512xf32>
      %lt3A_141 = vector.broadcast %add3A_132 : vector<1x512xi32> to vector<256x512xi32>
      %lt3A_142 = vector.broadcast %add3A_6 : vector<256x1xi32> to vector<256x512xi32>
      %lt3A_143 = arith.cmpi slt, %lt3A_141, %lt3A_142 : vector<256x512xi32>
      %and3A_144 = arith.andi %eq3A_140, %lt3A_143 : vector<256x512xi1>
      %or3A = arith.ori %gt3A_137, %and3A_144 : vector<256x512xi1>
      %and3A_145 = arith.andi %eq3A_135, %or3A : vector<256x512xi1>
      %convert_element_type3A_146 = arith.extui %and3A_145 : vector<256x512xi1> to vector<256x512xi32>
      %convert_element_type3A_147 = arith.sitofp %convert_element_type3A_146 : vector<256x512xi32> to vector<256x512xf32>
      %reduce_sum3A_148 = arith.constant dense<0.000000e+00> : vector<256xf32>
      %reduce_sum3A_149 = vector.multi_reduction <add>, %convert_element_type3A_147, %reduce_sum3A_148 [1] : vector<256x512xf32> to vector<256xf32>
      %broadcast_in_dim3A_150 = vector.shape_cast %reduce_sum3A_149 : vector<256xf32> to vector<256x1xf32>
      %add3A_151 = arith.addf %while3A_119, %broadcast_in_dim3A_150 : vector<256x1xf32>
      scf.yield %add3A_151 : vector<256x1xf32>
    }
    %while3A_101 = arith.constant 1 : i32
    %while3A_102 = scf.for %while3A_118 = %while3A_98 to %while3A_94 step %while3A_101 iter_args(%while3A_119 = %while3A_100) -> (vector<256x1xf32>)  : i32 {
      %mul3A_120 = arith.constant 512 : i32
      %mul3A_121 = arith.muli %while3A_118, %mul3A_120 : i32
      %multiple_of3A = tpu.assume_multiple %mul3A_121, 512 : i32
      %get3A_122 = arith.constant 0 : index
      %get3A_123 = arith.index_cast %multiple_of3A : i32 to index
      %get3A_124 = vector.load %arg3[%get3A_122, %get3A_123] : memref<1x10240xf32, #tpu.memory_space<vmem>>, vector<1x512xf32>
      %get3A_125 = arith.constant 0 : index
      %get3A_126 = arith.index_cast %multiple_of3A : i32 to index
      %get3A_127 = vector.load %arg4[%get3A_125, %get3A_126] : memref<1x10240xi32, #tpu.memory_space<vmem>>, vector<1x512xi32>
      %iota3A_128 = tpu.iota {dimensions = array<i32: 1>} : vector<1x512xi32>
      %mul3A_129 = arith.constant 512 : i32
      %mul3A_130 = arith.muli %while3A_118, %mul3A_129 : i32
      %add3A_131 = vector.broadcast %mul3A_130 : i32 to vector<1x512xi32>
      %add3A_132 = arith.addi %iota3A_128, %add3A_131 : vector<1x512xi32>
      %eq3A_133 = vector.broadcast %get3A_127 : vector<1x512xi32> to vector<256x512xi32>
      %eq3A_134 = vector.broadcast %get3A_4 : vector<256x1xi32> to vector<256x512xi32>
      %eq3A_135 = arith.cmpi eq, %eq3A_133, %eq3A_134 : vector<256x512xi32>
      %gt3A = vector.broadcast %get3A_124 : vector<1x512xf32> to vector<256x512xf32>
      %gt3A_136 = vector.broadcast %get3A_1 : vector<256x1xf32> to vector<256x512xf32>
      %gt3A_137 = arith.cmpf ogt, %gt3A, %gt3A_136 : vector<256x512xf32>
      %eq3A_138 = vector.broadcast %get3A_124 : vector<1x512xf32> to vector<256x512xf32>
      %eq3A_139 = vector.broadcast %get3A_1 : vector<256x1xf32> to vector<256x512xf32>
      %eq3A_140 = arith.cmpf oeq, %eq3A_138, %eq3A_139 : vector<256x512xf32>
      %lt3A_141 = vector.broadcast %add3A_132 : vector<1x512xi32> to vector<256x512xi32>
      %lt3A_142 = vector.broadcast %add3A_6 : vector<256x1xi32> to vector<256x512xi32>
      %lt3A_143 = arith.cmpi slt, %lt3A_141, %lt3A_142 : vector<256x512xi32>
      %and3A_144 = arith.andi %eq3A_140, %lt3A_143 : vector<256x512xi1>
      %or3A = arith.ori %gt3A_137, %and3A_144 : vector<256x512xi1>
      %and3A_145 = arith.andi %eq3A_135, %or3A : vector<256x512xi1>
      %convert_element_type3A_146 = arith.extui %and3A_145 : vector<256x512xi1> to vector<256x512xi32>
      %convert_element_type3A_147 = arith.sitofp %convert_element_type3A_146 : vector<256x512xi32> to vector<256x512xf32>
      %reduce_sum3A_148 = arith.constant dense<0.000000e+00> : vector<256xf32>
      %reduce_sum3A_149 = vector.multi_reduction <add>, %convert_element_type3A_147, %reduce_sum3A_148 [1] : vector<256x512xf32> to vector<256xf32>
      %broadcast_in_dim3A_150 = vector.shape_cast %reduce_sum3A_149 : vector<256xf32> to vector<256x1xf32>
      %add3A_151 = arith.addf %while3A_119, %broadcast_in_dim3A_150 : vector<256x1xf32>
      scf.yield %add3A_151 : vector<256x1xf32>
    }
    %iota3A_103 = tpu.iota {dimensions = array<i32: 1>} : vector<1x64xi32>
    %eq3A_104 = vector.broadcast %get3A_4 : vector<256x1xi32> to vector<256x64xi32>
    %eq3A_105 = vector.broadcast %iota3A_103 : vector<1x64xi32> to vector<256x64xi32>
    %eq3A_106 = arith.cmpi eq, %eq3A_104, %eq3A_105 : vector<256x64xi32>
    %convert_element_type3A_107 = arith.extui %eq3A_106 : vector<256x64xi1> to vector<256x64xi32>
    %convert_element_type3A_108 = arith.sitofp %convert_element_type3A_107 : vector<256x64xi32> to vector<256x64xf32>
    %mul3A_109 = arith.constant 8.000000e-01 : f32
    %mul3A_110 = vector.broadcast %mul3A_109 : f32 to vector<64x1xf32>
    %mul3A_111 = arith.mulf %mul3A_110, %get3A_9 : vector<64x1xf32>
    %ceil3A = math.ceil %mul3A_111 : vector<64x1xf32>
    %dot_general3A_112 = arith.constant dense<0.000000e+00> : vector<256x1xf32>
    %dot_general3A_113 = tpu.matmul %convert_element_type3A_108, %ceil3A, %dot_general3A_112 {dimension_numbers = #tpu.dot_dimension_numbers<[1], [0], [0], [1], [0, 0, 1, 1], [], []>, transpose_lhs_hint = false} : vector<256x64xf32>, vector<64x1xf32>, vector<256x1xf32> -> vector<256x1xf32>
    %lt3A = arith.cmpf olt, %while3A_102, %dot_general3A_113 : vector<256x1xf32>
    %convert_element_type3A_114 = arith.extui %lt3A : vector<256x1xi1> to vector<256x1xi32>
    %convert_element_type3A_115 = arith.sitofp %convert_element_type3A_114 : vector<256x1xi32> to vector<256x1xf32>
    %swap3A = arith.constant 0 : index
    %swap3A_116 = arith.constant 0 : index
    %swap3A_117 = vector.load %arg6[%swap3A, %swap3A_116] : memref<256x1xf32, #tpu.memory_space<vmem>>, vector<256x1xf32>
    tpu.vector_store %arg6[%swap3A, %swap3A_116], %convert_element_type3A_115 {strides = array<i32>} : memref<256x1xf32, #tpu.memory_space<vmem>>, vector<256x1xf32>,
    return
  }
  func.func @transform_0(%arg0: i32) -> (i32, i32) {
    %c0_i32 = arith.constant 0 : i32
    %c0_i32_0 = arith.constant 0 : i32
    return %arg0, %c0_i32 : i32, i32
  }
  func.func @transform_1(%arg0: i32) -> (i32, i32) {
    %c0_i32 = arith.constant 0 : i32
    %c0_i32_0 = arith.constant 0 : i32
    return %arg0, %c0_i32 : i32, i32
  }
  func.func @transform_2(%arg0: i32) -> (i32, i32) {
    %c0_i32 = arith.constant 0 : i32
    %c0_i32_0 = arith.constant 0 : i32
    %c0_i32_1 = arith.constant 0 : i32
    return %c0_i32, %c0_i32_0 : i32, i32
  }
  func.func @transform_3(%arg0: i32) -> (i32, i32) {
    %c0_i32 = arith.constant 0 : i32
    %c0_i32_0 = arith.constant 0 : i32
    %c0_i32_1 = arith.constant 0 : i32
    return %c0_i32, %c0_i32_0 : i32, i32
  }
  func.func @transform_4(%arg0: i32) -> (i32, i32) {
    %c0_i32 = arith.constant 0 : i32
    %c0_i32_0 = arith.constant 0 : i32
    %c0_i32_1 = arith.constant 0 : i32
    return %c0_i32, %c0_i32_0 : i32, i32
  }
  func.func @transform_5(%arg0: i32) -> (i32, i32) {
    %c0_i32 = arith.constant 0 : i32
    %c0_i32_0 = arith.constant 0 : i32
    return %arg0, %c0_i32 : i32, i32
  }
}

module attributes {stable_mosaic.version = 14 : i64} {
  func.func @_k3c_body(%arg0: i32, %arg1: memref<1000x128xf32, #tpu.memory_space<vmem>>, %arg2: memref<1000x1xf32, #tpu.memory_space<vmem>>, %arg3: memref<1000x1xf32, #tpu.memory_space<vmem>>, %arg4: memref<128x128xf32, #tpu.memory_space<vmem>>, %arg5: memref<128x128xf32, #tpu.memory_space<vmem>>, %arg6: memref<1000x128xf32, #tpu.memory_space<vmem>>, %arg7: memref<1000x128xf32, #tpu.memory_space<vmem>>, %arg8: memref<1000x16xf32, #tpu.memory_space<vmem>>) attributes {dimension_semantics = [#tpu.dimension_semantics<arbitrary>], iteration_bounds = array<i64: 10>, scalar_prefetch = 0 : i64, scratch_operands = 0 : i64, tpu.core_type = #tpu.core_type<tc>, window_params = [{transform_indices = @transform_0, window_bounds = array<i64: 1000, 128>}, {transform_indices = @transform_1, window_bounds = array<i64: 1000, 1>}, {transform_indices = @transform_2, window_bounds = array<i64: 1000, 1>}, {pipeline_mode = #tpu.pipeline_mode<synchronous>, transform_indices = @transform_3, window_bounds = array<i64: 128, 128>}, {pipeline_mode = #tpu.pipeline_mode<synchronous>, transform_indices = @transform_4, window_bounds = array<i64: 128, 128>}, {transform_indices = @transform_5, window_bounds = array<i64: 1000, 128>}, {transform_indices = @transform_6, window_bounds = array<i64: 1000, 128>}, {transform_indices = @transform_7, window_bounds = array<i64: 1000, 16>}]} {
    %get3A = arith.constant 0 : index
    %get3A_0 = arith.constant 0 : index
    %get3A_1 = vector.load %arg3[%get3A, %get3A_0] : memref<1000x1xf32, #tpu.memory_space<vmem>>, vector<1000x1xf32>
    %get3A_2 = arith.constant 0 : index
    %get3A_3 = arith.constant 0 : index
    %get3A_4 = vector.load %arg1[%get3A_2, %get3A_3] : memref<1000x128xf32, #tpu.memory_space<vmem>>, vector<1000x128xf32>
    %get3A_5 = arith.constant 0 : index
    %get3A_6 = arith.constant 0 : index
    %get3A_7 = vector.load %arg2[%get3A_5, %get3A_6] : memref<1000x1xf32, #tpu.memory_space<vmem>>, vector<1000x1xf32>
    %mul3A = vector.broadcast %get3A_7 : vector<1000x1xf32> to vector<1000x128xf32>
    %mul3A_8 = arith.mulf %get3A_4, %mul3A : vector<1000x128xf32>
    %mul3A_9 = vector.broadcast %get3A_1 : vector<1000x1xf32> to vector<1000x128xf32>
    %mul3A_10 = arith.mulf %mul3A_8, %mul3A_9 : vector<1000x128xf32>
    %get3A_11 = arith.constant 0 : index
    %get3A_12 = arith.constant 0 : index
    %get3A_13 = vector.load %arg4[%get3A_11, %get3A_12] : memref<128x128xf32, #tpu.memory_space<vmem>>, vector<128x128xf32>
    %dot_general3A = arith.constant dense<0.000000e+00> : vector<1000x128xf32>
    %dot_general3A_14 = tpu.matmul %mul3A_10, %get3A_13, %dot_general3A {dimension_numbers = #tpu.dot_dimension_numbers<[1], [0], [0], [1], [0, 0, 1, 1], [], []>, transpose_lhs_hint = false} : vector<1000x128xf32>, vector<128x128xf32>, vector<1000x128xf32> -> vector<1000x128xf32>
    %swap3A = arith.constant 0 : index
    %swap3A_15 = arith.constant 0 : index
    %swap3A_16 = vector.load %arg6[%swap3A, %swap3A_15] : memref<1000x128xf32, #tpu.memory_space<vmem>>, vector<1000x128xf32>
    tpu.vector_store %arg6[%swap3A, %swap3A_15], %dot_general3A_14 {strides = array<i32>} : memref<1000x128xf32, #tpu.memory_space<vmem>>, vector<1000x128xf32>,
    %get3A_17 = arith.constant 0 : index
    %get3A_18 = arith.constant 0 : index
    %get3A_19 = vector.load %arg5[%get3A_17, %get3A_18] : memref<128x128xf32, #tpu.memory_space<vmem>>, vector<128x128xf32>
    %dot_general3A_20 = arith.constant dense<0.000000e+00> : vector<1000x128xf32>
    %dot_general3A_21 = tpu.matmul %mul3A_10, %get3A_19, %dot_general3A_20 {dimension_numbers = #tpu.dot_dimension_numbers<[1], [0], [0], [1], [0, 0, 1, 1], [], []>, transpose_lhs_hint = false} : vector<1000x128xf32>, vector<128x128xf32>, vector<1000x128xf32> -> vector<1000x128xf32>
    %swap3A_22 = arith.constant 0 : index
    %swap3A_23 = arith.constant 0 : index
    %swap3A_24 = vector.load %arg7[%swap3A_22, %swap3A_23] : memref<1000x128xf32, #tpu.memory_space<vmem>>, vector<1000x128xf32>
    tpu.vector_store %arg7[%swap3A_22, %swap3A_23], %dot_general3A_21 {strides = array<i32>} : memref<1000x128xf32, #tpu.memory_space<vmem>>, vector<1000x128xf32>,
    %broadcast_in_dim3A = vector.shape_cast %get3A_1 : vector<1000x1xf32> to vector<1000x1xf32>
    %broadcast_in_dim3A_25 = vector.broadcast %broadcast_in_dim3A : vector<1000x1xf32> to vector<1000x16xf32>
    %swap3A_26 = arith.constant 0 : index
    %swap3A_27 = arith.constant 0 : index
    %swap3A_28 = vector.load %arg8[%swap3A_26, %swap3A_27] : memref<1000x16xf32, #tpu.memory_space<vmem>>, vector<1000x16xf32>
    tpu.vector_store %arg8[%swap3A_26, %swap3A_27], %broadcast_in_dim3A_25 {strides = array<i32>} : memref<1000x16xf32, #tpu.memory_space<vmem>>, vector<1000x16xf32>,
    return
  }
  func.func @transform_0(%arg0: i32) -> (i32, i32) {
    %c0_i32 = arith.constant 0 : i32
    %c0_i32_0 = arith.constant 0 : i32
    return %arg0, %c0_i32 : i32, i32
  }
  func.func @transform_1(%arg0: i32) -> (i32, i32) {
    %c0_i32 = arith.constant 0 : i32
    %c0_i32_0 = arith.constant 0 : i32
    return %arg0, %c0_i32 : i32, i32
  }
  func.func @transform_2(%arg0: i32) -> (i32, i32) {
    %c0_i32 = arith.constant 0 : i32
    %c0_i32_0 = arith.constant 0 : i32
    return %arg0, %c0_i32 : i32, i32
  }
  func.func @transform_3(%arg0: i32) -> (i32, i32) {
    %c0_i32 = arith.constant 0 : i32
    %c0_i32_0 = arith.constant 0 : i32
    %c0_i32_1 = arith.constant 0 : i32
    return %c0_i32, %c0_i32_0 : i32, i32
  }
  func.func @transform_4(%arg0: i32) -> (i32, i32) {
    %c0_i32 = arith.constant 0 : i32
    %c0_i32_0 = arith.constant 0 : i32
    %c0_i32_1 = arith.constant 0 : i32
    return %c0_i32, %c0_i32_0 : i32, i32
  }
  func.func @transform_5(%arg0: i32) -> (i32, i32) {
    %c0_i32 = arith.constant 0 : i32
    %c0_i32_0 = arith.constant 0 : i32
    return %arg0, %c0_i32 : i32, i32
  }
  func.func @transform_6(%arg0: i32) -> (i32, i32) {
    %c0_i32 = arith.constant 0 : i32
    %c0_i32_0 = arith.constant 0 : i32
    return %arg0, %c0_i32 : i32, i32
  }
  func.func @transform_7(%arg0: i32) -> (i32, i32) {
    %c0_i32 = arith.constant 0 : i32
    %c0_i32_0 = arith.constant 0 : i32
    return %arg0, %c0_i32 : i32, i32
  }
}

module attributes {stable_mosaic.version = 14 : i64} {
  func.func @_k4_body(%arg0: i32, %arg1: memref<2x1000x128xf32, #tpu.memory_space<vmem>>, %arg2: memref<2x1000x16xf32, #tpu.memory_space<vmem>>, %arg3: memref<1000x128xf32, #tpu.memory_space<vmem>>, %arg4: memref<1000x1xf32, #tpu.memory_space<vmem>>, %arg5: memref<1x1x1000xi32, #tpu.memory_space<vmem>>, %arg6: memref<1x128xf32, #tpu.memory_space<vmem>>, %arg7: memref<128x64xf32, #tpu.memory_space<vmem>>, %arg8: memref<1x64xf32, #tpu.memory_space<vmem>>, %arg9: memref<64x10xf32, #tpu.memory_space<vmem>>, %arg10: memref<1x10xf32, #tpu.memory_space<vmem>>, %arg11: memref<64x10xf32, #tpu.memory_space<vmem>>, %arg12: memref<64x128xf32, #tpu.memory_space<vmem>>, %arg13: memref<64x1xf32, #tpu.memory_space<vmem>>) attributes {dimension_semantics = [#tpu.dimension_semantics<arbitrary>], iteration_bounds = array<i64: 10>, scalar_prefetch = 0 : i64, scratch_operands = 2 : i64, tpu.core_type = #tpu.core_type<tc>, window_params = [{transform_indices = @transform_0, window_bounds = array<i64: 2, 1000, 128>}, {transform_indices = @transform_1, window_bounds = array<i64: 2, 1000, 16>}, {transform_indices = @transform_2, window_bounds = array<i64: 1000, 128>}, {transform_indices = @transform_3, window_bounds = array<i64: 1000, 1>}, {transform_indices = @transform_4, window_bounds = array<i64: 1, 1, 1000>}, {pipeline_mode = #tpu.pipeline_mode<synchronous>, transform_indices = @transform_5, window_bounds = array<i64: 1, 128>}, {pipeline_mode = #tpu.pipeline_mode<synchronous>, transform_indices = @transform_6, window_bounds = array<i64: 128, 64>}, {pipeline_mode = #tpu.pipeline_mode<synchronous>, transform_indices = @transform_7, window_bounds = array<i64: 1, 64>}, {pipeline_mode = #tpu.pipeline_mode<synchronous>, transform_indices = @transform_8, window_bounds = array<i64: 64, 10>}, {pipeline_mode = #tpu.pipeline_mode<synchronous>, transform_indices = @transform_9, window_bounds = array<i64: 1, 10>}, {pipeline_mode = #tpu.pipeline_mode<synchronous>, transform_indices = @transform_10, window_bounds = array<i64: 64, 10>}]} {
    %get3A = arith.constant 0 : index
    %get3A_0 = arith.constant 0 : index
    %get3A_1 = arith.constant 0 : index
    %get3A_2 = vector.load %arg1[%get3A, %get3A_0, %get3A_1] : memref<2x1000x128xf32, #tpu.memory_space<vmem>>, vector<1x1000x128xf32>
    %get3A_3 = vector.shape_cast %get3A_2 : vector<1x1000x128xf32> to vector<1000x128xf32>
    %get3A_4 = arith.constant 1 : index
    %get3A_5 = arith.constant 0 : index
    %get3A_6 = arith.constant 0 : index
    %get3A_7 = vector.load %arg1[%get3A_4, %get3A_5, %get3A_6] : memref<2x1000x128xf32, #tpu.memory_space<vmem>>, vector<1x1000x128xf32>
    %get3A_8 = vector.shape_cast %get3A_7 : vector<1x1000x128xf32> to vector<1000x128xf32>
    %add3A = arith.addf %get3A_3, %get3A_8 : vector<1000x128xf32>
    %get3A_9 = arith.constant 0 : index
    %get3A_10 = arith.constant 0 : index
    %get3A_11 = arith.constant 0 : index
    %get3A_12 = vector.load %arg2[%get3A_9, %get3A_10, %get3A_11] : memref<2x1000x16xf32, #tpu.memory_space<vmem>>, vector<1x1000x1xf32>
    %get3A_13 = vector.shape_cast %get3A_12 : vector<1x1000x1xf32> to vector<1000x1xf32>
    %get3A_14 = arith.constant 1 : index
    %get3A_15 = arith.constant 0 : index
    %get3A_16 = arith.constant 0 : index
    %get3A_17 = vector.load %arg2[%get3A_14, %get3A_15, %get3A_16] : memref<2x1000x16xf32, #tpu.memory_space<vmem>>, vector<1x1000x1xf32>
    %get3A_18 = vector.shape_cast %get3A_17 : vector<1x1000x1xf32> to vector<1000x1xf32>
    %add3A_19 = arith.addf %get3A_13, %get3A_18 : vector<1000x1xf32>
    %max3A = arith.constant 1.000000e+00 : f32
    %max3A_20 = vector.broadcast %max3A : f32 to vector<1000x1xf32>
    %max3A_21 = arith.maximumf %add3A_19, %max3A_20 : vector<1000x1xf32>
    %div3A = vector.broadcast %max3A_21 : vector<1000x1xf32> to vector<1000x128xf32>
    %div3A_22 = arith.divf %add3A, %div3A : vector<1000x128xf32>
    %get3A_23 = arith.constant 0 : index
    %get3A_24 = arith.constant 0 : index
    %get3A_25 = vector.load %arg4[%get3A_23, %get3A_24] : memref<1000x1xf32, #tpu.memory_space<vmem>>, vector<1000x1xf32>
    %get3A_26 = arith.constant 0 : index
    %get3A_27 = arith.constant 0 : index
    %get3A_28 = vector.load %arg6[%get3A_26, %get3A_27] : memref<1x128xf32, #tpu.memory_space<vmem>>, vector<1x128xf32>
    %add3A_29 = vector.broadcast %get3A_28 : vector<1x128xf32> to vector<1000x128xf32>
    %add3A_30 = arith.addf %div3A_22, %add3A_29 : vector<1000x128xf32>
    %get3A_31 = arith.constant 0 : index
    %get3A_32 = arith.constant 0 : index
    %get3A_33 = vector.load %arg3[%get3A_31, %get3A_32] : memref<1000x128xf32, #tpu.memory_space<vmem>>, vector<1000x128xf32>
    %add3A_34 = arith.addf %add3A_30, %get3A_33 : vector<1000x128xf32>
    %max3A_35 = arith.constant 0.000000e+00 : f32
    %max3A_36 = vector.broadcast %max3A_35 : f32 to vector<1000x128xf32>
    %max3A_37 = arith.maximumf %add3A_34, %max3A_36 : vector<1000x128xf32>
    %mul3A = vector.broadcast %get3A_25 : vector<1000x1xf32> to vector<1000x128xf32>
    %mul3A_38 = arith.mulf %max3A_37, %mul3A : vector<1000x128xf32>
    %get3A_39 = arith.constant 0 : index
    %get3A_40 = arith.constant 0 : index
    %get3A_41 = arith.constant 0 : index
    %get3A_42 = vector.load %arg5[%get3A_39, %get3A_40, %get3A_41] : memref<1x1x1000xi32, #tpu.memory_space<vmem>>, vector<1x1x1000xi32>
    %get3A_43 = vector.shape_cast %get3A_42 : vector<1x1x1000xi32> to vector<1x1000xi32>
    %iota3A = tpu.iota {dimensions = array<i32: 0>} : vector<64x1xi32>
    %eq3A = vector.broadcast %get3A_43 : vector<1x1000xi32> to vector<64x1000xi32>
    %eq3A_44 = vector.broadcast %iota3A : vector<64x1xi32> to vector<64x1000xi32>
    %eq3A_45 = arith.cmpi eq, %eq3A, %eq3A_44 : vector<64x1000xi32>
    %convert_element_type3A = arith.extui %eq3A_45 : vector<64x1000xi1> to vector<64x1000xi32>
    %convert_element_type3A_46 = arith.sitofp %convert_element_type3A : vector<64x1000xi32> to vector<64x1000xf32>
    %dot_general3A = arith.constant dense<0.000000e+00> : vector<64x128xf32>
    %dot_general3A_47 = tpu.matmul %convert_element_type3A_46, %mul3A_38, %dot_general3A {dimension_numbers = #tpu.dot_dimension_numbers<[1], [0], [0], [1], [0, 0, 1, 1], [], []>, transpose_lhs_hint = false} : vector<64x1000xf32>, vector<1000x128xf32>, vector<64x128xf32> -> vector<64x128xf32>
    %dot_general3A_48 = arith.constant dense<0.000000e+00> : vector<64x1xf32>
    %dot_general3A_49 = tpu.matmul %convert_element_type3A_46, %get3A_25, %dot_general3A_48 {dimension_numbers = #tpu.dot_dimension_numbers<[1], [0], [0], [1], [0, 0, 1, 1], [], []>, transpose_lhs_hint = false} : vector<64x1000xf32>, vector<1000x1xf32>, vector<64x1xf32> -> vector<64x1xf32>
    %eq3A_50 = arith.constant 0 : i32
    %eq3A_51 = arith.cmpi eq, %arg0, %eq3A_50 : i32
    %convert_element_type3A_52 = arith.extui %eq3A_51 : i1 to i32
    %cond3A = arith.constant 0 : i32
    %cond3A_53 = arith.cmpi ne, %convert_element_type3A_52, %cond3A : i32
    scf.if %cond3A_53 {
      %broadcast_in_dim3A = arith.constant 0.000000e+00 : f32
      %broadcast_in_dim3A_72 = vector.broadcast %broadcast_in_dim3A : f32 to vector<64x128xf32>
      %swap3A_73 = arith.constant 0 : index
      %swap3A_74 = arith.constant 0 : index
      %swap3A_75 = vector.load %arg12[%swap3A_73, %swap3A_74] : memref<64x128xf32, #tpu.memory_space<vmem>>, vector<64x128xf32>
      tpu.vector_store %arg12[%swap3A_73, %swap3A_74], %broadcast_in_dim3A_72 {strides = array<i32>} : memref<64x128xf32, #tpu.memory_space<vmem>>, vector<64x128xf32>,
      %broadcast_in_dim3A_76 = arith.constant 0.000000e+00 : f32
      %broadcast_in_dim3A_77 = vector.broadcast %broadcast_in_dim3A_76 : f32 to vector<64x1xf32>
      %swap3A_78 = arith.constant 0 : index
      %swap3A_79 = arith.constant 0 : index
      %swap3A_80 = vector.load %arg13[%swap3A_78, %swap3A_79] : memref<64x1xf32, #tpu.memory_space<vmem>>, vector<64x1xf32>
      tpu.vector_store %arg13[%swap3A_78, %swap3A_79], %broadcast_in_dim3A_77 {strides = array<i32>} : memref<64x1xf32, #tpu.memory_space<vmem>>, vector<64x1xf32>,
    } else {
    }
    %get3A_54 = arith.constant 0 : index
    %get3A_55 = arith.constant 0 : index
    %get3A_56 = vector.load %arg12[%get3A_54, %get3A_55] : memref<64x128xf32, #tpu.memory_space<vmem>>, vector<64x128xf32>
    %add3A_57 = arith.addf %get3A_56, %dot_general3A_47 : vector<64x128xf32>
    %swap3A = arith.constant 0 : index
    %swap3A_58 = arith.constant 0 : index
    %swap3A_59 = vector.load %arg12[%swap3A, %swap3A_58] : memref<64x128xf32, #tpu.memory_space<vmem>>, vector<64x128xf32>
    tpu.vector_store %arg12[%swap3A, %swap3A_58], %add3A_57 {strides = array<i32>} : memref<64x128xf32, #tpu.memory_space<vmem>>, vector<64x128xf32>,
    %get3A_60 = arith.constant 0 : index
    %get3A_61 = arith.constant 0 : index
    %get3A_62 = vector.load %arg13[%get3A_60, %get3A_61] : memref<64x1xf32, #tpu.memory_space<vmem>>, vector<64x1xf32>
    %add3A_63 = arith.addf %get3A_62, %dot_general3A_49 : vector<64x1xf32>
    %swap3A_64 = arith.constant 0 : index
    %swap3A_65 = arith.constant 0 : index
    %swap3A_66 = vector.load %arg13[%swap3A_64, %swap3A_65] : memref<64x1xf32, #tpu.memory_space<vmem>>, vector<64x1xf32>
    tpu.vector_store %arg13[%swap3A_64, %swap3A_65], %add3A_63 {strides = array<i32>} : memref<64x1xf32, #tpu.memory_space<vmem>>, vector<64x1xf32>,
    %eq3A_67 = arith.constant 9 : i32
    %eq3A_68 = arith.cmpi eq, %arg0, %eq3A_67 : i32
    %convert_element_type3A_69 = arith.extui %eq3A_68 : i1 to i32
    %cond3A_70 = arith.constant 0 : i32
    %cond3A_71 = arith.cmpi ne, %convert_element_type3A_69, %cond3A_70 : i32
    scf.if %cond3A_71 {
      %get3A_72 = arith.constant 0 : index
      %get3A_73 = arith.constant 0 : index
      %get3A_74 = vector.load %arg12[%get3A_72, %get3A_73] : memref<64x128xf32, #tpu.memory_space<vmem>>, vector<64x128xf32>
      %get3A_75 = arith.constant 0 : index
      %get3A_76 = arith.constant 0 : index
      %get3A_77 = vector.load %arg13[%get3A_75, %get3A_76] : memref<64x1xf32, #tpu.memory_space<vmem>>, vector<64x1xf32>
      %max3A_78 = arith.constant 1.000000e+00 : f32
      %max3A_79 = vector.broadcast %max3A_78 : f32 to vector<64x1xf32>
      %max3A_80 = arith.maximumf %get3A_77, %max3A_79 : vector<64x1xf32>
      %div3A_81 = vector.broadcast %max3A_80 : vector<64x1xf32> to vector<64x128xf32>
      %div3A_82 = arith.divf %get3A_74, %div3A_81 : vector<64x128xf32>
      %get3A_83 = arith.constant 0 : index
      %get3A_84 = arith.constant 0 : index
      %get3A_85 = vector.load %arg7[%get3A_83, %get3A_84] : memref<128x64xf32, #tpu.memory_space<vmem>>, vector<128x64xf32>
      %dot_general3A_86 = arith.constant dense<0.000000e+00> : vector<64x64xf32>
      %dot_general3A_87 = tpu.matmul %div3A_82, %get3A_85, %dot_general3A_86 {dimension_numbers = #tpu.dot_dimension_numbers<[1], [0], [0], [1], [0, 0, 1, 1], [], []>, transpose_lhs_hint = false} : vector<64x128xf32>, vector<128x64xf32>, vector<64x64xf32> -> vector<64x64xf32>
      %get3A_88 = arith.constant 0 : index
      %get3A_89 = arith.constant 0 : index
      %get3A_90 = vector.load %arg8[%get3A_88, %get3A_89] : memref<1x64xf32, #tpu.memory_space<vmem>>, vector<1x64xf32>
      %add3A_91 = vector.broadcast %get3A_90 : vector<1x64xf32> to vector<64x64xf32>
      %add3A_92 = arith.addf %dot_general3A_87, %add3A_91 : vector<64x64xf32>
      %max3A_93 = arith.constant 0.000000e+00 : f32
      %max3A_94 = vector.broadcast %max3A_93 : f32 to vector<64x64xf32>
      %max3A_95 = arith.maximumf %add3A_92, %max3A_94 : vector<64x64xf32>
      %get3A_96 = arith.constant 0 : index
      %get3A_97 = arith.constant 0 : index
      %get3A_98 = vector.load %arg9[%get3A_96, %get3A_97] : memref<64x10xf32, #tpu.memory_space<vmem>>, vector<64x10xf32>
      %dot_general3A_99 = arith.constant dense<0.000000e+00> : vector<64x10xf32>
      %dot_general3A_100 = tpu.matmul %max3A_95, %get3A_98, %dot_general3A_99 {dimension_numbers = #tpu.dot_dimension_numbers<[1], [0], [0], [1], [0, 0, 1, 1], [], []>, transpose_lhs_hint = false} : vector<64x64xf32>, vector<64x10xf32>, vector<64x10xf32> -> vector<64x10xf32>
      %get3A_101 = arith.constant 0 : index
      %get3A_102 = arith.constant 0 : index
      %get3A_103 = vector.load %arg10[%get3A_101, %get3A_102] : memref<1x10xf32, #tpu.memory_space<vmem>>, vector<1x10xf32>
      %add3A_104 = vector.broadcast %get3A_103 : vector<1x10xf32> to vector<64x10xf32>
      %add3A_105 = arith.addf %dot_general3A_100, %add3A_104 : vector<64x10xf32>
      %reduce_max3A = arith.constant dense<0xFF800000> : vector<64xf32>
      %reduce_max3A_106 = vector.multi_reduction <maximumf>, %add3A_105, %reduce_max3A [1] : vector<64x10xf32> to vector<64xf32>
      %broadcast_in_dim3A = vector.shape_cast %reduce_max3A_106 : vector<64xf32> to vector<64x1xf32>
      %sub3A = vector.broadcast %broadcast_in_dim3A : vector<64x1xf32> to vector<64x10xf32>
      %sub3A_107 = arith.subf %add3A_105, %sub3A : vector<64x10xf32>
      %exp3A = math.exp %sub3A_107 : vector<64x10xf32>
      %sub3A_108 = vector.broadcast %broadcast_in_dim3A : vector<64x1xf32> to vector<64x10xf32>
      %sub3A_109 = arith.subf %add3A_105, %sub3A_108 : vector<64x10xf32>
      %reduce_sum3A = arith.constant dense<0.000000e+00> : vector<64xf32>
      %reduce_sum3A_110 = vector.multi_reduction <add>, %exp3A, %reduce_sum3A [1] : vector<64x10xf32> to vector<64xf32>
      %broadcast_in_dim3A_111 = vector.shape_cast %reduce_sum3A_110 : vector<64xf32> to vector<64x1xf32>
      %log3A = math.log %broadcast_in_dim3A_111 : vector<64x1xf32>
      %sub3A_112 = vector.broadcast %log3A : vector<64x1xf32> to vector<64x10xf32>
      %sub3A_113 = arith.subf %sub3A_109, %sub3A_112 : vector<64x10xf32>
      %swap3A_114 = arith.constant 0 : index
      %swap3A_115 = arith.constant 0 : index
      %swap3A_116 = vector.load %arg11[%swap3A_114, %swap3A_115] : memref<64x10xf32, #tpu.memory_space<vmem>>, vector<64x10xf32>
      tpu.vector_store %arg11[%swap3A_114, %swap3A_115], %sub3A_113 {strides = array<i32>} : memref<64x10xf32, #tpu.memory_space<vmem>>, vector<64x10xf32>,
    } else {
    }
    return
  }
  func.func @transform_0(%arg0: i32) -> (i32, i32, i32) {
    %c0_i32 = arith.constant 0 : i32
    %c0_i32_0 = arith.constant 0 : i32
    %c0_i32_1 = arith.constant 0 : i32
    return %c0_i32, %arg0, %c0_i32_0 : i32, i32, i32
  }
  func.func @transform_1(%arg0: i32) -> (i32, i32, i32) {
    %c0_i32 = arith.constant 0 : i32
    %c0_i32_0 = arith.constant 0 : i32
    %c0_i32_1 = arith.constant 0 : i32
    return %c0_i32, %arg0, %c0_i32_0 : i32, i32, i32
  }
  func.func @transform_2(%arg0: i32) -> (i32, i32) {
    %c0_i32 = arith.constant 0 : i32
    %c0_i32_0 = arith.constant 0 : i32
    return %arg0, %c0_i32 : i32, i32
  }
  func.func @transform_3(%arg0: i32) -> (i32, i32) {
    %c0_i32 = arith.constant 0 : i32
    %c0_i32_0 = arith.constant 0 : i32
    return %arg0, %c0_i32 : i32, i32
  }
  func.func @transform_4(%arg0: i32) -> (i32, i32, i32) {
    %c0_i32 = arith.constant 0 : i32
    %c0_i32_0 = arith.constant 0 : i32
    %c0_i32_1 = arith.constant 0 : i32
    return %arg0, %c0_i32, %c0_i32_0 : i32, i32, i32
  }
  func.func @transform_5(%arg0: i32) -> (i32, i32) {
    %c0_i32 = arith.constant 0 : i32
    %c0_i32_0 = arith.constant 0 : i32
    %c0_i32_1 = arith.constant 0 : i32
    return %c0_i32, %c0_i32_0 : i32, i32
  }
  func.func @transform_6(%arg0: i32) -> (i32, i32) {
    %c0_i32 = arith.constant 0 : i32
    %c0_i32_0 = arith.constant 0 : i32
    %c0_i32_1 = arith.constant 0 : i32
    return %c0_i32, %c0_i32_0 : i32, i32
  }
  func.func @transform_7(%arg0: i32) -> (i32, i32) {
    %c0_i32 = arith.constant 0 : i32
    %c0_i32_0 = arith.constant 0 : i32
    %c0_i32_1 = arith.constant 0 : i32
    return %c0_i32, %c0_i32_0 : i32, i32
  }
  func.func @transform_8(%arg0: i32) -> (i32, i32) {
    %c0_i32 = arith.constant 0 : i32
    %c0_i32_0 = arith.constant 0 : i32
    %c0_i32_1 = arith.constant 0 : i32
    return %c0_i32, %c0_i32_0 : i32, i32
  }
  func.func @transform_9(%arg0: i32) -> (i32, i32) {
    %c0_i32 = arith.constant 0 : i32
    %c0_i32_0 = arith.constant 0 : i32
    %c0_i32_1 = arith.constant 0 : i32
    return %c0_i32, %c0_i32_0 : i32, i32
  }
  func.func @transform_10(%arg0: i32) -> (i32, i32) {
    %c0_i32 = arith.constant 0 : i32
    %c0_i32_0 = arith.constant 0 : i32
    %c0_i32_1 = arith.constant 0 : i32
    return %c0_i32, %c0_i32_0 : i32, i32
  }
}

</mosaic_0001>

<sc_bundles>
// kernel: kernel.11.cloned.1.call-start
scs
__scs_entry_jumppad:
0x0: {  	(pc) =	sbr.rel $0x88, $3  }
0x1: {  	(tag) =	ssettag $0x0;
	lr =	simm.s32 $0x1  }
0x2: {  	[smem:$0x3F90] =	sst lr;
	_ =	strace $0xD0000000  }
0x3: {  	_ = 	snop  }
0x4: {  	_ = 	snop  }
0x5: {  	_ = 	snop  }
0x6: {  	_ = 	snop  }
0x7: {  	_ = 	snop  }
__scs_overlays_trampoline_lowered:
0x8: {  	[smem:$0x3F9F] =	sst s0  }
0x9: {  	[smem:$0x3FA0] =	sst s1  }
0xa: {  	[smem:$0x3FA1] =	sst s2  }
0xb: {  	[smem:$0x3FA2] =	sst s3  }
0xc: {  	[smem:$0x3FA3] =	sst s4  }
0xd: {  	[smem:$0x3FA4] =	sst s5  }
0xe: {  	[smem:$0x3FA5] =	sst s6  }
0xf: {  	[smem:$0x3FA6] =	sst s7  }
0x10: {  	[smem:$0x3FA7] =	sst s8  }
0x11: {  	[smem:$0x3FA8] =	sst s9;
	s0 =	simm.s32 @!p0 $0x0  }
0x12: {  	s1 =	sld [smem:$0x3F8E];
	s0 =	simm.s32 @p0 $0x1  }
0x13: {  	[smem:$0x3FA9] =	sst s0;
	s0 =	simm.s32 @!p1 $0x0  }
0x14: {  	s2 =	sld [smem:$0x3F8D];
	s0 =	simm.s32 @p1 $0x1  }
0x15: {  	[smem:$0x3FAA] =	sst s0;
	s0 =	simm.s32 @!p2 $0x0  }
0x16: {  	s3 =	sld [smem:$0x3FDB];
	s0 =	simm.s32 @p2 $0x1  }
0x17: {  	s4 =	simm.s32 $0x1BF5;
	[smem:$0x3FAC] =	sst s0  }
0x18: {  	s0 =	sld [smem:$0x3F8F];
	_ =	swait.ge [sflag:s4], $0x0  }
0x19: {  	s7 =	sld [smem:$0x3F90]  }
0x1a: {  	s8 =	sadd.s32 $0xFFFFE003, lr  }
0x1b: {  	s9 =	sadd.s32 $0xFFFFFEF7, lr;
	s5 =	simm.s32 $0xFFFFFFFF;
	p2 =	slt.u32 s8, $0xFFFFF086  }
0x1c: {  	p1 =	slt.u32 s9, $0xF7A;
	s5 =	simm.s32 @!p2 $0x0  }
0x1d: {  	s5 =	simm.s32 @p1 $0x1;
	p0 =	seq.s32 s7, s2  }
0x1e: {  	s7 =	smul.u32 @!p0 $0xF7A, s2;
	p2 =	seq.s32 @!p0 s5, $0x0  }
0x1f: {  	s9 =	smul.u32 $0xF7A, s1;
	s8 =	simm.s32 @!p0 $0x1BF5;
	p2 =	por !p2, p0  }
0x20: {  	[sflag:s8] =	ssyncset.s32 @!p0 $0xFFFFF086;
	s6 =	sadd.s32 @!p0 s3, s7;
	s7 =	simm.s32 @!p0 $0x108  }
0x21: {  	s3 =	sadd.s32 s3, s9;
	s6 =	sadd.s32 @!p0 $0x88, s6;
	s7 =	simm.s32 @p2 $0x1082  }
0x22: {  	[simem:s7], [sflag:s8] =	dma.local @!p0 [hbm:s6], $0xF7A  }
0x23: {  	s9 =	sor.u32 $0xD0000000, s2;
	s6 =	simm.s32 $0x108;
	_ =	swait.ge @!p0 [sflag:s8], $0x0  }
0x24: {  	s3 =	sadd.s32 $0x88, s3;
	s6 =	simm.s32 @!p1 $0x1082;
	[sflag:s4] =	ssyncset.s32 $0xFFFFF086  }
0x25: {  	[simem:s6], [sflag:s4] =	dma.local [hbm:s3], $0xF7A  }
0x26: {  	[smem:$0x3F90] =	sst s1;
	(tag) =	ssettag s2;
	_ =	strace s9  }
0x27: {  	s1 =	sld [smem:$0x3FA0]  }
0x28: {  	s2 =	sld [smem:$0x3FA1]  }
0x29: {  	s4 =	sld [smem:$0x3FA3]  }
0x2a: {  	p0 =	seq.s32 s5, $0x0;
	s5 =	sld [smem:$0x3FA4]  }
0x2b: {  	s6 =	sld [smem:$0x3FA5]  }
0x2c: {  	s7 =	sld [smem:$0x3FA6]  }
0x2d: {  	s3 =	simm.s32 $0x108;
	s8 =	sld [smem:$0x3FA7]  }
0x2e: {  	s3 =	simm.s32 @!p0 $0x1082;
	s9 =	sld [smem:$0x3FA8]  }
0x2f: {  	lr =	sadd.s32 s0, s3;
	s0 =	sld [smem:$0x3F9F]  }
0x30: {  	s3 =	sld [smem:$0x3FA2]  }
0x31: {  	[smem:$0x3FAB] =	sst s10  }
0x32: {  	s10 =	sld [smem:$0x3FA9];
	_ =	sdelay $0x3  }
0x33: {  	p0 =	seq.s32 s10, $0x1;
	s10 =	sld [smem:$0x3FAB];
	_ =	sdelay $0x3  }
0x34: {  	[smem:$0x3FAB] =	sst s10  }
0x35: {  	s10 =	sld [smem:$0x3FAA];
	_ =	sdelay $0x3  }
0x36: {  	p1 =	seq.s32 s10, $0x1;
	s10 =	sld [smem:$0x3FAB];
	_ =	sdelay $0x3  }
0x37: {  	[smem:$0x3FAB] =	sst s10  }
0x38: {  	s10 =	sld [smem:$0x3FAC]  }
0x39: {  	_ = 	snop;
	(pc) =	sbr.ind lr, $3  }
0x3a: {  	_ = 	snop  }
0x3b: {  	_ = 	snop  }
0x3c: {  	p2 =	seq.s32 s10, $0x1;
	s10 =	sld [smem:$0x3FAB]  }
0x3d: {  	_ =	shalt  }
0x3e: {  	_ =	shalt  }
0x3f: {  	_ =	shalt  }
0x40: {  	_ =	shalt  }
0x41: {  	_ =	shalt  }
0x42: {  	_ =	shalt  }
0x43: {  	_ =	shalt  }
0x44: {  	_ =	shalt  }
0x45: {  	_ =	shalt  }
0x46: {  	_ =	shalt  }
0x47: {  	_ =	shalt  }
0x48: {  	_ =	shalt  }
0x49: {  	_ =	shalt  }
0x4a: {  	_ =	shalt  }
0x4b: {  	_ =	shalt  }
0x4c: {  	_ =	shalt  }
0x4d: {  	_ =	shalt  }
0x4e: {  	_ =	shalt  }
0x4f: {  	_ =	shalt  }
0x50: {  	_ =	shalt  }
0x51: {  	_ =	shalt  }
0x52: {  	_ =	shalt  }
0x53: {  	_ =	shalt  }
0x54: {  	_ =	shalt  }
0x55: {  	_ =	shalt  }
0x56: {  	_ =	shalt  }
0x57: {  	_ =	shalt  }
0x58: {  	_ =	shalt  }
0x59: {  	_ =	shalt  }
0x5a: {  	_ =	shalt  }
0x5b: {  	_ =	shalt  }
0x5c: {  	_ =	shalt  }
0x5d: {  	_ =	shalt  }
0x5e: {  	_ =	shalt  }
0x5f: {  	_ =	shalt  }
0x60: {  	_ =	shalt  }
0x61: {  	_ =	shalt  }
0x62: {  	_ =	shalt  }
0x63: {  	_ =	shalt  }
0x64: {  	_ =	shalt  }
0x65: {  	_ =	shalt  }
0x66: {  	_ =	shalt  }
0x67: {  	_ =	shalt  }
0x68: {  	_ =	shalt  }
0x69: {  	_ =	shalt  }
0x6a: {  	_ =	shalt  }
0x6b: {  	_ =	shalt  }
0x6c: {  	_ =	shalt  }
0x6d: {  	_ =	shalt  }
0x6e: {  	_ =	shalt  }
0x6f: {  	_ =	shalt  }
0x70: {  	_ =	shalt  }
0x71: {  	_ =	shalt  }
0x72: {  	_ =	shalt  }
0x73: {  	_ =	shalt  }
0x74: {  	_ =	shalt  }
0x75: {  	_ =	shalt  }
0x76: {  	_ =	shalt  }
0x77: {  	_ =	shalt  }
0x78: {  	_ =	shalt  }
0x79: {  	_ =	shalt  }
0x7a: {  	_ =	shalt  }
0x7b: {  	_ =	shalt  }
0x7c: {  	_ =	shalt  }
0x7d: {  	_ =	shalt  }
0x7e: {  	_ =	shalt  }
0x7f: {  	_ =	shalt  }
0x80: {  	_ =	shalt  }
0x81: {  	_ =	shalt  }
0x82: {  	_ =	shalt  }
0x83: {  	_ =	shalt  }
0x84: {  	_ =	shalt  }
0x85: {  	_ =	shalt  }
0x86: {  	_ =	shalt  }
0x87: {  	_ =	shalt  }
.Lfunc_end0:
.L_simem_size_0:
called_computation_lowered:
.L_overlay_start_0:
0x88: {  	s2 =	sld [smem:$0x3FD9]  }
0x89: {  	s3 =	sld [smem:$0x3FFE];
	_ =	sdelay $0x1  }
0x8a: {  	s1 =	srdreg.scid  }
0x8b: {  	s0 =	sand.u32 $0x1, s1  }
0x8c: {  	s17 =	sshll.u32 s0, $0xA;
	s2 =	sadd.s32 s3, s2  }
0x8d: {  	s2 =	sadd.s32 s2, s17  }
0x8e: {  	[smem:$0x3FB7] =	sst s2  }
0x8f: {  	_ = 	snop  }
0x90: {  	s2 =	sld [smem:$0x3FD0];
	(tm) =	ssettm $0x1  }
0x91: {  	s18 =	sld [smem:$0x3FFB];
	_ =	sdelay $0x3  }
0x92: {  	_ =	strace s18  }
0x93: {  	s3 =	sld [smem:$0x3FFC];
	_ =	sdelay $0x3  }
0x94: {  	_ =	strace s3  }
0x95: {  	s3 =	sld [smem:$0x3FFD];
	_ =	sdelay $0x3  }
0x96: {  	_ =	strace s3  }
0x97: {  	_ =	strace $0x8FFFFFFF  }
0x98: {  	s19 =	sld [smem:$0x3FDB];
	_ =	sdelay $0x1  }
0x99: {  	s4 =	simm.s32 $_scs_section_size  }
0x9a: {  	s5 =	simm.s32 $_size__tile_overlayer_lowered;
	s6 =	simm.s32 $_tile_overlayer_lowered  }
0x9b: {  	s22 =	simm.s32 $0x1BFF;
	s21 =	sshll.u32 s6, $0x1;
	s3 =	sadd.s32 s4, s19  }
0x9c: {  	s7 =	simm.s32 $0x0;
	s20 =	sshll.u32 s5, $0x1;
	s5 =	sadd.s32 s21, s3  }
0x9d: {  	[timem:s7], [sflag:s22] =	dma.local [hbm:s5], s20  }
0x9e: {  	_ =	swait.ge [sflag:s22], s20  }
0x9f: {  	s4 =	ssub.s32 $0x0, s20;
	[sflag:s22] =	ssyncset.done $0x0  }
0xa0: {  	[sflag:s22] =	ssyncadd.s32 s4;
	_ =	sdelay $0x1  }
0xa1: {  	s23 =	simm.s32 $0x1B8B  }
0xa2: {  	_ =	swait.ge [sflag:s23], $0x1  }
0xa3: {  	[sflag:s23] =	ssyncset.done $0x0  }
0xa4: {  	s25 =	simm.s32 $0x1B8E;
	s24 =	sld [smem:$0x3FFE];
	[sflag:s23] =	ssyncadd.s32 $0xFFFFFFFF  }
0xa5: {  	s26 =	simm.s32 $execute0_lowered;
	[smem:$0x3FD2] =	sst s25  }
0xa6: {  	s5 =	sshll.u32 s26, $0x1;
	_ =	strace $0x80000046;
	[dreg:$0x1] =	wrdreg $0xFFFFFFFF  }
0xa7: {  	s28 =	simm.s32 $_size_execute0_lowered;
	s3 =	sadd.s32 s3, s5;
	[dreg:$0x0] =	wrdreg $0x0  }
0xa8: {  	s5 =	sshll.u32 s28, $0x1;
	[dreg:$0x2] =	wrdreg s3  }
0xa9: {  	[dreg:$0x3] =	wrdreg s5  }
0xaa: {  	[dreg:$0x4] =	wrdreg $0xC0  }
0xab: {  	_ =	task [dreg:s7], $0x5FFFF  }
0xac: {  	[dreg:$0x1] =	wrdreg $0xFFFFFFFF  }
0xad: {  	[dreg:$0x0] =	wrdreg $0x60  }
0xae: {  	[dreg:$0x2] =	wrdreg s24  }
0xaf: {  	[dreg:$0x3] =	wrdreg s2  }
0xb0: {  	[dreg:$0x4] =	wrdreg $0x82000  }
0xb1: {  	[dreg:$0x5] =	wrdreg $0x1BB000  }
0xb2: {  	[dreg:$0x6] =	wrdreg $0x9  }
0xb3: {  	_ =	task.clear_ibuf [dreg:s7], $0x7FFFF;
	_ =	strace $0x90000046  }
0xb4: {  	s29 =	simm.s32 $0x9;
	_ =	strace $0x80000048  }
0xb5: {  	_ =	swait.ge [sflag:s29], $0x1  }
0xb6: {  	[sflag:s29] =	ssyncadd.s32 $0xFFFFFFFF  }
0xb7: {  	_ =	strace $0x90000048  }
0xb8: {  	_ =	sfence  }
0xb9: {  	s30 =	sld [smem:$0x0];
	_ =	sdelay $0x2  }
0xba: {  	s31 =	sshll.u32 s1, $0xD;
	s1 =	sshrl.u32 s1, $0x2  }
0xbb: {  	s3 =	sand.u32 $0x4000, s31;
	s1 =	sadd.s32 s1, s30  }
0xbc: {  	s0 =	sor.u32 s3, s0;
	s1 =	sshll.u32 s1, $0x11  }
0xbd: {  	s0 =	sor.u32 s1, s0  }
0xbe: {  	s0 =	sadd.s32 $0x8F2B, s0  }
0xbf: {  	[sflag:s0] =	ssyncadd.remote.s32 $0x1  }
0xc0: {  	_ =	sfence.sel $0xFFFF  }
0xc1: {  	[dreg:$0x0] =	wrdreg $0xFFFFFFFF;
	(pc) =	sbr.abs _section_cstart, $3  }
0xc2: {  	[dreg:$0x1] =	wrdreg $0xFFFFFFFF  }
0xc3: {  	_ =	task.clear_ibuf [dreg:s7], $0x2FFFF;
	_ =	strace $0x9FFFFFFF  }
0xc4: {  	(tm) =	ssettm $0x7FFFFFFF  }
0xc5: {  	_ =	shalt  }
tec
execute0_lowered:
.L_overlay_start_1:
0x0: {  	(tag) =	ssettag $0x1  }
0x1: {  	s0 =	rddreg [dreg:$0x0]  }
0x2: {  	s2 =	rddreg [dreg:$0x2]  }
0x3: {  	s3 =	rddreg [dreg:$0x3]  }
0x4: {  	s4 =	simm.s32 $0x0;
	s9 =	srdreg.scid;
	s20 =	stileid.u32  }
0x5: {  	s28 =	simm.s32 $0x5;
	[smem:$0x7FF] =	sst s4;
	s11 =	smul.u32 $0x3B, s20  }
0x6: {  	s5 =	sadd.s32 $0xEE00, s0;
	s1 =	sadd.s32 $0x9E00, s0;
	s14 =	smul.u32 $0x15, s20  }
0x7: {  	s6 =	sadd.s32 $0x4E00, s0;
	s7 =	sadd.s32 $0x36000, s0;
	s16 =	smul.u32 $0x4F000, s20  }
0x8: {  	s8 =	sadd.s32 $0x38800, s0;
	s10 =	sand.u32 $0x1, s9;
	s17 =	smul.u32 $0x9E00, s20  }
0x9: {  	s13 =	sadd.s32 $0x42C00, s0;
	s0 =	sadd.s32 $0x38E00, s0;
	s19 =	smul.u32 $0x13C00, s20  }
0xa: {  	s9 =	simm.s32 $0x3B;
	s24 =	smul.u32 $0x2780, s20;
	_ =	strace $0x80000047  }
0xb: {  	s12 =	ssub.s32 $0x2, s10;
	p0 =	seq.s32 s10, $0x0;
	s18 =	smul.u32 $0x138800, s10  }
0xc: {  	s21 =	smul.u32 $0x27100, s10;
	s15 =	sshrl.u32 s12, $0x1;
	s9 =	simm.s32 @!p0 $0x15  }
0xd: {  	s29 =	sshrl.u32 s16, $0x2;
	s30 =	sshrl.u32 s17, $0x2;
	s15 =	ssub.s32 s12, s15  }
0xe: {  	s12 =	sadd.s32 $0x3B0, s14;
	s16 =	sadd.s32 s29, s2;
	s14 =	sadd.s32 s30, s3  }
0xf: {  	s22 =	sadd.s32 $0xFFFFFFFE, s9;
	s23 =	sadd.s32 s19, s18;
	s26 =	sshrl.u32 s18, $0x3  }
0x10: {  	s29 =	sadd.s32 s24, s21;
	s30 =	sadd.s32 $0x25080, s3;
	[dreg:$0x5] =	wrdreg s22  }
0x11: {  	s12 =	smov.u32 @p0 s11;
	s10 =	sadd.s32 s13, s26;
	[dreg:$0xa] =	wrdreg s30  }
0x12: {  	s31 =	sshll.u32 s12, $0x4;
	s12 =	sadd.s32 $0x128400, s2;
	s10 =	sadd.s32 $0x25080, s10  }
0x13: {  	[dreg:$0x6] =	wrdreg s12;
	s11 =	sadd.s32 s1, s31;
	s12 =	sadd.s32 s6, s31  }
0x14: {  	s17 =	sadd.s32 $0x10, s31;
	[dreg:$0xc] =	wrdreg s10;
	s31 =	smax.u32 s15, $0x1  }
0x15: {  	s25 =	sshrl.u32 s23, $0x3;
	s1 =	sadd.s32 s1, s17;
	[dreg:$0xe] =	wrdreg s31  }
0x16: {  	s17 =	sadd.s32 s6, s17;
	s6 =	sadd.s32 s13, s25;
	[dreg:$0x7] =	wrdreg s1  }
0x17: {  	p1 =	seq.s32 s20, $0xF;
	[dreg:$0x9] =	wrdreg s6;
	s6 =	sshrl.u32 s29, $0x3  }
0x18: {  	[dreg:$0x8] =	wrdreg s17;
	s1 =	sshrl.u32 s21, $0x3;
	s6 =	sadd.s32 s0, s6  }
0x19: {  	s0 =	sadd.s32 s0, s1;
	s1 =	sadd.s32 s19, s2;
	[dreg:$0xb] =	wrdreg s6  }
0x1a: {  	s6 =	sadd.s32 s24, s3;
	s0 =	sadd.s32 $0x4A10, s0;
	s24 =	sshrl.u32 @!p1 s1, $0x3  }
0x1b: {  	s1 =	simm.s32 @!p1 $0x0;
	[dreg:$0xd] =	wrdreg s0;
	s0 =	sshrl.u32 @!p1 s16, $0x3  }
0x1c: {  	s18 =	sadd.s32 $0xFFFFFFFF, s9;
	s1 =	simm.s32 @p1 $0x1;
	[dreg:$0xf] =	wrdreg s0  }
0x1d: {  	s26 =	simm.s32 $0x0;
	s0 =	sshrl.u32 @!p1 s14, $0x3;
	[smem:$0x7FD] =	sst s1  }
0x1e: {  	s25 =	sshrl.u32 @!p1 s6, $0x3;
	[dreg:$0x10] =	wrdreg s0;
	s0 =	simm.s32 $0x3  }
.LBB2_1:
0x1f: {  	s1 =	rddreg [dreg:$0x6]  }
0x20: {  	s6 =	simm.s32 @p1 $0x1FC5;
	s10 =	simm.s32 @p1 $0x5;
	s31 =	sshrl.u32 @p1 s1, $0x3  }
0x21: {  	[spmem:s31], [sflag:s6] =	dma.local @p1 [hbm:s7], $0x2180  }
0x22: {  	_ =	swait.ge @p1 [sflag:s10], $0x2180  }
0x23: {  	[sflag:s10] =	ssyncset.done @p1 $0x0;
	s1 =	rddreg [dreg:$0xa]  }
0x24: {  	[sflag:s10] =	ssyncadd.s32 @p1 $0xFFFFDE80;
	s1 =	sshrl.u32 @p1 s1, $0x3  }
0x25: {  	[spmem:s1], [sflag:s6] =	dma.local @p1 [hbm:s8], $0x430  }
0x26: {  	s6 =	stileid.u32;
	_ =	swait.ge @p1 [sflag:s10], $0x430  }
0x27: {  	s6 =	sshll.u32 @!p1 s6, $0x6;
	[sflag:s10] =	ssyncset.done @p1 $0x0  }
0x28: {  	s29 =	sor.u32 @!p1 $0x1C05, s6;
	s6 =	rddreg [dreg:$0xf];
	[sflag:s10] =	ssyncadd.s32 @p1 $0xFFFFFBD0  }
0x29: {  	[spmem:s6], [sflag:s29] =	dma.local @!p1 [hbm:s7], $0x2780  }
0x2a: {  	s6 =	simm.s32 @!p1 $0x5  }
0x2b: {  	_ =	swait.ge @!p1 [sflag:s6], $0x2780  }
0x2c: {  	[sflag:s6] =	ssyncset.done @!p1 $0x0  }
0x2d: {  	s10 =	rddreg [dreg:$0x10];
	[sflag:s6] =	ssyncadd.s32 @!p1 $0xFFFFD880  }
0x2e: {  	[spmem:s10], [sflag:s29] =	dma.local @!p1 [hbm:s8], $0x4F0  }
0x2f: {  	_ =	swait.ge @!p1 [sflag:s6], $0x4F0  }
0x30: {  	[sflag:s6] =	ssyncset.done @!p1 $0x0  }
0x31: {  	[sflag:s6] =	ssyncadd.s32 @!p1 $0xFFFFFB10  }
0x32: {  	s19 =	simm.s32 $0x1E220;
	s6 =	rddreg [dreg:$0x1]  }
0x33: {  	[tilespmem:s19], [sflag:$0x5] =	stream.linear.gather [hbm4b:s6+s4], $0x800, $0x38;
	[tilespmem:$0x1EA20] =	vst v63  }
0x34: {  	_ =	swait.ge [sflag:s28], $0x800  }
0x35: {  	[sflag:s28] =	ssyncset.done $0x0  }
0x36: {  	[sflag:s28] =	ssyncadd.s32 $0xFFFFF800  }
0x37: {  	[bflag:$0x0] =	sbarrier.arrive $0xFFFF  }
0x38: {  	[tilespmem:s4], [sflag:$0x3] =	stream.linear.gather [hbm4b:s11+s4], $0x80, $0x38;
	[tilespmem:$0x1EA20] =	vst v63  }
0x39: {  	s20 =	simm.s32 $0x100  }
0x3a: {  	[tilespmem:s20], [sflag:$0x3] =	stream.linear.gather [hbm4b:s12+s4], $0x80, $0x38;
	[tilespmem:$0x1EA20] =	vst v63  }
0x3b: {  	s22 =	simm.s32 $0x80;
	s21 =	rddreg [dreg:$0x7]  }
0x3c: {  	[tilespmem:s22], [sflag:$0x4] =	stream.linear.gather [hbm4b:s21+s4], $0x80, $0x38;
	[tilespmem:$0x1EA20] =	vst v63  }
0x3d: {  	s13 =	simm.s32 $0x180;
	s23 =	rddreg [dreg:$0x8]  }
0x3e: {  	[tilespmem:s13], [sflag:$0x4] =	stream.linear.gather [hbm4b:s23+s4], $0x80, $0x38;
	[tilespmem:$0x1EA20] =	vst v63  }
0x3f: {  	_ =	swait.ge [sflag:s0], $0x80  }
0x40: {  	[sflag:s0] =	ssyncset.done $0x0  }
0x41: {  	p4 =	sle.u32 s9, $0x0;
	[sflag:s0] =	ssyncadd.s32 $0xFFFFFF80  }
0x42: {  	p0 =	sle.u32 @!p4 s18, $0x0;
	_ =	swait.ge [sflag:s0], $0x80  }
0x43: {  	p0 =	por p0, p4;
	[sflag:s0] =	ssyncset.done $0x0  }
0x44: {  	s30 =	simm.s32 $0x200;
	s10 =	simm.s32 @!p0 $0x4;
	[sflag:s0] =	ssyncadd.s32 $0xFFFFFF80  }
0x45: {  	[tilespmem:s30], [sflag:$0x1] =	stream.indirect.gather [hbm4b:s5+s22], $0x80, s4, s22, $0xb8;
	[tilespmem:$0x1EA20] =	vst v63  }
0x46: {  	_ =	swait.ge @!p0 [sflag:s10], $0x80  }
0x47: {  	s14 =	simm.s32 $0x40;
	s17 =	simm.s32 @!p4 $0x5;
	[sflag:s10] =	ssyncset.done @!p0 $0x0  }
0x48: {  	s15 =	simm.s32 @!p0 $0x4200;
	p1 =	sle.u32 s18, $0x0;
	[sflag:s10] =	ssyncadd.s32 @!p0 $0xFFFFFF80  }
0x49: {  	p2 =	sle.u32 @!p1 s9, $0x3;
	s6 =	simm.s32 $0x20;
	_ =	swait.ge @!p0 [sflag:s10], $0x80  }
0x4a: {  	p6 =	por p2, p2;
	p2 =	por p1, p1;
	[sflag:s10] =	ssyncset.done @!p0 $0x0  }
0x4b: {  	s13 =	simm.s32 @!p0 $0x80;
	[sflag:s10] =	ssyncadd.s32 @!p0 $0xFFFFFF80;
	s10 =	simm.s32 @!p4 $0x1  }
0x4c: {  	[tilespmem:s15], [sflag:$0x2] =	stream.indirect.gather @!p0 [hbm4b:s5+s13], $0x80, s13, s13, $0xb8;
	[tilespmem:$0x1EA20] =	vst v63  }
0x4d: {  	s19 =	simm.s32 @!p4 $0x100;
	p1 =	sle.u32 s18, $0x2;
	_ =	swait.ge @!p4 [sflag:s10], $0x4000  }
0x4e: {  	s20 =	simm.s32 @!p4 $0x80;
	p0 =	sle.u32 @!p4 s9, $0x2;
	[sflag:s10] =	ssyncset.done @!p4 $0x0  }
0x4f: {  	s13 =	simm.s32 @!p4 $0x200;
	s15 =	simm.s32 $0x0;
	[sflag:s10] =	ssyncadd.s32 @!p4 $0xFFFFC000  }
0x50: {  	[spmem:s2] =	stream.indirect.scatter.add.f32 @!p4 [tilespmem:s13], [sflag:$0x5], $0x80, s19, s20, $0xb8;
	[tilespmem:$0x1EA20] =	vst v63  }
0x51: {  	p0 =	por p0, p4;
	s10 =	simm.s32 $0x2;
	s13 =	simm.s32 $0x0  }
.LBB2_2:
0x52: {  	s16 =	smov.u32 s14;
	s14 =	sadd.s32 $0x20, s14  }
0x53: {  	_ =	swait.ge @!p4 [sflag:s17], $0x4000;
	p3 =	sne.s32 s14, $0x3C0  }
0x54: {  	[sflag:s17] =	ssyncset.done @!p4 $0x0;
	s22 =	simm.s32 @!p3 $0x0  }
0x55: {  	s30 =	simm.s32 @!p4 $0x1E220;
	[sflag:s17] =	ssyncadd.s32 @!p4 $0xFFFFC000;
	s22 =	simm.s32 @p3 $0x1  }
0x56: {  	[spmem:s3] =	stream.indirect.scatter.add.f32 @!p4 [tilespmem:s30], [sflag:$0x5], $0x10, s19, s20, $0xb8;
	[tilespmem:$0x1EA20] =	vst v63  }
0x57: {  	[smem:$0x7FC] =	sst s22;
	s22 =	sadd.s32 @!p1 $0x3, s10  }
0x58: {  	p3 =	sge.u32 @!p1 s22, s9  }
0x59: {  	s22 =	simm.s32 @!p3 $0x0  }
0x5a: {  	s21 =	sadd.s32 @!p0 s13, s11;
	_ =	swait.ge @!p4 [sflag:s17], $0x800;
	s22 =	simm.s32 @p3 $0x1  }
0x5b: {  	s19 =	simm.s32 @!p0 $0x0;
	[sflag:s17] =	ssyncset.done @!p4 $0x0;
	[smem:$0x7FB] =	sst s22  }
0x5c: {  	[sflag:s17] =	ssyncadd.s32 @!p4 $0xFFFFF800;
	s17 =	sadd.s32 @!p0 $0x20, s21;
	s22 =	rddreg [dreg:$0x5]  }
0x5d: {  	[tilespmem:s19], [sflag:$0x3] =	stream.linear.gather @!p0 [hbm4b:s17+s19], $0x80, $0x38;
	[tilespmem:$0x1EA20] =	vst v63  }
0x5e: {  	s23 =	sadd.s32 @!p0 s13, s12;
	p3 =	sge.u32 @!p2 s15, s22  }
0x5f: {  	s20 =	sadd.s32 @!p0 $0x20, s23;
	s17 =	simm.s32 @!p0 $0x100;
	p3 =	por p3, p2  }
0x60: {  	[tilespmem:s17], [sflag:$0x3] =	stream.linear.gather @!p0 [hbm4b:s20+s19], $0x80, $0x38;
	[tilespmem:$0x1EA20] =	vst v63  }
0x61: {  	s17 =	simm.s32 @!p3 $0x3  }
0x62: {  	_ =	swait.ge @!p3 [sflag:s17], $0x80  }
0x63: {  	[sflag:s17] =	ssyncset.done @!p3 $0x0  }
0x64: {  	[sflag:s17] =	ssyncadd.s32 @!p3 $0xFFFFFF80  }
0x65: {  	p4 =	sge.u32 s10, s9;
	_ =	swait.ge @!p3 [sflag:s17], $0x80  }
0x66: {  	s19 =	simm.s32 @!p2 $0x2;
	s21 =	simm.s32 @!p3 $0x200;
	[sflag:s17] =	ssyncset.done @!p3 $0x0  }
0x67: {  	s22 =	simm.s32 @!p3 $0x80;
	s23 =	simm.s32 @!p3 $0x0;
	[sflag:s17] =	ssyncadd.s32 @!p3 $0xFFFFFF80  }
0x68: {  	[tilespmem:s21], [sflag:$0x1] =	stream.indirect.gather @!p3 [hbm4b:s5+s22], $0x80, s23, s22, $0xb8;
	[tilespmem:$0x1EA20] =	vst v63  }
0x69: {  	p5 =	sge.u32 @!p4 s10, s18;
	_ =	swait.ge @!p2 [sflag:s19], $0x4000  }
0x6a: {  	s20 =	simm.s32 @!p2 $0x4200;
	s21 =	simm.s32 @!p2 $0x80;
	[sflag:s19] =	ssyncset.done @!p2 $0x0  }
0x6b: {  	s22 =	simm.s32 @!p2 $0x180;
	s23 =	simm.s32 @!p2 $0x5;
	[sflag:s19] =	ssyncadd.s32 @!p2 $0xFFFFC000  }
0x6c: {  	[spmem:s2] =	stream.indirect.scatter.add.f32 @!p2 [tilespmem:s20], [sflag:$0x5], $0x80, s22, s21, $0xb8;
	[tilespmem:$0x1EA20] =	vst v63  }
0x6d: {  	s30 =	sadd.s32 @!p4 $0x2, s10;
	p5 =	por p5, p4;
	_ =	swait.ge @!p2 [sflag:s23], $0x4000  }
0x6e: {  	p0 =	sge.u32 @!p4 s30, s9;
	p3 =	por p6, p2;
	[sflag:s23] =	ssyncset.done @!p2 $0x0  }
0x6f: {  	s17 =	simm.s32 @!p2 $0x1E220;
	s30 =	simm.s32 @!p3 $0x80;
	[sflag:s23] =	ssyncadd.s32 @!p2 $0xFFFFC000  }
0x70: {  	[spmem:s3] =	stream.indirect.scatter.add.f32 @!p2 [tilespmem:s17], [sflag:$0x5], $0x10, s22, s21, $0xb8;
	[tilespmem:$0x1EA20] =	vst v63  }
0x71: {  	s19 =	sadd.s32 @!p3 s13, s11;
	s13 =	sadd.s32 @!p3 s13, s12;
	_ =	swait.ge @!p2 [sflag:s23], $0x800  }
0x72: {  	s19 =	sadd.s32 @!p3 $0x30, s19;
	s20 =	simm.s32 @!p3 $0x0;
	[sflag:s23] =	ssyncset.done @!p2 $0x0  }
0x73: {  	s17 =	sadd.s32 @!p3 $0x30, s13;
	s13 =	smov.u32 s6;
	[sflag:s23] =	ssyncadd.s32 @!p2 $0xFFFFF800  }
0x74: {  	[tilespmem:s30], [sflag:$0x4] =	stream.linear.gather @!p3 [hbm4b:s19+s20], $0x80, $0x38;
	[tilespmem:$0x1EA20] =	vst v63  }
0x75: {  	s6 =	smov.u32 s16;
	s16 =	simm.s32 @!p5 $0x4;
	s19 =	simm.s32 @!p3 $0x180  }
0x76: {  	[tilespmem:s19], [sflag:$0x4] =	stream.linear.gather @!p3 [hbm4b:s17+s20], $0x80, $0x38;
	[tilespmem:$0x1EA20] =	vst v63  }
0x77: {  	s23 =	sld [smem:$0x7FB];
	_ =	swait.ge @!p5 [sflag:s16], $0x80  }
0x78: {  	[sflag:s16] =	ssyncset.done @!p5 $0x0  }
0x79: {  	[sflag:s16] =	ssyncadd.s32 @!p5 $0xFFFFFF80  }
0x7a: {  	_ =	swait.ge @!p5 [sflag:s16], $0x80  }
0x7b: {  	s17 =	simm.s32 @!p5 $0x80;
	[sflag:s16] =	ssyncset.done @!p5 $0x0  }
0x7c: {  	s19 =	simm.s32 @!p5 $0x4200;
	[sflag:s16] =	ssyncadd.s32 @!p5 $0xFFFFFF80;
	s16 =	simm.s32 @!p4 $0x1  }
0x7d: {  	[tilespmem:s19], [sflag:$0x2] =	stream.indirect.gather @!p5 [hbm4b:s5+s17], $0x80, s17, s17, $0xb8;
	[tilespmem:$0x1EA20] =	vst v63  }
0x7e: {  	_ =	swait.ge @!p4 [sflag:s16], $0x4000  }
0x7f: {  	s30 =	sld [smem:$0x7FC];
	_ =	sdelay $0x2  }
0x80: {  	s15 =	smov.u32 s10;
	s10 =	sadd.s32 $0x2, s10;
	p3 =	seq.s32 s30, $0x1  }
.Ltmp0:
0x81: {  	p0 =	por p0, p4;
	p2 =	seq.s32 s23, $0x1;
	(pc) =	sbr.rel @p3 .LBB2_2-.Ltmp0, $4  }
0x82: {  	s21 =	simm.s32 @!p4 $0x200;
	s20 =	simm.s32 @!p4 $0x80;
	p6 =	por p2, p2  }
0x83: {  	p2 =	por p1, p1;
	p1 =	sge.u32 s10, s18;
	[sflag:s16] =	ssyncset.done @!p4 $0x0  }
0x84: {  	s17 =	simm.s32 @!p4 $0x5;
	s19 =	simm.s32 @!p4 $0x100;
	[sflag:s16] =	ssyncadd.s32 @!p4 $0xFFFFC000  }
0x85: {  	[spmem:s2] =	stream.indirect.scatter.add.f32 @!p4 [tilespmem:s21], [sflag:$0x5], $0x80, s19, s20, $0xb8;
	[tilespmem:$0x1EA20] =	vst v63  }
0x86: {  	_ =	swait.ge @!p4 [sflag:s17], $0x4000  }
0x87: {  	[sflag:s17] =	ssyncset.done @!p4 $0x0  }
0x88: {  	s14 =	simm.s32 @!p4 $0x1E220;
	[sflag:s17] =	ssyncadd.s32 @!p4 $0xFFFFC000  }
0x89: {  	[spmem:s3] =	stream.indirect.scatter.add.f32 @!p4 [tilespmem:s14], [sflag:$0x5], $0x10, s19, s20, $0xb8;
	[tilespmem:$0x1EA20] =	vst v63  }
0x8a: {  	_ =	swait.ge @!p4 [sflag:s17], $0x800  }
0x8b: {  	s16 =	sadd.s32 @!p0 s13, s12;
	s14 =	sadd.s32 @!p0 s13, s11;
	[sflag:s17] =	ssyncset.done @!p4 $0x0  }
0x8c: {  	s14 =	sadd.s32 @!p0 $0x20, s14;
	[sflag:s17] =	ssyncadd.s32 @!p4 $0xFFFFF800;
	s17 =	simm.s32 @!p0 $0x0  }
0x8d: {  	[tilespmem:s17], [sflag:$0x3] =	stream.linear.gather @!p0 [hbm4b:s14+s17], $0x80, $0x38;
	[tilespmem:$0x1EA20] =	vst v63  }
0x8e: {  	s19 =	rddreg [dreg:$0x5];
	s14 =	sadd.s32 @!p0 $0x20, s16;
	s16 =	simm.s32 @!p0 $0x100  }
0x8f: {  	[tilespmem:s16], [sflag:$0x3] =	stream.linear.gather @!p0 [hbm4b:s14+s17], $0x80, $0x38;
	[tilespmem:$0x1EA20] =	vst v63  }
0x90: {  	p0 =	sge.u32 @!p2 s15, s19  }
0x91: {  	p0 =	por p0, p2  }
0x92: {  	s14 =	simm.s32 @!p0 $0x3  }
0x93: {  	_ =	swait.ge @!p0 [sflag:s14], $0x80  }
0x94: {  	[sflag:s14] =	ssyncset.done @!p0 $0x0  }
0x95: {  	[sflag:s14] =	ssyncadd.s32 @!p0 $0xFFFFFF80  }
0x96: {  	_ =	swait.ge @!p0 [sflag:s14], $0x80  }
0x97: {  	s15 =	simm.s32 @!p0 $0x200;
	s16 =	simm.s32 @!p0 $0x80;
	[sflag:s14] =	ssyncset.done @!p0 $0x0  }
0x98: {  	s17 =	simm.s32 @!p0 $0x0;
	[sflag:s14] =	ssyncadd.s32 @!p0 $0xFFFFFF80;
	s14 =	simm.s32 @!p2 $0x2  }
0x99: {  	[tilespmem:s15], [sflag:$0x1] =	stream.indirect.gather @!p0 [hbm4b:s5+s16], $0x80, s17, s16, $0xb8;
	[tilespmem:$0x1EA20] =	vst v63  }
0x9a: {  	_ =	swait.ge @!p2 [sflag:s14], $0x4000  }
0x9b: {  	s15 =	simm.s32 @!p2 $0x4200;
	s16 =	simm.s32 @!p2 $0x80;
	[sflag:s14] =	ssyncset.done @!p2 $0x0  }
0x9c: {  	s17 =	simm.s32 @!p2 $0x180;
	[sflag:s14] =	ssyncadd.s32 @!p2 $0xFFFFC000;
	s14 =	simm.s32 @!p2 $0x5  }
0x9d: {  	[spmem:s2] =	stream.indirect.scatter.add.f32 @!p2 [tilespmem:s15], [sflag:$0x5], $0x80, s17, s16, $0xb8;
	[tilespmem:$0x1EA20] =	vst v63  }
0x9e: {  	_ =	swait.ge @!p2 [sflag:s14], $0x4000  }
0x9f: {  	p3 =	por p6, p2;
	[sflag:s14] =	ssyncset.done @!p2 $0x0  }
0xa0: {  	p0 =	sge.u32 s10, s9;
	s15 =	simm.s32 @!p2 $0x1E220;
	[sflag:s14] =	ssyncadd.s32 @!p2 $0xFFFFC000  }
0xa1: {  	[spmem:s3] =	stream.indirect.scatter.add.f32 @!p2 [tilespmem:s15], [sflag:$0x5], $0x10, s17, s16, $0xb8;
	[tilespmem:$0x1EA20] =	vst v63  }
0xa2: {  	s15 =	sadd.s32 @!p3 s13, s11;
	s13 =	sadd.s32 @!p3 s13, s12;
	_ =	swait.ge @!p2 [sflag:s14], $0x800  }
0xa3: {  	s16 =	simm.s32 @!p3 $0x0;
	s15 =	sadd.s32 @!p3 $0x30, s15;
	[sflag:s14] =	ssyncset.done @!p2 $0x0  }
0xa4: {  	[sflag:s14] =	ssyncadd.s32 @!p2 $0xFFFFF800;
	s14 =	simm.s32 @!p3 $0x80;
	p2 =	sge.u32 @!p0 s10, s18  }
0xa5: {  	[tilespmem:s14], [sflag:$0x4] =	stream.linear.gather @!p3 [hbm4b:s15+s16], $0x80, $0x38;
	[tilespmem:$0x1EA20] =	vst v63  }
0xa6: {  	s13 =	sadd.s32 @!p3 $0x30, s13;
	s14 =	simm.s32 @!p3 $0x180;
	p2 =	por p2, p0  }
0xa7: {  	[tilespmem:s14], [sflag:$0x4] =	stream.linear.gather @!p3 [hbm4b:s13+s16], $0x80, $0x38;
	[tilespmem:$0x1EA20] =	vst v63  }
0xa8: {  	s13 =	simm.s32 @!p2 $0x4  }
0xa9: {  	_ =	swait.ge @!p2 [sflag:s13], $0x80  }
0xaa: {  	[sflag:s13] =	ssyncset.done @!p2 $0x0  }
0xab: {  	[sflag:s13] =	ssyncadd.s32 @!p2 $0xFFFFFF80  }
0xac: {  	_ =	swait.ge @!p2 [sflag:s13], $0x80  }
0xad: {  	s15 =	simm.s32 @!p2 $0x4200;
	[sflag:s13] =	ssyncset.done @!p2 $0x0  }
0xae: {  	s14 =	simm.s32 @!p2 $0x80;
	[sflag:s13] =	ssyncadd.s32 @!p2 $0xFFFFFF80;
	s13 =	simm.s32 @!p0 $0x1  }
0xaf: {  	[tilespmem:s15], [sflag:$0x2] =	stream.indirect.gather @!p2 [hbm4b:s5+s14], $0x80, s14, s14, $0xb8;
	[tilespmem:$0x1EA20] =	vst v63  }
0xb0: {  	_ =	swait.ge @!p0 [sflag:s13], $0x4000  }
0xb1: {  	s16 =	simm.s32 @!p0 $0x100;
	s14 =	simm.s32 @!p0 $0x200;
	[sflag:s13] =	ssyncset.done @!p0 $0x0  }
0xb2: {  	s15 =	simm.s32 @!p0 $0x5;
	[sflag:s13] =	ssyncadd.s32 @!p0 $0xFFFFC000;
	s13 =	simm.s32 @!p0 $0x80  }
0xb3: {  	[spmem:s2] =	stream.indirect.scatter.add.f32 @!p0 [tilespmem:s14], [sflag:$0x5], $0x80, s16, s13, $0xb8;
	[tilespmem:$0x1EA20] =	vst v63  }
0xb4: {  	s14 =	sadd.s32 @!p0 $0x2, s10;
	_ =	swait.ge @!p0 [sflag:s15], $0x4000  }
0xb5: {  	p2 =	sge.u32 @!p0 s14, s9;
	[sflag:s15] =	ssyncset.done @!p0 $0x0  }
0xb6: {  	s14 =	simm.s32 @!p0 $0x1E220;
	p2 =	por p2, p0;
	[sflag:s15] =	ssyncadd.s32 @!p0 $0xFFFFC000  }
0xb7: {  	[spmem:s3] =	stream.indirect.scatter.add.f32 @!p0 [tilespmem:s14], [sflag:$0x5], $0x10, s16, s13, $0xb8;
	[tilespmem:$0x1EA20] =	vst v63  }
0xb8: {  	s13 =	sadd.s32 @!p2 s6, s11;
	_ =	swait.ge @!p0 [sflag:s15], $0x800  }
0xb9: {  	s14 =	sadd.s32 @!p2 s6, s12;
	s16 =	simm.s32 @!p2 $0x0;
	[sflag:s15] =	ssyncset.done @!p0 $0x0  }
0xba: {  	s13 =	sadd.s32 @!p2 $0x20, s13;
	[sflag:s15] =	ssyncadd.s32 @!p0 $0xFFFFF800;
	s15 =	rddreg [dreg:$0x5]  }
0xbb: {  	[tilespmem:s16], [sflag:$0x3] =	stream.linear.gather @!p2 [hbm4b:s13+s16], $0x80, $0x38;
	[tilespmem:$0x1EA20] =	vst v63  }
0xbc: {  	p0 =	por p1, p1;
	s13 =	sadd.s32 @!p2 $0x20, s14;
	s14 =	simm.s32 @!p2 $0x100  }
0xbd: {  	[tilespmem:s14], [sflag:$0x3] =	stream.linear.gather @!p2 [hbm4b:s13+s16], $0x80, $0x38;
	[tilespmem:$0x1EA20] =	vst v63  }
0xbe: {  	p2 =	sge.u32 @!p0 s10, s15  }
0xbf: {  	p2 =	por p2, p0  }
0xc0: {  	s13 =	simm.s32 @!p2 $0x3  }
0xc1: {  	_ =	swait.ge @!p2 [sflag:s13], $0x80  }
0xc2: {  	[sflag:s13] =	ssyncset.done @!p2 $0x0  }
0xc3: {  	[sflag:s13] =	ssyncadd.s32 @!p2 $0xFFFFFF80  }
0xc4: {  	_ =	swait.ge @!p2 [sflag:s13], $0x80  }
0xc5: {  	s14 =	simm.s32 @!p2 $0x200;
	s15 =	simm.s32 @!p2 $0x80;
	[sflag:s13] =	ssyncset.done @!p2 $0x0  }
0xc6: {  	s16 =	simm.s32 @!p2 $0x0;
	[sflag:s13] =	ssyncadd.s32 @!p2 $0xFFFFFF80;
	s13 =	simm.s32 @!p0 $0x2  }
0xc7: {  	[tilespmem:s14], [sflag:$0x1] =	stream.indirect.gather @!p2 [hbm4b:s5+s15], $0x80, s16, s15, $0xb8;
	[tilespmem:$0x1EA20] =	vst v63  }
0xc8: {  	s10 =	sadd.s32 @!p1 $0x3, s10;
	_ =	swait.ge @!p0 [sflag:s13], $0x4000  }
0xc9: {  	s14 =	simm.s32 @!p0 $0x4200;
	s15 =	simm.s32 @!p0 $0x80;
	[sflag:s13] =	ssyncset.done @!p0 $0x0  }
0xca: {  	s16 =	simm.s32 @!p0 $0x180;
	[sflag:s13] =	ssyncadd.s32 @!p0 $0xFFFFC000;
	s13 =	simm.s32 @!p0 $0x5  }
0xcb: {  	[spmem:s2] =	stream.indirect.scatter.add.f32 @!p0 [tilespmem:s14], [sflag:$0x5], $0x80, s16, s15, $0xb8;
	[tilespmem:$0x1EA20] =	vst v63  }
0xcc: {  	p1 =	sge.u32 @!p1 s10, s9;
	_ =	swait.ge @!p0 [sflag:s13], $0x4000  }
0xcd: {  	p1 =	por p1, p1;
	[sflag:s13] =	ssyncset.done @!p0 $0x0  }
0xce: {  	p1 =	por p1, p0;
	s14 =	simm.s32 @!p0 $0x1E220;
	[sflag:s13] =	ssyncadd.s32 @!p0 $0xFFFFC000  }
0xcf: {  	[spmem:s3] =	stream.indirect.scatter.add.f32 @!p0 [tilespmem:s14], [sflag:$0x5], $0x10, s16, s15, $0xb8;
	[tilespmem:$0x1EA20] =	vst v63  }
0xd0: {  	s10 =	sadd.s32 @!p1 s6, s11;
	_ =	swait.ge @!p0 [sflag:s13], $0x800  }
0xd1: {  	s6 =	sadd.s32 @!p1 s6, s12;
	s10 =	sadd.s32 @!p1 $0x30, s10;
	[sflag:s13] =	ssyncset.done @!p0 $0x0  }
0xd2: {  	s14 =	simm.s32 @!p1 $0x80;
	[sflag:s13] =	ssyncadd.s32 @!p0 $0xFFFFF800;
	s13 =	simm.s32 @!p1 $0x0  }
0xd3: {  	[tilespmem:s14], [sflag:$0x4] =	stream.linear.gather @!p1 [hbm4b:s10+s13], $0x80, $0x38;
	[tilespmem:$0x1EA20] =	vst v63  }
0xd4: {  	s6 =	sadd.s32 @!p1 $0x30, s6;
	s10 =	simm.s32 @!p1 $0x180  }
0xd5: {  	[tilespmem:s10], [sflag:$0x4] =	stream.linear.gather @!p1 [hbm4b:s6+s13], $0x80, $0x38;
	[tilespmem:$0x1EA20] =	vst v63  }
0xd6: {  	[bflag:$0x0] =	sbarrier.arrive $0xFFFF  }
0xd7: {  	s30 =	sld [smem:$0x7FD];
	_ =	sdelay $0x2  }
0xd8: {  	p1 =	seq.s32 s30, $0x1  }
0xd9: {  	s10 =	rddreg [dreg:$0xc];
	s6 =	simm.s32 @p1 $0x1FC5  }
0xda: {  	[hbm:s10], [sflag:s6] =	dma.local @p1 [spmem:s31], $0x2080  }
0xdb: {  	s10 =	simm.s32 @p1 $0x5  }
0xdc: {  	_ =	swait.ge @p1 [sflag:s10], $0x2080  }
0xdd: {  	[sflag:s10] =	ssyncset.done @p1 $0x0  }
0xde: {  	s13 =	rddreg [dreg:$0xd];
	[sflag:s10] =	ssyncadd.s32 @p1 $0xFFFFDF80  }
0xdf: {  	[hbm:s13], [sflag:s6] =	dma.local @p1 [spmem:s1], $0x410  }
0xe0: {  	_ =	swait.ge @p1 [sflag:s10], $0x410  }
0xe1: {  	[sflag:s10] =	ssyncset.done @p1 $0x0  }
0xe2: {  	s1 =	rddreg [dreg:$0x9];
	[sflag:s10] =	ssyncadd.s32 @p1 $0xFFFFFBF0  }
0xe3: {  	[hbm:s1], [sflag:s29] =	dma.local @!p1 [spmem:s24], $0x2780  }
0xe4: {  	s1 =	simm.s32 @!p1 $0x5  }
0xe5: {  	_ =	swait.ge @!p1 [sflag:s1], $0x2780  }
0xe6: {  	[sflag:s1] =	ssyncset.done @!p1 $0x0  }
0xe7: {  	s6 =	rddreg [dreg:$0xb];
	[sflag:s1] =	ssyncadd.s32 @!p1 $0xFFFFD880  }
0xe8: {  	[hbm:s6], [sflag:s29] =	dma.local @!p1 [spmem:s25], $0x4F0  }
0xe9: {  	_ =	swait.ge @!p1 [sflag:s1], $0x4F0  }
0xea: {  	s26 =	sadd.s32 $0x1, s26;
	s31 =	rddreg [dreg:$0xe]  }
0xeb: {  	p0 =	sne.s32 s26, s31  }
.Ltmp1:
0xec: {  	_ = 	snop;
	(pc) =	sbr.rel @p0 .LBB2_1-.Ltmp1, $3  }
0xed: {  	_ =	sdelay $0x1  }
0xee: {  	[sflag:s1] =	ssyncset.done @!p1 $0x0  }
0xef: {  	[sflag:s1] =	ssyncadd.s32 @!p1 $0xFFFFFB10  }
0xf0: {  	_ =	sfence.sel $0x180000  }
0xf1: {  	[bflag:$0x0] =	sbarrier.arrive $0xFFFF  }
0xf2: {  	_ =	strace $0x90000047  }
0xf3: {  	s0 =	stileid.u32;
	[bflag:$0x2] =	sbarrier.arrive $0xFFFF  }
0xf4: {  	p0 =	sne.s32 s0, $0x0;
	s0 =	rddreg [dreg:$0x4]  }
0xf5: {  	s0 =	sadd.s32 @!p0 $0x100000, s0  }
0xf6: {  	[sflag:s0] =	ssyncadd.tile.s32 @!p0 $0x1;
	_ =	shalt  }
.Lfunc_end2:
_tile_overlayer_lowered:
.L_overlay_start_2:
0xf7: {  	(tag) =	ssettag $0x2  }
0xf8: {  	s0 =	rddreg [dreg:$0x0];
	s2 =	stileid.u32  }
0xf9: {  	s1 =	rddreg [dreg:$0x1];
	p0 =	sne.s32 s2, $0x0  }
0xfa: {  	s3 =	rddreg [dreg:$0x2];
	[bflag:$0x3] =	sbarrier.arrive $0xFFFF;
	s2 =	simm.s32 @!p0 $0x1C05  }
0xfb: {  	[timem:s3], [sflag:s2] =	dma.local @!p0 [hbm:s0], s1  }
0xfc: {  	s0 =	simm.s32 @!p0 $0x5  }
0xfd: {  	_ =	swait.ge @!p0 [sflag:s0], s1  }
0xfe: {  	s1 =	ssub.s32 @!p0 $0x0, s1;
	[sflag:s0] =	ssyncset.done @!p0 $0x0  }
0xff: {  	[sflag:s0] =	ssyncadd.s32 @!p0 s1  }
0x100: {  	[bflag:$0x3] =	sbarrier.arrive $0xFFFF  }
0x101: {  	_ =	shalt  }

// kernel: kernel.14.cloned.1.call-start
scs
__scs_entry_jumppad:
0x0: {  	(pc) =	sbr.rel $0x88, $3  }
0x1: {  	(tag) =	ssettag $0x0;
	lr =	simm.s32 $0x1  }
0x2: {  	[smem:$0x3F90] =	sst lr;
	_ =	strace $0xD0000000  }
0x3: {  	_ = 	snop  }
0x4: {  	_ = 	snop  }
0x5: {  	_ = 	snop  }
0x6: {  	_ = 	snop  }
0x7: {  	_ = 	snop  }
__scs_overlays_trampoline_lowered:
0x8: {  	[smem:$0x3F9F] =	sst s0  }
0x9: {  	[smem:$0x3FA0] =	sst s1  }
0xa: {  	[smem:$0x3FA1] =	sst s2  }
0xb: {  	[smem:$0x3FA2] =	sst s3  }
0xc: {  	[smem:$0x3FA3] =	sst s4  }
0xd: {  	[smem:$0x3FA4] =	sst s5  }
0xe: {  	[smem:$0x3FA5] =	sst s6  }
0xf: {  	[smem:$0x3FA6] =	sst s7  }
0x10: {  	[smem:$0x3FA7] =	sst s8  }
0x11: {  	[smem:$0x3FA8] =	sst s9;
	s0 =	simm.s32 @!p0 $0x0  }
0x12: {  	s1 =	sld [smem:$0x3F8E];
	s0 =	simm.s32 @p0 $0x1  }
0x13: {  	[smem:$0x3FA9] =	sst s0;
	s0 =	simm.s32 @!p1 $0x0  }
0x14: {  	s2 =	sld [smem:$0x3F8D];
	s0 =	simm.s32 @p1 $0x1  }
0x15: {  	[smem:$0x3FAA] =	sst s0;
	s0 =	simm.s32 @!p2 $0x0  }
0x16: {  	s3 =	sld [smem:$0x3FDB];
	s0 =	simm.s32 @p2 $0x1  }
0x17: {  	s4 =	simm.s32 $0x1BF5;
	[smem:$0x3FAC] =	sst s0  }
0x18: {  	s0 =	sld [smem:$0x3F8F];
	_ =	swait.ge [sflag:s4], $0x0  }
0x19: {  	s7 =	sld [smem:$0x3F90]  }
0x1a: {  	s8 =	sadd.s32 $0xFFFFE003, lr  }
0x1b: {  	s9 =	sadd.s32 $0xFFFFFEF7, lr;
	s5 =	simm.s32 $0xFFFFFFFF;
	p2 =	slt.u32 s8, $0xFFFFF086  }
0x1c: {  	p1 =	slt.u32 s9, $0xF7A;
	s5 =	simm.s32 @!p2 $0x0  }
0x1d: {  	s5 =	simm.s32 @p1 $0x1;
	p0 =	seq.s32 s7, s2  }
0x1e: {  	s7 =	smul.u32 @!p0 $0xF7A, s2;
	p2 =	seq.s32 @!p0 s5, $0x0  }
0x1f: {  	s9 =	smul.u32 $0xF7A, s1;
	s8 =	simm.s32 @!p0 $0x1BF5;
	p2 =	por !p2, p0  }
0x20: {  	[sflag:s8] =	ssyncset.s32 @!p0 $0xFFFFF086;
	s6 =	sadd.s32 @!p0 s3, s7;
	s7 =	simm.s32 @!p0 $0x108  }
0x21: {  	s3 =	sadd.s32 s3, s9;
	s6 =	sadd.s32 @!p0 $0x88, s6;
	s7 =	simm.s32 @p2 $0x1082  }
0x22: {  	[simem:s7], [sflag:s8] =	dma.local @!p0 [hbm:s6], $0xF7A  }
0x23: {  	s9 =	sor.u32 $0xD0000000, s2;
	s6 =	simm.s32 $0x108;
	_ =	swait.ge @!p0 [sflag:s8], $0x0  }
0x24: {  	s3 =	sadd.s32 $0x88, s3;
	s6 =	simm.s32 @!p1 $0x1082;
	[sflag:s4] =	ssyncset.s32 $0xFFFFF086  }
0x25: {  	[simem:s6], [sflag:s4] =	dma.local [hbm:s3], $0xF7A  }
0x26: {  	[smem:$0x3F90] =	sst s1;
	(tag) =	ssettag s2;
	_ =	strace s9  }
0x27: {  	s1 =	sld [smem:$0x3FA0]  }
0x28: {  	s2 =	sld [smem:$0x3FA1]  }
0x29: {  	s4 =	sld [smem:$0x3FA3]  }
0x2a: {  	p0 =	seq.s32 s5, $0x0;
	s5 =	sld [smem:$0x3FA4]  }
0x2b: {  	s6 =	sld [smem:$0x3FA5]  }
0x2c: {  	s7 =	sld [smem:$0x3FA6]  }
0x2d: {  	s3 =	simm.s32 $0x108;
	s8 =	sld [smem:$0x3FA7]  }
0x2e: {  	s3 =	simm.s32 @!p0 $0x1082;
	s9 =	sld [smem:$0x3FA8]  }
0x2f: {  	lr =	sadd.s32 s0, s3;
	s0 =	sld [smem:$0x3F9F]  }
0x30: {  	s3 =	sld [smem:$0x3FA2]  }
0x31: {  	[smem:$0x3FAB] =	sst s10  }
0x32: {  	s10 =	sld [smem:$0x3FA9];
	_ =	sdelay $0x3  }
0x33: {  	p0 =	seq.s32 s10, $0x1;
	s10 =	sld [smem:$0x3FAB];
	_ =	sdelay $0x3  }
0x34: {  	[smem:$0x3FAB] =	sst s10  }
0x35: {  	s10 =	sld [smem:$0x3FAA];
	_ =	sdelay $0x3  }
0x36: {  	p1 =	seq.s32 s10, $0x1;
	s10 =	sld [smem:$0x3FAB];
	_ =	sdelay $0x3  }
0x37: {  	[smem:$0x3FAB] =	sst s10  }
0x38: {  	s10 =	sld [smem:$0x3FAC]  }
0x39: {  	_ = 	snop;
	(pc) =	sbr.ind lr, $3  }
0x3a: {  	_ = 	snop  }
0x3b: {  	_ = 	snop  }
0x3c: {  	p2 =	seq.s32 s10, $0x1;
	s10 =	sld [smem:$0x3FAB]  }
0x3d: {  	_ =	shalt  }
0x3e: {  	_ =	shalt  }
0x3f: {  	_ =	shalt  }
0x40: {  	_ =	shalt  }
0x41: {  	_ =	shalt  }
0x42: {  	_ =	shalt  }
0x43: {  	_ =	shalt  }
0x44: {  	_ =	shalt  }
0x45: {  	_ =	shalt  }
0x46: {  	_ =	shalt  }
0x47: {  	_ =	shalt  }
0x48: {  	_ =	shalt  }
0x49: {  	_ =	shalt  }
0x4a: {  	_ =	shalt  }
0x4b: {  	_ =	shalt  }
0x4c: {  	_ =	shalt  }
0x4d: {  	_ =	shalt  }
0x4e: {  	_ =	shalt  }
0x4f: {  	_ =	shalt  }
0x50: {  	_ =	shalt  }
0x51: {  	_ =	shalt  }
0x52: {  	_ =	shalt  }
0x53: {  	_ =	shalt  }
0x54: {  	_ =	shalt  }
0x55: {  	_ =	shalt  }
0x56: {  	_ =	shalt  }
0x57: {  	_ =	shalt  }
0x58: {  	_ =	shalt  }
0x59: {  	_ =	shalt  }
0x5a: {  	_ =	shalt  }
0x5b: {  	_ =	shalt  }
0x5c: {  	_ =	shalt  }
0x5d: {  	_ =	shalt  }
0x5e: {  	_ =	shalt  }
0x5f: {  	_ =	shalt  }
0x60: {  	_ =	shalt  }
0x61: {  	_ =	shalt  }
0x62: {  	_ =	shalt  }
0x63: {  	_ =	shalt  }
0x64: {  	_ =	shalt  }
0x65: {  	_ =	shalt  }
0x66: {  	_ =	shalt  }
0x67: {  	_ =	shalt  }
0x68: {  	_ =	shalt  }
0x69: {  	_ =	shalt  }
0x6a: {  	_ =	shalt  }
0x6b: {  	_ =	shalt  }
0x6c: {  	_ =	shalt  }
0x6d: {  	_ =	shalt  }
0x6e: {  	_ =	shalt  }
0x6f: {  	_ =	shalt  }
0x70: {  	_ =	shalt  }
0x71: {  	_ =	shalt  }
0x72: {  	_ =	shalt  }
0x73: {  	_ =	shalt  }
0x74: {  	_ =	shalt  }
0x75: {  	_ =	shalt  }
0x76: {  	_ =	shalt  }
0x77: {  	_ =	shalt  }
0x78: {  	_ =	shalt  }
0x79: {  	_ =	shalt  }
0x7a: {  	_ =	shalt  }
0x7b: {  	_ =	shalt  }
0x7c: {  	_ =	shalt  }
0x7d: {  	_ =	shalt  }
0x7e: {  	_ =	shalt  }
0x7f: {  	_ =	shalt  }
0x80: {  	_ =	shalt  }
0x81: {  	_ =	shalt  }
0x82: {  	_ =	shalt  }
0x83: {  	_ =	shalt  }
0x84: {  	_ =	shalt  }
0x85: {  	_ =	shalt  }
0x86: {  	_ =	shalt  }
0x87: {  	_ =	shalt  }
.Lfunc_end0:
.L_simem_size_0:
called_computation.1_lowered:
.L_overlay_start_0:
0x88: {  	s2 =	sld [smem:$0x3FD9]  }
0x89: {  	s3 =	sld [smem:$0x3FFE];
	_ =	sdelay $0x1  }
0x8a: {  	s1 =	srdreg.scid  }
0x8b: {  	s0 =	sand.u32 $0x1, s1  }
0x8c: {  	s16 =	sshll.u32 s0, $0xA;
	s2 =	sadd.s32 s3, s2  }
0x8d: {  	s2 =	sadd.s32 s2, s16  }
0x8e: {  	[smem:$0x3FB7] =	sst s2  }
0x8f: {  	_ = 	snop  }
0x90: {  	(tm) =	ssettm $0x1  }
0x91: {  	s17 =	sld [smem:$0x3FFB];
	_ =	sdelay $0x3  }
0x92: {  	_ =	strace s17  }
0x93: {  	s2 =	sld [smem:$0x3FFC];
	_ =	sdelay $0x3  }
0x94: {  	_ =	strace s2  }
0x95: {  	s2 =	sld [smem:$0x3FFD];
	_ =	sdelay $0x3  }
0x96: {  	_ =	strace s2  }
0x97: {  	_ =	strace $0x8FFFFFFF  }
0x98: {  	s18 =	sld [smem:$0x3FDB];
	_ =	sdelay $0x1  }
0x99: {  	s19 =	simm.s32 $_scs_section_size  }
0x9a: {  	s4 =	simm.s32 $_size__tile_overlayer_lowered;
	s5 =	simm.s32 $_tile_overlayer_lowered  }
0x9b: {  	s22 =	simm.s32 $0x1BFF;
	s21 =	sshll.u32 s5, $0x1;
	s2 =	sadd.s32 s19, s18  }
0x9c: {  	s6 =	simm.s32 $0x0;
	s20 =	sshll.u32 s4, $0x1;
	s4 =	sadd.s32 s21, s2  }
0x9d: {  	[timem:s6], [sflag:s22] =	dma.local [hbm:s4], s20  }
0x9e: {  	_ =	swait.ge [sflag:s22], s20  }
0x9f: {  	s3 =	ssub.s32 $0x0, s20;
	[sflag:s22] =	ssyncset.done $0x0  }
0xa0: {  	[sflag:s22] =	ssyncadd.s32 s3;
	_ =	sdelay $0x1  }
0xa1: {  	s23 =	simm.s32 $0x1B8B  }
0xa2: {  	_ =	swait.ge [sflag:s23], $0x1  }
0xa3: {  	[sflag:s23] =	ssyncset.done $0x0  }
0xa4: {  	s25 =	simm.s32 $0x1B8E;
	s24 =	sld [smem:$0x3FFE];
	[sflag:s23] =	ssyncadd.s32 $0xFFFFFFFF  }
0xa5: {  	s26 =	simm.s32 $execute0_lowered;
	[smem:$0x3FD2] =	sst s25  }
0xa6: {  	s4 =	sshll.u32 s26, $0x1;
	_ =	strace $0x80000049;
	[dreg:$0x1] =	wrdreg $0xFFFFFFFF  }
0xa7: {  	s28 =	simm.s32 $_size_execute0_lowered;
	s2 =	sadd.s32 s2, s4;
	[dreg:$0x0] =	wrdreg $0x0  }
0xa8: {  	s4 =	sshll.u32 s28, $0x1;
	[dreg:$0x2] =	wrdreg s2  }
0xa9: {  	[dreg:$0x3] =	wrdreg s4  }
0xaa: {  	[dreg:$0x4] =	wrdreg $0xC0  }
0xab: {  	_ =	task [dreg:s6], $0x5FFFF  }
0xac: {  	[dreg:$0x1] =	wrdreg $0xFFFFFFFF  }
0xad: {  	[dreg:$0x0] =	wrdreg $0x60  }
0xae: {  	[dreg:$0x2] =	wrdreg s24  }
0xaf: {  	[dreg:$0x3] =	wrdreg $0x82000  }
0xb0: {  	[dreg:$0x4] =	wrdreg $0x9  }
0xb1: {  	_ =	task.clear_ibuf [dreg:s6], $0x5FFFF;
	_ =	strace $0x90000049  }
0xb2: {  	s29 =	simm.s32 $0x9;
	_ =	strace $0x8000004B  }
0xb3: {  	_ =	swait.ge [sflag:s29], $0x1  }
0xb4: {  	[sflag:s29] =	ssyncadd.s32 $0xFFFFFFFF  }
0xb5: {  	_ =	strace $0x9000004B  }
0xb6: {  	_ =	sfence  }
0xb7: {  	s30 =	sld [smem:$0x0];
	_ =	sdelay $0x2  }
0xb8: {  	s31 =	sshll.u32 s1, $0xD;
	s1 =	sshrl.u32 s1, $0x2  }
0xb9: {  	s3 =	sand.u32 $0x4000, s31;
	s1 =	sadd.s32 s1, s30  }
0xba: {  	s0 =	sor.u32 s3, s0;
	s1 =	sshll.u32 s1, $0x11  }
0xbb: {  	s0 =	sor.u32 s1, s0  }
0xbc: {  	s0 =	sadd.s32 $0x8F2B, s0  }
0xbd: {  	[sflag:s0] =	ssyncadd.remote.s32 $0x1  }
0xbe: {  	_ =	sfence.sel $0xFFFF  }
0xbf: {  	[dreg:$0x0] =	wrdreg $0xFFFFFFFF;
	(pc) =	sbr.abs _section_cstart, $3  }
0xc0: {  	[dreg:$0x1] =	wrdreg $0xFFFFFFFF  }
0xc1: {  	_ =	task.clear_ibuf [dreg:s6], $0x2FFFF;
	_ =	strace $0x9FFFFFFF  }
0xc2: {  	(tm) =	ssettm $0x7FFFFFFF  }
0xc3: {  	_ =	shalt  }
tec
execute0_lowered:
.L_overlay_start_1:
0x0: {  	(tag) =	ssettag $0x1  }
0x1: {  	s0 =	rddreg [dreg:$0x0]  }
0x2: {  	s1 =	rddreg [dreg:$0x1]  }
0x3: {  	s2 =	simm.s32 $0x0;
	s3 =	srdreg.scid;
	s18 =	stileid.u32  }
0x4: {  	s19 =	simm.s32 $0x80;
	s21 =	simm.s32 $0x3;
	s24 =	simm.s32 $0x0  }
0x5: {  	[smem:$0x7FF] =	sst s2;
	s4 =	sadd.s32 $0xEE00, s0;
	s7 =	smul.u32 $0x3B, s18  }
0x6: {  	s9 =	sadd.s32 $0x9E00, s0;
	s3 =	sand.u32 $0x1, s3;
	s11 =	smul.u32 $0x15, s18  }
0x7: {  	s10 =	sadd.s32 $0x4E00, s0;
	s5 =	sadd.s32 $0x36000, s0;
	s29 =	smul.u32 $0x4F000, s18  }
0x8: {  	s0 =	sadd.s32 $0x87200, s0;
	s15 =	sadd.s32 $0x128400, s1;
	s13 =	smul.u32 $0x13C00, s18  }
0x9: {  	_ =	strace $0x8000004A;
	s6 =	ssub.s32 $0x2, s3;
	p0 =	seq.s32 s3, $0x0  }
0xa: {  	s3 =	smul.u32 $0x138800, s3;
	s8 =	sshrl.u32 s6, $0x1;
	s11 =	sadd.s32 $0x3B0, s11  }
0xb: {  	s30 =	sshrl.u32 s29, $0x2;
	s14 =	ssub.s32 s6, s8;
	s6 =	simm.s32 $0x3B  }
0xc: {  	s11 =	smov.u32 @p0 s7;
	s17 =	sadd.s32 s30, s1;
	s12 =	sadd.s32 s13, s3  }
0xd: {  	s3 =	sshrl.u32 s3, $0x3;
	s6 =	simm.s32 @!p0 $0x15;
	s31 =	sshll.u32 s11, $0x4  }
0xe: {  	s12 =	sshrl.u32 s12, $0x3;
	p0 =	seq.s32 s18, $0xF;
	s14 =	smax.u32 s14, $0x1  }
0xf: {  	s11 =	sadd.s32 $0x10, s31;
	s7 =	sadd.s32 s9, s31;
	s8 =	sadd.s32 s10, s31  }
0x10: {  	s16 =	sadd.s32 $0xFFFFFFFE, s6;
	s12 =	sadd.s32 s0, s12;
	s0 =	sadd.s32 s0, s3  }
0x11: {  	s3 =	sadd.s32 s13, s1;
	s15 =	sshrl.u32 @p0 s15, $0x3;
	s17 =	sshrl.u32 @!p0 s17, $0x3  }
0x12: {  	s9 =	sadd.s32 s9, s11;
	s10 =	sadd.s32 s10, s11;
	s11 =	sadd.s32 $0xFFFFFFFF, s6  }
0x13: {  	[dreg:$0x3] =	wrdreg s16;
	s13 =	sadd.s32 $0x25080, s0;
	s0 =	sshll.u32 @!p0 s18, $0x6  }
0x14: {  	s23 =	sshrl.u32 @!p0 s3, $0x3;
	[dreg:$0x4] =	wrdreg s9;
	s16 =	sor.u32 @!p0 $0x1C05, s0  }
.LBB2_1:
0x15: {  	s0 =	simm.s32 @p0 $0x1FC5  }
0x16: {  	[spmem:s15], [sflag:s0] =	dma.local @p0 [hbm:s5], $0x2180  }
0x17: {  	s0 =	simm.s32 @p0 $0x5  }
0x18: {  	_ =	swait.ge @p0 [sflag:s0], $0x2180  }
0x19: {  	[sflag:s0] =	ssyncset.done @p0 $0x0  }
0x1a: {  	[sflag:s0] =	ssyncadd.s32 @p0 $0xFFFFDE80;
	s0 =	simm.s32 @!p0 $0x5  }
0x1b: {  	[spmem:s17], [sflag:s16] =	dma.local @!p0 [hbm:s5], $0x2780  }
0x1c: {  	_ =	swait.ge @!p0 [sflag:s0], $0x2780  }
0x1d: {  	[sflag:s0] =	ssyncset.done @!p0 $0x0  }
0x1e: {  	[sflag:s0] =	ssyncadd.s32 @!p0 $0xFFFFD880  }
0x1f: {  	[bflag:$0x0] =	sbarrier.arrive $0xFFFF  }
0x20: {  	[tilespmem:s2], [sflag:$0x3] =	stream.linear.gather [hbm4b:s7+s2], $0x80, $0x38;
	[tilespmem:$0x1BB00] =	vst v63  }
0x21: {  	s22 =	simm.s32 $0x100  }
0x22: {  	[tilespmem:s22], [sflag:$0x3] =	stream.linear.gather [hbm4b:s8+s2], $0x80, $0x38;
	[tilespmem:$0x1BB00] =	vst v63  }
0x23: {  	s25 =	rddreg [dreg:$0x4]  }
0x24: {  	[tilespmem:s19], [sflag:$0x4] =	stream.linear.gather [hbm4b:s25+s2], $0x80, $0x38;
	[tilespmem:$0x1BB00] =	vst v63  }
0x25: {  	s26 =	simm.s32 $0x180  }
0x26: {  	[tilespmem:s26], [sflag:$0x4] =	stream.linear.gather [hbm4b:s10+s2], $0x80, $0x38;
	[tilespmem:$0x1BB00] =	vst v63  }
0x27: {  	_ =	swait.ge [sflag:s21], $0x80  }
0x28: {  	[sflag:s21] =	ssyncset.done $0x0  }
0x29: {  	p2 =	sle.u32 s6, $0x0;
	[sflag:s21] =	ssyncadd.s32 $0xFFFFFF80  }
0x2a: {  	p1 =	sle.u32 @!p2 s11, $0x0;
	_ =	swait.ge [sflag:s21], $0x80  }
0x2b: {  	p1 =	por p1, p2;
	[sflag:s21] =	ssyncset.done $0x0  }
0x2c: {  	s29 =	simm.s32 $0x200;
	s0 =	simm.s32 @!p1 $0x4;
	[sflag:s21] =	ssyncadd.s32 $0xFFFFFF80  }
0x2d: {  	[tilespmem:s29], [sflag:$0x1] =	stream.indirect.gather [hbm4b:s4+s19], $0x80, s2, s19, $0xb8;
	[tilespmem:$0x1BB00] =	vst v63  }
0x2e: {  	_ =	swait.ge @!p1 [sflag:s0], $0x80  }
0x2f: {  	[sflag:s0] =	ssyncset.done @!p1 $0x0  }
0x30: {  	[sflag:s0] =	ssyncadd.s32 @!p1 $0xFFFFFF80  }
0x31: {  	_ =	swait.ge @!p1 [sflag:s0], $0x80  }
0x32: {  	s3 =	simm.s32 @!p2 $0x1;
	[sflag:s0] =	ssyncset.done @!p1 $0x0  }
0x33: {  	s18 =	simm.s32 @!p1 $0x4200;
	[sflag:s0] =	ssyncadd.s32 @!p1 $0xFFFFFF80;
	s0 =	simm.s32 @!p1 $0x80  }
0x34: {  	[tilespmem:s18], [sflag:$0x2] =	stream.indirect.gather @!p1 [hbm4b:s4+s0], $0x80, s0, s0, $0xb8;
	[tilespmem:$0x1BB00] =	vst v63  }
0x35: {  	s25 =	simm.s32 @!p2 $0x100;
	p1 =	sle.u32 @!p2 s6, $0x2;
	_ =	swait.ge @!p2 [sflag:s3], $0x4000  }
0x36: {  	s0 =	simm.s32 @!p2 $0x200;
	s18 =	simm.s32 @!p2 $0x5;
	[sflag:s3] =	ssyncset.done @!p2 $0x0  }
0x37: {  	p4 =	por p1, p2;
	[sflag:s3] =	ssyncadd.s32 @!p2 $0xFFFFC000;
	s3 =	simm.s32 @!p2 $0x80  }
0x38: {  	[spmem:s1] =	stream.indirect.scatter.add.f32 @!p2 [tilespmem:s0], [sflag:$0x5], $0x80, s25, s3, $0xb8;
	[tilespmem:$0x1BB00] =	vst v63  }
0x39: {  	p1 =	sle.u32 s11, $0x0;
	s0 =	sadd.s32 @!p4 $0x0, s7;
	_ =	swait.ge @!p2 [sflag:s18], $0x4000  }
0x3a: {  	s0 =	sadd.s32 @!p4 $0x20, s0;
	[sflag:s18] =	ssyncset.done @!p2 $0x0;
	s3 =	rddreg [dreg:$0x3]  }
0x3b: {  	[sflag:s18] =	ssyncadd.s32 @!p2 $0xFFFFC000;
	s18 =	simm.s32 @!p4 $0x0;
	p2 =	sle.u32 @!p1 s3, $0x0  }
0x3c: {  	[tilespmem:s18], [sflag:$0x3] =	stream.linear.gather @!p4 [hbm4b:s0+s18], $0x80, $0x38;
	[tilespmem:$0x1BB00] =	vst v63  }
0x3d: {  	s0 =	sadd.s32 @!p4 $0x0, s8;
	p3 =	por p2, p1  }
0x3e: {  	s3 =	simm.s32 @!p4 $0x100;
	s0 =	sadd.s32 @!p4 $0x20, s0;
	s26 =	simm.s32 @!p3 $0x3  }
0x3f: {  	[tilespmem:s3], [sflag:$0x3] =	stream.linear.gather @!p4 [hbm4b:s0+s18], $0x80, $0x38;
	[tilespmem:$0x1BB00] =	vst v63  }
0x40: {  	_ =	swait.ge @!p3 [sflag:s26], $0x80  }
0x41: {  	p2 =	sle.u32 @!p1 s6, $0x3;
	[sflag:s26] =	ssyncset.done @!p3 $0x0  }
0x42: {  	s28 =	simm.s32 $0x40;
	p2 =	por p2, p1;
	[sflag:s26] =	ssyncadd.s32 @!p3 $0xFFFFFF80  }
0x43: {  	s31 =	simm.s32 @!p1 $0x5;
	s0 =	sadd.s32 @!p2 $0x0, s8;
	_ =	swait.ge @!p3 [sflag:s26], $0x80  }
0x44: {  	s3 =	simm.s32 @!p3 $0x80;
	s18 =	simm.s32 @!p3 $0x0;
	[sflag:s26] =	ssyncset.done @!p3 $0x0  }
0x45: {  	s30 =	sadd.s32 @!p2 $0x30, s0;
	s0 =	simm.s32 @!p3 $0x200;
	[sflag:s26] =	ssyncadd.s32 @!p3 $0xFFFFFF80  }
0x46: {  	[tilespmem:s0], [sflag:$0x1] =	stream.indirect.gather @!p3 [hbm4b:s4+s3], $0x80, s18, s3, $0xb8;
	[tilespmem:$0x1BB00] =	vst v63  }
0x47: {  	s25 =	simm.s32 $0x20;
	s26 =	simm.s32 $0x2;
	s0 =	simm.s32 @!p1 $0x2  }
0x48: {  	s18 =	simm.s32 @!p1 $0x80;
	s3 =	sadd.s32 @!p2 $0x0, s7;
	_ =	swait.ge @!p1 [sflag:s0], $0x4000  }
.LBB2_2:
0x49: {  	[sflag:s0] =	ssyncset.done @!p1 $0x0;
	s20 =	simm.s32 @!p2 $0x0  }
0x4a: {  	s9 =	simm.s32 @!p1 $0x4200;
	[sflag:s0] =	ssyncadd.s32 @!p1 $0xFFFFC000;
	s0 =	simm.s32 @!p1 $0x180  }
0x4b: {  	[spmem:s1] =	stream.indirect.scatter.add.f32 @!p1 [tilespmem:s9], [sflag:$0x5], $0x80, s0, s18, $0xb8;
	[tilespmem:$0x1BB00] =	vst v63  }
0x4c: {  	s22 =	simm.s32 @!p2 $0x80;
	p4 =	sge.u32 s26, s6;
	_ =	swait.ge @!p1 [sflag:s31], $0x4000  }
0x4d: {  	p3 =	sge.u32 @!p4 s26, s11;
	s0 =	sadd.s32 @!p2 $0x30, s3;
	[sflag:s31] =	ssyncset.done @!p1 $0x0  }
0x4e: {  	s3 =	sadd.s32 @!p4 $0x2, s26;
	p6 =	por p3, p4;
	[sflag:s31] =	ssyncadd.s32 @!p1 $0xFFFFC000  }
0x4f: {  	[tilespmem:s22], [sflag:$0x4] =	stream.linear.gather @!p2 [hbm4b:s0+s20], $0x80, $0x38;
	[tilespmem:$0x1BB00] =	vst v63  }
0x50: {  	p5 =	sge.u32 @!p4 s3, s6;
	s3 =	simm.s32 @!p2 $0x180;
	s0 =	simm.s32 @!p6 $0x4  }
0x51: {  	[tilespmem:s3], [sflag:$0x4] =	stream.linear.gather @!p2 [hbm4b:s30+s20], $0x80, $0x38;
	[tilespmem:$0x1BB00] =	vst v63  }
0x52: {  	_ =	swait.ge @!p6 [sflag:s0], $0x80  }
0x53: {  	[sflag:s0] =	ssyncset.done @!p6 $0x0  }
0x54: {  	[sflag:s0] =	ssyncadd.s32 @!p6 $0xFFFFFF80  }
0x55: {  	_ =	swait.ge @!p6 [sflag:s0], $0x80  }
0x56: {  	s9 =	simm.s32 @!p6 $0x4200;
	[sflag:s0] =	ssyncset.done @!p6 $0x0  }
0x57: {  	s3 =	simm.s32 @!p4 $0x1;
	[sflag:s0] =	ssyncadd.s32 @!p6 $0xFFFFFF80;
	s0 =	simm.s32 @!p6 $0x80  }
0x58: {  	[tilespmem:s9], [sflag:$0x2] =	stream.indirect.gather @!p6 [hbm4b:s4+s0], $0x80, s0, s0, $0xb8;
	[tilespmem:$0x1BB00] =	vst v63  }
0x59: {  	s29 =	smov.u32 s25;
	s25 =	smov.u32 s28;
	_ =	swait.ge @!p4 [sflag:s3], $0x4000  }
0x5a: {  	s18 =	simm.s32 @!p4 $0x100;
	s0 =	simm.s32 @!p4 $0x200;
	[sflag:s3] =	ssyncset.done @!p4 $0x0  }
0x5b: {  	s9 =	simm.s32 @!p4 $0x5;
	[sflag:s3] =	ssyncadd.s32 @!p4 $0xFFFFC000;
	s3 =	simm.s32 @!p4 $0x80  }
0x5c: {  	[spmem:s1] =	stream.indirect.scatter.add.f32 @!p4 [tilespmem:s0], [sflag:$0x5], $0x80, s18, s3, $0xb8;
	[tilespmem:$0x1BB00] =	vst v63  }
0x5d: {  	s28 =	sadd.s32 $0x20, s28;
	p5 =	por p5, p4;
	_ =	swait.ge @!p4 [sflag:s9], $0x4000  }
0x5e: {  	p1 =	sge.u32 s26, s11;
	s0 =	sadd.s32 @!p5 s29, s7;
	[sflag:s9] =	ssyncset.done @!p4 $0x0  }
0x5f: {  	s0 =	sadd.s32 @!p5 $0x20, s0;
	s3 =	rddreg [dreg:$0x3];
	[sflag:s9] =	ssyncadd.s32 @!p4 $0xFFFFC000  }
0x60: {  	s9 =	simm.s32 @!p5 $0x0;
	p2 =	sge.u32 @!p1 s26, s3;
	s3 =	sadd.s32 @!p1 $0x3, s26  }
0x61: {  	[tilespmem:s9], [sflag:$0x3] =	stream.linear.gather @!p5 [hbm4b:s0+s9], $0x80, $0x38;
	[tilespmem:$0x1BB00] =	vst v63  }
0x62: {  	s0 =	sadd.s32 @!p5 s29, s8;
	p4 =	por p2, p1;
	p2 =	sge.u32 @!p1 s3, s6  }
0x63: {  	s3 =	simm.s32 @!p5 $0x100;
	s0 =	sadd.s32 @!p5 $0x20, s0;
	s18 =	simm.s32 @!p4 $0x3  }
0x64: {  	[tilespmem:s3], [sflag:$0x3] =	stream.linear.gather @!p5 [hbm4b:s0+s9], $0x80, $0x38;
	[tilespmem:$0x1BB00] =	vst v63  }
0x65: {  	p3 =	sne.s32 s28, $0x3C0;
	_ =	swait.ge @!p4 [sflag:s18], $0x80  }
0x66: {  	s31 =	simm.s32 @!p1 $0x5;
	p2 =	por p2, p1;
	[sflag:s18] =	ssyncset.done @!p4 $0x0  }
0x67: {  	s26 =	sadd.s32 $0x2, s26;
	s0 =	sadd.s32 @!p2 s29, s8;
	[sflag:s18] =	ssyncadd.s32 @!p4 $0xFFFFFF80  }
.Ltmp0:
0x68: {  	s3 =	simm.s32 @!p4 $0x200;
	_ =	swait.ge @!p4 [sflag:s18], $0x80;
	(pc) =	sbr.rel @p3 .LBB2_2-.Ltmp0, $4  }
0x69: {  	s9 =	simm.s32 @!p4 $0x80;
	s30 =	sadd.s32 @!p2 $0x30, s0;
	[sflag:s18] =	ssyncset.done @!p4 $0x0  }
0x6a: {  	s0 =	simm.s32 @!p1 $0x2;
	[sflag:s18] =	ssyncadd.s32 @!p4 $0xFFFFFF80;
	s18 =	simm.s32 @!p4 $0x0  }
0x6b: {  	[tilespmem:s3], [sflag:$0x1] =	stream.indirect.gather @!p4 [hbm4b:s4+s9], $0x80, s18, s9, $0xb8;
	[tilespmem:$0x1BB00] =	vst v63  }
0x6c: {  	s18 =	simm.s32 @!p1 $0x80;
	s3 =	sadd.s32 @!p2 s29, s7;
	_ =	swait.ge @!p1 [sflag:s0], $0x4000  }
0x6d: {  	[sflag:s0] =	ssyncset.done @!p1 $0x0  }
0x6e: {  	s9 =	simm.s32 @!p1 $0x4200;
	[sflag:s0] =	ssyncadd.s32 @!p1 $0xFFFFC000;
	s0 =	simm.s32 @!p1 $0x180  }
0x6f: {  	[spmem:s1] =	stream.indirect.scatter.add.f32 @!p1 [tilespmem:s9], [sflag:$0x5], $0x80, s0, s18, $0xb8;
	[tilespmem:$0x1BB00] =	vst v63  }
0x70: {  	p3 =	sge.u32 s26, s6;
	s3 =	sadd.s32 @!p2 $0x30, s3;
	_ =	swait.ge @!p1 [sflag:s31], $0x4000  }
0x71: {  	p4 =	sge.u32 @!p3 s26, s11;
	s0 =	simm.s32 @!p2 $0x0;
	[sflag:s31] =	ssyncset.done @!p1 $0x0  }
0x72: {  	s9 =	simm.s32 @!p2 $0x80;
	p4 =	por p4, p3;
	[sflag:s31] =	ssyncadd.s32 @!p1 $0xFFFFC000  }
0x73: {  	[tilespmem:s9], [sflag:$0x4] =	stream.linear.gather @!p2 [hbm4b:s3+s0], $0x80, $0x38;
	[tilespmem:$0x1BB00] =	vst v63  }
0x74: {  	s3 =	simm.s32 @!p4 $0x4;
	s9 =	simm.s32 @!p2 $0x180  }
0x75: {  	[tilespmem:s9], [sflag:$0x4] =	stream.linear.gather @!p2 [hbm4b:s30+s0], $0x80, $0x38;
	[tilespmem:$0x1BB00] =	vst v63  }
0x76: {  	_ =	swait.ge @!p4 [sflag:s3], $0x80  }
0x77: {  	[sflag:s3] =	ssyncset.done @!p4 $0x0  }
0x78: {  	[sflag:s3] =	ssyncadd.s32 @!p4 $0xFFFFFF80  }
0x79: {  	_ =	swait.ge @!p4 [sflag:s3], $0x80  }
0x7a: {  	s18 =	simm.s32 @!p4 $0x4200;
	s0 =	sadd.s32 @!p3 $0x2, s26;
	[sflag:s3] =	ssyncset.done @!p4 $0x0  }
0x7b: {  	s9 =	simm.s32 @!p3 $0x1;
	[sflag:s3] =	ssyncadd.s32 @!p4 $0xFFFFFF80;
	s3 =	simm.s32 @!p4 $0x80  }
0x7c: {  	[tilespmem:s18], [sflag:$0x2] =	stream.indirect.gather @!p4 [hbm4b:s4+s3], $0x80, s3, s3, $0xb8;
	[tilespmem:$0x1BB00] =	vst v63  }
0x7d: {  	p1 =	sge.u32 @!p3 s0, s6;
	s0 =	simm.s32 @!p3 $0x200;
	_ =	swait.ge @!p3 [sflag:s9], $0x4000  }
0x7e: {  	s3 =	simm.s32 @!p3 $0x5;
	s18 =	simm.s32 @!p3 $0x100;
	[sflag:s9] =	ssyncset.done @!p3 $0x0  }
0x7f: {  	p4 =	por p1, p3;
	[sflag:s9] =	ssyncadd.s32 @!p3 $0xFFFFC000;
	s9 =	simm.s32 @!p3 $0x80  }
0x80: {  	[spmem:s1] =	stream.indirect.scatter.add.f32 @!p3 [tilespmem:s0], [sflag:$0x5], $0x80, s18, s9, $0xb8;
	[tilespmem:$0x1BB00] =	vst v63  }
0x81: {  	p1 =	sge.u32 s26, s11;
	s0 =	sadd.s32 @!p4 s25, s7;
	_ =	swait.ge @!p3 [sflag:s3], $0x4000  }
0x82: {  	s0 =	sadd.s32 @!p4 $0x20, s0;
	[sflag:s3] =	ssyncset.done @!p3 $0x0;
	s9 =	rddreg [dreg:$0x3]  }
0x83: {  	[sflag:s3] =	ssyncadd.s32 @!p3 $0xFFFFC000;
	s3 =	simm.s32 @!p4 $0x0;
	p2 =	sge.u32 @!p1 s26, s9  }
0x84: {  	[tilespmem:s3], [sflag:$0x3] =	stream.linear.gather @!p4 [hbm4b:s0+s3], $0x80, $0x38;
	[tilespmem:$0x1BB00] =	vst v63  }
0x85: {  	s0 =	sadd.s32 @!p4 s25, s8;
	p2 =	por p2, p1  }
0x86: {  	s9 =	simm.s32 @!p4 $0x100;
	s0 =	sadd.s32 @!p4 $0x20, s0;
	s18 =	simm.s32 @!p2 $0x3  }
0x87: {  	[tilespmem:s9], [sflag:$0x3] =	stream.linear.gather @!p4 [hbm4b:s0+s3], $0x80, $0x38;
	[tilespmem:$0x1BB00] =	vst v63  }
0x88: {  	_ =	swait.ge @!p2 [sflag:s18], $0x80  }
0x89: {  	[sflag:s18] =	ssyncset.done @!p2 $0x0  }
0x8a: {  	[sflag:s18] =	ssyncadd.s32 @!p2 $0xFFFFFF80  }
0x8b: {  	s0 =	sadd.s32 @!p1 $0x3, s26;
	s3 =	simm.s32 @!p2 $0x200;
	_ =	swait.ge @!p2 [sflag:s18], $0x80  }
0x8c: {  	s9 =	simm.s32 @!p2 $0x80;
	p3 =	sge.u32 @!p1 s0, s6;
	[sflag:s18] =	ssyncset.done @!p2 $0x0  }
0x8d: {  	s0 =	simm.s32 @!p1 $0x2;
	[sflag:s18] =	ssyncadd.s32 @!p2 $0xFFFFFF80;
	s18 =	simm.s32 @!p2 $0x0  }
0x8e: {  	[tilespmem:s3], [sflag:$0x1] =	stream.indirect.gather @!p2 [hbm4b:s4+s9], $0x80, s18, s9, $0xb8;
	[tilespmem:$0x1BB00] =	vst v63  }
0x8f: {  	p2 =	por p3, p1;
	_ =	swait.ge @!p1 [sflag:s0], $0x4000  }
0x90: {  	s3 =	simm.s32 @!p1 $0x5;
	s9 =	simm.s32 @!p1 $0x80;
	[sflag:s0] =	ssyncset.done @!p1 $0x0  }
0x91: {  	s18 =	simm.s32 @!p1 $0x4200;
	[sflag:s0] =	ssyncadd.s32 @!p1 $0xFFFFC000;
	s0 =	simm.s32 @!p1 $0x180  }
0x92: {  	[spmem:s1] =	stream.indirect.scatter.add.f32 @!p1 [tilespmem:s18], [sflag:$0x5], $0x80, s0, s9, $0xb8;
	[tilespmem:$0x1BB00] =	vst v63  }
0x93: {  	s20 =	simm.s32 @!p2 $0x80;
	_ =	swait.ge @!p1 [sflag:s3], $0x4000  }
0x94: {  	s0 =	sadd.s32 @!p2 s25, s8;
	s9 =	sadd.s32 @!p2 s25, s7;
	[sflag:s3] =	ssyncset.done @!p1 $0x0  }
0x95: {  	s18 =	simm.s32 @!p2 $0x0;
	s9 =	sadd.s32 @!p2 $0x30, s9;
	[sflag:s3] =	ssyncadd.s32 @!p1 $0xFFFFC000  }
0x96: {  	[tilespmem:s20], [sflag:$0x4] =	stream.linear.gather @!p2 [hbm4b:s9+s18], $0x80, $0x38;
	[tilespmem:$0x1BB00] =	vst v63  }
0x97: {  	s0 =	sadd.s32 @!p2 $0x30, s0;
	s3 =	simm.s32 @!p2 $0x180  }
0x98: {  	[tilespmem:s3], [sflag:$0x4] =	stream.linear.gather @!p2 [hbm4b:s0+s18], $0x80, $0x38;
	[tilespmem:$0x1BB00] =	vst v63  }
0x99: {  	s0 =	simm.s32 @p0 $0x1FC5;
	[bflag:$0x0] =	sbarrier.arrive $0xFFFF  }
0x9a: {  	[hbm:s13], [sflag:s0] =	dma.local @p0 [spmem:s15], $0x2080  }
0x9b: {  	s0 =	simm.s32 @p0 $0x5  }
0x9c: {  	s24 =	sadd.s32 $0x1, s24;
	_ =	swait.ge @p0 [sflag:s0], $0x2080  }
0x9d: {  	p1 =	sne.s32 s24, s14;
	[sflag:s0] =	ssyncset.done @p0 $0x0  }
.Ltmp1:
0x9e: {  	[sflag:s0] =	ssyncadd.s32 @p0 $0xFFFFDF80;
	s0 =	simm.s32 @!p0 $0x5;
	(pc) =	sbr.rel @p1 .LBB2_1-.Ltmp1, $4  }
0x9f: {  	[hbm:s12], [sflag:s16] =	dma.local @!p0 [spmem:s23], $0x2780  }
0xa0: {  	_ =	swait.ge @!p0 [sflag:s0], $0x2780  }
0xa1: {  	[sflag:s0] =	ssyncset.done @!p0 $0x0  }
0xa2: {  	[sflag:s0] =	ssyncadd.s32 @!p0 $0xFFFFD880  }
0xa3: {  	_ =	sfence.sel $0x180000  }
0xa4: {  	[bflag:$0x0] =	sbarrier.arrive $0xFFFF  }
0xa5: {  	_ =	strace $0x9000004A  }
0xa6: {  	s0 =	stileid.u32;
	[bflag:$0x2] =	sbarrier.arrive $0xFFFF  }
0xa7: {  	p0 =	sne.s32 s0, $0x0;
	s0 =	rddreg [dreg:$0x2]  }
0xa8: {  	s0 =	sadd.s32 @!p0 $0x100000, s0  }
0xa9: {  	[sflag:s0] =	ssyncadd.tile.s32 @!p0 $0x1;
	_ =	shalt  }
.Lfunc_end2:
_tile_overlayer_lowered:
.L_overlay_start_2:
0xaa: {  	(tag) =	ssettag $0x2  }
0xab: {  	s0 =	rddreg [dreg:$0x0];
	s2 =	stileid.u32  }
0xac: {  	s1 =	rddreg [dreg:$0x1];
	p0 =	sne.s32 s2, $0x0  }
0xad: {  	s3 =	rddreg [dreg:$0x2];
	[bflag:$0x3] =	sbarrier.arrive $0xFFFF;
	s2 =	simm.s32 @!p0 $0x1C05  }
0xae: {  	[timem:s3], [sflag:s2] =	dma.local @!p0 [hbm:s0], s1  }
0xaf: {  	s0 =	simm.s32 @!p0 $0x5  }
0xb0: {  	_ =	swait.ge @!p0 [sflag:s0], s1  }
0xb1: {  	s1 =	ssub.s32 @!p0 $0x0, s1;
	[sflag:s0] =	ssyncset.done @!p0 $0x0  }
0xb2: {  	[sflag:s0] =	ssyncadd.s32 @!p0 s1  }
0xb3: {  	[bflag:$0x3] =	sbarrier.arrive $0xFFFF  }
0xb4: {  	_ =	shalt  }

// kernel: kernel.17.cloned.1.call-start
scs
__scs_entry_jumppad:
0x0: {  	(pc) =	sbr.rel $0x88, $3  }
0x1: {  	(tag) =	ssettag $0x0;
	lr =	simm.s32 $0x1  }
0x2: {  	[smem:$0x3F90] =	sst lr;
	_ =	strace $0xD0000000  }
0x3: {  	_ = 	snop  }
0x4: {  	_ = 	snop  }
0x5: {  	_ = 	snop  }
0x6: {  	_ = 	snop  }
0x7: {  	_ = 	snop  }
__scs_overlays_trampoline_lowered:
0x8: {  	[smem:$0x3F9F] =	sst s0  }
0x9: {  	[smem:$0x3FA0] =	sst s1  }
0xa: {  	[smem:$0x3FA1] =	sst s2  }
0xb: {  	[smem:$0x3FA2] =	sst s3  }
0xc: {  	[smem:$0x3FA3] =	sst s4  }
0xd: {  	[smem:$0x3FA4] =	sst s5  }
0xe: {  	[smem:$0x3FA5] =	sst s6  }
0xf: {  	[smem:$0x3FA6] =	sst s7  }
0x10: {  	[smem:$0x3FA7] =	sst s8  }
0x11: {  	[smem:$0x3FA8] =	sst s9;
	s0 =	simm.s32 @!p0 $0x0  }
0x12: {  	s1 =	sld [smem:$0x3F8E];
	s0 =	simm.s32 @p0 $0x1  }
0x13: {  	[smem:$0x3FA9] =	sst s0;
	s0 =	simm.s32 @!p1 $0x0  }
0x14: {  	s2 =	sld [smem:$0x3F8D];
	s0 =	simm.s32 @p1 $0x1  }
0x15: {  	[smem:$0x3FAA] =	sst s0;
	s0 =	simm.s32 @!p2 $0x0  }
0x16: {  	s3 =	sld [smem:$0x3FDB];
	s0 =	simm.s32 @p2 $0x1  }
0x17: {  	s4 =	simm.s32 $0x1BF5;
	[smem:$0x3FAC] =	sst s0  }
0x18: {  	s0 =	sld [smem:$0x3F8F];
	_ =	swait.ge [sflag:s4], $0x0  }
0x19: {  	s7 =	sld [smem:$0x3F90]  }
0x1a: {  	s8 =	sadd.s32 $0xFFFFE003, lr  }
0x1b: {  	s9 =	sadd.s32 $0xFFFFFEF7, lr;
	s5 =	simm.s32 $0xFFFFFFFF;
	p2 =	slt.u32 s8, $0xFFFFF086  }
0x1c: {  	p1 =	slt.u32 s9, $0xF7A;
	s5 =	simm.s32 @!p2 $0x0  }
0x1d: {  	s5 =	simm.s32 @p1 $0x1;
	p0 =	seq.s32 s7, s2  }
0x1e: {  	s7 =	smul.u32 @!p0 $0xF7A, s2;
	p2 =	seq.s32 @!p0 s5, $0x0  }
0x1f: {  	s9 =	smul.u32 $0xF7A, s1;
	s8 =	simm.s32 @!p0 $0x1BF5;
	p2 =	por !p2, p0  }
0x20: {  	[sflag:s8] =	ssyncset.s32 @!p0 $0xFFFFF086;
	s6 =	sadd.s32 @!p0 s3, s7;
	s7 =	simm.s32 @!p0 $0x108  }
0x21: {  	s3 =	sadd.s32 s3, s9;
	s6 =	sadd.s32 @!p0 $0x88, s6;
	s7 =	simm.s32 @p2 $0x1082  }
0x22: {  	[simem:s7], [sflag:s8] =	dma.local @!p0 [hbm:s6], $0xF7A  }
0x23: {  	s9 =	sor.u32 $0xD0000000, s2;
	s6 =	simm.s32 $0x108;
	_ =	swait.ge @!p0 [sflag:s8], $0x0  }
0x24: {  	s3 =	sadd.s32 $0x88, s3;
	s6 =	simm.s32 @!p1 $0x1082;
	[sflag:s4] =	ssyncset.s32 $0xFFFFF086  }
0x25: {  	[simem:s6], [sflag:s4] =	dma.local [hbm:s3], $0xF7A  }
0x26: {  	[smem:$0x3F90] =	sst s1;
	(tag) =	ssettag s2;
	_ =	strace s9  }
0x27: {  	s1 =	sld [smem:$0x3FA0]  }
0x28: {  	s2 =	sld [smem:$0x3FA1]  }
0x29: {  	s4 =	sld [smem:$0x3FA3]  }
0x2a: {  	p0 =	seq.s32 s5, $0x0;
	s5 =	sld [smem:$0x3FA4]  }
0x2b: {  	s6 =	sld [smem:$0x3FA5]  }
0x2c: {  	s7 =	sld [smem:$0x3FA6]  }
0x2d: {  	s3 =	simm.s32 $0x108;
	s8 =	sld [smem:$0x3FA7]  }
0x2e: {  	s3 =	simm.s32 @!p0 $0x1082;
	s9 =	sld [smem:$0x3FA8]  }
0x2f: {  	lr =	sadd.s32 s0, s3;
	s0 =	sld [smem:$0x3F9F]  }
0x30: {  	s3 =	sld [smem:$0x3FA2]  }
0x31: {  	[smem:$0x3FAB] =	sst s10  }
0x32: {  	s10 =	sld [smem:$0x3FA9];
	_ =	sdelay $0x3  }
0x33: {  	p0 =	seq.s32 s10, $0x1;
	s10 =	sld [smem:$0x3FAB];
	_ =	sdelay $0x3  }
0x34: {  	[smem:$0x3FAB] =	sst s10  }
0x35: {  	s10 =	sld [smem:$0x3FAA];
	_ =	sdelay $0x3  }
0x36: {  	p1 =	seq.s32 s10, $0x1;
	s10 =	sld [smem:$0x3FAB];
	_ =	sdelay $0x3  }
0x37: {  	[smem:$0x3FAB] =	sst s10  }
0x38: {  	s10 =	sld [smem:$0x3FAC]  }
0x39: {  	_ = 	snop;
	(pc) =	sbr.ind lr, $3  }
0x3a: {  	_ = 	snop  }
0x3b: {  	_ = 	snop  }
0x3c: {  	p2 =	seq.s32 s10, $0x1;
	s10 =	sld [smem:$0x3FAB]  }
0x3d: {  	_ =	shalt  }
0x3e: {  	_ =	shalt  }
0x3f: {  	_ =	shalt  }
0x40: {  	_ =	shalt  }
0x41: {  	_ =	shalt  }
0x42: {  	_ =	shalt  }
0x43: {  	_ =	shalt  }
0x44: {  	_ =	shalt  }
0x45: {  	_ =	shalt  }
0x46: {  	_ =	shalt  }
0x47: {  	_ =	shalt  }
0x48: {  	_ =	shalt  }
0x49: {  	_ =	shalt  }
0x4a: {  	_ =	shalt  }
0x4b: {  	_ =	shalt  }
0x4c: {  	_ =	shalt  }
0x4d: {  	_ =	shalt  }
0x4e: {  	_ =	shalt  }
0x4f: {  	_ =	shalt  }
0x50: {  	_ =	shalt  }
0x51: {  	_ =	shalt  }
0x52: {  	_ =	shalt  }
0x53: {  	_ =	shalt  }
0x54: {  	_ =	shalt  }
0x55: {  	_ =	shalt  }
0x56: {  	_ =	shalt  }
0x57: {  	_ =	shalt  }
0x58: {  	_ =	shalt  }
0x59: {  	_ =	shalt  }
0x5a: {  	_ =	shalt  }
0x5b: {  	_ =	shalt  }
0x5c: {  	_ =	shalt  }
0x5d: {  	_ =	shalt  }
0x5e: {  	_ =	shalt  }
0x5f: {  	_ =	shalt  }
0x60: {  	_ =	shalt  }
0x61: {  	_ =	shalt  }
0x62: {  	_ =	shalt  }
0x63: {  	_ =	shalt  }
0x64: {  	_ =	shalt  }
0x65: {  	_ =	shalt  }
0x66: {  	_ =	shalt  }
0x67: {  	_ =	shalt  }
0x68: {  	_ =	shalt  }
0x69: {  	_ =	shalt  }
0x6a: {  	_ =	shalt  }
0x6b: {  	_ =	shalt  }
0x6c: {  	_ =	shalt  }
0x6d: {  	_ =	shalt  }
0x6e: {  	_ =	shalt  }
0x6f: {  	_ =	shalt  }
0x70: {  	_ =	shalt  }
0x71: {  	_ =	shalt  }
0x72: {  	_ =	shalt  }
0x73: {  	_ =	shalt  }
0x74: {  	_ =	shalt  }
0x75: {  	_ =	shalt  }
0x76: {  	_ =	shalt  }
0x77: {  	_ =	shalt  }
0x78: {  	_ =	shalt  }
0x79: {  	_ =	shalt  }
0x7a: {  	_ =	shalt  }
0x7b: {  	_ =	shalt  }
0x7c: {  	_ =	shalt  }
0x7d: {  	_ =	shalt  }
0x7e: {  	_ =	shalt  }
0x7f: {  	_ =	shalt  }
0x80: {  	_ =	shalt  }
0x81: {  	_ =	shalt  }
0x82: {  	_ =	shalt  }
0x83: {  	_ =	shalt  }
0x84: {  	_ =	shalt  }
0x85: {  	_ =	shalt  }
0x86: {  	_ =	shalt  }
0x87: {  	_ =	shalt  }
.Lfunc_end0:
.L_simem_size_0:
called_computation.2_lowered:
.L_overlay_start_0:
0x88: {  	s2 =	sld [smem:$0x3FD9]  }
0x89: {  	s3 =	sld [smem:$0x3FFE];
	_ =	sdelay $0x1  }
0x8a: {  	s1 =	srdreg.scid  }
0x8b: {  	s0 =	sand.u32 $0x1, s1  }
0x8c: {  	s16 =	sshll.u32 s0, $0xA;
	s2 =	sadd.s32 s3, s2  }
0x8d: {  	s2 =	sadd.s32 s2, s16  }
0x8e: {  	[smem:$0x3FB7] =	sst s2  }
0x8f: {  	_ = 	snop  }
0x90: {  	(tm) =	ssettm $0x1  }
0x91: {  	s17 =	sld [smem:$0x3FFB];
	_ =	sdelay $0x3  }
0x92: {  	_ =	strace s17  }
0x93: {  	s2 =	sld [smem:$0x3FFC];
	_ =	sdelay $0x3  }
0x94: {  	_ =	strace s2  }
0x95: {  	s2 =	sld [smem:$0x3FFD];
	_ =	sdelay $0x3  }
0x96: {  	_ =	strace s2  }
0x97: {  	_ =	strace $0x8FFFFFFF  }
0x98: {  	s18 =	sld [smem:$0x3FDB];
	_ =	sdelay $0x1  }
0x99: {  	s19 =	simm.s32 $_scs_section_size  }
0x9a: {  	s4 =	simm.s32 $_size__tile_overlayer_lowered;
	s5 =	simm.s32 $_tile_overlayer_lowered  }
0x9b: {  	s22 =	simm.s32 $0x1BFF;
	s21 =	sshll.u32 s5, $0x1;
	s2 =	sadd.s32 s19, s18  }
0x9c: {  	s6 =	simm.s32 $0x0;
	s20 =	sshll.u32 s4, $0x1;
	s4 =	sadd.s32 s21, s2  }
0x9d: {  	[timem:s6], [sflag:s22] =	dma.local [hbm:s4], s20  }
0x9e: {  	_ =	swait.ge [sflag:s22], s20  }
0x9f: {  	s3 =	ssub.s32 $0x0, s20;
	[sflag:s22] =	ssyncset.done $0x0  }
0xa0: {  	[sflag:s22] =	ssyncadd.s32 s3;
	_ =	sdelay $0x1  }
0xa1: {  	s23 =	simm.s32 $0x1B8B  }
0xa2: {  	_ =	swait.ge [sflag:s23], $0x1  }
0xa3: {  	[sflag:s23] =	ssyncset.done $0x0  }
0xa4: {  	s25 =	simm.s32 $0x1B8E;
	s24 =	sld [smem:$0x3FFE];
	[sflag:s23] =	ssyncadd.s32 $0xFFFFFFFF  }
0xa5: {  	s26 =	simm.s32 $execute0_lowered;
	[smem:$0x3FD2] =	sst s25  }
0xa6: {  	s4 =	sshll.u32 s26, $0x1;
	_ =	strace $0x8000004C;
	[dreg:$0x1] =	wrdreg $0xFFFFFFFF  }
0xa7: {  	s28 =	simm.s32 $_size_execute0_lowered;
	s2 =	sadd.s32 s2, s4;
	[dreg:$0x0] =	wrdreg $0x0  }
0xa8: {  	s4 =	sshll.u32 s28, $0x1;
	[dreg:$0x2] =	wrdreg s2  }
0xa9: {  	[dreg:$0x3] =	wrdreg s4  }
0xaa: {  	[dreg:$0x4] =	wrdreg $0xC0  }
0xab: {  	_ =	task [dreg:s6], $0x5FFFF  }
0xac: {  	[dreg:$0x1] =	wrdreg $0xFFFFFFFF  }
0xad: {  	[dreg:$0x0] =	wrdreg $0x60  }
0xae: {  	[dreg:$0x2] =	wrdreg s24  }
0xaf: {  	[dreg:$0x3] =	wrdreg $0x82000  }
0xb0: {  	[dreg:$0x4] =	wrdreg $0x1BB000  }
0xb1: {  	[dreg:$0x5] =	wrdreg $0x9  }
0xb2: {  	_ =	task.clear_ibuf [dreg:s6], $0x6FFFF;
	_ =	strace $0x9000004C  }
0xb3: {  	s29 =	simm.s32 $0x9;
	_ =	strace $0x8000004E  }
0xb4: {  	_ =	swait.ge [sflag:s29], $0x1  }
0xb5: {  	[sflag:s29] =	ssyncadd.s32 $0xFFFFFFFF  }
0xb6: {  	_ =	strace $0x9000004E  }
0xb7: {  	_ =	sfence  }
0xb8: {  	s30 =	sld [smem:$0x0];
	_ =	sdelay $0x2  }
0xb9: {  	s31 =	sshll.u32 s1, $0xD;
	s1 =	sshrl.u32 s1, $0x2  }
0xba: {  	s3 =	sand.u32 $0x4000, s31;
	s1 =	sadd.s32 s1, s30  }
0xbb: {  	s0 =	sor.u32 s3, s0;
	s1 =	sshll.u32 s1, $0x11  }
0xbc: {  	s0 =	sor.u32 s1, s0  }
0xbd: {  	s0 =	sadd.s32 $0x8F2B, s0  }
0xbe: {  	[sflag:s0] =	ssyncadd.remote.s32 $0x1  }
0xbf: {  	_ =	sfence.sel $0xFFFF  }
0xc0: {  	[dreg:$0x0] =	wrdreg $0xFFFFFFFF;
	(pc) =	sbr.abs _section_cstart, $3  }
0xc1: {  	[dreg:$0x1] =	wrdreg $0xFFFFFFFF  }
0xc2: {  	_ =	task.clear_ibuf [dreg:s6], $0x2FFFF;
	_ =	strace $0x9FFFFFFF  }
0xc3: {  	(tm) =	ssettm $0x7FFFFFFF  }
tec
execute0_lowered:
.L_overlay_start_1:
0x0: {  	(tag) =	ssettag $0x1  }
0x1: {  	s0 =	rddreg [dreg:$0x0]  }
0x2: {  	s1 =	rddreg [dreg:$0x1]  }
0x3: {  	s2 =	rddreg [dreg:$0x2];
	s21 =	stileid.u32  }
0x4: {  	s3 =	simm.s32 $0x0;
	s9 =	srdreg.scid;
	s10 =	smul.u32 $0x3B, s21  }
0x5: {  	[smem:$0x7FF] =	sst s3;
	s15 =	smul.u32 $0x15, s21  }
0x6: {  	s4 =	sadd.s32 $0xEE00, s0;
	s5 =	sadd.s32 $0x9E00, s0;
	s25 =	smul.u32 $0x4F000, s21  }
0x7: {  	s12 =	sadd.s32 $0x4E00, s0;
	s6 =	sadd.s32 $0x36000, s0;
	s17 =	smul.u32 $0x9E00, s21  }
0x8: {  	s7 =	sadd.s32 $0x38800, s0;
	s8 =	sadd.s32 $0x38E00, s0;
	s20 =	smul.u32 $0x13C00, s21  }
0x9: {  	s14 =	sadd.s32 $0x87200, s0;
	s0 =	sadd.s32 $0x3DE00, s0;
	s24 =	smul.u32 $0x2780, s21  }
0xa: {  	s13 =	sand.u32 $0x1, s9;
	s22 =	sadd.s32 $0x128400, s1;
	_ =	strace $0x8000004D  }
0xb: {  	s9 =	ssub.s32 $0x2, s13;
	p0 =	seq.s32 s13, $0x0;
	s18 =	smul.u32 $0x138800, s13  }
0xc: {  	s31 =	smul.u32 $0x27100, s13;
	[dreg:$0x7] =	wrdreg s22;
	s11 =	sshrl.u32 s9, $0x1  }
0xd: {  	s15 =	sadd.s32 $0x3B0, s15;
	s26 =	sshrl.u32 s25, $0x2;
	s28 =	sshrl.u32 s17, $0x2  }
0xe: {  	s16 =	ssub.s32 s9, s11;
	s9 =	simm.s32 $0x3B;
	s15 =	smov.u32 @p0 s10  }
0xf: {  	s17 =	sadd.s32 s28, s2;
	s28 =	sshrl.u32 s18, $0x3;
	s15 =	sshll.u32 s15, $0x4  }
0x10: {  	s19 =	sadd.s32 s26, s1;
	s13 =	sadd.s32 s14, s28;
	s10 =	sadd.s32 s5, s15  }
0x11: {  	s11 =	sadd.s32 s12, s15;
	s15 =	sadd.s32 $0x10, s15;
	s13 =	sadd.s32 $0x25080, s13  }
0x12: {  	s23 =	sadd.s32 s20, s18;
	s5 =	sadd.s32 s5, s15;
	[dreg:$0xb] =	wrdreg s13  }
0x13: {  	s9 =	simm.s32 @!p0 $0x15;
	s29 =	sadd.s32 s12, s15;
	[dreg:$0x5] =	wrdreg s5  }
0x14: {  	s25 =	sshrl.u32 s23, $0x3;
	s15 =	sadd.s32 $0xFFFFFFFE, s9;
	[dreg:$0x6] =	wrdreg s29  }
0x15: {  	s26 =	sadd.s32 s24, s31;
	s12 =	sadd.s32 s14, s25;
	[dreg:$0x4] =	wrdreg s15  }
0x16: {  	[dreg:$0x8] =	wrdreg s12;
	s12 =	sshrl.u32 s26, $0x3;
	s29 =	sadd.s32 $0x25080, s2  }
0x17: {  	s5 =	sshrl.u32 s31, $0x3;
	s31 =	smax.u32 s16, $0x1;
	[dreg:$0x9] =	wrdreg s29  }
0x18: {  	s12 =	sadd.s32 s0, s12;
	s0 =	sadd.s32 s0, s5;
	[dreg:$0xd] =	wrdreg s31  }
0x19: {  	p0 =	seq.s32 s21, $0xF;
	[dreg:$0xa] =	wrdreg s12;
	s0 =	sadd.s32 $0x4A10, s0  }
0x1a: {  	[dreg:$0xc] =	wrdreg s0;
	s0 =	sshrl.u32 @!p0 s19, $0x3  }
0x1b: {  	s5 =	sadd.s32 s20, s1;
	[dreg:$0xe] =	wrdreg s0;
	s0 =	sshrl.u32 @!p0 s17, $0x3  }
0x1c: {  	s12 =	sadd.s32 s24, s2;
	[dreg:$0xf] =	wrdreg s0;
	s0 =	sshrl.u32 @!p0 s5, $0x3  }
0x1d: {  	s30 =	simm.s32 $0x3;
	[dreg:$0x10] =	wrdreg s0;
	s0 =	sshrl.u32 @!p0 s12, $0x3  }
0x1e: {  	s18 =	sadd.s32 $0xFFFFFFFF, s9;
	s26 =	simm.s32 $0x0;
	[dreg:$0x11] =	wrdreg s0  }
.LBB2_1:
0x1f: {  	s0 =	rddreg [dreg:$0x7]  }
0x20: {  	s5 =	simm.s32 @p0 $0x1FC5;
	s12 =	simm.s32 @p0 $0x5;
	s31 =	sshrl.u32 @p0 s0, $0x3  }
0x21: {  	[spmem:s31], [sflag:s5] =	dma.local @p0 [hbm:s6], $0x2180  }
0x22: {  	_ =	swait.ge @p0 [sflag:s12], $0x2180  }
0x23: {  	[sflag:s12] =	ssyncset.done @p0 $0x0;
	s0 =	rddreg [dreg:$0x9]  }
0x24: {  	[sflag:s12] =	ssyncadd.s32 @p0 $0xFFFFDE80;
	s0 =	sshrl.u32 @p0 s0, $0x3  }
0x25: {  	[spmem:s0], [sflag:s5] =	dma.local @p0 [hbm:s7], $0x430  }
0x26: {  	s5 =	stileid.u32;
	_ =	swait.ge @p0 [sflag:s12], $0x430  }
0x27: {  	s5 =	sshll.u32 @!p0 s5, $0x6;
	[sflag:s12] =	ssyncset.done @p0 $0x0  }
0x28: {  	s29 =	sor.u32 @!p0 $0x1C05, s5;
	s5 =	rddreg [dreg:$0xe];
	[sflag:s12] =	ssyncadd.s32 @p0 $0xFFFFFBD0  }
0x29: {  	[spmem:s5], [sflag:s29] =	dma.local @!p0 [hbm:s6], $0x2780  }
0x2a: {  	s5 =	simm.s32 @!p0 $0x5  }
0x2b: {  	_ =	swait.ge @!p0 [sflag:s5], $0x2780  }
0x2c: {  	[sflag:s5] =	ssyncset.done @!p0 $0x0  }
0x2d: {  	s12 =	rddreg [dreg:$0xf];
	[sflag:s5] =	ssyncadd.s32 @!p0 $0xFFFFD880  }
0x2e: {  	[spmem:s12], [sflag:s29] =	dma.local @!p0 [hbm:s7], $0x4F0  }
0x2f: {  	_ =	swait.ge @!p0 [sflag:s5], $0x4F0  }
0x30: {  	[sflag:s5] =	ssyncset.done @!p0 $0x0  }
0x31: {  	[sflag:s5] =	ssyncadd.s32 @!p0 $0xFFFFFB10  }
0x32: {  	[bflag:$0x0] =	sbarrier.arrive $0xFFFF  }
0x33: {  	[tilespmem:s3], [sflag:$0x3] =	stream.linear.gather [hbm4b:s10+s3], $0x80, $0x38;
	[tilespmem:$0x1F220] =	vst v63  }
0x34: {  	s21 =	simm.s32 $0x100  }
0x35: {  	[tilespmem:s21], [sflag:$0x3] =	stream.linear.gather [hbm4b:s11+s3], $0x80, $0x38;
	[tilespmem:$0x1F220] =	vst v63  }
0x36: {  	s23 =	simm.s32 $0x80;
	s22 =	rddreg [dreg:$0x5]  }
0x37: {  	[tilespmem:s23], [sflag:$0x4] =	stream.linear.gather [hbm4b:s22+s3], $0x80, $0x38;
	[tilespmem:$0x1F220] =	vst v63  }
0x38: {  	s13 =	simm.s32 $0x180;
	s24 =	rddreg [dreg:$0x6]  }
0x39: {  	[tilespmem:s13], [sflag:$0x4] =	stream.linear.gather [hbm4b:s24+s3], $0x80, $0x38;
	[tilespmem:$0x1F220] =	vst v63  }
0x3a: {  	_ =	swait.ge [sflag:s30], $0x80  }
0x3b: {  	[sflag:s30] =	ssyncset.done $0x0  }
0x3c: {  	[sflag:s30] =	ssyncadd.s32 $0xFFFFFF80  }
0x3d: {  	p1 =	sle.u32 s9, $0x0;
	_ =	swait.ge [sflag:s30], $0x80  }
0x3e: {  	p2 =	sle.u32 @!p1 s18, $0x0;
	[sflag:s30] =	ssyncset.done $0x0  }
0x3f: {  	s25 =	simm.s32 $0x200;
	p2 =	por p2, p1;
	[sflag:s30] =	ssyncadd.s32 $0xFFFFFF80  }
0x40: {  	[tilespmem:s25], [sflag:$0x1] =	stream.indirect.gather [hbm4b:s4+s23], $0x80, s3, s23, $0xb8;
	[tilespmem:$0x1F220] =	vst v63  }
0x41: {  	s28 =	simm.s32 $0x1E220;
	s5 =	simm.s32 @!p2 $0x4  }
0x42: {  	[tilespmem:s28], [sflag:$0x1] =	stream.indirect.gather [hbm4b:s8+s23], $0x10, s3, s23, $0xb8;
	[tilespmem:$0x1F220] =	vst v63  }
0x43: {  	_ =	swait.ge @!p2 [sflag:s5], $0x80  }
0x44: {  	[sflag:s5] =	ssyncset.done @!p2 $0x0  }
0x45: {  	[sflag:s5] =	ssyncadd.s32 @!p2 $0xFFFFFF80  }
0x46: {  	s16 =	simm.s32 $0x80;
	_ =	swait.ge @!p2 [sflag:s5], $0x80  }
0x47: {  	s15 =	simm.s32 $0x0;
	p4 =	sle.u32 @!p1 s9, $0x2;
	[sflag:s5] =	ssyncset.done @!p2 $0x0  }
0x48: {  	s14 =	simm.s32 @!p2 $0x80;
	s12 =	simm.s32 @!p2 $0x4200;
	[sflag:s5] =	ssyncadd.s32 @!p2 $0xFFFFFF80  }
0x49: {  	[tilespmem:s12], [sflag:$0x2] =	stream.indirect.gather @!p2 [hbm4b:s4+s14], $0x80, s14, s14, $0xb8;
	[tilespmem:$0x1F220] =	vst v63  }
0x4a: {  	s19 =	simm.s32 @!p1 $0x1;
	s13 =	simm.s32 $0x20;
	s5 =	simm.s32 @!p2 $0x1EA20  }
0x4b: {  	[tilespmem:s5], [sflag:$0x2] =	stream.indirect.gather @!p2 [hbm4b:s8+s14], $0x10, s14, s14, $0xb8;
	[tilespmem:$0x1F220] =	vst v63  }
0x4c: {  	s12 =	simm.s32 $0x40;
	s5 =	simm.s32 $0x60;
	s14 =	simm.s32 $0x0  }
.LBB2_2:
0x4d: {  	_ =	swait.ge @!p1 [sflag:s19], $0x4000  }
0x4e: {  	[sflag:s19] =	ssyncset.done @!p1 $0x0  }
0x4f: {  	[sflag:s19] =	ssyncadd.s32 @!p1 $0xFFFFC000  }
0x50: {  	_ =	swait.ge @!p1 [sflag:s19], $0x800  }
0x51: {  	s20 =	simm.s32 @!p1 $0x200;
	s21 =	simm.s32 @!p1 $0x5;
	[sflag:s19] =	ssyncset.done @!p1 $0x0  }
0x52: {  	s22 =	simm.s32 @!p1 $0x80;
	s23 =	simm.s32 @!p1 $0x100;
	[sflag:s19] =	ssyncadd.s32 @!p1 $0xFFFFF800  }
0x53: {  	[spmem:s1] =	stream.indirect.scatter.add.f32 @!p1 [tilespmem:s20], [sflag:$0x5], $0x80, s23, s22, $0xb8;
	[tilespmem:$0x1F220] =	vst v63  }
0x54: {  	_ =	swait.ge @!p1 [sflag:s21], $0x4000  }
0x55: {  	[sflag:s21] =	ssyncset.done @!p1 $0x0  }
0x56: {  	p5 =	por p4, p1;
	s20 =	simm.s32 @!p1 $0x1E220;
	[sflag:s21] =	ssyncadd.s32 @!p1 $0xFFFFC000  }
0x57: {  	[spmem:s2] =	stream.indirect.scatter.add.f32 @!p1 [tilespmem:s20], [sflag:$0x5], $0x10, s23, s22, $0xb8;
	[tilespmem:$0x1F220] =	vst v63  }
0x58: {  	p3 =	sge.u32 s15, s18;
	s20 =	simm.s32 @!p5 $0x0;
	_ =	swait.ge @!p1 [sflag:s21], $0x800  }
0x59: {  	s22 =	sadd.s32 @!p5 s14, s10;
	[sflag:s21] =	ssyncset.done @!p1 $0x0;
	s23 =	rddreg [dreg:$0x4]  }
0x5a: {  	[sflag:s21] =	ssyncadd.s32 @!p1 $0xFFFFF800;
	s21 =	sadd.s32 @!p5 $0x20, s22;
	p1 =	sge.u32 @!p3 s15, s23  }
0x5b: {  	[tilespmem:s20], [sflag:$0x3] =	stream.linear.gather @!p5 [hbm4b:s21+s20], $0x80, $0x38;
	[tilespmem:$0x1F220] =	vst v63  }
0x5c: {  	s19 =	sadd.s32 @!p5 s14, s11;
	p1 =	por p1, p3  }
0x5d: {  	s19 =	sadd.s32 @!p5 $0x20, s19;
	s21 =	simm.s32 @!p5 $0x100;
	s22 =	simm.s32 @!p1 $0x3  }
0x5e: {  	[tilespmem:s21], [sflag:$0x3] =	stream.linear.gather @!p5 [hbm4b:s19+s20], $0x80, $0x38;
	[tilespmem:$0x1F220] =	vst v63  }
0x5f: {  	_ =	swait.ge @!p1 [sflag:s22], $0x80  }
0x60: {  	[sflag:s22] =	ssyncset.done @!p1 $0x0  }
0x61: {  	[sflag:s22] =	ssyncadd.s32 @!p1 $0xFFFFFF80  }
0x62: {  	_ =	swait.ge @!p1 [sflag:s22], $0x80  }
0x63: {  	s17 =	smov.u32 s16;
	s19 =	simm.s32 @!p1 $0x200;
	[sflag:s22] =	ssyncset.done @!p1 $0x0  }
0x64: {  	s20 =	simm.s32 @!p1 $0x80;
	s21 =	simm.s32 @!p1 $0x0;
	[sflag:s22] =	ssyncadd.s32 @!p1 $0xFFFFFF80  }
0x65: {  	[tilespmem:s19], [sflag:$0x1] =	stream.indirect.gather @!p1 [hbm4b:s4+s20], $0x80, s21, s20, $0xb8;
	[tilespmem:$0x1F220] =	vst v63  }
0x66: {  	s24 =	sadd.s32 @!p3 $0x3, s15;
	s23 =	simm.s32 @!p3 $0x2;
	s22 =	simm.s32 @!p1 $0x1E220  }
0x67: {  	[tilespmem:s22], [sflag:$0x1] =	stream.indirect.gather @!p1 [hbm4b:s8+s20], $0x10, s21, s20, $0xb8;
	[tilespmem:$0x1F220] =	vst v63  }
0x68: {  	p4 =	sge.u32 @!p3 s24, s9;
	s24 =	simm.s32 @!p3 $0x4200;
	_ =	swait.ge @!p3 [sflag:s23], $0x4000  }
0x69: {  	p5 =	por p4, p3;
	s19 =	simm.s32 @!p3 $0x180;
	[sflag:s23] =	ssyncset.done @!p3 $0x0  }
0x6a: {  	s20 =	sadd.s32 @!p5 s14, s10;
	s21 =	sadd.s32 @!p5 s14, s11;
	[sflag:s23] =	ssyncadd.s32 @!p3 $0xFFFFC000  }
0x6b: {  	s14 =	smov.u32 s13;
	s13 =	smov.u32 s12;
	_ =	swait.ge @!p3 [sflag:s23], $0x800  }
0x6c: {  	s12 =	smov.u32 s5;
	s5 =	smov.u32 s17;
	[sflag:s23] =	ssyncset.done @!p3 $0x0  }
0x6d: {  	s17 =	simm.s32 @!p3 $0x80;
	s22 =	simm.s32 @!p3 $0x5;
	[sflag:s23] =	ssyncadd.s32 @!p3 $0xFFFFF800  }
0x6e: {  	[spmem:s1] =	stream.indirect.scatter.add.f32 @!p3 [tilespmem:s24], [sflag:$0x5], $0x80, s19, s17, $0xb8;
	[tilespmem:$0x1F220] =	vst v63  }
0x6f: {  	_ =	swait.ge @!p3 [sflag:s22], $0x4000  }
0x70: {  	s15 =	sadd.s32 $0x2, s15;
	[sflag:s22] =	ssyncset.done @!p3 $0x0  }
0x71: {  	p1 =	sge.u32 s15, s9;
	s23 =	simm.s32 @!p3 $0x1EA20;
	[sflag:s22] =	ssyncadd.s32 @!p3 $0xFFFFC000  }
0x72: {  	[spmem:s2] =	stream.indirect.scatter.add.f32 @!p3 [tilespmem:s23], [sflag:$0x5], $0x10, s19, s17, $0xb8;
	[tilespmem:$0x1F220] =	vst v63  }
0x73: {  	p6 =	sge.u32 @!p1 s15, s18;
	_ =	swait.ge @!p3 [sflag:s22], $0x800  }
0x74: {  	s20 =	sadd.s32 @!p5 $0x30, s20;
	p6 =	por p6, p1;
	[sflag:s22] =	ssyncset.done @!p3 $0x0  }
0x75: {  	s24 =	simm.s32 @!p5 $0x80;
	s17 =	simm.s32 @!p5 $0x0;
	[sflag:s22] =	ssyncadd.s32 @!p3 $0xFFFFF800  }
0x76: {  	[tilespmem:s24], [sflag:$0x4] =	stream.linear.gather @!p5 [hbm4b:s20+s17], $0x80, $0x38;
	[tilespmem:$0x1F220] =	vst v63  }
0x77: {  	s28 =	simm.s32 @!p5 $0x180;
	s19 =	sadd.s32 @!p5 $0x30, s21;
	s20 =	simm.s32 @!p6 $0x4  }
0x78: {  	[tilespmem:s28], [sflag:$0x4] =	stream.linear.gather @!p5 [hbm4b:s19+s17], $0x80, $0x38;
	[tilespmem:$0x1F220] =	vst v63  }
0x79: {  	_ =	swait.ge @!p6 [sflag:s20], $0x80  }
0x7a: {  	[sflag:s20] =	ssyncset.done @!p6 $0x0  }
0x7b: {  	s16 =	sadd.s32 $0x20, s16;
	[sflag:s20] =	ssyncadd.s32 @!p6 $0xFFFFFF80  }
0x7c: {  	p2 =	sne.s32 s16, $0x3C0;
	_ =	swait.ge @!p6 [sflag:s20], $0x80  }
.Ltmp0:
0x7d: {  	s25 =	sadd.s32 @!p1 $0x2, s15;
	[sflag:s20] =	ssyncset.done @!p6 $0x0;
	(pc) =	sbr.rel @p2 .LBB2_2-.Ltmp0, $4  }
0x7e: {  	s21 =	simm.s32 @!p6 $0x4200;
	s17 =	simm.s32 @!p6 $0x80;
	[sflag:s20] =	ssyncadd.s32 @!p6 $0xFFFFFF80  }
0x7f: {  	[tilespmem:s21], [sflag:$0x2] =	stream.indirect.gather @!p6 [hbm4b:s4+s17], $0x80, s17, s17, $0xb8;
	[tilespmem:$0x1F220] =	vst v63  }
0x80: {  	p4 =	sge.u32 @!p1 s25, s9;
	s22 =	simm.s32 @!p6 $0x1EA20;
	s19 =	simm.s32 @!p1 $0x1  }
0x81: {  	[tilespmem:s22], [sflag:$0x2] =	stream.indirect.gather @!p6 [hbm4b:s8+s17], $0x10, s17, s17, $0xb8;
	[tilespmem:$0x1F220] =	vst v63  }
0x82: {  	_ =	swait.ge @!p1 [sflag:s19], $0x4000  }
0x83: {  	[sflag:s19] =	ssyncset.done @!p1 $0x0  }
0x84: {  	[sflag:s19] =	ssyncadd.s32 @!p1 $0xFFFFC000  }
0x85: {  	_ =	swait.ge @!p1 [sflag:s19], $0x800  }
0x86: {  	s16 =	simm.s32 @!p1 $0x200;
	s17 =	simm.s32 @!p1 $0x5;
	[sflag:s19] =	ssyncset.done @!p1 $0x0  }
0x87: {  	s20 =	simm.s32 @!p1 $0x80;
	[sflag:s19] =	ssyncadd.s32 @!p1 $0xFFFFF800;
	s19 =	simm.s32 @!p1 $0x100  }
0x88: {  	[spmem:s1] =	stream.indirect.scatter.add.f32 @!p1 [tilespmem:s16], [sflag:$0x5], $0x80, s19, s20, $0xb8;
	[tilespmem:$0x1F220] =	vst v63  }
0x89: {  	_ =	swait.ge @!p1 [sflag:s17], $0x4000  }
0x8a: {  	[sflag:s17] =	ssyncset.done @!p1 $0x0  }
0x8b: {  	p3 =	por p4, p1;
	s16 =	simm.s32 @!p1 $0x1E220;
	[sflag:s17] =	ssyncadd.s32 @!p1 $0xFFFFC000  }
0x8c: {  	[spmem:s2] =	stream.indirect.scatter.add.f32 @!p1 [tilespmem:s16], [sflag:$0x5], $0x10, s19, s20, $0xb8;
	[tilespmem:$0x1F220] =	vst v63  }
0x8d: {  	p2 =	sge.u32 s15, s18;
	s16 =	sadd.s32 @!p3 s14, s10;
	_ =	swait.ge @!p1 [sflag:s17], $0x800  }
0x8e: {  	s20 =	simm.s32 @!p3 $0x0;
	[sflag:s17] =	ssyncset.done @!p1 $0x0;
	s19 =	rddreg [dreg:$0x4]  }
0x8f: {  	s16 =	sadd.s32 @!p3 $0x20, s16;
	[sflag:s17] =	ssyncadd.s32 @!p1 $0xFFFFF800;
	p1 =	sge.u32 @!p2 s15, s19  }
0x90: {  	[tilespmem:s20], [sflag:$0x3] =	stream.linear.gather @!p3 [hbm4b:s16+s20], $0x80, $0x38;
	[tilespmem:$0x1F220] =	vst v63  }
0x91: {  	s16 =	sadd.s32 @!p3 s14, s11;
	p1 =	por p1, p2  }
0x92: {  	s17 =	simm.s32 @!p3 $0x100;
	s16 =	sadd.s32 @!p3 $0x20, s16;
	s19 =	simm.s32 @!p1 $0x3  }
0x93: {  	[tilespmem:s17], [sflag:$0x3] =	stream.linear.gather @!p3 [hbm4b:s16+s20], $0x80, $0x38;
	[tilespmem:$0x1F220] =	vst v63  }
0x94: {  	_ =	swait.ge @!p1 [sflag:s19], $0x80  }
0x95: {  	[sflag:s19] =	ssyncset.done @!p1 $0x0  }
0x96: {  	[sflag:s19] =	ssyncadd.s32 @!p1 $0xFFFFFF80  }
0x97: {  	_ =	swait.ge @!p1 [sflag:s19], $0x80  }
0x98: {  	s16 =	simm.s32 @!p1 $0x200;
	[sflag:s19] =	ssyncset.done @!p1 $0x0  }
0x99: {  	s17 =	simm.s32 @!p1 $0x80;
	s20 =	simm.s32 @!p1 $0x0;
	[sflag:s19] =	ssyncadd.s32 @!p1 $0xFFFFFF80  }
0x9a: {  	[tilespmem:s16], [sflag:$0x1] =	stream.indirect.gather @!p1 [hbm4b:s4+s17], $0x80, s20, s17, $0xb8;
	[tilespmem:$0x1F220] =	vst v63  }
0x9b: {  	s19 =	simm.s32 @!p2 $0x2;
	s16 =	simm.s32 @!p1 $0x1E220  }
0x9c: {  	[tilespmem:s16], [sflag:$0x1] =	stream.indirect.gather @!p1 [hbm4b:s8+s17], $0x10, s20, s17, $0xb8;
	[tilespmem:$0x1F220] =	vst v63  }
0x9d: {  	_ =	swait.ge @!p2 [sflag:s19], $0x4000  }
0x9e: {  	[sflag:s19] =	ssyncset.done @!p2 $0x0  }
0x9f: {  	[sflag:s19] =	ssyncadd.s32 @!p2 $0xFFFFC000  }
0xa0: {  	_ =	swait.ge @!p2 [sflag:s19], $0x800  }
0xa1: {  	s16 =	simm.s32 @!p2 $0x180;
	s17 =	simm.s32 @!p2 $0x4200;
	[sflag:s19] =	ssyncset.done @!p2 $0x0  }
0xa2: {  	s20 =	simm.s32 @!p2 $0x80;
	[sflag:s19] =	ssyncadd.s32 @!p2 $0xFFFFF800;
	s19 =	simm.s32 @!p2 $0x5  }
0xa3: {  	[spmem:s1] =	stream.indirect.scatter.add.f32 @!p2 [tilespmem:s17], [sflag:$0x5], $0x80, s16, s20, $0xb8;
	[tilespmem:$0x1F220] =	vst v63  }
0xa4: {  	_ =	swait.ge @!p2 [sflag:s19], $0x4000  }
0xa5: {  	[sflag:s19] =	ssyncset.done @!p2 $0x0  }
0xa6: {  	s17 =	simm.s32 @!p2 $0x1EA20;
	[sflag:s19] =	ssyncadd.s32 @!p2 $0xFFFFC000  }
0xa7: {  	[spmem:s2] =	stream.indirect.scatter.add.f32 @!p2 [tilespmem:s17], [sflag:$0x5], $0x10, s16, s20, $0xb8;
	[tilespmem:$0x1F220] =	vst v63  }
0xa8: {  	s16 =	sadd.s32 @!p2 $0x3, s15  }
0xa9: {  	s15 =	sadd.s32 $0x2, s15;
	p1 =	sge.u32 @!p2 s16, s9  }
0xaa: {  	p3 =	sge.u32 s15, s9;
	_ =	swait.ge @!p2 [sflag:s19], $0x800;
	p1 =	por p1, p2  }
0xab: {  	p4 =	sge.u32 @!p3 s15, s18;
	[sflag:s19] =	ssyncset.done @!p2 $0x0;
	s16 =	sadd.s32 @!p1 s14, s10  }
0xac: {  	s14 =	sadd.s32 @!p1 s14, s11;
	s17 =	simm.s32 @!p1 $0x80;
	[sflag:s19] =	ssyncadd.s32 @!p2 $0xFFFFF800  }
0xad: {  	s19 =	simm.s32 @!p1 $0x0;
	p2 =	por p4, p3;
	s16 =	sadd.s32 @!p1 $0x30, s16  }
0xae: {  	[tilespmem:s17], [sflag:$0x4] =	stream.linear.gather @!p1 [hbm4b:s16+s19], $0x80, $0x38;
	[tilespmem:$0x1F220] =	vst v63  }
0xaf: {  	s14 =	sadd.s32 @!p1 $0x30, s14;
	s16 =	simm.s32 @!p1 $0x180;
	s17 =	simm.s32 @!p2 $0x4  }
0xb0: {  	[tilespmem:s16], [sflag:$0x4] =	stream.linear.gather @!p1 [hbm4b:s14+s19], $0x80, $0x38;
	[tilespmem:$0x1F220] =	vst v63  }
0xb1: {  	_ =	swait.ge @!p2 [sflag:s17], $0x80  }
0xb2: {  	[sflag:s17] =	ssyncset.done @!p2 $0x0  }
0xb3: {  	[sflag:s17] =	ssyncadd.s32 @!p2 $0xFFFFFF80  }
0xb4: {  	_ =	swait.ge @!p2 [sflag:s17], $0x80  }
0xb5: {  	[sflag:s17] =	ssyncset.done @!p2 $0x0  }
0xb6: {  	s14 =	simm.s32 @!p2 $0x80;
	s16 =	simm.s32 @!p2 $0x4200;
	[sflag:s17] =	ssyncadd.s32 @!p2 $0xFFFFFF80  }
0xb7: {  	[tilespmem:s16], [sflag:$0x2] =	stream.indirect.gather @!p2 [hbm4b:s4+s14], $0x80, s14, s14, $0xb8;
	[tilespmem:$0x1F220] =	vst v63  }
0xb8: {  	s17 =	simm.s32 @!p3 $0x1;
	s16 =	simm.s32 @!p2 $0x1EA20  }
0xb9: {  	[tilespmem:s16], [sflag:$0x2] =	stream.indirect.gather @!p2 [hbm4b:s8+s14], $0x10, s14, s14, $0xb8;
	[tilespmem:$0x1F220] =	vst v63  }
0xba: {  	_ =	swait.ge @!p3 [sflag:s17], $0x4000  }
0xbb: {  	[sflag:s17] =	ssyncset.done @!p3 $0x0  }
0xbc: {  	[sflag:s17] =	ssyncadd.s32 @!p3 $0xFFFFC000  }
0xbd: {  	_ =	swait.ge @!p3 [sflag:s17], $0x800  }
0xbe: {  	s19 =	simm.s32 @!p3 $0x80;
	s14 =	simm.s32 @!p3 $0x200;
	[sflag:s17] =	ssyncset.done @!p3 $0x0  }
0xbf: {  	s16 =	simm.s32 @!p3 $0x5;
	[sflag:s17] =	ssyncadd.s32 @!p3 $0xFFFFF800;
	s17 =	simm.s32 @!p3 $0x100  }
0xc0: {  	[spmem:s1] =	stream.indirect.scatter.add.f32 @!p3 [tilespmem:s14], [sflag:$0x5], $0x80, s17, s19, $0xb8;
	[tilespmem:$0x1F220] =	vst v63  }
0xc1: {  	s14 =	sadd.s32 @!p3 $0x2, s15;
	_ =	swait.ge @!p3 [sflag:s16], $0x4000  }
0xc2: {  	p1 =	sge.u32 @!p3 s14, s9;
	[sflag:s16] =	ssyncset.done @!p3 $0x0  }
0xc3: {  	s14 =	simm.s32 @!p3 $0x1E220;
	p4 =	por p1, p3;
	[sflag:s16] =	ssyncadd.s32 @!p3 $0xFFFFC000  }
0xc4: {  	[spmem:s2] =	stream.indirect.scatter.add.f32 @!p3 [tilespmem:s14], [sflag:$0x5], $0x10, s17, s19, $0xb8;
	[tilespmem:$0x1F220] =	vst v63  }
0xc5: {  	p1 =	sge.u32 s15, s18;
	s14 =	sadd.s32 @!p4 s13, s10;
	_ =	swait.ge @!p3 [sflag:s16], $0x800  }
0xc6: {  	s19 =	simm.s32 @!p4 $0x0;
	[sflag:s16] =	ssyncset.done @!p3 $0x0;
	s17 =	rddreg [dreg:$0x4]  }
0xc7: {  	s14 =	sadd.s32 @!p4 $0x20, s14;
	[sflag:s16] =	ssyncadd.s32 @!p3 $0xFFFFF800;
	p2 =	sge.u32 @!p1 s15, s17  }
0xc8: {  	[tilespmem:s19], [sflag:$0x3] =	stream.linear.gather @!p4 [hbm4b:s14+s19], $0x80, $0x38;
	[tilespmem:$0x1F220] =	vst v63  }
0xc9: {  	s14 =	sadd.s32 @!p4 s13, s11;
	p2 =	por p2, p1  }
0xca: {  	s16 =	simm.s32 @!p4 $0x100;
	s14 =	sadd.s32 @!p4 $0x20, s14;
	s17 =	simm.s32 @!p2 $0x3  }
0xcb: {  	[tilespmem:s16], [sflag:$0x3] =	stream.linear.gather @!p4 [hbm4b:s14+s19], $0x80, $0x38;
	[tilespmem:$0x1F220] =	vst v63  }
0xcc: {  	_ =	swait.ge @!p2 [sflag:s17], $0x80  }
0xcd: {  	[sflag:s17] =	ssyncset.done @!p2 $0x0  }
0xce: {  	[sflag:s17] =	ssyncadd.s32 @!p2 $0xFFFFFF80  }
0xcf: {  	_ =	swait.ge @!p2 [sflag:s17], $0x80  }
0xd0: {  	s14 =	simm.s32 @!p2 $0x200;
	[sflag:s17] =	ssyncset.done @!p2 $0x0  }
0xd1: {  	s16 =	simm.s32 @!p2 $0x80;
	s19 =	simm.s32 @!p2 $0x0;
	[sflag:s17] =	ssyncadd.s32 @!p2 $0xFFFFFF80  }
0xd2: {  	[tilespmem:s14], [sflag:$0x1] =	stream.indirect.gather @!p2 [hbm4b:s4+s16], $0x80, s19, s16, $0xb8;
	[tilespmem:$0x1F220] =	vst v63  }
0xd3: {  	s17 =	simm.s32 @!p1 $0x2;
	s14 =	simm.s32 @!p2 $0x1E220  }
0xd4: {  	[tilespmem:s14], [sflag:$0x1] =	stream.indirect.gather @!p2 [hbm4b:s8+s16], $0x10, s19, s16, $0xb8;
	[tilespmem:$0x1F220] =	vst v63  }
0xd5: {  	_ =	swait.ge @!p1 [sflag:s17], $0x4000  }
0xd6: {  	[sflag:s17] =	ssyncset.done @!p1 $0x0  }
0xd7: {  	[sflag:s17] =	ssyncadd.s32 @!p1 $0xFFFFC000  }
0xd8: {  	_ =	swait.ge @!p1 [sflag:s17], $0x800  }
0xd9: {  	s14 =	simm.s32 @!p1 $0x180;
	s16 =	simm.s32 @!p1 $0x4200;
	[sflag:s17] =	ssyncset.done @!p1 $0x0  }
0xda: {  	s19 =	simm.s32 @!p1 $0x80;
	[sflag:s17] =	ssyncadd.s32 @!p1 $0xFFFFF800;
	s17 =	simm.s32 @!p1 $0x5  }
0xdb: {  	[spmem:s1] =	stream.indirect.scatter.add.f32 @!p1 [tilespmem:s16], [sflag:$0x5], $0x80, s14, s19, $0xb8;
	[tilespmem:$0x1F220] =	vst v63  }
0xdc: {  	_ =	swait.ge @!p1 [sflag:s17], $0x4000  }
0xdd: {  	[sflag:s17] =	ssyncset.done @!p1 $0x0  }
0xde: {  	s16 =	simm.s32 @!p1 $0x1EA20;
	[sflag:s17] =	ssyncadd.s32 @!p1 $0xFFFFC000  }
0xdf: {  	[spmem:s2] =	stream.indirect.scatter.add.f32 @!p1 [tilespmem:s16], [sflag:$0x5], $0x10, s14, s19, $0xb8;
	[tilespmem:$0x1F220] =	vst v63  }
0xe0: {  	s14 =	sadd.s32 @!p1 $0x3, s15  }
0xe1: {  	p2 =	sge.u32 @!p1 s14, s9;
	s14 =	sadd.s32 $0x2, s15  }
0xe2: {  	_ =	swait.ge @!p1 [sflag:s17], $0x800;
	p3 =	por p2, p1;
	p2 =	sge.u32 s14, s9  }
0xe3: {  	[sflag:s17] =	ssyncset.done @!p1 $0x0;
	s16 =	sadd.s32 @!p3 s13, s10;
	s13 =	sadd.s32 @!p3 s13, s11  }
0xe4: {  	p4 =	sge.u32 @!p2 s14, s18;
	[sflag:s17] =	ssyncadd.s32 @!p1 $0xFFFFF800;
	s17 =	simm.s32 @!p3 $0x0  }
0xe5: {  	s15 =	sadd.s32 @!p3 $0x30, s16;
	s16 =	simm.s32 @!p3 $0x80;
	p1 =	por p4, p2  }
0xe6: {  	[tilespmem:s16], [sflag:$0x4] =	stream.linear.gather @!p3 [hbm4b:s15+s17], $0x80, $0x38;
	[tilespmem:$0x1F220] =	vst v63  }
0xe7: {  	s13 =	sadd.s32 @!p3 $0x30, s13;
	s15 =	simm.s32 @!p3 $0x180;
	s16 =	simm.s32 @!p1 $0x4  }
0xe8: {  	[tilespmem:s15], [sflag:$0x4] =	stream.linear.gather @!p3 [hbm4b:s13+s17], $0x80, $0x38;
	[tilespmem:$0x1F220] =	vst v63  }
0xe9: {  	_ =	swait.ge @!p1 [sflag:s16], $0x80  }
0xea: {  	[sflag:s16] =	ssyncset.done @!p1 $0x0  }
0xeb: {  	[sflag:s16] =	ssyncadd.s32 @!p1 $0xFFFFFF80  }
0xec: {  	_ =	swait.ge @!p1 [sflag:s16], $0x80  }
0xed: {  	[sflag:s16] =	ssyncset.done @!p1 $0x0  }
0xee: {  	s13 =	simm.s32 @!p1 $0x80;
	s15 =	simm.s32 @!p1 $0x4200;
	[sflag:s16] =	ssyncadd.s32 @!p1 $0xFFFFFF80  }
0xef: {  	[tilespmem:s15], [sflag:$0x2] =	stream.indirect.gather @!p1 [hbm4b:s4+s13], $0x80, s13, s13, $0xb8;
	[tilespmem:$0x1F220] =	vst v63  }
0xf0: {  	s16 =	simm.s32 @!p2 $0x1;
	s15 =	simm.s32 @!p1 $0x1EA20  }
0xf1: {  	[tilespmem:s15], [sflag:$0x2] =	stream.indirect.gather @!p1 [hbm4b:s8+s13], $0x10, s13, s13, $0xb8;
	[tilespmem:$0x1F220] =	vst v63  }
0xf2: {  	_ =	swait.ge @!p2 [sflag:s16], $0x4000  }
0xf3: {  	[sflag:s16] =	ssyncset.done @!p2 $0x0  }
0xf4: {  	[sflag:s16] =	ssyncadd.s32 @!p2 $0xFFFFC000  }
0xf5: {  	_ =	swait.ge @!p2 [sflag:s16], $0x800  }
0xf6: {  	s17 =	simm.s32 @!p2 $0x80;
	s13 =	simm.s32 @!p2 $0x200;
	[sflag:s16] =	ssyncset.done @!p2 $0x0  }
0xf7: {  	s15 =	simm.s32 @!p2 $0x5;
	[sflag:s16] =	ssyncadd.s32 @!p2 $0xFFFFF800;
	s16 =	simm.s32 @!p2 $0x100  }
0xf8: {  	[spmem:s1] =	stream.indirect.scatter.add.f32 @!p2 [tilespmem:s13], [sflag:$0x5], $0x80, s16, s17, $0xb8;
	[tilespmem:$0x1F220] =	vst v63  }
0xf9: {  	s13 =	sadd.s32 @!p2 $0x2, s14;
	_ =	swait.ge @!p2 [sflag:s15], $0x4000  }
0xfa: {  	p1 =	sge.u32 @!p2 s13, s9;
	[sflag:s15] =	ssyncset.done @!p2 $0x0  }
0xfb: {  	s13 =	simm.s32 @!p2 $0x1E220;
	p3 =	por p1, p2;
	[sflag:s15] =	ssyncadd.s32 @!p2 $0xFFFFC000  }
0xfc: {  	[spmem:s2] =	stream.indirect.scatter.add.f32 @!p2 [tilespmem:s13], [sflag:$0x5], $0x10, s16, s17, $0xb8;
	[tilespmem:$0x1F220] =	vst v63  }
0xfd: {  	p1 =	sge.u32 s14, s18;
	s13 =	sadd.s32 @!p3 s12, s10;
	_ =	swait.ge @!p2 [sflag:s15], $0x800  }
0xfe: {  	s17 =	simm.s32 @!p3 $0x0;
	[sflag:s15] =	ssyncset.done @!p2 $0x0;
	s16 =	rddreg [dreg:$0x4]  }
0xff: {  	s13 =	sadd.s32 @!p3 $0x20, s13;
	[sflag:s15] =	ssyncadd.s32 @!p2 $0xFFFFF800;
	p2 =	sge.u32 @!p1 s14, s16  }
0x100: {  	[tilespmem:s17], [sflag:$0x3] =	stream.linear.gather @!p3 [hbm4b:s13+s17], $0x80, $0x38;
	[tilespmem:$0x1F220] =	vst v63  }
0x101: {  	s13 =	sadd.s32 @!p3 s12, s11;
	p2 =	por p2, p1  }
0x102: {  	s15 =	simm.s32 @!p3 $0x100;
	s13 =	sadd.s32 @!p3 $0x20, s13;
	s16 =	simm.s32 @!p2 $0x3  }
0x103: {  	[tilespmem:s15], [sflag:$0x3] =	stream.linear.gather @!p3 [hbm4b:s13+s17], $0x80, $0x38;
	[tilespmem:$0x1F220] =	vst v63  }
0x104: {  	_ =	swait.ge @!p2 [sflag:s16], $0x80  }
0x105: {  	[sflag:s16] =	ssyncset.done @!p2 $0x0  }
0x106: {  	[sflag:s16] =	ssyncadd.s32 @!p2 $0xFFFFFF80  }
0x107: {  	_ =	swait.ge @!p2 [sflag:s16], $0x80  }
0x108: {  	s13 =	simm.s32 @!p2 $0x200;
	[sflag:s16] =	ssyncset.done @!p2 $0x0  }
0x109: {  	s15 =	simm.s32 @!p2 $0x80;
	s17 =	simm.s32 @!p2 $0x0;
	[sflag:s16] =	ssyncadd.s32 @!p2 $0xFFFFFF80  }
0x10a: {  	[tilespmem:s13], [sflag:$0x1] =	stream.indirect.gather @!p2 [hbm4b:s4+s15], $0x80, s17, s15, $0xb8;
	[tilespmem:$0x1F220] =	vst v63  }
0x10b: {  	s16 =	simm.s32 @!p1 $0x2;
	s13 =	simm.s32 @!p2 $0x1E220  }
0x10c: {  	[tilespmem:s13], [sflag:$0x1] =	stream.indirect.gather @!p2 [hbm4b:s8+s15], $0x10, s17, s15, $0xb8;
	[tilespmem:$0x1F220] =	vst v63  }
0x10d: {  	_ =	swait.ge @!p1 [sflag:s16], $0x4000  }
0x10e: {  	[sflag:s16] =	ssyncset.done @!p1 $0x0  }
0x10f: {  	[sflag:s16] =	ssyncadd.s32 @!p1 $0xFFFFC000  }
0x110: {  	_ =	swait.ge @!p1 [sflag:s16], $0x800  }
0x111: {  	s13 =	simm.s32 @!p1 $0x180;
	s15 =	simm.s32 @!p1 $0x4200;
	[sflag:s16] =	ssyncset.done @!p1 $0x0  }
0x112: {  	s17 =	simm.s32 @!p1 $0x80;
	[sflag:s16] =	ssyncadd.s32 @!p1 $0xFFFFF800;
	s16 =	simm.s32 @!p1 $0x5  }
0x113: {  	[spmem:s1] =	stream.indirect.scatter.add.f32 @!p1 [tilespmem:s15], [sflag:$0x5], $0x80, s13, s17, $0xb8;
	[tilespmem:$0x1F220] =	vst v63  }
0x114: {  	_ =	swait.ge @!p1 [sflag:s16], $0x4000  }
0x115: {  	[sflag:s16] =	ssyncset.done @!p1 $0x0  }
0x116: {  	s15 =	simm.s32 @!p1 $0x1EA20;
	[sflag:s16] =	ssyncadd.s32 @!p1 $0xFFFFC000  }
0x117: {  	[spmem:s2] =	stream.indirect.scatter.add.f32 @!p1 [tilespmem:s15], [sflag:$0x5], $0x10, s13, s17, $0xb8;
	[tilespmem:$0x1F220] =	vst v63  }
0x118: {  	s13 =	sadd.s32 @!p1 $0x3, s14  }
0x119: {  	p2 =	sge.u32 @!p1 s13, s9;
	s13 =	sadd.s32 $0x2, s14  }
0x11a: {  	_ =	swait.ge @!p1 [sflag:s16], $0x800;
	p3 =	por p2, p1;
	p2 =	sge.u32 s13, s9  }
0x11b: {  	[sflag:s16] =	ssyncset.done @!p1 $0x0;
	s15 =	sadd.s32 @!p3 s12, s10;
	s12 =	sadd.s32 @!p3 s12, s11  }
0x11c: {  	p4 =	sge.u32 @!p2 s13, s18;
	[sflag:s16] =	ssyncadd.s32 @!p1 $0xFFFFF800;
	s16 =	simm.s32 @!p3 $0x0  }
0x11d: {  	s14 =	sadd.s32 @!p3 $0x30, s15;
	s15 =	simm.s32 @!p3 $0x80;
	p1 =	por p4, p2  }
0x11e: {  	[tilespmem:s15], [sflag:$0x4] =	stream.linear.gather @!p3 [hbm4b:s14+s16], $0x80, $0x38;
	[tilespmem:$0x1F220] =	vst v63  }
0x11f: {  	s12 =	sadd.s32 @!p3 $0x30, s12;
	s14 =	simm.s32 @!p3 $0x180;
	s15 =	simm.s32 @!p1 $0x4  }
0x120: {  	[tilespmem:s14], [sflag:$0x4] =	stream.linear.gather @!p3 [hbm4b:s12+s16], $0x80, $0x38;
	[tilespmem:$0x1F220] =	vst v63  }
0x121: {  	_ =	swait.ge @!p1 [sflag:s15], $0x80  }
0x122: {  	[sflag:s15] =	ssyncset.done @!p1 $0x0  }
0x123: {  	[sflag:s15] =	ssyncadd.s32 @!p1 $0xFFFFFF80  }
0x124: {  	_ =	swait.ge @!p1 [sflag:s15], $0x80  }
0x125: {  	[sflag:s15] =	ssyncset.done @!p1 $0x0  }
0x126: {  	s12 =	simm.s32 @!p1 $0x80;
	s14 =	simm.s32 @!p1 $0x4200;
	[sflag:s15] =	ssyncadd.s32 @!p1 $0xFFFFFF80  }
0x127: {  	[tilespmem:s14], [sflag:$0x2] =	stream.indirect.gather @!p1 [hbm4b:s4+s12], $0x80, s12, s12, $0xb8;
	[tilespmem:$0x1F220] =	vst v63  }
0x128: {  	s15 =	simm.s32 @!p2 $0x1;
	s14 =	simm.s32 @!p1 $0x1EA20  }
0x129: {  	[tilespmem:s14], [sflag:$0x2] =	stream.indirect.gather @!p1 [hbm4b:s8+s12], $0x10, s12, s12, $0xb8;
	[tilespmem:$0x1F220] =	vst v63  }
0x12a: {  	_ =	swait.ge @!p2 [sflag:s15], $0x4000  }
0x12b: {  	[sflag:s15] =	ssyncset.done @!p2 $0x0  }
0x12c: {  	[sflag:s15] =	ssyncadd.s32 @!p2 $0xFFFFC000  }
0x12d: {  	_ =	swait.ge @!p2 [sflag:s15], $0x800  }
0x12e: {  	s16 =	simm.s32 @!p2 $0x80;
	s12 =	simm.s32 @!p2 $0x200;
	[sflag:s15] =	ssyncset.done @!p2 $0x0  }
0x12f: {  	s14 =	simm.s32 @!p2 $0x5;
	[sflag:s15] =	ssyncadd.s32 @!p2 $0xFFFFF800;
	s15 =	simm.s32 @!p2 $0x100  }
0x130: {  	[spmem:s1] =	stream.indirect.scatter.add.f32 @!p2 [tilespmem:s12], [sflag:$0x5], $0x80, s15, s16, $0xb8;
	[tilespmem:$0x1F220] =	vst v63  }
0x131: {  	s12 =	sadd.s32 @!p2 $0x2, s13;
	_ =	swait.ge @!p2 [sflag:s14], $0x4000  }
0x132: {  	p1 =	sge.u32 @!p2 s12, s9;
	[sflag:s14] =	ssyncset.done @!p2 $0x0  }
0x133: {  	s12 =	simm.s32 @!p2 $0x1E220;
	p3 =	por p1, p2;
	[sflag:s14] =	ssyncadd.s32 @!p2 $0xFFFFC000  }
0x134: {  	[spmem:s2] =	stream.indirect.scatter.add.f32 @!p2 [tilespmem:s12], [sflag:$0x5], $0x10, s15, s16, $0xb8;
	[tilespmem:$0x1F220] =	vst v63  }
0x135: {  	p1 =	sge.u32 s13, s18;
	s12 =	sadd.s32 @!p3 s5, s10;
	_ =	swait.ge @!p2 [sflag:s14], $0x800  }
0x136: {  	s16 =	simm.s32 @!p3 $0x0;
	[sflag:s14] =	ssyncset.done @!p2 $0x0;
	s15 =	rddreg [dreg:$0x4]  }
0x137: {  	s12 =	sadd.s32 @!p3 $0x20, s12;
	[sflag:s14] =	ssyncadd.s32 @!p2 $0xFFFFF800;
	p2 =	sge.u32 @!p1 s13, s15  }
0x138: {  	[tilespmem:s16], [sflag:$0x3] =	stream.linear.gather @!p3 [hbm4b:s12+s16], $0x80, $0x38;
	[tilespmem:$0x1F220] =	vst v63  }
0x139: {  	s12 =	sadd.s32 @!p3 s5, s11;
	p2 =	por p2, p1  }
0x13a: {  	s14 =	simm.s32 @!p3 $0x100;
	s12 =	sadd.s32 @!p3 $0x20, s12;
	s15 =	simm.s32 @!p2 $0x3  }
0x13b: {  	[tilespmem:s14], [sflag:$0x3] =	stream.linear.gather @!p3 [hbm4b:s12+s16], $0x80, $0x38;
	[tilespmem:$0x1F220] =	vst v63  }
0x13c: {  	_ =	swait.ge @!p2 [sflag:s15], $0x80  }
0x13d: {  	[sflag:s15] =	ssyncset.done @!p2 $0x0  }
0x13e: {  	[sflag:s15] =	ssyncadd.s32 @!p2 $0xFFFFFF80  }
0x13f: {  	_ =	swait.ge @!p2 [sflag:s15], $0x80  }
0x140: {  	s12 =	simm.s32 @!p2 $0x200;
	[sflag:s15] =	ssyncset.done @!p2 $0x0  }
0x141: {  	s14 =	simm.s32 @!p2 $0x80;
	s16 =	simm.s32 @!p2 $0x0;
	[sflag:s15] =	ssyncadd.s32 @!p2 $0xFFFFFF80  }
0x142: {  	[tilespmem:s12], [sflag:$0x1] =	stream.indirect.gather @!p2 [hbm4b:s4+s14], $0x80, s16, s14, $0xb8;
	[tilespmem:$0x1F220] =	vst v63  }
0x143: {  	s15 =	simm.s32 @!p1 $0x2;
	s12 =	simm.s32 @!p2 $0x1E220  }
0x144: {  	[tilespmem:s12], [sflag:$0x1] =	stream.indirect.gather @!p2 [hbm4b:s8+s14], $0x10, s16, s14, $0xb8;
	[tilespmem:$0x1F220] =	vst v63  }
0x145: {  	_ =	swait.ge @!p1 [sflag:s15], $0x4000  }
0x146: {  	[sflag:s15] =	ssyncset.done @!p1 $0x0  }
0x147: {  	[sflag:s15] =	ssyncadd.s32 @!p1 $0xFFFFC000  }
0x148: {  	_ =	swait.ge @!p1 [sflag:s15], $0x800  }
0x149: {  	s12 =	simm.s32 @!p1 $0x180;
	s14 =	simm.s32 @!p1 $0x4200;
	[sflag:s15] =	ssyncset.done @!p1 $0x0  }
0x14a: {  	s16 =	simm.s32 @!p1 $0x80;
	[sflag:s15] =	ssyncadd.s32 @!p1 $0xFFFFF800;
	s15 =	simm.s32 @!p1 $0x5  }
0x14b: {  	[spmem:s1] =	stream.indirect.scatter.add.f32 @!p1 [tilespmem:s14], [sflag:$0x5], $0x80, s12, s16, $0xb8;
	[tilespmem:$0x1F220] =	vst v63  }
0x14c: {  	_ =	swait.ge @!p1 [sflag:s15], $0x4000  }
0x14d: {  	[sflag:s15] =	ssyncset.done @!p1 $0x0  }
0x14e: {  	s14 =	simm.s32 @!p1 $0x1EA20;
	[sflag:s15] =	ssyncadd.s32 @!p1 $0xFFFFC000  }
0x14f: {  	[spmem:s2] =	stream.indirect.scatter.add.f32 @!p1 [tilespmem:s14], [sflag:$0x5], $0x10, s12, s16, $0xb8;
	[tilespmem:$0x1F220] =	vst v63  }
0x150: {  	s12 =	sadd.s32 @!p1 $0x3, s13  }
0x151: {  	p2 =	sge.u32 @!p1 s12, s9;
	_ =	swait.ge @!p1 [sflag:s15], $0x800  }
0x152: {  	p2 =	por p2, p1;
	[sflag:s15] =	ssyncset.done @!p1 $0x0  }
0x153: {  	s12 =	sadd.s32 @!p2 s5, s10;
	s13 =	simm.s32 @!p2 $0x80;
	[sflag:s15] =	ssyncadd.s32 @!p1 $0xFFFFF800  }
0x154: {  	s14 =	simm.s32 @!p2 $0x0;
	s5 =	sadd.s32 @!p2 s5, s11;
	s12 =	sadd.s32 @!p2 $0x30, s12  }
0x155: {  	[tilespmem:s13], [sflag:$0x4] =	stream.linear.gather @!p2 [hbm4b:s12+s14], $0x80, $0x38;
	[tilespmem:$0x1F220] =	vst v63  }
0x156: {  	s5 =	sadd.s32 @!p2 $0x30, s5;
	s12 =	simm.s32 @!p2 $0x180  }
0x157: {  	[tilespmem:s12], [sflag:$0x4] =	stream.linear.gather @!p2 [hbm4b:s5+s14], $0x80, $0x38;
	[tilespmem:$0x1F220] =	vst v63  }
0x158: {  	[bflag:$0x0] =	sbarrier.arrive $0xFFFF  }
0x159: {  	s5 =	simm.s32 @p0 $0x1FC5;
	s12 =	rddreg [dreg:$0xb]  }
0x15a: {  	[hbm:s12], [sflag:s5] =	dma.local @p0 [spmem:s31], $0x2080  }
0x15b: {  	s12 =	simm.s32 @p0 $0x5  }
0x15c: {  	_ =	swait.ge @p0 [sflag:s12], $0x2080  }
0x15d: {  	[sflag:s12] =	ssyncset.done @p0 $0x0  }
0x15e: {  	s13 =	rddreg [dreg:$0xc];
	[sflag:s12] =	ssyncadd.s32 @p0 $0xFFFFDF80  }
0x15f: {  	[hbm:s13], [sflag:s5] =	dma.local @p0 [spmem:s0], $0x410  }
0x160: {  	_ =	swait.ge @p0 [sflag:s12], $0x410  }
0x161: {  	[sflag:s12] =	ssyncset.done @p0 $0x0;
	s0 =	rddreg [dreg:$0x8]  }
0x162: {  	s5 =	rddreg [dreg:$0x10];
	[sflag:s12] =	ssyncadd.s32 @p0 $0xFFFFFBF0  }
0x163: {  	[hbm:s0], [sflag:s29] =	dma.local @!p0 [spmem:s5], $0x2780  }
0x164: {  	s0 =	simm.s32 @!p0 $0x5  }
0x165: {  	_ =	swait.ge @!p0 [sflag:s0], $0x2780  }
0x166: {  	[sflag:s0] =	ssyncset.done @!p0 $0x0;
	s5 =	rddreg [dreg:$0xa]  }
0x167: {  	s12 =	rddreg [dreg:$0x11];
	[sflag:s0] =	ssyncadd.s32 @!p0 $0xFFFFD880  }
0x168: {  	[hbm:s5], [sflag:s29] =	dma.local @!p0 [spmem:s12], $0x4F0  }
0x169: {  	_ =	swait.ge @!p0 [sflag:s0], $0x4F0  }
0x16a: {  	s26 =	sadd.s32 $0x1, s26;
	s31 =	rddreg [dreg:$0xd]  }
0x16b: {  	p1 =	sne.s32 s26, s31  }
.Ltmp1:
0x16c: {  	_ = 	snop;
	(pc) =	sbr.rel @p1 .LBB2_1-.Ltmp1, $3  }
0x16d: {  	_ =	sdelay $0x1  }
0x16e: {  	[sflag:s0] =	ssyncset.done @!p0 $0x0  }
0x16f: {  	[sflag:s0] =	ssyncadd.s32 @!p0 $0xFFFFFB10  }
0x170: {  	_ =	sfence.sel $0x180000  }
0x171: {  	[bflag:$0x0] =	sbarrier.arrive $0xFFFF  }
0x172: {  	_ =	strace $0x9000004D  }
0x173: {  	s0 =	stileid.u32;
	[bflag:$0x2] =	sbarrier.arrive $0xFFFF  }
0x174: {  	p0 =	sne.s32 s0, $0x0;
	s0 =	rddreg [dreg:$0x3]  }
0x175: {  	s0 =	sadd.s32 @!p0 $0x100000, s0  }
0x176: {  	[sflag:s0] =	ssyncadd.tile.s32 @!p0 $0x1;
	_ =	shalt  }
.Lfunc_end2:
_tile_overlayer_lowered:
.L_overlay_start_2:
0x177: {  	(tag) =	ssettag $0x2  }
0x178: {  	s0 =	rddreg [dreg:$0x0];
	s2 =	stileid.u32  }
0x179: {  	s1 =	rddreg [dreg:$0x1];
	p0 =	sne.s32 s2, $0x0  }
0x17a: {  	s3 =	rddreg [dreg:$0x2];
	[bflag:$0x3] =	sbarrier.arrive $0xFFFF;
	s2 =	simm.s32 @!p0 $0x1C05  }
0x17b: {  	[timem:s3], [sflag:s2] =	dma.local @!p0 [hbm:s0], s1  }
0x17c: {  	s0 =	simm.s32 @!p0 $0x5  }
0x17d: {  	_ =	swait.ge @!p0 [sflag:s0], s1  }
0x17e: {  	s1 =	ssub.s32 @!p0 $0x0, s1;
	[sflag:s0] =	ssyncset.done @!p0 $0x0  }
0x17f: {  	[sflag:s0] =	ssyncadd.s32 @!p0 s1  }
0x180: {  	[bflag:$0x3] =	sbarrier.arrive $0xFFFF  }
0x181: {  	_ =	shalt  }

</sc_bundles>
